<compile_context>
chip_gen: v7x
topology: tpu7x:2x2x1
jax: 0.10.2.dev20260603
libtpu: 0.0.44.dev20260713+nightly
codegen_flags: <defaults>
</compile_context>

<pallas_src>
import functools

import numpy as np
import jax
import jax.numpy as jnp
from jax import lax
from jax.experimental import pallas as pl
from jax.experimental.pallas import tpu as pltpu
from jax.experimental.pallas import tpu_sc as plsc

N = 10000
E = 320000
D = 128
LAYERS = 4
ALPHA = 0.15
DECLINE = 0.9
DECLINE_NEG = 0.5
NEG_EDGE_NUM = 32

NC, NS = 2, 16
CH = 128
GRP = 8
RPT = 632
NP = NS * RPT
GARB = N

L_PER_TILE = E // NS
L_NCH = -(-L_PER_TILE // CH)
G_PER_W = E // (NC * NS)
G_NCH = -(-G_PER_W // CH)

_SPLIT_RPT = (128, 128, 128, 128, RPT - 4 * 128)


def _chunked_np(a, nw, nch, pad_val):
    per = a.shape[0] // nw
    a2 = a.reshape(nw, per)
    a2 = np.pad(a2, ((0, 0), (0, nch * CH - per)), constant_values=pad_val)
    return np.ascontiguousarray(a2.reshape(nw * nch, CH)).astype(np.int32)


def _compute_neg_constants():
    def all_perms():
        key = jax.random.key(42)
        out = []
        for l in range(LAYERS):
            kl = jax.random.fold_in(key, l)
            for i in range(NEG_EDGE_NUM // 2):
                out.append(jax.random.permutation(jax.random.fold_in(kl, i), N))
        return jnp.stack(out)

    perms = None
    for dev_kind in ("cpu", None):
        try:
            if dev_kind is None:
                perms = np.asarray(jax.jit(all_perms)())
            else:
                with jax.default_device(jax.devices(dev_kind)[0]):
                    perms = np.asarray(jax.jit(all_perms)())
            break
        except Exception:
            continue
    if perms is None:
        rng = np.random.default_rng(0)
        perms = np.stack([rng.permutation(N).astype(np.int32)
                          for _ in range(LAYERS * (NEG_EDGE_NUM // 2))])
    perms = perms.reshape(LAYERS, NEG_EDGE_NUM // 2, N)

    ar = np.arange(N)
    gidx = []
    for l in range(LAYERS):
        g = np.empty((N, NEG_EDGE_NUM), np.int32)
        for i in range(NEG_EDGE_NUM // 2):
            p = perms[l, i]
            inv = np.empty(N, np.int32)
            inv[p] = ar
            g[:, i] = p
            g[:, (NEG_EDGE_NUM // 2) + i] = inv
        gidx.append(_chunked_np(g.reshape(-1), NS, L_NCH, 0))
    tgt = np.repeat(ar, NEG_EDGE_NUM).astype(np.int32)
    sidx = _chunked_np(tgt, NS, L_NCH, GARB)
    return np.stack(gidx), sidx


_NEG_GIDX, _NEG_SIDX = _compute_neg_constants()

@functools.lru_cache(maxsize=None)
def _mesh():
    return plsc.VectorSubcoreMesh(
        core_axis_name="c", subcore_axis_name="s",
        num_cores=NC, num_subcores=NS)


def _zero_acc_slice(acc, rowbuf, base):
    off = 0
    for sz in _SPLIT_RPT:
        pltpu.sync_copy(rowbuf.at[pl.ds(0, sz)], acc.at[pl.ds(base + off, sz)])
        off += sz


def _copy_out(acc, rowbuf, dst, base):
    off = 0
    for sz in _SPLIT_RPT:
        pltpu.sync_copy(acc.at[pl.ds(base + off, sz)], rowbuf.at[pl.ds(0, sz)])
        pltpu.sync_copy(rowbuf.at[pl.ds(0, sz)], dst.at[pl.ds(base + off, sz)])
        off += sz


@functools.lru_cache(maxsize=None)
def _sc_degree():
    return functools.partial(
        pl.kernel,
        out_type=jax.ShapeDtypeStruct((2 * NP, D), jnp.float32),
        mesh=_mesh(),
        scratch_types=[
            pltpu.VMEM_SHARED((NP, D), jnp.float32),
            pltpu.VMEM((CH, D), jnp.float32),
            pltpu.VMEM((CH,), jnp.int32),
        ],
    )(_sc_degree_body)


def _sc_degree_body(didx_h, ones_h, zeros_h, deg_h, acc, valbuf, siv):
    cid = lax.axis_index("c")
    sid = lax.axis_index("s")
    wid = cid * NS + sid
    base = sid * RPT

    pltpu.sync_copy(zeros_h, valbuf)
    _zero_acc_slice(acc, valbuf, base)
    pltpu.sync_copy(ones_h, valbuf)
    plsc.subcore_barrier()

    def chunk(c, _):
        off = pl.multiple_of((wid * G_NCH + c) * CH, CH)
        pltpu.sync_copy(didx_h.at[pl.ds(off, CH)], siv)
        pltpu.sync_copy(valbuf, acc.at[siv], add=True)
        return 0
    lax.fori_loop(0, G_NCH, chunk, 0)
    plsc.subcore_barrier()

    off = 0
    for sz in _SPLIT_RPT:
        pltpu.sync_copy(acc.at[pl.ds(base + off, sz)], valbuf.at[pl.ds(0, sz)])
        pltpu.sync_copy(valbuf.at[pl.ds(0, sz)],
                        deg_h.at[pl.ds(cid * NP + base + off, sz)])
        off += sz


@functools.lru_cache(maxsize=None)
def _sc_spmm_pair():
    return functools.partial(
        pl.kernel,
        out_type=(jax.ShapeDtypeStruct((NP, D), jnp.float32),
                  jax.ShapeDtypeStruct((NP, D), jnp.float32)),
        mesh=_mesh(),
        scratch_types=[
            pltpu.VMEM_SHARED((NP, D), jnp.float32),
            pltpu.VMEM((CH, D), jnp.float32),
            pltpu.VMEM((CH,), jnp.int32),
            pltpu.VMEM((CH,), jnp.int32),
            pltpu.SemaphoreType.DMA,
        ],
    )(_sc_spmm_pair_body)


def _sc_spmm_pair_body(g_h, f_h, pgi_h, psi_h, ngi_h, nsi_h, zeros_h,
                       acc_p_h, acc_n_h, acc, rb, giv, siv, semg):
    cid = lax.axis_index("c")
    sid = lax.axis_index("s")
    base = sid * RPT

    pltpu.sync_copy(zeros_h, rb)
    _zero_acc_slice(acc, rb, base)
    plsc.subcore_barrier()

    def run(tab, gidx, sidx):
        def chunk(c, _):
            off = pl.multiple_of((sid * L_NCH + c) * CH, CH)
            pltpu.sync_copy(gidx.at[pl.ds(off, CH)], giv)
            pltpu.sync_copy(sidx.at[pl.ds(off, CH)], siv)
            pltpu.async_copy(tab.at[giv], rb, semg).wait()
            pltpu.sync_copy(rb, acc.at[siv], add=True)
            return 0
        lax.fori_loop(0, L_NCH, chunk, 0)

    @pl.when(cid == 0)
    def _():
        run(g_h, pgi_h, psi_h)

    @pl.when(cid == 1)
    def _():
        run(f_h, ngi_h, nsi_h)

    plsc.subcore_barrier()

    @pl.when(cid == 0)
    def _():
        _copy_out(acc, rb, acc_p_h, base)

    @pl.when(cid == 1)
    def _():
        _copy_out(acc, rb, acc_n_h, base)


def _tc_prologue(x, deg_a, deg_b):
    def body(x_r, da_r, db_r, dinv_r, g_r):
        deg = da_r[:, 0:1] + db_r[:, 0:1]
        dinv = jnp.where(deg > 0.0, lax.rsqrt(jnp.maximum(deg, 1.0)), 0.0)
        dinv_r[...] = dinv
        g_r[...] = x_r[...] * dinv

    return pl.pallas_call(
        body,
        out_shape=(jax.ShapeDtypeStruct((N, 1), jnp.float32),
                   jax.ShapeDtypeStruct((N, D), jnp.float32)),
    )(x, deg_a, deg_b)


def _tc_layer(l, f, acc_p, acc_n, dinv, ts):
    beta = DECLINE ** l
    cneg = (DECLINE_NEG ** l) / (2.0 * NEG_EDGE_NUM)

    def body(f_r, ap_r, an_r, dinv_r, *rest):
        if l == 0:
            fn_r, gn_r, tsn_r = rest
            ts_val = 0.0
        else:
            ts_r, fn_r, gn_r, tsn_r = rest
            ts_val = ts_r[...]
        dv = dinv_r[...]
        fv = f_r[...]
        fnew = (1.0 - beta) * fv + beta * (dv * ap_r[...])
        fn_r[...] = fnew
        gn_r[...] = dv * fnew
        tsn_r[...] = ts_val + 0.5 * (fnew + fv) - cneg * an_r[...]

    args = (f, acc_p, acc_n, dinv) + (() if l == 0 else (ts,))
    return pl.pallas_call(
        body,
        out_shape=(jax.ShapeDtypeStruct((N, D), jnp.float32),
                   jax.ShapeDtypeStruct((N, D), jnp.float32),
                   jax.ShapeDtypeStruct((N, D), jnp.float32)),
    )(*args)


def _tc_final(x, f, acc_p, acc_n, dinv, ts):
    l = LAYERS - 1
    beta = DECLINE ** l
    cneg = (DECLINE_NEG ** l) / (2.0 * NEG_EDGE_NUM)

    def body(x_r, f_r, ap_r, an_r, dinv_r, ts_r, emb_r):
        fv = f_r[...]
        fnew = (1.0 - beta) * fv + beta * (dinv_r[...] * ap_r[...])
        ts_tot = ts_r[...] + 0.5 * (fnew + fv) - cneg * an_r[...]
        emb_r[...] = ALPHA * x_r[...] + ((1.0 - ALPHA) / LAYERS) * ts_tot

    return pl.pallas_call(
        body,
        out_shape=jax.ShapeDtypeStruct((N, D), jnp.float32),
    )(x, f, acc_p, acc_n, dinv, ts)


def kernel(x, edge_index):
    src, dst = edge_index[0], edge_index[1]

    def chunked(a, nw, nch, pad_val):
        per = a.shape[0] // nw
        a2 = jnp.pad(a.reshape(nw, per), ((0, 0), (0, nch * CH - per)),
                     constant_values=pad_val)
        return a2.reshape(nw * nch, CH)

    pgi = chunked(dst, NS, L_NCH, 0).reshape(-1)
    psi = chunked(src, NS, L_NCH, GARB).reshape(-1)
    didx = chunked(dst, NC * NS, G_NCH, GARB).reshape(-1)

    ngi = [jnp.asarray(_NEG_GIDX[l]).reshape(-1) for l in range(LAYERS)]
    nsi = jnp.asarray(_NEG_SIDX).reshape(-1)

    onesd = jnp.ones((CH, D), jnp.float32)
    zerosd = jnp.zeros((CH, D), jnp.float32)

    deg_all = _sc_degree()(didx, onesd, zerosd)
    dinv, g = _tc_prologue(x, deg_all[:N], deg_all[NP:NP + N])

    f, ts = x, None
    for l in range(LAYERS):
        acc_p, acc_n = _sc_spmm_pair()(g, f, pgi, psi, ngi[l], nsi, zerosd)
        if l < LAYERS - 1:
            f, g, ts = _tc_layer(l, f, acc_p[:N], acc_n[:N], dinv, ts)
        else:
            return _tc_final(x, f, acc_p[:N], acc_n[:N], dinv, ts)

# --- scband reference (transcript-rebuilt; emitter-appended) ---
"""Pipeline reference for scband-ggcm-59279138620019 (READ-ONLY COPY).

The authoritative reference and input builder live on the scoring server;
editing this copy changes nothing except your own understanding.
"""

import jax, jax.numpy as jnp
import numpy as np

N_NODES = 10000
N_EDGES = 320000
D_FEAT = 128
LAYER_NUM = 4
ALPHA = 0.15
DECLINE = 0.9
DECLINE_NEG = 0.5
NEGATIVE_RATE = 1.0


def _spmm(rows, cols, vals, x, n):
    # sparse(COO) @ dense: out[row] += vals * x[col]
    return jax.ops.segment_sum(vals[:, None] * x[cols], rows, num_segments=n)


def _sym_norm_vals(src, dst, n):
    # symmetric_normalize_adjacency: D^-1/2 A D^-1/2 (degree from column sums)
    deg = jax.ops.segment_sum(jnp.ones(src.shape[0], jnp.float32), dst, num_segments=n)
    dinv = jnp.where(deg > 0, jax.lax.rsqrt(jnp.maximum(deg, 1.0)), 0.0)
    return dinv[src] * dinv[dst]


def _rand_regular_neg_graph(key, node_num, edge_num):
    # random edge_num-regular symmetric negative graph built from permutations
    ar = jnp.arange(node_num)
    srcs, dsts = [], []
    for i in range(edge_num // 2):
        perm = jax.random.permutation(jax.random.fold_in(key, i), node_num)
        srcs.append(ar); dsts.append(perm)
        srcs.append(perm); dsts.append(ar)
    return jnp.concatenate(srcs), jnp.concatenate(dsts)


def setup_inputs(seed: int = 0) -> dict:
    key = jax.random.key(seed)
    kx, ke = jax.random.split(key)
    x = jax.random.normal(kx, (N_NODES, D_FEAT), dtype=jnp.float32)
    edge_index = jax.random.randint(ke, (2, N_EDGES), 0, N_NODES, dtype=jnp.int32)
    return {"x": x, "edge_index": edge_index}


def reference(x, edge_index):
    n = x.shape[0]
    src, dst = edge_index[0], edge_index[1]
    vals = _sym_norm_vals(src, dst, n)
    edge_num = int(NEGATIVE_RATE * edge_index.shape[1] / n)
    edge_num = (edge_num + 1) // 2 * 2
    beta, beta_neg = 1.0, 1.0
    orig_feats = x
    features = x
    temp_sum = jnp.zeros_like(x)
    neg_key = jax.random.key(42)
    for l in range(LAYER_NUM):
        # inverse graph convolution on random negative graph: (I - A_hat_neg)
        nsrc, ndst = _rand_regular_neg_graph(jax.random.fold_in(neg_key, l), n, edge_num)
        neg_vals = jnp.full((nsrc.shape[0],), 1.0 / float(edge_num), jnp.float32)
        a_neg_x = _spmm(nsrc, ndst, neg_vals, features, n)
        # lazy_random_walk(neg_A_hat, beta_neg, I_N) @ features
        inv_features = beta_neg * (features - a_neg_x) + (1.0 - beta_neg) * features
        # lazy_random_walk(A_hat, beta, I_N) @ features
        a_x = _spmm(src, dst, vals, features, n)
        features = beta * a_x + (1.0 - beta) * features
        temp_sum = temp_sum + (features + inv_features) / 2.0
        beta *= DECLINE
        beta_neg *= DECLINE_NEG
    embeds = ALPHA * orig_feats + (1.0 - ALPHA) * (temp_sum / float(LAYER_NUM))
    return embeds

if __name__ == "__main__":
    import jax
    _d = setup_inputs()
    print(jax.jit(kernel)(*tuple(_d.values())))

</pallas_src>

<mosaic_0001>
#map = affine_map<(d0, d1) -> (0, 0)>
#map1 = affine_map<(d0, d1) -> (0)>
module attributes {stable_mosaic.version = 14 : i64} {
  func.func @_sc_spmm_pair_body(%arg0: i32, %arg1: i32, %arg2: memref<10000x128xf32, #tpu.memory_space<hbm>>, %arg3: memref<10000x128xf32, #tpu.memory_space<hbm>>, %arg4: memref<321536xi32, #tpu.memory_space<hbm>>, %arg5: memref<321536xi32, #tpu.memory_space<hbm>>, %arg6: memref<321536xi32, #tpu.memory_space<hbm>>, %arg7: memref<321536xi32, #tpu.memory_space<hbm>>, %arg8: memref<128x128xf32, #tpu.memory_space<hbm>>, %arg9: memref<10112x128xf32, #tpu.memory_space<hbm>>, %arg10: memref<10112x128xf32, #tpu.memory_space<hbm>>, %arg11: memref<10112x128xf32, #tpu.memory_space<vmem_shared>>, %arg12: memref<128x128xf32, #tpu.memory_space<vmem>>, %arg13: memref<128xi32, #tpu.memory_space<vmem>>, %arg14: memref<128xi32, #tpu.memory_space<vmem>>, %arg15: memref<!tpu.dma_semaphore, #tpu.memory_space<semaphore_mem>>) attributes {dimension_semantics = [#tpu.dimension_semantics<core_parallel>, #tpu.dimension_semantics<subcore_parallel>], iteration_bounds = array<i64: 2, 16>, scalar_prefetch = 0 : i64, scratch_operands = 5 : i64, tpu.core_type = #tpu.core_type<sc_vector_subcore>, window_params = [{transform_indices = #map}, {transform_indices = #map}, {transform_indices = #map1}, {transform_indices = #map1}, {transform_indices = #map1}, {transform_indices = #map1}, {transform_indices = #map}, {transform_indices = #map}, {transform_indices = #map}]} {
    %mul3A = arith.constant 632 : i32
    %mul3A_0 = arith.muli %arg1, %mul3A : i32
    "tpu.region"() ({
      %run_scoped3A = tpu.sem_alloc : memref<!tpu.dma_semaphore, #tpu.memory_space<semaphore_mem>>
      tpu.enqueue_dma source(%arg8 : memref<128x128xf32, #tpu.memory_space<hbm>>) target(%arg12 : memref<128x128xf32, #tpu.memory_space<vmem>>) target_semaphore(%run_scoped3A : memref<!tpu.dma_semaphore, #tpu.memory_space<semaphore_mem>>)
      tpu.wait_dma2 semaphore(%run_scoped3A : memref<!tpu.dma_semaphore, #tpu.memory_space<semaphore_mem>>) src(%arg8 : memref<128x128xf32, #tpu.memory_space<hbm>>) dst(%arg12 : memref<128x128xf32, #tpu.memory_space<vmem>>)
      tpu.yield
    }) : () -> ()
    %add3A = arith.constant 0 : i32
    %add3A_1 = arith.addi %mul3A_0, %add3A : i32
    "tpu.region"() ({
      %run_scoped3A = tpu.sem_alloc : memref<!tpu.dma_semaphore, #tpu.memory_space<semaphore_mem>>
      %dma_start3A = arith.constant 0 : i32
      %dma_start3A_28 = arith.constant 0 : i32
      %dma_start3A_29 = tpu.memref_slice %arg12[%dma_start3A, %dma_start3A_28] : memref<128x128xf32, #tpu.memory_space<vmem>> -> memref<128x128xf32, #tpu.memory_space<vmem>>
      %dma_start3A_30 = arith.constant 0 : i32
      %dma_start3A_31 = tpu.memref_slice %arg11[%add3A_1, %dma_start3A_30] : memref<10112x128xf32, #tpu.memory_space<vmem_shared>> -> memref<128x128xf32, #tpu.memory_space<vmem_shared>>
      %dma_start3A_32 = arith.constant 0 : i32
      %dma_start3A_33 = tpu.memref_slice %arg11[%add3A_1, %dma_start3A_32] : memref<10112x128xf32, #tpu.memory_space<vmem_shared>> -> memref<128x128xf32, #tpu.memory_space<vmem_shared>>
      %dma_start3A_34 = arith.constant 0 : i32
      %dma_start3A_35 = arith.constant 0 : i32
      %dma_start3A_36 = tpu.memref_slice %arg12[%dma_start3A_34, %dma_start3A_35] : memref<128x128xf32, #tpu.memory_space<vmem>> -> memref<128x128xf32, #tpu.memory_space<vmem>>
      tpu.enqueue_dma source(%dma_start3A_36 : memref<128x128xf32, #tpu.memory_space<vmem>>) target(%dma_start3A_33 : memref<128x128xf32, #tpu.memory_space<vmem_shared>>) target_semaphore(%run_scoped3A : memref<!tpu.dma_semaphore, #tpu.memory_space<semaphore_mem>>)
      %dma_wait3A = arith.constant 0 : i32
      %dma_wait3A_37 = arith.constant 0 : i32
      %dma_wait3A_38 = tpu.memref_slice %arg12[%dma_wait3A, %dma_wait3A_37] : memref<128x128xf32, #tpu.memory_space<vmem>> -> memref<128x128xf32, #tpu.memory_space<vmem>>
      %dma_wait3A_39 = arith.constant 0 : i32
      %dma_wait3A_40 = tpu.memref_slice %arg11[%add3A_1, %dma_wait3A_39] : memref<10112x128xf32, #tpu.memory_space<vmem_shared>> -> memref<128x128xf32, #tpu.memory_space<vmem_shared>>
      %dma_wait3A_41 = arith.constant 0 : i32
      %dma_wait3A_42 = tpu.memref_slice %arg11[%add3A_1, %dma_wait3A_41] : memref<10112x128xf32, #tpu.memory_space<vmem_shared>> -> memref<128x128xf32, #tpu.memory_space<vmem_shared>>
      %dma_wait3A_43 = arith.constant 0 : i32
      %dma_wait3A_44 = arith.constant 0 : i32
      %dma_wait3A_45 = tpu.memref_slice %arg12[%dma_wait3A_43, %dma_wait3A_44] : memref<128x128xf32, #tpu.memory_space<vmem>> -> memref<128x128xf32, #tpu.memory_space<vmem>>
      tpu.wait_dma2 semaphore(%run_scoped3A : memref<!tpu.dma_semaphore, #tpu.memory_space<semaphore_mem>>) src(%dma_wait3A_45 : memref<128x128xf32, #tpu.memory_space<vmem>>) dst(%dma_wait3A_42 : memref<128x128xf32, #tpu.memory_space<vmem_shared>>)
      tpu.yield
    }) : () -> ()
    %add3A_2 = arith.constant 128 : i32
    %add3A_3 = arith.addi %mul3A_0, %add3A_2 : i32
    "tpu.region"() ({
      %run_scoped3A = tpu.sem_alloc : memref<!tpu.dma_semaphore, #tpu.memory_space<semaphore_mem>>
      %dma_start3A = arith.constant 0 : i32
      %dma_start3A_28 = arith.constant 0 : i32
      %dma_start3A_29 = tpu.memref_slice %arg12[%dma_start3A, %dma_start3A_28] : memref<128x128xf32, #tpu.memory_space<vmem>> -> memref<128x128xf32, #tpu.memory_space<vmem>>
      %dma_start3A_30 = arith.constant 0 : i32
      %dma_start3A_31 = tpu.memref_slice %arg11[%add3A_3, %dma_start3A_30] : memref<10112x128xf32, #tpu.memory_space<vmem_shared>> -> memref<128x128xf32, #tpu.memory_space<vmem_shared>>
      %dma_start3A_32 = arith.constant 0 : i32
      %dma_start3A_33 = tpu.memref_slice %arg11[%add3A_3, %dma_start3A_32] : memref<10112x128xf32, #tpu.memory_space<vmem_shared>> -> memref<128x128xf32, #tpu.memory_space<vmem_shared>>
      %dma_start3A_34 = arith.constant 0 : i32
      %dma_start3A_35 = arith.constant 0 : i32
      %dma_start3A_36 = tpu.memref_slice %arg12[%dma_start3A_34, %dma_start3A_35] : memref<128x128xf32, #tpu.memory_space<vmem>> -> memref<128x128xf32, #tpu.memory_space<vmem>>
      tpu.enqueue_dma source(%dma_start3A_36 : memref<128x128xf32, #tpu.memory_space<vmem>>) target(%dma_start3A_33 : memref<128x128xf32, #tpu.memory_space<vmem_shared>>) target_semaphore(%run_scoped3A : memref<!tpu.dma_semaphore, #tpu.memory_space<semaphore_mem>>)
      %dma_wait3A = arith.constant 0 : i32
      %dma_wait3A_37 = arith.constant 0 : i32
      %dma_wait3A_38 = tpu.memref_slice %arg12[%dma_wait3A, %dma_wait3A_37] : memref<128x128xf32, #tpu.memory_space<vmem>> -> memref<128x128xf32, #tpu.memory_space<vmem>>
      %dma_wait3A_39 = arith.constant 0 : i32
      %dma_wait3A_40 = tpu.memref_slice %arg11[%add3A_3, %dma_wait3A_39] : memref<10112x128xf32, #tpu.memory_space<vmem_shared>> -> memref<128x128xf32, #tpu.memory_space<vmem_shared>>
      %dma_wait3A_41 = arith.constant 0 : i32
      %dma_wait3A_42 = tpu.memref_slice %arg11[%add3A_3, %dma_wait3A_41] : memref<10112x128xf32, #tpu.memory_space<vmem_shared>> -> memref<128x128xf32, #tpu.memory_space<vmem_shared>>
      %dma_wait3A_43 = arith.constant 0 : i32
      %dma_wait3A_44 = arith.constant 0 : i32
      %dma_wait3A_45 = tpu.memref_slice %arg12[%dma_wait3A_43, %dma_wait3A_44] : memref<128x128xf32, #tpu.memory_space<vmem>> -> memref<128x128xf32, #tpu.memory_space<vmem>>
      tpu.wait_dma2 semaphore(%run_scoped3A : memref<!tpu.dma_semaphore, #tpu.memory_space<semaphore_mem>>) src(%dma_wait3A_45 : memref<128x128xf32, #tpu.memory_space<vmem>>) dst(%dma_wait3A_42 : memref<128x128xf32, #tpu.memory_space<vmem_shared>>)
      tpu.yield
    }) : () -> ()
    %add3A_4 = arith.constant 256 : i32
    %add3A_5 = arith.addi %mul3A_0, %add3A_4 : i32
    "tpu.region"() ({
      %run_scoped3A = tpu.sem_alloc : memref<!tpu.dma_semaphore, #tpu.memory_space<semaphore_mem>>
      %dma_start3A = arith.constant 0 : i32
      %dma_start3A_28 = arith.constant 0 : i32
      %dma_start3A_29 = tpu.memref_slice %arg12[%dma_start3A, %dma_start3A_28] : memref<128x128xf32, #tpu.memory_space<vmem>> -> memref<128x128xf32, #tpu.memory_space<vmem>>
      %dma_start3A_30 = arith.constant 0 : i32
      %dma_start3A_31 = tpu.memref_slice %arg11[%add3A_5, %dma_start3A_30] : memref<10112x128xf32, #tpu.memory_space<vmem_shared>> -> memref<128x128xf32, #tpu.memory_space<vmem_shared>>
      %dma_start3A_32 = arith.constant 0 : i32
      %dma_start3A_33 = tpu.memref_slice %arg11[%add3A_5, %dma_start3A_32] : memref<10112x128xf32, #tpu.memory_space<vmem_shared>> -> memref<128x128xf32, #tpu.memory_space<vmem_shared>>
      %dma_start3A_34 = arith.constant 0 : i32
      %dma_start3A_35 = arith.constant 0 : i32
      %dma_start3A_36 = tpu.memref_slice %arg12[%dma_start3A_34, %dma_start3A_35] : memref<128x128xf32, #tpu.memory_space<vmem>> -> memref<128x128xf32, #tpu.memory_space<vmem>>
      tpu.enqueue_dma source(%dma_start3A_36 : memref<128x128xf32, #tpu.memory_space<vmem>>) target(%dma_start3A_33 : memref<128x128xf32, #tpu.memory_space<vmem_shared>>) target_semaphore(%run_scoped3A : memref<!tpu.dma_semaphore, #tpu.memory_space<semaphore_mem>>)
      %dma_wait3A = arith.constant 0 : i32
      %dma_wait3A_37 = arith.constant 0 : i32
      %dma_wait3A_38 = tpu.memref_slice %arg12[%dma_wait3A, %dma_wait3A_37] : memref<128x128xf32, #tpu.memory_space<vmem>> -> memref<128x128xf32, #tpu.memory_space<vmem>>
      %dma_wait3A_39 = arith.constant 0 : i32
      %dma_wait3A_40 = tpu.memref_slice %arg11[%add3A_5, %dma_wait3A_39] : memref<10112x128xf32, #tpu.memory_space<vmem_shared>> -> memref<128x128xf32, #tpu.memory_space<vmem_shared>>
      %dma_wait3A_41 = arith.constant 0 : i32
      %dma_wait3A_42 = tpu.memref_slice %arg11[%add3A_5, %dma_wait3A_41] : memref<10112x128xf32, #tpu.memory_space<vmem_shared>> -> memref<128x128xf32, #tpu.memory_space<vmem_shared>>
      %dma_wait3A_43 = arith.constant 0 : i32
      %dma_wait3A_44 = arith.constant 0 : i32
      %dma_wait3A_45 = tpu.memref_slice %arg12[%dma_wait3A_43, %dma_wait3A_44] : memref<128x128xf32, #tpu.memory_space<vmem>> -> memref<128x128xf32, #tpu.memory_space<vmem>>
      tpu.wait_dma2 semaphore(%run_scoped3A : memref<!tpu.dma_semaphore, #tpu.memory_space<semaphore_mem>>) src(%dma_wait3A_45 : memref<128x128xf32, #tpu.memory_space<vmem>>) dst(%dma_wait3A_42 : memref<128x128xf32, #tpu.memory_space<vmem_shared>>)
      tpu.yield
    }) : () -> ()
    %add3A_6 = arith.constant 384 : i32
    %add3A_7 = arith.addi %mul3A_0, %add3A_6 : i32
    "tpu.region"() ({
      %run_scoped3A = tpu.sem_alloc : memref<!tpu.dma_semaphore, #tpu.memory_space<semaphore_mem>>
      %dma_start3A = arith.constant 0 : i32
      %dma_start3A_28 = arith.constant 0 : i32
      %dma_start3A_29 = tpu.memref_slice %arg12[%dma_start3A, %dma_start3A_28] : memref<128x128xf32, #tpu.memory_space<vmem>> -> memref<128x128xf32, #tpu.memory_space<vmem>>
      %dma_start3A_30 = arith.constant 0 : i32
      %dma_start3A_31 = tpu.memref_slice %arg11[%add3A_7, %dma_start3A_30] : memref<10112x128xf32, #tpu.memory_space<vmem_shared>> -> memref<128x128xf32, #tpu.memory_space<vmem_shared>>
      %dma_start3A_32 = arith.constant 0 : i32
      %dma_start3A_33 = tpu.memref_slice %arg11[%add3A_7, %dma_start3A_32] : memref<10112x128xf32, #tpu.memory_space<vmem_shared>> -> memref<128x128xf32, #tpu.memory_space<vmem_shared>>
      %dma_start3A_34 = arith.constant 0 : i32
      %dma_start3A_35 = arith.constant 0 : i32
      %dma_start3A_36 = tpu.memref_slice %arg12[%dma_start3A_34, %dma_start3A_35] : memref<128x128xf32, #tpu.memory_space<vmem>> -> memref<128x128xf32, #tpu.memory_space<vmem>>
      tpu.enqueue_dma source(%dma_start3A_36 : memref<128x128xf32, #tpu.memory_space<vmem>>) target(%dma_start3A_33 : memref<128x128xf32, #tpu.memory_space<vmem_shared>>) target_semaphore(%run_scoped3A : memref<!tpu.dma_semaphore, #tpu.memory_space<semaphore_mem>>)
      %dma_wait3A = arith.constant 0 : i32
      %dma_wait3A_37 = arith.constant 0 : i32
      %dma_wait3A_38 = tpu.memref_slice %arg12[%dma_wait3A, %dma_wait3A_37] : memref<128x128xf32, #tpu.memory_space<vmem>> -> memref<128x128xf32, #tpu.memory_space<vmem>>
      %dma_wait3A_39 = arith.constant 0 : i32
      %dma_wait3A_40 = tpu.memref_slice %arg11[%add3A_7, %dma_wait3A_39] : memref<10112x128xf32, #tpu.memory_space<vmem_shared>> -> memref<128x128xf32, #tpu.memory_space<vmem_shared>>
      %dma_wait3A_41 = arith.constant 0 : i32
      %dma_wait3A_42 = tpu.memref_slice %arg11[%add3A_7, %dma_wait3A_41] : memref<10112x128xf32, #tpu.memory_space<vmem_shared>> -> memref<128x128xf32, #tpu.memory_space<vmem_shared>>
      %dma_wait3A_43 = arith.constant 0 : i32
      %dma_wait3A_44 = arith.constant 0 : i32
      %dma_wait3A_45 = tpu.memref_slice %arg12[%dma_wait3A_43, %dma_wait3A_44] : memref<128x128xf32, #tpu.memory_space<vmem>> -> memref<128x128xf32, #tpu.memory_space<vmem>>
      tpu.wait_dma2 semaphore(%run_scoped3A : memref<!tpu.dma_semaphore, #tpu.memory_space<semaphore_mem>>) src(%dma_wait3A_45 : memref<128x128xf32, #tpu.memory_space<vmem>>) dst(%dma_wait3A_42 : memref<128x128xf32, #tpu.memory_space<vmem_shared>>)
      tpu.yield
    }) : () -> ()
    %add3A_8 = arith.constant 512 : i32
    %add3A_9 = arith.addi %mul3A_0, %add3A_8 : i32
    "tpu.region"() ({
      %run_scoped3A = tpu.sem_alloc : memref<!tpu.dma_semaphore, #tpu.memory_space<semaphore_mem>>
      %dma_start3A = arith.constant 0 : i32
      %dma_start3A_28 = arith.constant 0 : i32
      %dma_start3A_29 = tpu.memref_slice %arg12[%dma_start3A, %dma_start3A_28] : memref<128x128xf32, #tpu.memory_space<vmem>> -> memref<120x128xf32, #tpu.memory_space<vmem>>
      %dma_start3A_30 = arith.constant 0 : i32
      %dma_start3A_31 = tpu.memref_slice %arg11[%add3A_9, %dma_start3A_30] : memref<10112x128xf32, #tpu.memory_space<vmem_shared>> -> memref<120x128xf32, #tpu.memory_space<vmem_shared>>
      %dma_start3A_32 = arith.constant 0 : i32
      %dma_start3A_33 = tpu.memref_slice %arg11[%add3A_9, %dma_start3A_32] : memref<10112x128xf32, #tpu.memory_space<vmem_shared>> -> memref<120x128xf32, #tpu.memory_space<vmem_shared>>
      %dma_start3A_34 = arith.constant 0 : i32
      %dma_start3A_35 = arith.constant 0 : i32
      %dma_start3A_36 = tpu.memref_slice %arg12[%dma_start3A_34, %dma_start3A_35] : memref<128x128xf32, #tpu.memory_space<vmem>> -> memref<120x128xf32, #tpu.memory_space<vmem>>
      tpu.enqueue_dma source(%dma_start3A_36 : memref<120x128xf32, #tpu.memory_space<vmem>>) target(%dma_start3A_33 : memref<120x128xf32, #tpu.memory_space<vmem_shared>>) target_semaphore(%run_scoped3A : memref<!tpu.dma_semaphore, #tpu.memory_space<semaphore_mem>>)
      %dma_wait3A = arith.constant 0 : i32
      %dma_wait3A_37 = arith.constant 0 : i32
      %dma_wait3A_38 = tpu.memref_slice %arg12[%dma_wait3A, %dma_wait3A_37] : memref<128x128xf32, #tpu.memory_space<vmem>> -> memref<120x128xf32, #tpu.memory_space<vmem>>
      %dma_wait3A_39 = arith.constant 0 : i32
      %dma_wait3A_40 = tpu.memref_slice %arg11[%add3A_9, %dma_wait3A_39] : memref<10112x128xf32, #tpu.memory_space<vmem_shared>> -> memref<120x128xf32, #tpu.memory_space<vmem_shared>>
      %dma_wait3A_41 = arith.constant 0 : i32
      %dma_wait3A_42 = tpu.memref_slice %arg11[%add3A_9, %dma_wait3A_41] : memref<10112x128xf32, #tpu.memory_space<vmem_shared>> -> memref<120x128xf32, #tpu.memory_space<vmem_shared>>
      %dma_wait3A_43 = arith.constant 0 : i32
      %dma_wait3A_44 = arith.constant 0 : i32
      %dma_wait3A_45 = tpu.memref_slice %arg12[%dma_wait3A_43, %dma_wait3A_44] : memref<128x128xf32, #tpu.memory_space<vmem>> -> memref<120x128xf32, #tpu.memory_space<vmem>>
      tpu.wait_dma2 semaphore(%run_scoped3A : memref<!tpu.dma_semaphore, #tpu.memory_space<semaphore_mem>>) src(%dma_wait3A_45 : memref<120x128xf32, #tpu.memory_space<vmem>>) dst(%dma_wait3A_42 : memref<120x128xf32, #tpu.memory_space<vmem_shared>>)
      tpu.yield
    }) : () -> ()
    %barrier3A = arith.constant 0 : index
    tpu.barrier barrier_id(%barrier3A)
    %eq3A = arith.constant 0 : i32
    %eq3A_10 = arith.cmpi eq, %arg0, %eq3A : i32
    %convert_element_type3A = arith.extui %eq3A_10 : i1 to i32
    %cond3A = arith.constant 0 : i32
    %cond3A_11 = arith.cmpi ne, %convert_element_type3A, %cond3A : i32
    scf.if %cond3A_11 {
      %scan3A = arith.constant 0 : i32
      %scan3A_28 = arith.constant 0 : i32
      %scan3A_29 = arith.constant 157 : i32
      %scan3A_30 = arith.addi %scan3A_28, %scan3A_29 : i32
      %scan3A_31 = arith.constant 1 : i32
      %scan3A_32 = scf.for %scan3A_34 = %scan3A_28 to %scan3A_30 step %scan3A_31 iter_args(%scan3A_35 = %scan3A) -> (i32)  : i32 {
        %mul3A_36 = arith.constant 157 : i32
        %mul3A_37 = arith.muli %arg1, %mul3A_36 : i32
        %add3A_38 = arith.addi %mul3A_37, %scan3A_34 : i32
        %mul3A_39 = arith.constant 128 : i32
        %mul3A_40 = arith.muli %add3A_38, %mul3A_39 : i32
        %multiple_of3A = tpu.assume_multiple %mul3A_40, 128 : i32
        "tpu.region"() ({
          %run_scoped3A = tpu.sem_alloc : memref<!tpu.dma_semaphore, #tpu.memory_space<semaphore_mem>>
          %dma_start3A_46 = tpu.memref_slice %arg4[%multiple_of3A] : memref<321536xi32, #tpu.memory_space<hbm>> -> memref<128xi32, #tpu.memory_space<hbm>>
          %dma_start3A_47 = tpu.memref_slice %arg4[%multiple_of3A] : memref<321536xi32, #tpu.memory_space<hbm>> -> memref<128xi32, #tpu.memory_space<hbm>>
          tpu.enqueue_dma source(%dma_start3A_47 : memref<128xi32, #tpu.memory_space<hbm>>) target(%arg13 : memref<128xi32, #tpu.memory_space<vmem>>) target_semaphore(%run_scoped3A : memref<!tpu.dma_semaphore, #tpu.memory_space<semaphore_mem>>)
          %dma_wait3A_48 = tpu.memref_slice %arg4[%multiple_of3A] : memref<321536xi32, #tpu.memory_space<hbm>> -> memref<128xi32, #tpu.memory_space<hbm>>
          %dma_wait3A_49 = tpu.memref_slice %arg4[%multiple_of3A] : memref<321536xi32, #tpu.memory_space<hbm>> -> memref<128xi32, #tpu.memory_space<hbm>>
          tpu.wait_dma2 semaphore(%run_scoped3A : memref<!tpu.dma_semaphore, #tpu.memory_space<semaphore_mem>>) src(%dma_wait3A_49 : memref<128xi32, #tpu.memory_space<hbm>>) dst(%arg13 : memref<128xi32, #tpu.memory_space<vmem>>)
          tpu.yield
        }) : () -> ()
        "tpu.region"() ({
          %run_scoped3A = tpu.sem_alloc : memref<!tpu.dma_semaphore, #tpu.memory_space<semaphore_mem>>
          %dma_start3A_46 = tpu.memref_slice %arg5[%multiple_of3A] : memref<321536xi32, #tpu.memory_space<hbm>> -> memref<128xi32, #tpu.memory_space<hbm>>
          %dma_start3A_47 = tpu.memref_slice %arg5[%multiple_of3A] : memref<321536xi32, #tpu.memory_space<hbm>> -> memref<128xi32, #tpu.memory_space<hbm>>
          tpu.enqueue_dma source(%dma_start3A_47 : memref<128xi32, #tpu.memory_space<hbm>>) target(%arg14 : memref<128xi32, #tpu.memory_space<vmem>>) target_semaphore(%run_scoped3A : memref<!tpu.dma_semaphore, #tpu.memory_space<semaphore_mem>>)
          %dma_wait3A_48 = tpu.memref_slice %arg5[%multiple_of3A] : memref<321536xi32, #tpu.memory_space<hbm>> -> memref<128xi32, #tpu.memory_space<hbm>>
          %dma_wait3A_49 = tpu.memref_slice %arg5[%multiple_of3A] : memref<321536xi32, #tpu.memory_space<hbm>> -> memref<128xi32, #tpu.memory_space<hbm>>
          tpu.wait_dma2 semaphore(%run_scoped3A : memref<!tpu.dma_semaphore, #tpu.memory_space<semaphore_mem>>) src(%dma_wait3A_49 : memref<128xi32, #tpu.memory_space<hbm>>) dst(%arg14 : memref<128xi32, #tpu.memory_space<vmem>>)
          tpu.yield
        }) : () -> ()
        %dma_start3A = arith.constant 0 : i32
        %dma_start3A_41 = arith.constant 0 : i32
        %dma_start3A_42 = tpu.memref_slice %arg2[%dma_start3A, %dma_start3A_41] : memref<10000x128xf32, #tpu.memory_space<hbm>> -> memref<10000x128xf32, #tpu.memory_space<hbm>>
        tpu.enqueue_indirect_dma source(%dma_start3A_42 : memref<10000x128xf32, #tpu.memory_space<hbm>>) target(%arg12 : memref<128x128xf32, #tpu.memory_space<vmem>>) offsets(%arg13 : memref<128xi32, #tpu.memory_space<vmem>>) semaphore(%arg15 : memref<!tpu.dma_semaphore, #tpu.memory_space<semaphore_mem>>)
        %dma_wait3A = arith.constant 0 : i32
        %dma_wait3A_43 = arith.constant 0 : i32
        %dma_wait3A_44 = tpu.memref_slice %arg2[%dma_wait3A, %dma_wait3A_43] : memref<10000x128xf32, #tpu.memory_space<hbm>> -> memref<10000x128xf32, #tpu.memory_space<hbm>>
        tpu.wait_indirect_dma semaphore(%arg15 : memref<!tpu.dma_semaphore, #tpu.memory_space<semaphore_mem>>) src(%dma_wait3A_44 : memref<10000x128xf32, #tpu.memory_space<hbm>>) dst(%arg12 : memref<128x128xf32, #tpu.memory_space<vmem>>)
        "tpu.region"() ({
          %run_scoped3A = tpu.sem_alloc : memref<!tpu.dma_semaphore, #tpu.memory_space<semaphore_mem>>
          %dma_start3A_46 = arith.constant 0 : i32
          %dma_start3A_47 = arith.constant 0 : i32
          %dma_start3A_48 = tpu.memref_slice %arg11[%dma_start3A_46, %dma_start3A_47] : memref<10112x128xf32, #tpu.memory_space<vmem_shared>> -> memref<10112x128xf32, #tpu.memory_space<vmem_shared>>
          tpu.enqueue_indirect_dma source(%arg12 : memref<128x128xf32, #tpu.memory_space<vmem>>) target(%dma_start3A_48 : memref<10112x128xf32, #tpu.memory_space<vmem_shared>>) offsets(%arg14 : memref<128xi32, #tpu.memory_space<vmem>>) semaphore(%run_scoped3A : memref<!tpu.dma_semaphore, #tpu.memory_space<semaphore_mem>>) {add = true}
          %dma_wait3A_49 = arith.constant 0 : i32
          %dma_wait3A_50 = arith.constant 0 : i32
          %dma_wait3A_51 = tpu.memref_slice %arg11[%dma_wait3A_49, %dma_wait3A_50] : memref<10112x128xf32, #tpu.memory_space<vmem_shared>> -> memref<10112x128xf32, #tpu.memory_space<vmem_shared>>
          tpu.wait_indirect_dma semaphore(%run_scoped3A : memref<!tpu.dma_semaphore, #tpu.memory_space<semaphore_mem>>) src(%arg12 : memref<128x128xf32, #tpu.memory_space<vmem>>) dst(%dma_wait3A_51 : memref<10112x128xf32, #tpu.memory_space<vmem_shared>>)
          tpu.yield
        }) : () -> ()
        %scan3A_45 = arith.constant 0 : i32
        scf.yield %scan3A_45 : i32
      }
      %scan3A_33 = arith.constant 157 : i32
    } else {
    }
    %eq3A_12 = arith.constant 1 : i32
    %eq3A_13 = arith.cmpi eq, %arg0, %eq3A_12 : i32
    %convert_element_type3A_14 = arith.extui %eq3A_13 : i1 to i32
    %cond3A_15 = arith.constant 0 : i32
    %cond3A_16 = arith.cmpi ne, %convert_element_type3A_14, %cond3A_15 : i32
    scf.if %cond3A_16 {
      %scan3A = arith.constant 0 : i32
      %scan3A_28 = arith.constant 0 : i32
      %scan3A_29 = arith.constant 157 : i32
      %scan3A_30 = arith.addi %scan3A_28, %scan3A_29 : i32
      %scan3A_31 = arith.constant 1 : i32
      %scan3A_32 = scf.for %scan3A_34 = %scan3A_28 to %scan3A_30 step %scan3A_31 iter_args(%scan3A_35 = %scan3A) -> (i32)  : i32 {
        %mul3A_36 = arith.constant 157 : i32
        %mul3A_37 = arith.muli %arg1, %mul3A_36 : i32
        %add3A_38 = arith.addi %mul3A_37, %scan3A_34 : i32
        %mul3A_39 = arith.constant 128 : i32
        %mul3A_40 = arith.muli %add3A_38, %mul3A_39 : i32
        %multiple_of3A = tpu.assume_multiple %mul3A_40, 128 : i32
        "tpu.region"() ({
          %run_scoped3A = tpu.sem_alloc : memref<!tpu.dma_semaphore, #tpu.memory_space<semaphore_mem>>
          %dma_start3A_46 = tpu.memref_slice %arg6[%multiple_of3A] : memref<321536xi32, #tpu.memory_space<hbm>> -> memref<128xi32, #tpu.memory_space<hbm>>
          %dma_start3A_47 = tpu.memref_slice %arg6[%multiple_of3A] : memref<321536xi32, #tpu.memory_space<hbm>> -> memref<128xi32, #tpu.memory_space<hbm>>
          tpu.enqueue_dma source(%dma_start3A_47 : memref<128xi32, #tpu.memory_space<hbm>>) target(%arg13 : memref<128xi32, #tpu.memory_space<vmem>>) target_semaphore(%run_scoped3A : memref<!tpu.dma_semaphore, #tpu.memory_space<semaphore_mem>>)
          %dma_wait3A_48 = tpu.memref_slice %arg6[%multiple_of3A] : memref<321536xi32, #tpu.memory_space<hbm>> -> memref<128xi32, #tpu.memory_space<hbm>>
          %dma_wait3A_49 = tpu.memref_slice %arg6[%multiple_of3A] : memref<321536xi32, #tpu.memory_space<hbm>> -> memref<128xi32, #tpu.memory_space<hbm>>
          tpu.wait_dma2 semaphore(%run_scoped3A : memref<!tpu.dma_semaphore, #tpu.memory_space<semaphore_mem>>) src(%dma_wait3A_49 : memref<128xi32, #tpu.memory_space<hbm>>) dst(%arg13 : memref<128xi32, #tpu.memory_space<vmem>>)
          tpu.yield
        }) : () -> ()
        "tpu.region"() ({
          %run_scoped3A = tpu.sem_alloc : memref<!tpu.dma_semaphore, #tpu.memory_space<semaphore_mem>>
          %dma_start3A_46 = tpu.memref_slice %arg7[%multiple_of3A] : memref<321536xi32, #tpu.memory_space<hbm>> -> memref<128xi32, #tpu.memory_space<hbm>>
          %dma_start3A_47 = tpu.memref_slice %arg7[%multiple_of3A] : memref<321536xi32, #tpu.memory_space<hbm>> -> memref<128xi32, #tpu.memory_space<hbm>>
          tpu.enqueue_dma source(%dma_start3A_47 : memref<128xi32, #tpu.memory_space<hbm>>) target(%arg14 : memref<128xi32, #tpu.memory_space<vmem>>) target_semaphore(%run_scoped3A : memref<!tpu.dma_semaphore, #tpu.memory_space<semaphore_mem>>)
          %dma_wait3A_48 = tpu.memref_slice %arg7[%multiple_of3A] : memref<321536xi32, #tpu.memory_space<hbm>> -> memref<128xi32, #tpu.memory_space<hbm>>
          %dma_wait3A_49 = tpu.memref_slice %arg7[%multiple_of3A] : memref<321536xi32, #tpu.memory_space<hbm>> -> memref<128xi32, #tpu.memory_space<hbm>>
          tpu.wait_dma2 semaphore(%run_scoped3A : memref<!tpu.dma_semaphore, #tpu.memory_space<semaphore_mem>>) src(%dma_wait3A_49 : memref<128xi32, #tpu.memory_space<hbm>>) dst(%arg14 : memref<128xi32, #tpu.memory_space<vmem>>)
          tpu.yield
        }) : () -> ()
        %dma_start3A = arith.constant 0 : i32
        %dma_start3A_41 = arith.constant 0 : i32
        %dma_start3A_42 = tpu.memref_slice %arg3[%dma_start3A, %dma_start3A_41] : memref<10000x128xf32, #tpu.memory_space<hbm>> -> memref<10000x128xf32, #tpu.memory_space<hbm>>
        tpu.enqueue_indirect_dma source(%dma_start3A_42 : memref<10000x128xf32, #tpu.memory_space<hbm>>) target(%arg12 : memref<128x128xf32, #tpu.memory_space<vmem>>) offsets(%arg13 : memref<128xi32, #tpu.memory_space<vmem>>) semaphore(%arg15 : memref<!tpu.dma_semaphore, #tpu.memory_space<semaphore_mem>>)
        %dma_wait3A = arith.constant 0 : i32
        %dma_wait3A_43 = arith.constant 0 : i32
        %dma_wait3A_44 = tpu.memref_slice %arg3[%dma_wait3A, %dma_wait3A_43] : memref<10000x128xf32, #tpu.memory_space<hbm>> -> memref<10000x128xf32, #tpu.memory_space<hbm>>
        tpu.wait_indirect_dma semaphore(%arg15 : memref<!tpu.dma_semaphore, #tpu.memory_space<semaphore_mem>>) src(%dma_wait3A_44 : memref<10000x128xf32, #tpu.memory_space<hbm>>) dst(%arg12 : memref<128x128xf32, #tpu.memory_space<vmem>>)
        "tpu.region"() ({
          %run_scoped3A = tpu.sem_alloc : memref<!tpu.dma_semaphore, #tpu.memory_space<semaphore_mem>>
          %dma_start3A_46 = arith.constant 0 : i32
          %dma_start3A_47 = arith.constant 0 : i32
          %dma_start3A_48 = tpu.memref_slice %arg11[%dma_start3A_46, %dma_start3A_47] : memref<10112x128xf32, #tpu.memory_space<vmem_shared>> -> memref<10112x128xf32, #tpu.memory_space<vmem_shared>>
          tpu.enqueue_indirect_dma source(%arg12 : memref<128x128xf32, #tpu.memory_space<vmem>>) target(%dma_start3A_48 : memref<10112x128xf32, #tpu.memory_space<vmem_shared>>) offsets(%arg14 : memref<128xi32, #tpu.memory_space<vmem>>) semaphore(%run_scoped3A : memref<!tpu.dma_semaphore, #tpu.memory_space<semaphore_mem>>) {add = true}
          %dma_wait3A_49 = arith.constant 0 : i32
          %dma_wait3A_50 = arith.constant 0 : i32
          %dma_wait3A_51 = tpu.memref_slice %arg11[%dma_wait3A_49, %dma_wait3A_50] : memref<10112x128xf32, #tpu.memory_space<vmem_shared>> -> memref<10112x128xf32, #tpu.memory_space<vmem_shared>>
          tpu.wait_indirect_dma semaphore(%run_scoped3A : memref<!tpu.dma_semaphore, #tpu.memory_space<semaphore_mem>>) src(%arg12 : memref<128x128xf32, #tpu.memory_space<vmem>>) dst(%dma_wait3A_51 : memref<10112x128xf32, #tpu.memory_space<vmem_shared>>)
          tpu.yield
        }) : () -> ()
        %scan3A_45 = arith.constant 0 : i32
        scf.yield %scan3A_45 : i32
      }
      %scan3A_33 = arith.constant 157 : i32
    } else {
    }
    %barrier3A_17 = arith.constant 0 : index
    tpu.barrier barrier_id(%barrier3A_17)
    %eq3A_18 = arith.constant 0 : i32
    %eq3A_19 = arith.cmpi eq, %arg0, %eq3A_18 : i32
    %convert_element_type3A_20 = arith.extui %eq3A_19 : i1 to i32
    %cond3A_21 = arith.constant 0 : i32
    %cond3A_22 = arith.cmpi ne, %convert_element_type3A_20, %cond3A_21 : i32
    scf.if %cond3A_22 {
      %add3A_28 = arith.constant 0 : i32
      %add3A_29 = arith.addi %mul3A_0, %add3A_28 : i32
      "tpu.region"() ({
        %run_scoped3A = tpu.sem_alloc : memref<!tpu.dma_semaphore, #tpu.memory_space<semaphore_mem>>
        %dma_start3A = arith.constant 0 : i32
        %dma_start3A_48 = arith.constant 0 : i32
        %dma_start3A_49 = tpu.memref_slice %arg12[%dma_start3A, %dma_start3A_48] : memref<128x128xf32, #tpu.memory_space<vmem>> -> memref<128x128xf32, #tpu.memory_space<vmem>>
        %dma_start3A_50 = arith.constant 0 : i32
        %dma_start3A_51 = tpu.memref_slice %arg11[%add3A_29, %dma_start3A_50] : memref<10112x128xf32, #tpu.memory_space<vmem_shared>> -> memref<128x128xf32, #tpu.memory_space<vmem_shared>>
        %dma_start3A_52 = arith.constant 0 : i32
        %dma_start3A_53 = arith.constant 0 : i32
        %dma_start3A_54 = tpu.memref_slice %arg12[%dma_start3A_52, %dma_start3A_53] : memref<128x128xf32, #tpu.memory_space<vmem>> -> memref<128x128xf32, #tpu.memory_space<vmem>>
        %dma_start3A_55 = arith.constant 0 : i32
        %dma_start3A_56 = tpu.memref_slice %arg11[%add3A_29, %dma_start3A_55] : memref<10112x128xf32, #tpu.memory_space<vmem_shared>> -> memref<128x128xf32, #tpu.memory_space<vmem_shared>>
        tpu.enqueue_dma source(%dma_start3A_56 : memref<128x128xf32, #tpu.memory_space<vmem_shared>>) target(%dma_start3A_54 : memref<128x128xf32, #tpu.memory_space<vmem>>) target_semaphore(%run_scoped3A : memref<!tpu.dma_semaphore, #tpu.memory_space<semaphore_mem>>)
        %dma_wait3A = arith.constant 0 : i32
        %dma_wait3A_57 = arith.constant 0 : i32
        %dma_wait3A_58 = tpu.memref_slice %arg12[%dma_wait3A, %dma_wait3A_57] : memref<128x128xf32, #tpu.memory_space<vmem>> -> memref<128x128xf32, #tpu.memory_space<vmem>>
        %dma_wait3A_59 = arith.constant 0 : i32
        %dma_wait3A_60 = tpu.memref_slice %arg11[%add3A_29, %dma_wait3A_59] : memref<10112x128xf32, #tpu.memory_space<vmem_shared>> -> memref<128x128xf32, #tpu.memory_space<vmem_shared>>
        %dma_wait3A_61 = arith.constant 0 : i32
        %dma_wait3A_62 = arith.constant 0 : i32
        %dma_wait3A_63 = tpu.memref_slice %arg12[%dma_wait3A_61, %dma_wait3A_62] : memref<128x128xf32, #tpu.memory_space<vmem>> -> memref<128x128xf32, #tpu.memory_space<vmem>>
        %dma_wait3A_64 = arith.constant 0 : i32
        %dma_wait3A_65 = tpu.memref_slice %arg11[%add3A_29, %dma_wait3A_64] : memref<10112x128xf32, #tpu.memory_space<vmem_shared>> -> memref<128x128xf32, #tpu.memory_space<vmem_shared>>
        tpu.wait_dma2 semaphore(%run_scoped3A : memref<!tpu.dma_semaphore, #tpu.memory_space<semaphore_mem>>) src(%dma_wait3A_65 : memref<128x128xf32, #tpu.memory_space<vmem_shared>>) dst(%dma_wait3A_63 : memref<128x128xf32, #tpu.memory_space<vmem>>)
        tpu.yield
      }) : () -> ()
      %add3A_30 = arith.constant 0 : i32
      %add3A_31 = arith.addi %mul3A_0, %add3A_30 : i32
      "tpu.region"() ({
        %run_scoped3A = tpu.sem_alloc : memref<!tpu.dma_semaphore, #tpu.memory_space<semaphore_mem>>
        %dma_start3A = arith.constant 0 : i32
        %dma_start3A_48 = arith.constant 0 : i32
        %dma_start3A_49 = tpu.memref_slice %arg12[%dma_start3A, %dma_start3A_48] : memref<128x128xf32, #tpu.memory_space<vmem>> -> memref<128x128xf32, #tpu.memory_space<vmem>>
        %dma_start3A_50 = arith.constant 0 : i32
        %dma_start3A_51 = tpu.memref_slice %arg9[%add3A_31, %dma_start3A_50] : memref<10112x128xf32, #tpu.memory_space<hbm>> -> memref<128x128xf32, #tpu.memory_space<hbm>>
        %dma_start3A_52 = arith.constant 0 : i32
        %dma_start3A_53 = tpu.memref_slice %arg9[%add3A_31, %dma_start3A_52] : memref<10112x128xf32, #tpu.memory_space<hbm>> -> memref<128x128xf32, #tpu.memory_space<hbm>>
        %dma_start3A_54 = arith.constant 0 : i32
        %dma_start3A_55 = arith.constant 0 : i32
        %dma_start3A_56 = tpu.memref_slice %arg12[%dma_start3A_54, %dma_start3A_55] : memref<128x128xf32, #tpu.memory_space<vmem>> -> memref<128x128xf32, #tpu.memory_space<vmem>>
        tpu.enqueue_dma source(%dma_start3A_56 : memref<128x128xf32, #tpu.memory_space<vmem>>) target(%dma_start3A_53 : memref<128x128xf32, #tpu.memory_space<hbm>>) target_semaphore(%run_scoped3A : memref<!tpu.dma_semaphore, #tpu.memory_space<semaphore_mem>>)
        %dma_wait3A = arith.constant 0 : i32
        %dma_wait3A_57 = arith.constant 0 : i32
        %dma_wait3A_58 = tpu.memref_slice %arg12[%dma_wait3A, %dma_wait3A_57] : memref<128x128xf32, #tpu.memory_space<vmem>> -> memref<128x128xf32, #tpu.memory_space<vmem>>
        %dma_wait3A_59 = arith.constant 0 : i32
        %dma_wait3A_60 = tpu.memref_slice %arg9[%add3A_31, %dma_wait3A_59] : memref<10112x128xf32, #tpu.memory_space<hbm>> -> memref<128x128xf32, #tpu.memory_space<hbm>>
        %dma_wait3A_61 = arith.constant 0 : i32
        %dma_wait3A_62 = tpu.memref_slice %arg9[%add3A_31, %dma_wait3A_61] : memref<10112x128xf32, #tpu.memory_space<hbm>> -> memref<128x128xf32, #tpu.memory_space<hbm>>
        %dma_wait3A_63 = arith.constant 0 : i32
        %dma_wait3A_64 = arith.constant 0 : i32
        %dma_wait3A_65 = tpu.memref_slice %arg12[%dma_wait3A_63, %dma_wait3A_64] : memref<128x128xf32, #tpu.memory_space<vmem>> -> memref<128x128xf32, #tpu.memory_space<vmem>>
        tpu.wait_dma2 semaphore(%run_scoped3A : memref<!tpu.dma_semaphore, #tpu.memory_space<semaphore_mem>>) src(%dma_wait3A_65 : memref<128x128xf32, #tpu.memory_space<vmem>>) dst(%dma_wait3A_62 : memref<128x128xf32, #tpu.memory_space<hbm>>)
        tpu.yield
      }) : () -> ()
      %add3A_32 = arith.constant 128 : i32
      %add3A_33 = arith.addi %mul3A_0, %add3A_32 : i32
      "tpu.region"() ({
        %run_scoped3A = tpu.sem_alloc : memref<!tpu.dma_semaphore, #tpu.memory_space<semaphore_mem>>
        %dma_start3A = arith.constant 0 : i32
        %dma_start3A_48 = arith.constant 0 : i32
        %dma_start3A_49 = tpu.memref_slice %arg12[%dma_start3A, %dma_start3A_48] : memref<128x128xf32, #tpu.memory_space<vmem>> -> memref<128x128xf32, #tpu.memory_space<vmem>>
        %dma_start3A_50 = arith.constant 0 : i32
        %dma_start3A_51 = tpu.memref_slice %arg11[%add3A_33, %dma_start3A_50] : memref<10112x128xf32, #tpu.memory_space<vmem_shared>> -> memref<128x128xf32, #tpu.memory_space<vmem_shared>>
        %dma_start3A_52 = arith.constant 0 : i32
        %dma_start3A_53 = arith.constant 0 : i32
        %dma_start3A_54 = tpu.memref_slice %arg12[%dma_start3A_52, %dma_start3A_53] : memref<128x128xf32, #tpu.memory_space<vmem>> -> memref<128x128xf32, #tpu.memory_space<vmem>>
        %dma_start3A_55 = arith.constant 0 : i32
        %dma_start3A_56 = tpu.memref_slice %arg11[%add3A_33, %dma_start3A_55] : memref<10112x128xf32, #tpu.memory_space<vmem_shared>> -> memref<128x128xf32, #tpu.memory_space<vmem_shared>>
        tpu.enqueue_dma source(%dma_start3A_56 : memref<128x128xf32, #tpu.memory_space<vmem_shared>>) target(%dma_start3A_54 : memref<128x128xf32, #tpu.memory_space<vmem>>) target_semaphore(%run_scoped3A : memref<!tpu.dma_semaphore, #tpu.memory_space<semaphore_mem>>)
        %dma_wait3A = arith.constant 0 : i32
        %dma_wait3A_57 = arith.constant 0 : i32
        %dma_wait3A_58 = tpu.memref_slice %arg12[%dma_wait3A, %dma_wait3A_57] : memref<128x128xf32, #tpu.memory_space<vmem>> -> memref<128x128xf32, #tpu.memory_space<vmem>>
        %dma_wait3A_59 = arith.constant 0 : i32
        %dma_wait3A_60 = tpu.memref_slice %arg11[%add3A_33, %dma_wait3A_59] : memref<10112x128xf32, #tpu.memory_space<vmem_shared>> -> memref<128x128xf32, #tpu.memory_space<vmem_shared>>
        %dma_wait3A_61 = arith.constant 0 : i32
        %dma_wait3A_62 = arith.constant 0 : i32
        %dma_wait3A_63 = tpu.memref_slice %arg12[%dma_wait3A_61, %dma_wait3A_62] : memref<128x128xf32, #tpu.memory_space<vmem>> -> memref<128x128xf32, #tpu.memory_space<vmem>>
        %dma_wait3A_64 = arith.constant 0 : i32
        %dma_wait3A_65 = tpu.memref_slice %arg11[%add3A_33, %dma_wait3A_64] : memref<10112x128xf32, #tpu.memory_space<vmem_shared>> -> memref<128x128xf32, #tpu.memory_space<vmem_shared>>
        tpu.wait_dma2 semaphore(%run_scoped3A : memref<!tpu.dma_semaphore, #tpu.memory_space<semaphore_mem>>) src(%dma_wait3A_65 : memref<128x128xf32, #tpu.memory_space<vmem_shared>>) dst(%dma_wait3A_63 : memref<128x128xf32, #tpu.memory_space<vmem>>)
        tpu.yield
      }) : () -> ()
      %add3A_34 = arith.constant 128 : i32
      %add3A_35 = arith.addi %mul3A_0, %add3A_34 : i32
      "tpu.region"() ({
        %run_scoped3A = tpu.sem_alloc : memref<!tpu.dma_semaphore, #tpu.memory_space<semaphore_mem>>
        %dma_start3A = arith.constant 0 : i32
        %dma_start3A_48 = arith.constant 0 : i32
        %dma_start3A_49 = tpu.memref_slice %arg12[%dma_start3A, %dma_start3A_48] : memref<128x128xf32, #tpu.memory_space<vmem>> -> memref<128x128xf32, #tpu.memory_space<vmem>>
        %dma_start3A_50 = arith.constant 0 : i32
        %dma_start3A_51 = tpu.memref_slice %arg9[%add3A_35, %dma_start3A_50] : memref<10112x128xf32, #tpu.memory_space<hbm>> -> memref<128x128xf32, #tpu.memory_space<hbm>>
        %dma_start3A_52 = arith.constant 0 : i32
        %dma_start3A_53 = tpu.memref_slice %arg9[%add3A_35, %dma_start3A_52] : memref<10112x128xf32, #tpu.memory_space<hbm>> -> memref<128x128xf32, #tpu.memory_space<hbm>>
        %dma_start3A_54 = arith.constant 0 : i32
        %dma_start3A_55 = arith.constant 0 : i32
        %dma_start3A_56 = tpu.memref_slice %arg12[%dma_start3A_54, %dma_start3A_55] : memref<128x128xf32, #tpu.memory_space<vmem>> -> memref<128x128xf32, #tpu.memory_space<vmem>>
        tpu.enqueue_dma source(%dma_start3A_56 : memref<128x128xf32, #tpu.memory_space<vmem>>) target(%dma_start3A_53 : memref<128x128xf32, #tpu.memory_space<hbm>>) target_semaphore(%run_scoped3A : memref<!tpu.dma_semaphore, #tpu.memory_space<semaphore_mem>>)
        %dma_wait3A = arith.constant 0 : i32
        %dma_wait3A_57 = arith.constant 0 : i32
        %dma_wait3A_58 = tpu.memref_slice %arg12[%dma_wait3A, %dma_wait3A_57] : memref<128x128xf32, #tpu.memory_space<vmem>> -> memref<128x128xf32, #tpu.memory_space<vmem>>
        %dma_wait3A_59 = arith.constant 0 : i32
        %dma_wait3A_60 = tpu.memref_slice %arg9[%add3A_35, %dma_wait3A_59] : memref<10112x128xf32, #tpu.memory_space<hbm>> -> memref<128x128xf32, #tpu.memory_space<hbm>>
        %dma_wait3A_61 = arith.constant 0 : i32
        %dma_wait3A_62 = tpu.memref_slice %arg9[%add3A_35, %dma_wait3A_61] : memref<10112x128xf32, #tpu.memory_space<hbm>> -> memref<128x128xf32, #tpu.memory_space<hbm>>
        %dma_wait3A_63 = arith.constant 0 : i32
        %dma_wait3A_64 = arith.constant 0 : i32
        %dma_wait3A_65 = tpu.memref_slice %arg12[%dma_wait3A_63, %dma_wait3A_64] : memref<128x128xf32, #tpu.memory_space<vmem>> -> memref<128x128xf32, #tpu.memory_space<vmem>>
        tpu.wait_dma2 semaphore(%run_scoped3A : memref<!tpu.dma_semaphore, #tpu.memory_space<semaphore_mem>>) src(%dma_wait3A_65 : memref<128x128xf32, #tpu.memory_space<vmem>>) dst(%dma_wait3A_62 : memref<128x128xf32, #tpu.memory_space<hbm>>)
        tpu.yield
      }) : () -> ()
      %add3A_36 = arith.constant 256 : i32
      %add3A_37 = arith.addi %mul3A_0, %add3A_36 : i32
      "tpu.region"() ({
        %run_scoped3A = tpu.sem_alloc : memref<!tpu.dma_semaphore, #tpu.memory_space<semaphore_mem>>
        %dma_start3A = arith.constant 0 : i32
        %dma_start3A_48 = arith.constant 0 : i32
        %dma_start3A_49 = tpu.memref_slice %arg12[%dma_start3A, %dma_start3A_48] : memref<128x128xf32, #tpu.memory_space<vmem>> -> memref<128x128xf32, #tpu.memory_space<vmem>>
        %dma_start3A_50 = arith.constant 0 : i32
        %dma_start3A_51 = tpu.memref_slice %arg11[%add3A_37, %dma_start3A_50] : memref<10112x128xf32, #tpu.memory_space<vmem_shared>> -> memref<128x128xf32, #tpu.memory_space<vmem_shared>>
        %dma_start3A_52 = arith.constant 0 : i32
        %dma_start3A_53 = arith.constant 0 : i32
        %dma_start3A_54 = tpu.memref_slice %arg12[%dma_start3A_52, %dma_start3A_53] : memref<128x128xf32, #tpu.memory_space<vmem>> -> memref<128x128xf32, #tpu.memory_space<vmem>>
        %dma_start3A_55 = arith.constant 0 : i32
        %dma_start3A_56 = tpu.memref_slice %arg11[%add3A_37, %dma_start3A_55] : memref<10112x128xf32, #tpu.memory_space<vmem_shared>> -> memref<128x128xf32, #tpu.memory_space<vmem_shared>>
        tpu.enqueue_dma source(%dma_start3A_56 : memref<128x128xf32, #tpu.memory_space<vmem_shared>>) target(%dma_start3A_54 : memref<128x128xf32, #tpu.memory_space<vmem>>) target_semaphore(%run_scoped3A : memref<!tpu.dma_semaphore, #tpu.memory_space<semaphore_mem>>)
        %dma_wait3A = arith.constant 0 : i32
        %dma_wait3A_57 = arith.constant 0 : i32
        %dma_wait3A_58 = tpu.memref_slice %arg12[%dma_wait3A, %dma_wait3A_57] : memref<128x128xf32, #tpu.memory_space<vmem>> -> memref<128x128xf32, #tpu.memory_space<vmem>>
        %dma_wait3A_59 = arith.constant 0 : i32
        %dma_wait3A_60 = tpu.memref_slice %arg11[%add3A_37, %dma_wait3A_59] : memref<10112x128xf32, #tpu.memory_space<vmem_shared>> -> memref<128x128xf32, #tpu.memory_space<vmem_shared>>
        %dma_wait3A_61 = arith.constant 0 : i32
        %dma_wait3A_62 = arith.constant 0 : i32
        %dma_wait3A_63 = tpu.memref_slice %arg12[%dma_wait3A_61, %dma_wait3A_62] : memref<128x128xf32, #tpu.memory_space<vmem>> -> memref<128x128xf32, #tpu.memory_space<vmem>>
        %dma_wait3A_64 = arith.constant 0 : i32
        %dma_wait3A_65 = tpu.memref_slice %arg11[%add3A_37, %dma_wait3A_64] : memref<10112x128xf32, #tpu.memory_space<vmem_shared>> -> memref<128x128xf32, #tpu.memory_space<vmem_shared>>
        tpu.wait_dma2 semaphore(%run_scoped3A : memref<!tpu.dma_semaphore, #tpu.memory_space<semaphore_mem>>) src(%dma_wait3A_65 : memref<128x128xf32, #tpu.memory_space<vmem_shared>>) dst(%dma_wait3A_63 : memref<128x128xf32, #tpu.memory_space<vmem>>)
        tpu.yield
      }) : () -> ()
      %add3A_38 = arith.constant 256 : i32
      %add3A_39 = arith.addi %mul3A_0, %add3A_38 : i32
      "tpu.region"() ({
        %run_scoped3A = tpu.sem_alloc : memref<!tpu.dma_semaphore, #tpu.memory_space<semaphore_mem>>
        %dma_start3A = arith.constant 0 : i32
        %dma_start3A_48 = arith.constant 0 : i32
        %dma_start3A_49 = tpu.memref_slice %arg12[%dma_start3A, %dma_start3A_48] : memref<128x128xf32, #tpu.memory_space<vmem>> -> memref<128x128xf32, #tpu.memory_space<vmem>>
        %dma_start3A_50 = arith.constant 0 : i32
        %dma_start3A_51 = tpu.memref_slice %arg9[%add3A_39, %dma_start3A_50] : memref<10112x128xf32, #tpu.memory_space<hbm>> -> memref<128x128xf32, #tpu.memory_space<hbm>>
        %dma_start3A_52 = arith.constant 0 : i32
        %dma_start3A_53 = tpu.memref_slice %arg9[%add3A_39, %dma_start3A_52] : memref<10112x128xf32, #tpu.memory_space<hbm>> -> memref<128x128xf32, #tpu.memory_space<hbm>>
        %dma_start3A_54 = arith.constant 0 : i32
        %dma_start3A_55 = arith.constant 0 : i32
        %dma_start3A_56 = tpu.memref_slice %arg12[%dma_start3A_54, %dma_start3A_55] : memref<128x128xf32, #tpu.memory_space<vmem>> -> memref<128x128xf32, #tpu.memory_space<vmem>>
        tpu.enqueue_dma source(%dma_start3A_56 : memref<128x128xf32, #tpu.memory_space<vmem>>) target(%dma_start3A_53 : memref<128x128xf32, #tpu.memory_space<hbm>>) target_semaphore(%run_scoped3A : memref<!tpu.dma_semaphore, #tpu.memory_space<semaphore_mem>>)
        %dma_wait3A = arith.constant 0 : i32
        %dma_wait3A_57 = arith.constant 0 : i32
        %dma_wait3A_58 = tpu.memref_slice %arg12[%dma_wait3A, %dma_wait3A_57] : memref<128x128xf32, #tpu.memory_space<vmem>> -> memref<128x128xf32, #tpu.memory_space<vmem>>
        %dma_wait3A_59 = arith.constant 0 : i32
        %dma_wait3A_60 = tpu.memref_slice %arg9[%add3A_39, %dma_wait3A_59] : memref<10112x128xf32, #tpu.memory_space<hbm>> -> memref<128x128xf32, #tpu.memory_space<hbm>>
        %dma_wait3A_61 = arith.constant 0 : i32
        %dma_wait3A_62 = tpu.memref_slice %arg9[%add3A_39, %dma_wait3A_61] : memref<10112x128xf32, #tpu.memory_space<hbm>> -> memref<128x128xf32, #tpu.memory_space<hbm>>
        %dma_wait3A_63 = arith.constant 0 : i32
        %dma_wait3A_64 = arith.constant 0 : i32
        %dma_wait3A_65 = tpu.memref_slice %arg12[%dma_wait3A_63, %dma_wait3A_64] : memref<128x128xf32, #tpu.memory_space<vmem>> -> memref<128x128xf32, #tpu.memory_space<vmem>>
        tpu.wait_dma2 semaphore(%run_scoped3A : memref<!tpu.dma_semaphore, #tpu.memory_space<semaphore_mem>>) src(%dma_wait3A_65 : memref<128x128xf32, #tpu.memory_space<vmem>>) dst(%dma_wait3A_62 : memref<128x128xf32, #tpu.memory_space<hbm>>)
        tpu.yield
      }) : () -> ()
      %add3A_40 = arith.constant 384 : i32
      %add3A_41 = arith.addi %mul3A_0, %add3A_40 : i32
      "tpu.region"() ({
        %run_scoped3A = tpu.sem_alloc : memref<!tpu.dma_semaphore, #tpu.memory_space<semaphore_mem>>
        %dma_start3A = arith.constant 0 : i32
        %dma_start3A_48 = arith.constant 0 : i32
        %dma_start3A_49 = tpu.memref_slice %arg12[%dma_start3A, %dma_start3A_48] : memref<128x128xf32, #tpu.memory_space<vmem>> -> memref<128x128xf32, #tpu.memory_space<vmem>>
        %dma_start3A_50 = arith.constant 0 : i32
        %dma_start3A_51 = tpu.memref_slice %arg11[%add3A_41, %dma_start3A_50] : memref<10112x128xf32, #tpu.memory_space<vmem_shared>> -> memref<128x128xf32, #tpu.memory_space<vmem_shared>>
        %dma_start3A_52 = arith.constant 0 : i32
        %dma_start3A_53 = arith.constant 0 : i32
        %dma_start3A_54 = tpu.memref_slice %arg12[%dma_start3A_52, %dma_start3A_53] : memref<128x128xf32, #tpu.memory_space<vmem>> -> memref<128x128xf32, #tpu.memory_space<vmem>>
        %dma_start3A_55 = arith.constant 0 : i32
        %dma_start3A_56 = tpu.memref_slice %arg11[%add3A_41, %dma_start3A_55] : memref<10112x128xf32, #tpu.memory_space<vmem_shared>> -> memref<128x128xf32, #tpu.memory_space<vmem_shared>>
        tpu.enqueue_dma source(%dma_start3A_56 : memref<128x128xf32, #tpu.memory_space<vmem_shared>>) target(%dma_start3A_54 : memref<128x128xf32, #tpu.memory_space<vmem>>) target_semaphore(%run_scoped3A : memref<!tpu.dma_semaphore, #tpu.memory_space<semaphore_mem>>)
        %dma_wait3A = arith.constant 0 : i32
        %dma_wait3A_57 = arith.constant 0 : i32
        %dma_wait3A_58 = tpu.memref_slice %arg12[%dma_wait3A, %dma_wait3A_57] : memref<128x128xf32, #tpu.memory_space<vmem>> -> memref<128x128xf32, #tpu.memory_space<vmem>>
        %dma_wait3A_59 = arith.constant 0 : i32
        %dma_wait3A_60 = tpu.memref_slice %arg11[%add3A_41, %dma_wait3A_59] : memref<10112x128xf32, #tpu.memory_space<vmem_shared>> -> memref<128x128xf32, #tpu.memory_space<vmem_shared>>
        %dma_wait3A_61 = arith.constant 0 : i32
        %dma_wait3A_62 = arith.constant 0 : i32
        %dma_wait3A_63 = tpu.memref_slice %arg12[%dma_wait3A_61, %dma_wait3A_62] : memref<128x128xf32, #tpu.memory_space<vmem>> -> memref<128x128xf32, #tpu.memory_space<vmem>>
        %dma_wait3A_64 = arith.constant 0 : i32
        %dma_wait3A_65 = tpu.memref_slice %arg11[%add3A_41, %dma_wait3A_64] : memref<10112x128xf32, #tpu.memory_space<vmem_shared>> -> memref<128x128xf32, #tpu.memory_space<vmem_shared>>
        tpu.wait_dma2 semaphore(%run_scoped3A : memref<!tpu.dma_semaphore, #tpu.memory_space<semaphore_mem>>) src(%dma_wait3A_65 : memref<128x128xf32, #tpu.memory_space<vmem_shared>>) dst(%dma_wait3A_63 : memref<128x128xf32, #tpu.memory_space<vmem>>)
        tpu.yield
      }) : () -> ()
      %add3A_42 = arith.constant 384 : i32
      %add3A_43 = arith.addi %mul3A_0, %add3A_42 : i32
      "tpu.region"() ({
        %run_scoped3A = tpu.sem_alloc : memref<!tpu.dma_semaphore, #tpu.memory_space<semaphore_mem>>
        %dma_start3A = arith.constant 0 : i32
        %dma_start3A_48 = arith.constant 0 : i32
        %dma_start3A_49 = tpu.memref_slice %arg12[%dma_start3A, %dma_start3A_48] : memref<128x128xf32, #tpu.memory_space<vmem>> -> memref<128x128xf32, #tpu.memory_space<vmem>>
        %dma_start3A_50 = arith.constant 0 : i32
        %dma_start3A_51 = tpu.memref_slice %arg9[%add3A_43, %dma_start3A_50] : memref<10112x128xf32, #tpu.memory_space<hbm>> -> memref<128x128xf32, #tpu.memory_space<hbm>>
        %dma_start3A_52 = arith.constant 0 : i32
        %dma_start3A_53 = tpu.memref_slice %arg9[%add3A_43, %dma_start3A_52] : memref<10112x128xf32, #tpu.memory_space<hbm>> -> memref<128x128xf32, #tpu.memory_space<hbm>>
        %dma_start3A_54 = arith.constant 0 : i32
        %dma_start3A_55 = arith.constant 0 : i32
        %dma_start3A_56 = tpu.memref_slice %arg12[%dma_start3A_54, %dma_start3A_55] : memref<128x128xf32, #tpu.memory_space<vmem>> -> memref<128x128xf32, #tpu.memory_space<vmem>>
        tpu.enqueue_dma source(%dma_start3A_56 : memref<128x128xf32, #tpu.memory_space<vmem>>) target(%dma_start3A_53 : memref<128x128xf32, #tpu.memory_space<hbm>>) target_semaphore(%run_scoped3A : memref<!tpu.dma_semaphore, #tpu.memory_space<semaphore_mem>>)
        %dma_wait3A = arith.constant 0 : i32
        %dma_wait3A_57 = arith.constant 0 : i32
        %dma_wait3A_58 = tpu.memref_slice %arg12[%dma_wait3A, %dma_wait3A_57] : memref<128x128xf32, #tpu.memory_space<vmem>> -> memref<128x128xf32, #tpu.memory_space<vmem>>
        %dma_wait3A_59 = arith.constant 0 : i32
        %dma_wait3A_60 = tpu.memref_slice %arg9[%add3A_43, %dma_wait3A_59] : memref<10112x128xf32, #tpu.memory_space<hbm>> -> memref<128x128xf32, #tpu.memory_space<hbm>>
        %dma_wait3A_61 = arith.constant 0 : i32
        %dma_wait3A_62 = tpu.memref_slice %arg9[%add3A_43, %dma_wait3A_61] : memref<10112x128xf32, #tpu.memory_space<hbm>> -> memref<128x128xf32, #tpu.memory_space<hbm>>
        %dma_wait3A_63 = arith.constant 0 : i32
        %dma_wait3A_64 = arith.constant 0 : i32
        %dma_wait3A_65 = tpu.memref_slice %arg12[%dma_wait3A_63, %dma_wait3A_64] : memref<128x128xf32, #tpu.memory_space<vmem>> -> memref<128x128xf32, #tpu.memory_space<vmem>>
        tpu.wait_dma2 semaphore(%run_scoped3A : memref<!tpu.dma_semaphore, #tpu.memory_space<semaphore_mem>>) src(%dma_wait3A_65 : memref<128x128xf32, #tpu.memory_space<vmem>>) dst(%dma_wait3A_62 : memref<128x128xf32, #tpu.memory_space<hbm>>)
        tpu.yield
      }) : () -> ()
      %add3A_44 = arith.constant 512 : i32
      %add3A_45 = arith.addi %mul3A_0, %add3A_44 : i32
      "tpu.region"() ({
        %run_scoped3A = tpu.sem_alloc : memref<!tpu.dma_semaphore, #tpu.memory_space<semaphore_mem>>
        %dma_start3A = arith.constant 0 : i32
        %dma_start3A_48 = arith.constant 0 : i32
        %dma_start3A_49 = tpu.memref_slice %arg12[%dma_start3A, %dma_start3A_48] : memref<128x128xf32, #tpu.memory_space<vmem>> -> memref<120x128xf32, #tpu.memory_space<vmem>>
        %dma_start3A_50 = arith.constant 0 : i32
        %dma_start3A_51 = tpu.memref_slice %arg11[%add3A_45, %dma_start3A_50] : memref<10112x128xf32, #tpu.memory_space<vmem_shared>> -> memref<120x128xf32, #tpu.memory_space<vmem_shared>>
        %dma_start3A_52 = arith.constant 0 : i32
        %dma_start3A_53 = arith.constant 0 : i32
        %dma_start3A_54 = tpu.memref_slice %arg12[%dma_start3A_52, %dma_start3A_53] : memref<128x128xf32, #tpu.memory_space<vmem>> -> memref<120x128xf32, #tpu.memory_space<vmem>>
        %dma_start3A_55 = arith.constant 0 : i32
        %dma_start3A_56 = tpu.memref_slice %arg11[%add3A_45, %dma_start3A_55] : memref<10112x128xf32, #tpu.memory_space<vmem_shared>> -> memref<120x128xf32, #tpu.memory_space<vmem_shared>>
        tpu.enqueue_dma source(%dma_start3A_56 : memref<120x128xf32, #tpu.memory_space<vmem_shared>>) target(%dma_start3A_54 : memref<120x128xf32, #tpu.memory_space<vmem>>) target_semaphore(%run_scoped3A : memref<!tpu.dma_semaphore, #tpu.memory_space<semaphore_mem>>)
        %dma_wait3A = arith.constant 0 : i32
        %dma_wait3A_57 = arith.constant 0 : i32
        %dma_wait3A_58 = tpu.memref_slice %arg12[%dma_wait3A, %dma_wait3A_57] : memref<128x128xf32, #tpu.memory_space<vmem>> -> memref<120x128xf32, #tpu.memory_space<vmem>>
        %dma_wait3A_59 = arith.constant 0 : i32
        %dma_wait3A_60 = tpu.memref_slice %arg11[%add3A_45, %dma_wait3A_59] : memref<10112x128xf32, #tpu.memory_space<vmem_shared>> -> memref<120x128xf32, #tpu.memory_space<vmem_shared>>
        %dma_wait3A_61 = arith.constant 0 : i32
        %dma_wait3A_62 = arith.constant 0 : i32
        %dma_wait3A_63 = tpu.memref_slice %arg12[%dma_wait3A_61, %dma_wait3A_62] : memref<128x128xf32, #tpu.memory_space<vmem>> -> memref<120x128xf32, #tpu.memory_space<vmem>>
        %dma_wait3A_64 = arith.constant 0 : i32
        %dma_wait3A_65 = tpu.memref_slice %arg11[%add3A_45, %dma_wait3A_64] : memref<10112x128xf32, #tpu.memory_space<vmem_shared>> -> memref<120x128xf32, #tpu.memory_space<vmem_shared>>
        tpu.wait_dma2 semaphore(%run_scoped3A : memref<!tpu.dma_semaphore, #tpu.memory_space<semaphore_mem>>) src(%dma_wait3A_65 : memref<120x128xf32, #tpu.memory_space<vmem_shared>>) dst(%dma_wait3A_63 : memref<120x128xf32, #tpu.memory_space<vmem>>)
        tpu.yield
      }) : () -> ()
      %add3A_46 = arith.constant 512 : i32
      %add3A_47 = arith.addi %mul3A_0, %add3A_46 : i32
      "tpu.region"() ({
        %run_scoped3A = tpu.sem_alloc : memref<!tpu.dma_semaphore, #tpu.memory_space<semaphore_mem>>
        %dma_start3A = arith.constant 0 : i32
        %dma_start3A_48 = arith.constant 0 : i32
        %dma_start3A_49 = tpu.memref_slice %arg12[%dma_start3A, %dma_start3A_48] : memref<128x128xf32, #tpu.memory_space<vmem>> -> memref<120x128xf32, #tpu.memory_space<vmem>>
        %dma_start3A_50 = arith.constant 0 : i32
        %dma_start3A_51 = tpu.memref_slice %arg9[%add3A_47, %dma_start3A_50] : memref<10112x128xf32, #tpu.memory_space<hbm>> -> memref<120x128xf32, #tpu.memory_space<hbm>>
        %dma_start3A_52 = arith.constant 0 : i32
        %dma_start3A_53 = tpu.memref_slice %arg9[%add3A_47, %dma_start3A_52] : memref<10112x128xf32, #tpu.memory_space<hbm>> -> memref<120x128xf32, #tpu.memory_space<hbm>>
        %dma_start3A_54 = arith.constant 0 : i32
        %dma_start3A_55 = arith.constant 0 : i32
        %dma_start3A_56 = tpu.memref_slice %arg12[%dma_start3A_54, %dma_start3A_55] : memref<128x128xf32, #tpu.memory_space<vmem>> -> memref<120x128xf32, #tpu.memory_space<vmem>>
        tpu.enqueue_dma source(%dma_start3A_56 : memref<120x128xf32, #tpu.memory_space<vmem>>) target(%dma_start3A_53 : memref<120x128xf32, #tpu.memory_space<hbm>>) target_semaphore(%run_scoped3A : memref<!tpu.dma_semaphore, #tpu.memory_space<semaphore_mem>>)
        %dma_wait3A = arith.constant 0 : i32
        %dma_wait3A_57 = arith.constant 0 : i32
        %dma_wait3A_58 = tpu.memref_slice %arg12[%dma_wait3A, %dma_wait3A_57] : memref<128x128xf32, #tpu.memory_space<vmem>> -> memref<120x128xf32, #tpu.memory_space<vmem>>
        %dma_wait3A_59 = arith.constant 0 : i32
        %dma_wait3A_60 = tpu.memref_slice %arg9[%add3A_47, %dma_wait3A_59] : memref<10112x128xf32, #tpu.memory_space<hbm>> -> memref<120x128xf32, #tpu.memory_space<hbm>>
        %dma_wait3A_61 = arith.constant 0 : i32
        %dma_wait3A_62 = tpu.memref_slice %arg9[%add3A_47, %dma_wait3A_61] : memref<10112x128xf32, #tpu.memory_space<hbm>> -> memref<120x128xf32, #tpu.memory_space<hbm>>
        %dma_wait3A_63 = arith.constant 0 : i32
        %dma_wait3A_64 = arith.constant 0 : i32
        %dma_wait3A_65 = tpu.memref_slice %arg12[%dma_wait3A_63, %dma_wait3A_64] : memref<128x128xf32, #tpu.memory_space<vmem>> -> memref<120x128xf32, #tpu.memory_space<vmem>>
        tpu.wait_dma2 semaphore(%run_scoped3A : memref<!tpu.dma_semaphore, #tpu.memory_space<semaphore_mem>>) src(%dma_wait3A_65 : memref<120x128xf32, #tpu.memory_space<vmem>>) dst(%dma_wait3A_62 : memref<120x128xf32, #tpu.memory_space<hbm>>)
        tpu.yield
      }) : () -> ()
    } else {
    }
    %eq3A_23 = arith.constant 1 : i32
    %eq3A_24 = arith.cmpi eq, %arg0, %eq3A_23 : i32
    %convert_element_type3A_25 = arith.extui %eq3A_24 : i1 to i32
    %cond3A_26 = arith.constant 0 : i32
    %cond3A_27 = arith.cmpi ne, %convert_element_type3A_25, %cond3A_26 : i32
    scf.if %cond3A_27 {
      %add3A_28 = arith.constant 0 : i32
      %add3A_29 = arith.addi %mul3A_0, %add3A_28 : i32
      "tpu.region"() ({
        %run_scoped3A = tpu.sem_alloc : memref<!tpu.dma_semaphore, #tpu.memory_space<semaphore_mem>>
        %dma_start3A = arith.constant 0 : i32
        %dma_start3A_48 = arith.constant 0 : i32
        %dma_start3A_49 = tpu.memref_slice %arg12[%dma_start3A, %dma_start3A_48] : memref<128x128xf32, #tpu.memory_space<vmem>> -> memref<128x128xf32, #tpu.memory_space<vmem>>
        %dma_start3A_50 = arith.constant 0 : i32
        %dma_start3A_51 = tpu.memref_slice %arg11[%add3A_29, %dma_start3A_50] : memref<10112x128xf32, #tpu.memory_space<vmem_shared>> -> memref<128x128xf32, #tpu.memory_space<vmem_shared>>
        %dma_start3A_52 = arith.constant 0 : i32
        %dma_start3A_53 = arith.constant 0 : i32
        %dma_start3A_54 = tpu.memref_slice %arg12[%dma_start3A_52, %dma_start3A_53] : memref<128x128xf32, #tpu.memory_space<vmem>> -> memref<128x128xf32, #tpu.memory_space<vmem>>
        %dma_start3A_55 = arith.constant 0 : i32
        %dma_start3A_56 = tpu.memref_slice %arg11[%add3A_29, %dma_start3A_55] : memref<10112x128xf32, #tpu.memory_space<vmem_shared>> -> memref<128x128xf32, #tpu.memory_space<vmem_shared>>
        tpu.enqueue_dma source(%dma_start3A_56 : memref<128x128xf32, #tpu.memory_space<vmem_shared>>) target(%dma_start3A_54 : memref<128x128xf32, #tpu.memory_space<vmem>>) target_semaphore(%run_scoped3A : memref<!tpu.dma_semaphore, #tpu.memory_space<semaphore_mem>>)
        %dma_wait3A = arith.constant 0 : i32
        %dma_wait3A_57 = arith.constant 0 : i32
        %dma_wait3A_58 = tpu.memref_slice %arg12[%dma_wait3A, %dma_wait3A_57] : memref<128x128xf32, #tpu.memory_space<vmem>> -> memref<128x128xf32, #tpu.memory_space<vmem>>
        %dma_wait3A_59 = arith.constant 0 : i32
        %dma_wait3A_60 = tpu.memref_slice %arg11[%add3A_29, %dma_wait3A_59] : memref<10112x128xf32, #tpu.memory_space<vmem_shared>> -> memref<128x128xf32, #tpu.memory_space<vmem_shared>>
        %dma_wait3A_61 = arith.constant 0 : i32
        %dma_wait3A_62 = arith.constant 0 : i32
        %dma_wait3A_63 = tpu.memref_slice %arg12[%dma_wait3A_61, %dma_wait3A_62] : memref<128x128xf32, #tpu.memory_space<vmem>> -> memref<128x128xf32, #tpu.memory_space<vmem>>
        %dma_wait3A_64 = arith.constant 0 : i32
        %dma_wait3A_65 = tpu.memref_slice %arg11[%add3A_29, %dma_wait3A_64] : memref<10112x128xf32, #tpu.memory_space<vmem_shared>> -> memref<128x128xf32, #tpu.memory_space<vmem_shared>>
        tpu.wait_dma2 semaphore(%run_scoped3A : memref<!tpu.dma_semaphore, #tpu.memory_space<semaphore_mem>>) src(%dma_wait3A_65 : memref<128x128xf32, #tpu.memory_space<vmem_shared>>) dst(%dma_wait3A_63 : memref<128x128xf32, #tpu.memory_space<vmem>>)
        tpu.yield
      }) : () -> ()
      %add3A_30 = arith.constant 0 : i32
      %add3A_31 = arith.addi %mul3A_0, %add3A_30 : i32
      "tpu.region"() ({
        %run_scoped3A = tpu.sem_alloc : memref<!tpu.dma_semaphore, #tpu.memory_space<semaphore_mem>>
        %dma_start3A = arith.constant 0 : i32
        %dma_start3A_48 = arith.constant 0 : i32
        %dma_start3A_49 = tpu.memref_slice %arg12[%dma_start3A, %dma_start3A_48] : memref<128x128xf32, #tpu.memory_space<vmem>> -> memref<128x128xf32, #tpu.memory_space<vmem>>
        %dma_start3A_50 = arith.constant 0 : i32
        %dma_start3A_51 = tpu.memref_slice %arg10[%add3A_31, %dma_start3A_50] : memref<10112x128xf32, #tpu.memory_space<hbm>> -> memref<128x128xf32, #tpu.memory_space<hbm>>
        %dma_start3A_52 = arith.constant 0 : i32
        %dma_start3A_53 = tpu.memref_slice %arg10[%add3A_31, %dma_start3A_52] : memref<10112x128xf32, #tpu.memory_space<hbm>> -> memref<128x128xf32, #tpu.memory_space<hbm>>
        %dma_start3A_54 = arith.constant 0 : i32
        %dma_start3A_55 = arith.constant 0 : i32
        %dma_start3A_56 = tpu.memref_slice %arg12[%dma_start3A_54, %dma_start3A_55] : memref<128x128xf32, #tpu.memory_space<vmem>> -> memref<128x128xf32, #tpu.memory_space<vmem>>
        tpu.enqueue_dma source(%dma_start3A_56 : memref<128x128xf32, #tpu.memory_space<vmem>>) target(%dma_start3A_53 : memref<128x128xf32, #tpu.memory_space<hbm>>) target_semaphore(%run_scoped3A : memref<!tpu.dma_semaphore, #tpu.memory_space<semaphore_mem>>)
        %dma_wait3A = arith.constant 0 : i32
        %dma_wait3A_57 = arith.constant 0 : i32
        %dma_wait3A_58 = tpu.memref_slice %arg12[%dma_wait3A, %dma_wait3A_57] : memref<128x128xf32, #tpu.memory_space<vmem>> -> memref<128x128xf32, #tpu.memory_space<vmem>>
        %dma_wait3A_59 = arith.constant 0 : i32
        %dma_wait3A_60 = tpu.memref_slice %arg10[%add3A_31, %dma_wait3A_59] : memref<10112x128xf32, #tpu.memory_space<hbm>> -> memref<128x128xf32, #tpu.memory_space<hbm>>
        %dma_wait3A_61 = arith.constant 0 : i32
        %dma_wait3A_62 = tpu.memref_slice %arg10[%add3A_31, %dma_wait3A_61] : memref<10112x128xf32, #tpu.memory_space<hbm>> -> memref<128x128xf32, #tpu.memory_space<hbm>>
        %dma_wait3A_63 = arith.constant 0 : i32
        %dma_wait3A_64 = arith.constant 0 : i32
        %dma_wait3A_65 = tpu.memref_slice %arg12[%dma_wait3A_63, %dma_wait3A_64] : memref<128x128xf32, #tpu.memory_space<vmem>> -> memref<128x128xf32, #tpu.memory_space<vmem>>
        tpu.wait_dma2 semaphore(%run_scoped3A : memref<!tpu.dma_semaphore, #tpu.memory_space<semaphore_mem>>) src(%dma_wait3A_65 : memref<128x128xf32, #tpu.memory_space<vmem>>) dst(%dma_wait3A_62 : memref<128x128xf32, #tpu.memory_space<hbm>>)
        tpu.yield
      }) : () -> ()
      %add3A_32 = arith.constant 128 : i32
      %add3A_33 = arith.addi %mul3A_0, %add3A_32 : i32
      "tpu.region"() ({
        %run_scoped3A = tpu.sem_alloc : memref<!tpu.dma_semaphore, #tpu.memory_space<semaphore_mem>>
        %dma_start3A = arith.constant 0 : i32
        %dma_start3A_48 = arith.constant 0 : i32
        %dma_start3A_49 = tpu.memref_slice %arg12[%dma_start3A, %dma_start3A_48] : memref<128x128xf32, #tpu.memory_space<vmem>> -> memref<128x128xf32, #tpu.memory_space<vmem>>
        %dma_start3A_50 = arith.constant 0 : i32
        %dma_start3A_51 = tpu.memref_slice %arg11[%add3A_33, %dma_start3A_50] : memref<10112x128xf32, #tpu.memory_space<vmem_shared>> -> memref<128x128xf32, #tpu.memory_space<vmem_shared>>
        %dma_start3A_52 = arith.constant 0 : i32
        %dma_start3A_53 = arith.constant 0 : i32
        %dma_start3A_54 = tpu.memref_slice %arg12[%dma_start3A_52, %dma_start3A_53] : memref<128x128xf32, #tpu.memory_space<vmem>> -> memref<128x128xf32, #tpu.memory_space<vmem>>
        %dma_start3A_55 = arith.constant 0 : i32
        %dma_start3A_56 = tpu.memref_slice %arg11[%add3A_33, %dma_start3A_55] : memref<10112x128xf32, #tpu.memory_space<vmem_shared>> -> memref<128x128xf32, #tpu.memory_space<vmem_shared>>
        tpu.enqueue_dma source(%dma_start3A_56 : memref<128x128xf32, #tpu.memory_space<vmem_shared>>) target(%dma_start3A_54 : memref<128x128xf32, #tpu.memory_space<vmem>>) target_semaphore(%run_scoped3A : memref<!tpu.dma_semaphore, #tpu.memory_space<semaphore_mem>>)
        %dma_wait3A = arith.constant 0 : i32
        %dma_wait3A_57 = arith.constant 0 : i32
        %dma_wait3A_58 = tpu.memref_slice %arg12[%dma_wait3A, %dma_wait3A_57] : memref<128x128xf32, #tpu.memory_space<vmem>> -> memref<128x128xf32, #tpu.memory_space<vmem>>
        %dma_wait3A_59 = arith.constant 0 : i32
        %dma_wait3A_60 = tpu.memref_slice %arg11[%add3A_33, %dma_wait3A_59] : memref<10112x128xf32, #tpu.memory_space<vmem_shared>> -> memref<128x128xf32, #tpu.memory_space<vmem_shared>>
        %dma_wait3A_61 = arith.constant 0 : i32
        %dma_wait3A_62 = arith.constant 0 : i32
        %dma_wait3A_63 = tpu.memref_slice %arg12[%dma_wait3A_61, %dma_wait3A_62] : memref<128x128xf32, #tpu.memory_space<vmem>> -> memref<128x128xf32, #tpu.memory_space<vmem>>
        %dma_wait3A_64 = arith.constant 0 : i32
        %dma_wait3A_65 = tpu.memref_slice %arg11[%add3A_33, %dma_wait3A_64] : memref<10112x128xf32, #tpu.memory_space<vmem_shared>> -> memref<128x128xf32, #tpu.memory_space<vmem_shared>>
        tpu.wait_dma2 semaphore(%run_scoped3A : memref<!tpu.dma_semaphore, #tpu.memory_space<semaphore_mem>>) src(%dma_wait3A_65 : memref<128x128xf32, #tpu.memory_space<vmem_shared>>) dst(%dma_wait3A_63 : memref<128x128xf32, #tpu.memory_space<vmem>>)
        tpu.yield
      }) : () -> ()
      %add3A_34 = arith.constant 128 : i32
      %add3A_35 = arith.addi %mul3A_0, %add3A_34 : i32
      "tpu.region"() ({
        %run_scoped3A = tpu.sem_alloc : memref<!tpu.dma_semaphore, #tpu.memory_space<semaphore_mem>>
        %dma_start3A = arith.constant 0 : i32
        %dma_start3A_48 = arith.constant 0 : i32
        %dma_start3A_49 = tpu.memref_slice %arg12[%dma_start3A, %dma_start3A_48] : memref<128x128xf32, #tpu.memory_space<vmem>> -> memref<128x128xf32, #tpu.memory_space<vmem>>
        %dma_start3A_50 = arith.constant 0 : i32
        %dma_start3A_51 = tpu.memref_slice %arg10[%add3A_35, %dma_start3A_50] : memref<10112x128xf32, #tpu.memory_space<hbm>> -> memref<128x128xf32, #tpu.memory_space<hbm>>
        %dma_start3A_52 = arith.constant 0 : i32
        %dma_start3A_53 = tpu.memref_slice %arg10[%add3A_35, %dma_start3A_52] : memref<10112x128xf32, #tpu.memory_space<hbm>> -> memref<128x128xf32, #tpu.memory_space<hbm>>
        %dma_start3A_54 = arith.constant 0 : i32
        %dma_start3A_55 = arith.constant 0 : i32
        %dma_start3A_56 = tpu.memref_slice %arg12[%dma_start3A_54, %dma_start3A_55] : memref<128x128xf32, #tpu.memory_space<vmem>> -> memref<128x128xf32, #tpu.memory_space<vmem>>
        tpu.enqueue_dma source(%dma_start3A_56 : memref<128x128xf32, #tpu.memory_space<vmem>>) target(%dma_start3A_53 : memref<128x128xf32, #tpu.memory_space<hbm>>) target_semaphore(%run_scoped3A : memref<!tpu.dma_semaphore, #tpu.memory_space<semaphore_mem>>)
        %dma_wait3A = arith.constant 0 : i32
        %dma_wait3A_57 = arith.constant 0 : i32
        %dma_wait3A_58 = tpu.memref_slice %arg12[%dma_wait3A, %dma_wait3A_57] : memref<128x128xf32, #tpu.memory_space<vmem>> -> memref<128x128xf32, #tpu.memory_space<vmem>>
        %dma_wait3A_59 = arith.constant 0 : i32
        %dma_wait3A_60 = tpu.memref_slice %arg10[%add3A_35, %dma_wait3A_59] : memref<10112x128xf32, #tpu.memory_space<hbm>> -> memref<128x128xf32, #tpu.memory_space<hbm>>
        %dma_wait3A_61 = arith.constant 0 : i32
        %dma_wait3A_62 = tpu.memref_slice %arg10[%add3A_35, %dma_wait3A_61] : memref<10112x128xf32, #tpu.memory_space<hbm>> -> memref<128x128xf32, #tpu.memory_space<hbm>>
        %dma_wait3A_63 = arith.constant 0 : i32
        %dma_wait3A_64 = arith.constant 0 : i32
        %dma_wait3A_65 = tpu.memref_slice %arg12[%dma_wait3A_63, %dma_wait3A_64] : memref<128x128xf32, #tpu.memory_space<vmem>> -> memref<128x128xf32, #tpu.memory_space<vmem>>
        tpu.wait_dma2 semaphore(%run_scoped3A : memref<!tpu.dma_semaphore, #tpu.memory_space<semaphore_mem>>) src(%dma_wait3A_65 : memref<128x128xf32, #tpu.memory_space<vmem>>) dst(%dma_wait3A_62 : memref<128x128xf32, #tpu.memory_space<hbm>>)
        tpu.yield
      }) : () -> ()
      %add3A_36 = arith.constant 256 : i32
      %add3A_37 = arith.addi %mul3A_0, %add3A_36 : i32
      "tpu.region"() ({
        %run_scoped3A = tpu.sem_alloc : memref<!tpu.dma_semaphore, #tpu.memory_space<semaphore_mem>>
        %dma_start3A = arith.constant 0 : i32
        %dma_start3A_48 = arith.constant 0 : i32
        %dma_start3A_49 = tpu.memref_slice %arg12[%dma_start3A, %dma_start3A_48] : memref<128x128xf32, #tpu.memory_space<vmem>> -> memref<128x128xf32, #tpu.memory_space<vmem>>
        %dma_start3A_50 = arith.constant 0 : i32
        %dma_start3A_51 = tpu.memref_slice %arg11[%add3A_37, %dma_start3A_50] : memref<10112x128xf32, #tpu.memory_space<vmem_shared>> -> memref<128x128xf32, #tpu.memory_space<vmem_shared>>
        %dma_start3A_52 = arith.constant 0 : i32
        %dma_start3A_53 = arith.constant 0 : i32
        %dma_start3A_54 = tpu.memref_slice %arg12[%dma_start3A_52, %dma_start3A_53] : memref<128x128xf32, #tpu.memory_space<vmem>> -> memref<128x128xf32, #tpu.memory_space<vmem>>
        %dma_start3A_55 = arith.constant 0 : i32
        %dma_start3A_56 = tpu.memref_slice %arg11[%add3A_37, %dma_start3A_55] : memref<10112x128xf32, #tpu.memory_space<vmem_shared>> -> memref<128x128xf32, #tpu.memory_space<vmem_shared>>
        tpu.enqueue_dma source(%dma_start3A_56 : memref<128x128xf32, #tpu.memory_space<vmem_shared>>) target(%dma_start3A_54 : memref<128x128xf32, #tpu.memory_space<vmem>>) target_semaphore(%run_scoped3A : memref<!tpu.dma_semaphore, #tpu.memory_space<semaphore_mem>>)
        %dma_wait3A = arith.constant 0 : i32
        %dma_wait3A_57 = arith.constant 0 : i32
        %dma_wait3A_58 = tpu.memref_slice %arg12[%dma_wait3A, %dma_wait3A_57] : memref<128x128xf32, #tpu.memory_space<vmem>> -> memref<128x128xf32, #tpu.memory_space<vmem>>
        %dma_wait3A_59 = arith.constant 0 : i32
        %dma_wait3A_60 = tpu.memref_slice %arg11[%add3A_37, %dma_wait3A_59] : memref<10112x128xf32, #tpu.memory_space<vmem_shared>> -> memref<128x128xf32, #tpu.memory_space<vmem_shared>>
        %dma_wait3A_61 = arith.constant 0 : i32
        %dma_wait3A_62 = arith.constant 0 : i32
        %dma_wait3A_63 = tpu.memref_slice %arg12[%dma_wait3A_61, %dma_wait3A_62] : memref<128x128xf32, #tpu.memory_space<vmem>> -> memref<128x128xf32, #tpu.memory_space<vmem>>
        %dma_wait3A_64 = arith.constant 0 : i32
        %dma_wait3A_65 = tpu.memref_slice %arg11[%add3A_37, %dma_wait3A_64] : memref<10112x128xf32, #tpu.memory_space<vmem_shared>> -> memref<128x128xf32, #tpu.memory_space<vmem_shared>>
        tpu.wait_dma2 semaphore(%run_scoped3A : memref<!tpu.dma_semaphore, #tpu.memory_space<semaphore_mem>>) src(%dma_wait3A_65 : memref<128x128xf32, #tpu.memory_space<vmem_shared>>) dst(%dma_wait3A_63 : memref<128x128xf32, #tpu.memory_space<vmem>>)
        tpu.yield
      }) : () -> ()
      %add3A_38 = arith.constant 256 : i32
      %add3A_39 = arith.addi %mul3A_0, %add3A_38 : i32
      "tpu.region"() ({
        %run_scoped3A = tpu.sem_alloc : memref<!tpu.dma_semaphore, #tpu.memory_space<semaphore_mem>>
        %dma_start3A = arith.constant 0 : i32
        %dma_start3A_48 = arith.constant 0 : i32
        %dma_start3A_49 = tpu.memref_slice %arg12[%dma_start3A, %dma_start3A_48] : memref<128x128xf32, #tpu.memory_space<vmem>> -> memref<128x128xf32, #tpu.memory_space<vmem>>
        %dma_start3A_50 = arith.constant 0 : i32
        %dma_start3A_51 = tpu.memref_slice %arg10[%add3A_39, %dma_start3A_50] : memref<10112x128xf32, #tpu.memory_space<hbm>> -> memref<128x128xf32, #tpu.memory_space<hbm>>
        %dma_start3A_52 = arith.constant 0 : i32
        %dma_start3A_53 = tpu.memref_slice %arg10[%add3A_39, %dma_start3A_52] : memref<10112x128xf32, #tpu.memory_space<hbm>> -> memref<128x128xf32, #tpu.memory_space<hbm>>
        %dma_start3A_54 = arith.constant 0 : i32
        %dma_start3A_55 = arith.constant 0 : i32
        %dma_start3A_56 = tpu.memref_slice %arg12[%dma_start3A_54, %dma_start3A_55] : memref<128x128xf32, #tpu.memory_space<vmem>> -> memref<128x128xf32, #tpu.memory_space<vmem>>
        tpu.enqueue_dma source(%dma_start3A_56 : memref<128x128xf32, #tpu.memory_space<vmem>>) target(%dma_start3A_53 : memref<128x128xf32, #tpu.memory_space<hbm>>) target_semaphore(%run_scoped3A : memref<!tpu.dma_semaphore, #tpu.memory_space<semaphore_mem>>)
        %dma_wait3A = arith.constant 0 : i32
        %dma_wait3A_57 = arith.constant 0 : i32
        %dma_wait3A_58 = tpu.memref_slice %arg12[%dma_wait3A, %dma_wait3A_57] : memref<128x128xf32, #tpu.memory_space<vmem>> -> memref<128x128xf32, #tpu.memory_space<vmem>>
        %dma_wait3A_59 = arith.constant 0 : i32
        %dma_wait3A_60 = tpu.memref_slice %arg10[%add3A_39, %dma_wait3A_59] : memref<10112x128xf32, #tpu.memory_space<hbm>> -> memref<128x128xf32, #tpu.memory_space<hbm>>
        %dma_wait3A_61 = arith.constant 0 : i32
        %dma_wait3A_62 = tpu.memref_slice %arg10[%add3A_39, %dma_wait3A_61] : memref<10112x128xf32, #tpu.memory_space<hbm>> -> memref<128x128xf32, #tpu.memory_space<hbm>>
        %dma_wait3A_63 = arith.constant 0 : i32
        %dma_wait3A_64 = arith.constant 0 : i32
        %dma_wait3A_65 = tpu.memref_slice %arg12[%dma_wait3A_63, %dma_wait3A_64] : memref<128x128xf32, #tpu.memory_space<vmem>> -> memref<128x128xf32, #tpu.memory_space<vmem>>
        tpu.wait_dma2 semaphore(%run_scoped3A : memref<!tpu.dma_semaphore, #tpu.memory_space<semaphore_mem>>) src(%dma_wait3A_65 : memref<128x128xf32, #tpu.memory_space<vmem>>) dst(%dma_wait3A_62 : memref<128x128xf32, #tpu.memory_space<hbm>>)
        tpu.yield
      }) : () -> ()
      %add3A_40 = arith.constant 384 : i32
      %add3A_41 = arith.addi %mul3A_0, %add3A_40 : i32
      "tpu.region"() ({
        %run_scoped3A = tpu.sem_alloc : memref<!tpu.dma_semaphore, #tpu.memory_space<semaphore_mem>>
        %dma_start3A = arith.constant 0 : i32
        %dma_start3A_48 = arith.constant 0 : i32
        %dma_start3A_49 = tpu.memref_slice %arg12[%dma_start3A, %dma_start3A_48] : memref<128x128xf32, #tpu.memory_space<vmem>> -> memref<128x128xf32, #tpu.memory_space<vmem>>
        %dma_start3A_50 = arith.constant 0 : i32
        %dma_start3A_51 = tpu.memref_slice %arg11[%add3A_41, %dma_start3A_50] : memref<10112x128xf32, #tpu.memory_space<vmem_shared>> -> memref<128x128xf32, #tpu.memory_space<vmem_shared>>
        %dma_start3A_52 = arith.constant 0 : i32
        %dma_start3A_53 = arith.constant 0 : i32
        %dma_start3A_54 = tpu.memref_slice %arg12[%dma_start3A_52, %dma_start3A_53] : memref<128x128xf32, #tpu.memory_space<vmem>> -> memref<128x128xf32, #tpu.memory_space<vmem>>
        %dma_start3A_55 = arith.constant 0 : i32
        %dma_start3A_56 = tpu.memref_slice %arg11[%add3A_41, %dma_start3A_55] : memref<10112x128xf32, #tpu.memory_space<vmem_shared>> -> memref<128x128xf32, #tpu.memory_space<vmem_shared>>
        tpu.enqueue_dma source(%dma_start3A_56 : memref<128x128xf32, #tpu.memory_space<vmem_shared>>) target(%dma_start3A_54 : memref<128x128xf32, #tpu.memory_space<vmem>>) target_semaphore(%run_scoped3A : memref<!tpu.dma_semaphore, #tpu.memory_space<semaphore_mem>>)
        %dma_wait3A = arith.constant 0 : i32
        %dma_wait3A_57 = arith.constant 0 : i32
        %dma_wait3A_58 = tpu.memref_slice %arg12[%dma_wait3A, %dma_wait3A_57] : memref<128x128xf32, #tpu.memory_space<vmem>> -> memref<128x128xf32, #tpu.memory_space<vmem>>
        %dma_wait3A_59 = arith.constant 0 : i32
        %dma_wait3A_60 = tpu.memref_slice %arg11[%add3A_41, %dma_wait3A_59] : memref<10112x128xf32, #tpu.memory_space<vmem_shared>> -> memref<128x128xf32, #tpu.memory_space<vmem_shared>>
        %dma_wait3A_61 = arith.constant 0 : i32
        %dma_wait3A_62 = arith.constant 0 : i32
        %dma_wait3A_63 = tpu.memref_slice %arg12[%dma_wait3A_61, %dma_wait3A_62] : memref<128x128xf32, #tpu.memory_space<vmem>> -> memref<128x128xf32, #tpu.memory_space<vmem>>
        %dma_wait3A_64 = arith.constant 0 : i32
        %dma_wait3A_65 = tpu.memref_slice %arg11[%add3A_41, %dma_wait3A_64] : memref<10112x128xf32, #tpu.memory_space<vmem_shared>> -> memref<128x128xf32, #tpu.memory_space<vmem_shared>>
        tpu.wait_dma2 semaphore(%run_scoped3A : memref<!tpu.dma_semaphore, #tpu.memory_space<semaphore_mem>>) src(%dma_wait3A_65 : memref<128x128xf32, #tpu.memory_space<vmem_shared>>) dst(%dma_wait3A_63 : memref<128x128xf32, #tpu.memory_space<vmem>>)
        tpu.yield
      }) : () -> ()
      %add3A_42 = arith.constant 384 : i32
      %add3A_43 = arith.addi %mul3A_0, %add3A_42 : i32
      "tpu.region"() ({
        %run_scoped3A = tpu.sem_alloc : memref<!tpu.dma_semaphore, #tpu.memory_space<semaphore_mem>>
        %dma_start3A = arith.constant 0 : i32
        %dma_start3A_48 = arith.constant 0 : i32
        %dma_start3A_49 = tpu.memref_slice %arg12[%dma_start3A, %dma_start3A_48] : memref<128x128xf32, #tpu.memory_space<vmem>> -> memref<128x128xf32, #tpu.memory_space<vmem>>
        %dma_start3A_50 = arith.constant 0 : i32
        %dma_start3A_51 = tpu.memref_slice %arg10[%add3A_43, %dma_start3A_50] : memref<10112x128xf32, #tpu.memory_space<hbm>> -> memref<128x128xf32, #tpu.memory_space<hbm>>
        %dma_start3A_52 = arith.constant 0 : i32
        %dma_start3A_53 = tpu.memref_slice %arg10[%add3A_43, %dma_start3A_52] : memref<10112x128xf32, #tpu.memory_space<hbm>> -> memref<128x128xf32, #tpu.memory_space<hbm>>
        %dma_start3A_54 = arith.constant 0 : i32
        %dma_start3A_55 = arith.constant 0 : i32
        %dma_start3A_56 = tpu.memref_slice %arg12[%dma_start3A_54, %dma_start3A_55] : memref<128x128xf32, #tpu.memory_space<vmem>> -> memref<128x128xf32, #tpu.memory_space<vmem>>
        tpu.enqueue_dma source(%dma_start3A_56 : memref<128x128xf32, #tpu.memory_space<vmem>>) target(%dma_start3A_53 : memref<128x128xf32, #tpu.memory_space<hbm>>) target_semaphore(%run_scoped3A : memref<!tpu.dma_semaphore, #tpu.memory_space<semaphore_mem>>)
        %dma_wait3A = arith.constant 0 : i32
        %dma_wait3A_57 = arith.constant 0 : i32
        %dma_wait3A_58 = tpu.memref_slice %arg12[%dma_wait3A, %dma_wait3A_57] : memref<128x128xf32, #tpu.memory_space<vmem>> -> memref<128x128xf32, #tpu.memory_space<vmem>>
        %dma_wait3A_59 = arith.constant 0 : i32
        %dma_wait3A_60 = tpu.memref_slice %arg10[%add3A_43, %dma_wait3A_59] : memref<10112x128xf32, #tpu.memory_space<hbm>> -> memref<128x128xf32, #tpu.memory_space<hbm>>
        %dma_wait3A_61 = arith.constant 0 : i32
        %dma_wait3A_62 = tpu.memref_slice %arg10[%add3A_43, %dma_wait3A_61] : memref<10112x128xf32, #tpu.memory_space<hbm>> -> memref<128x128xf32, #tpu.memory_space<hbm>>
        %dma_wait3A_63 = arith.constant 0 : i32
        %dma_wait3A_64 = arith.constant 0 : i32
        %dma_wait3A_65 = tpu.memref_slice %arg12[%dma_wait3A_63, %dma_wait3A_64] : memref<128x128xf32, #tpu.memory_space<vmem>> -> memref<128x128xf32, #tpu.memory_space<vmem>>
        tpu.wait_dma2 semaphore(%run_scoped3A : memref<!tpu.dma_semaphore, #tpu.memory_space<semaphore_mem>>) src(%dma_wait3A_65 : memref<128x128xf32, #tpu.memory_space<vmem>>) dst(%dma_wait3A_62 : memref<128x128xf32, #tpu.memory_space<hbm>>)
        tpu.yield
      }) : () -> ()
      %add3A_44 = arith.constant 512 : i32
      %add3A_45 = arith.addi %mul3A_0, %add3A_44 : i32
      "tpu.region"() ({
        %run_scoped3A = tpu.sem_alloc : memref<!tpu.dma_semaphore, #tpu.memory_space<semaphore_mem>>
        %dma_start3A = arith.constant 0 : i32
        %dma_start3A_48 = arith.constant 0 : i32
        %dma_start3A_49 = tpu.memref_slice %arg12[%dma_start3A, %dma_start3A_48] : memref<128x128xf32, #tpu.memory_space<vmem>> -> memref<120x128xf32, #tpu.memory_space<vmem>>
        %dma_start3A_50 = arith.constant 0 : i32
        %dma_start3A_51 = tpu.memref_slice %arg11[%add3A_45, %dma_start3A_50] : memref<10112x128xf32, #tpu.memory_space<vmem_shared>> -> memref<120x128xf32, #tpu.memory_space<vmem_shared>>
        %dma_start3A_52 = arith.constant 0 : i32
        %dma_start3A_53 = arith.constant 0 : i32
        %dma_start3A_54 = tpu.memref_slice %arg12[%dma_start3A_52, %dma_start3A_53] : memref<128x128xf32, #tpu.memory_space<vmem>> -> memref<120x128xf32, #tpu.memory_space<vmem>>
        %dma_start3A_55 = arith.constant 0 : i32
        %dma_start3A_56 = tpu.memref_slice %arg11[%add3A_45, %dma_start3A_55] : memref<10112x128xf32, #tpu.memory_space<vmem_shared>> -> memref<120x128xf32, #tpu.memory_space<vmem_shared>>
        tpu.enqueue_dma source(%dma_start3A_56 : memref<120x128xf32, #tpu.memory_space<vmem_shared>>) target(%dma_start3A_54 : memref<120x128xf32, #tpu.memory_space<vmem>>) target_semaphore(%run_scoped3A : memref<!tpu.dma_semaphore, #tpu.memory_space<semaphore_mem>>)
        %dma_wait3A = arith.constant 0 : i32
        %dma_wait3A_57 = arith.constant 0 : i32
        %dma_wait3A_58 = tpu.memref_slice %arg12[%dma_wait3A, %dma_wait3A_57] : memref<128x128xf32, #tpu.memory_space<vmem>> -> memref<120x128xf32, #tpu.memory_space<vmem>>
        %dma_wait3A_59 = arith.constant 0 : i32
        %dma_wait3A_60 = tpu.memref_slice %arg11[%add3A_45, %dma_wait3A_59] : memref<10112x128xf32, #tpu.memory_space<vmem_shared>> -> memref<120x128xf32, #tpu.memory_space<vmem_shared>>
        %dma_wait3A_61 = arith.constant 0 : i32
        %dma_wait3A_62 = arith.constant 0 : i32
        %dma_wait3A_63 = tpu.memref_slice %arg12[%dma_wait3A_61, %dma_wait3A_62] : memref<128x128xf32, #tpu.memory_space<vmem>> -> memref<120x128xf32, #tpu.memory_space<vmem>>
        %dma_wait3A_64 = arith.constant 0 : i32
        %dma_wait3A_65 = tpu.memref_slice %arg11[%add3A_45, %dma_wait3A_64] : memref<10112x128xf32, #tpu.memory_space<vmem_shared>> -> memref<120x128xf32, #tpu.memory_space<vmem_shared>>
        tpu.wait_dma2 semaphore(%run_scoped3A : memref<!tpu.dma_semaphore, #tpu.memory_space<semaphore_mem>>) src(%dma_wait3A_65 : memref<120x128xf32, #tpu.memory_space<vmem_shared>>) dst(%dma_wait3A_63 : memref<120x128xf32, #tpu.memory_space<vmem>>)
        tpu.yield
      }) : () -> ()
      %add3A_46 = arith.constant 512 : i32
      %add3A_47 = arith.addi %mul3A_0, %add3A_46 : i32
      "tpu.region"() ({
        %run_scoped3A = tpu.sem_alloc : memref<!tpu.dma_semaphore, #tpu.memory_space<semaphore_mem>>
        %dma_start3A = arith.constant 0 : i32
        %dma_start3A_48 = arith.constant 0 : i32
        %dma_start3A_49 = tpu.memref_slice %arg12[%dma_start3A, %dma_start3A_48] : memref<128x128xf32, #tpu.memory_space<vmem>> -> memref<120x128xf32, #tpu.memory_space<vmem>>
        %dma_start3A_50 = arith.constant 0 : i32
        %dma_start3A_51 = tpu.memref_slice %arg10[%add3A_47, %dma_start3A_50] : memref<10112x128xf32, #tpu.memory_space<hbm>> -> memref<120x128xf32, #tpu.memory_space<hbm>>
        %dma_start3A_52 = arith.constant 0 : i32
        %dma_start3A_53 = tpu.memref_slice %arg10[%add3A_47, %dma_start3A_52] : memref<10112x128xf32, #tpu.memory_space<hbm>> -> memref<120x128xf32, #tpu.memory_space<hbm>>
        %dma_start3A_54 = arith.constant 0 : i32
        %dma_start3A_55 = arith.constant 0 : i32
        %dma_start3A_56 = tpu.memref_slice %arg12[%dma_start3A_54, %dma_start3A_55] : memref<128x128xf32, #tpu.memory_space<vmem>> -> memref<120x128xf32, #tpu.memory_space<vmem>>
        tpu.enqueue_dma source(%dma_start3A_56 : memref<120x128xf32, #tpu.memory_space<vmem>>) target(%dma_start3A_53 : memref<120x128xf32, #tpu.memory_space<hbm>>) target_semaphore(%run_scoped3A : memref<!tpu.dma_semaphore, #tpu.memory_space<semaphore_mem>>)
        %dma_wait3A = arith.constant 0 : i32
        %dma_wait3A_57 = arith.constant 0 : i32
        %dma_wait3A_58 = tpu.memref_slice %arg12[%dma_wait3A, %dma_wait3A_57] : memref<128x128xf32, #tpu.memory_space<vmem>> -> memref<120x128xf32, #tpu.memory_space<vmem>>
        %dma_wait3A_59 = arith.constant 0 : i32
        %dma_wait3A_60 = tpu.memref_slice %arg10[%add3A_47, %dma_wait3A_59] : memref<10112x128xf32, #tpu.memory_space<hbm>> -> memref<120x128xf32, #tpu.memory_space<hbm>>
        %dma_wait3A_61 = arith.constant 0 : i32
        %dma_wait3A_62 = tpu.memref_slice %arg10[%add3A_47, %dma_wait3A_61] : memref<10112x128xf32, #tpu.memory_space<hbm>> -> memref<120x128xf32, #tpu.memory_space<hbm>>
        %dma_wait3A_63 = arith.constant 0 : i32
        %dma_wait3A_64 = arith.constant 0 : i32
        %dma_wait3A_65 = tpu.memref_slice %arg12[%dma_wait3A_63, %dma_wait3A_64] : memref<128x128xf32, #tpu.memory_space<vmem>> -> memref<120x128xf32, #tpu.memory_space<vmem>>
        tpu.wait_dma2 semaphore(%run_scoped3A : memref<!tpu.dma_semaphore, #tpu.memory_space<semaphore_mem>>) src(%dma_wait3A_65 : memref<120x128xf32, #tpu.memory_space<vmem>>) dst(%dma_wait3A_62 : memref<120x128xf32, #tpu.memory_space<hbm>>)
        tpu.yield
      }) : () -> ()
    } else {
    }
    return
  }
}

#map = affine_map<(d0, d1) -> (0)>
#map1 = affine_map<(d0, d1) -> (0, 0)>
module attributes {stable_mosaic.version = 14 : i64} {
  func.func @_sc_degree_body(%arg0: i32, %arg1: i32, %arg2: memref<323584xi32, #tpu.memory_space<hbm>>, %arg3: memref<128x128xf32, #tpu.memory_space<hbm>>, %arg4: memref<128x128xf32, #tpu.memory_space<hbm>>, %arg5: memref<20224x128xf32, #tpu.memory_space<hbm>>, %arg6: memref<10112x128xf32, #tpu.memory_space<vmem_shared>>, %arg7: memref<128x128xf32, #tpu.memory_space<vmem>>, %arg8: memref<128xi32, #tpu.memory_space<vmem>>) attributes {dimension_semantics = [#tpu.dimension_semantics<core_parallel>, #tpu.dimension_semantics<subcore_parallel>], iteration_bounds = array<i64: 2, 16>, scalar_prefetch = 0 : i64, scratch_operands = 3 : i64, tpu.core_type = #tpu.core_type<sc_vector_subcore>, window_params = [{transform_indices = #map}, {transform_indices = #map1}, {transform_indices = #map1}, {transform_indices = #map1}]} {
    %mul3A = arith.constant 16 : i32
    %mul3A_0 = arith.muli %arg0, %mul3A : i32
    %add3A = arith.addi %mul3A_0, %arg1 : i32
    %mul3A_1 = arith.constant 632 : i32
    %mul3A_2 = arith.muli %arg1, %mul3A_1 : i32
    "tpu.region"() ({
      %run_scoped3A = tpu.sem_alloc : memref<!tpu.dma_semaphore, #tpu.memory_space<semaphore_mem>>
      tpu.enqueue_dma source(%arg4 : memref<128x128xf32, #tpu.memory_space<hbm>>) target(%arg7 : memref<128x128xf32, #tpu.memory_space<vmem>>) target_semaphore(%run_scoped3A : memref<!tpu.dma_semaphore, #tpu.memory_space<semaphore_mem>>)
      tpu.wait_dma2 semaphore(%run_scoped3A : memref<!tpu.dma_semaphore, #tpu.memory_space<semaphore_mem>>) src(%arg4 : memref<128x128xf32, #tpu.memory_space<hbm>>) dst(%arg7 : memref<128x128xf32, #tpu.memory_space<vmem>>)
      tpu.yield
    }) : () -> ()
    %add3A_3 = arith.constant 0 : i32
    %add3A_4 = arith.addi %mul3A_2, %add3A_3 : i32
    "tpu.region"() ({
      %run_scoped3A = tpu.sem_alloc : memref<!tpu.dma_semaphore, #tpu.memory_space<semaphore_mem>>
      %dma_start3A = arith.constant 0 : i32
      %dma_start3A_55 = arith.constant 0 : i32
      %dma_start3A_56 = tpu.memref_slice %arg7[%dma_start3A, %dma_start3A_55] : memref<128x128xf32, #tpu.memory_space<vmem>> -> memref<128x128xf32, #tpu.memory_space<vmem>>
      %dma_start3A_57 = arith.constant 0 : i32
      %dma_start3A_58 = tpu.memref_slice %arg6[%add3A_4, %dma_start3A_57] : memref<10112x128xf32, #tpu.memory_space<vmem_shared>> -> memref<128x128xf32, #tpu.memory_space<vmem_shared>>
      %dma_start3A_59 = arith.constant 0 : i32
      %dma_start3A_60 = tpu.memref_slice %arg6[%add3A_4, %dma_start3A_59] : memref<10112x128xf32, #tpu.memory_space<vmem_shared>> -> memref<128x128xf32, #tpu.memory_space<vmem_shared>>
      %dma_start3A_61 = arith.constant 0 : i32
      %dma_start3A_62 = arith.constant 0 : i32
      %dma_start3A_63 = tpu.memref_slice %arg7[%dma_start3A_61, %dma_start3A_62] : memref<128x128xf32, #tpu.memory_space<vmem>> -> memref<128x128xf32, #tpu.memory_space<vmem>>
      tpu.enqueue_dma source(%dma_start3A_63 : memref<128x128xf32, #tpu.memory_space<vmem>>) target(%dma_start3A_60 : memref<128x128xf32, #tpu.memory_space<vmem_shared>>) target_semaphore(%run_scoped3A : memref<!tpu.dma_semaphore, #tpu.memory_space<semaphore_mem>>)
      %dma_wait3A = arith.constant 0 : i32
      %dma_wait3A_64 = arith.constant 0 : i32
      %dma_wait3A_65 = tpu.memref_slice %arg7[%dma_wait3A, %dma_wait3A_64] : memref<128x128xf32, #tpu.memory_space<vmem>> -> memref<128x128xf32, #tpu.memory_space<vmem>>
      %dma_wait3A_66 = arith.constant 0 : i32
      %dma_wait3A_67 = tpu.memref_slice %arg6[%add3A_4, %dma_wait3A_66] : memref<10112x128xf32, #tpu.memory_space<vmem_shared>> -> memref<128x128xf32, #tpu.memory_space<vmem_shared>>
      %dma_wait3A_68 = arith.constant 0 : i32
      %dma_wait3A_69 = tpu.memref_slice %arg6[%add3A_4, %dma_wait3A_68] : memref<10112x128xf32, #tpu.memory_space<vmem_shared>> -> memref<128x128xf32, #tpu.memory_space<vmem_shared>>
      %dma_wait3A_70 = arith.constant 0 : i32
      %dma_wait3A_71 = arith.constant 0 : i32
      %dma_wait3A_72 = tpu.memref_slice %arg7[%dma_wait3A_70, %dma_wait3A_71] : memref<128x128xf32, #tpu.memory_space<vmem>> -> memref<128x128xf32, #tpu.memory_space<vmem>>
      tpu.wait_dma2 semaphore(%run_scoped3A : memref<!tpu.dma_semaphore, #tpu.memory_space<semaphore_mem>>) src(%dma_wait3A_72 : memref<128x128xf32, #tpu.memory_space<vmem>>) dst(%dma_wait3A_69 : memref<128x128xf32, #tpu.memory_space<vmem_shared>>)
      tpu.yield
    }) : () -> ()
    %add3A_5 = arith.constant 128 : i32
    %add3A_6 = arith.addi %mul3A_2, %add3A_5 : i32
    "tpu.region"() ({
      %run_scoped3A = tpu.sem_alloc : memref<!tpu.dma_semaphore, #tpu.memory_space<semaphore_mem>>
      %dma_start3A = arith.constant 0 : i32
      %dma_start3A_55 = arith.constant 0 : i32
      %dma_start3A_56 = tpu.memref_slice %arg7[%dma_start3A, %dma_start3A_55] : memref<128x128xf32, #tpu.memory_space<vmem>> -> memref<128x128xf32, #tpu.memory_space<vmem>>
      %dma_start3A_57 = arith.constant 0 : i32
      %dma_start3A_58 = tpu.memref_slice %arg6[%add3A_6, %dma_start3A_57] : memref<10112x128xf32, #tpu.memory_space<vmem_shared>> -> memref<128x128xf32, #tpu.memory_space<vmem_shared>>
      %dma_start3A_59 = arith.constant 0 : i32
      %dma_start3A_60 = tpu.memref_slice %arg6[%add3A_6, %dma_start3A_59] : memref<10112x128xf32, #tpu.memory_space<vmem_shared>> -> memref<128x128xf32, #tpu.memory_space<vmem_shared>>
      %dma_start3A_61 = arith.constant 0 : i32
      %dma_start3A_62 = arith.constant 0 : i32
      %dma_start3A_63 = tpu.memref_slice %arg7[%dma_start3A_61, %dma_start3A_62] : memref<128x128xf32, #tpu.memory_space<vmem>> -> memref<128x128xf32, #tpu.memory_space<vmem>>
      tpu.enqueue_dma source(%dma_start3A_63 : memref<128x128xf32, #tpu.memory_space<vmem>>) target(%dma_start3A_60 : memref<128x128xf32, #tpu.memory_space<vmem_shared>>) target_semaphore(%run_scoped3A : memref<!tpu.dma_semaphore, #tpu.memory_space<semaphore_mem>>)
      %dma_wait3A = arith.constant 0 : i32
      %dma_wait3A_64 = arith.constant 0 : i32
      %dma_wait3A_65 = tpu.memref_slice %arg7[%dma_wait3A, %dma_wait3A_64] : memref<128x128xf32, #tpu.memory_space<vmem>> -> memref<128x128xf32, #tpu.memory_space<vmem>>
      %dma_wait3A_66 = arith.constant 0 : i32
      %dma_wait3A_67 = tpu.memref_slice %arg6[%add3A_6, %dma_wait3A_66] : memref<10112x128xf32, #tpu.memory_space<vmem_shared>> -> memref<128x128xf32, #tpu.memory_space<vmem_shared>>
      %dma_wait3A_68 = arith.constant 0 : i32
      %dma_wait3A_69 = tpu.memref_slice %arg6[%add3A_6, %dma_wait3A_68] : memref<10112x128xf32, #tpu.memory_space<vmem_shared>> -> memref<128x128xf32, #tpu.memory_space<vmem_shared>>
      %dma_wait3A_70 = arith.constant 0 : i32
      %dma_wait3A_71 = arith.constant 0 : i32
      %dma_wait3A_72 = tpu.memref_slice %arg7[%dma_wait3A_70, %dma_wait3A_71] : memref<128x128xf32, #tpu.memory_space<vmem>> -> memref<128x128xf32, #tpu.memory_space<vmem>>
      tpu.wait_dma2 semaphore(%run_scoped3A : memref<!tpu.dma_semaphore, #tpu.memory_space<semaphore_mem>>) src(%dma_wait3A_72 : memref<128x128xf32, #tpu.memory_space<vmem>>) dst(%dma_wait3A_69 : memref<128x128xf32, #tpu.memory_space<vmem_shared>>)
      tpu.yield
    }) : () -> ()
    %add3A_7 = arith.constant 256 : i32
    %add3A_8 = arith.addi %mul3A_2, %add3A_7 : i32
    "tpu.region"() ({
      %run_scoped3A = tpu.sem_alloc : memref<!tpu.dma_semaphore, #tpu.memory_space<semaphore_mem>>
      %dma_start3A = arith.constant 0 : i32
      %dma_start3A_55 = arith.constant 0 : i32
      %dma_start3A_56 = tpu.memref_slice %arg7[%dma_start3A, %dma_start3A_55] : memref<128x128xf32, #tpu.memory_space<vmem>> -> memref<128x128xf32, #tpu.memory_space<vmem>>
      %dma_start3A_57 = arith.constant 0 : i32
      %dma_start3A_58 = tpu.memref_slice %arg6[%add3A_8, %dma_start3A_57] : memref<10112x128xf32, #tpu.memory_space<vmem_shared>> -> memref<128x128xf32, #tpu.memory_space<vmem_shared>>
      %dma_start3A_59 = arith.constant 0 : i32
      %dma_start3A_60 = tpu.memref_slice %arg6[%add3A_8, %dma_start3A_59] : memref<10112x128xf32, #tpu.memory_space<vmem_shared>> -> memref<128x128xf32, #tpu.memory_space<vmem_shared>>
      %dma_start3A_61 = arith.constant 0 : i32
      %dma_start3A_62 = arith.constant 0 : i32
      %dma_start3A_63 = tpu.memref_slice %arg7[%dma_start3A_61, %dma_start3A_62] : memref<128x128xf32, #tpu.memory_space<vmem>> -> memref<128x128xf32, #tpu.memory_space<vmem>>
      tpu.enqueue_dma source(%dma_start3A_63 : memref<128x128xf32, #tpu.memory_space<vmem>>) target(%dma_start3A_60 : memref<128x128xf32, #tpu.memory_space<vmem_shared>>) target_semaphore(%run_scoped3A : memref<!tpu.dma_semaphore, #tpu.memory_space<semaphore_mem>>)
      %dma_wait3A = arith.constant 0 : i32
      %dma_wait3A_64 = arith.constant 0 : i32
      %dma_wait3A_65 = tpu.memref_slice %arg7[%dma_wait3A, %dma_wait3A_64] : memref<128x128xf32, #tpu.memory_space<vmem>> -> memref<128x128xf32, #tpu.memory_space<vmem>>
      %dma_wait3A_66 = arith.constant 0 : i32
      %dma_wait3A_67 = tpu.memref_slice %arg6[%add3A_8, %dma_wait3A_66] : memref<10112x128xf32, #tpu.memory_space<vmem_shared>> -> memref<128x128xf32, #tpu.memory_space<vmem_shared>>
      %dma_wait3A_68 = arith.constant 0 : i32
      %dma_wait3A_69 = tpu.memref_slice %arg6[%add3A_8, %dma_wait3A_68] : memref<10112x128xf32, #tpu.memory_space<vmem_shared>> -> memref<128x128xf32, #tpu.memory_space<vmem_shared>>
      %dma_wait3A_70 = arith.constant 0 : i32
      %dma_wait3A_71 = arith.constant 0 : i32
      %dma_wait3A_72 = tpu.memref_slice %arg7[%dma_wait3A_70, %dma_wait3A_71] : memref<128x128xf32, #tpu.memory_space<vmem>> -> memref<128x128xf32, #tpu.memory_space<vmem>>
      tpu.wait_dma2 semaphore(%run_scoped3A : memref<!tpu.dma_semaphore, #tpu.memory_space<semaphore_mem>>) src(%dma_wait3A_72 : memref<128x128xf32, #tpu.memory_space<vmem>>) dst(%dma_wait3A_69 : memref<128x128xf32, #tpu.memory_space<vmem_shared>>)
      tpu.yield
    }) : () -> ()
    %add3A_9 = arith.constant 384 : i32
    %add3A_10 = arith.addi %mul3A_2, %add3A_9 : i32
    "tpu.region"() ({
      %run_scoped3A = tpu.sem_alloc : memref<!tpu.dma_semaphore, #tpu.memory_space<semaphore_mem>>
      %dma_start3A = arith.constant 0 : i32
      %dma_start3A_55 = arith.constant 0 : i32
      %dma_start3A_56 = tpu.memref_slice %arg7[%dma_start3A, %dma_start3A_55] : memref<128x128xf32, #tpu.memory_space<vmem>> -> memref<128x128xf32, #tpu.memory_space<vmem>>
      %dma_start3A_57 = arith.constant 0 : i32
      %dma_start3A_58 = tpu.memref_slice %arg6[%add3A_10, %dma_start3A_57] : memref<10112x128xf32, #tpu.memory_space<vmem_shared>> -> memref<128x128xf32, #tpu.memory_space<vmem_shared>>
      %dma_start3A_59 = arith.constant 0 : i32
      %dma_start3A_60 = tpu.memref_slice %arg6[%add3A_10, %dma_start3A_59] : memref<10112x128xf32, #tpu.memory_space<vmem_shared>> -> memref<128x128xf32, #tpu.memory_space<vmem_shared>>
      %dma_start3A_61 = arith.constant 0 : i32
      %dma_start3A_62 = arith.constant 0 : i32
      %dma_start3A_63 = tpu.memref_slice %arg7[%dma_start3A_61, %dma_start3A_62] : memref<128x128xf32, #tpu.memory_space<vmem>> -> memref<128x128xf32, #tpu.memory_space<vmem>>
      tpu.enqueue_dma source(%dma_start3A_63 : memref<128x128xf32, #tpu.memory_space<vmem>>) target(%dma_start3A_60 : memref<128x128xf32, #tpu.memory_space<vmem_shared>>) target_semaphore(%run_scoped3A : memref<!tpu.dma_semaphore, #tpu.memory_space<semaphore_mem>>)
      %dma_wait3A = arith.constant 0 : i32
      %dma_wait3A_64 = arith.constant 0 : i32
      %dma_wait3A_65 = tpu.memref_slice %arg7[%dma_wait3A, %dma_wait3A_64] : memref<128x128xf32, #tpu.memory_space<vmem>> -> memref<128x128xf32, #tpu.memory_space<vmem>>
      %dma_wait3A_66 = arith.constant 0 : i32
      %dma_wait3A_67 = tpu.memref_slice %arg6[%add3A_10, %dma_wait3A_66] : memref<10112x128xf32, #tpu.memory_space<vmem_shared>> -> memref<128x128xf32, #tpu.memory_space<vmem_shared>>
      %dma_wait3A_68 = arith.constant 0 : i32
      %dma_wait3A_69 = tpu.memref_slice %arg6[%add3A_10, %dma_wait3A_68] : memref<10112x128xf32, #tpu.memory_space<vmem_shared>> -> memref<128x128xf32, #tpu.memory_space<vmem_shared>>
      %dma_wait3A_70 = arith.constant 0 : i32
      %dma_wait3A_71 = arith.constant 0 : i32
      %dma_wait3A_72 = tpu.memref_slice %arg7[%dma_wait3A_70, %dma_wait3A_71] : memref<128x128xf32, #tpu.memory_space<vmem>> -> memref<128x128xf32, #tpu.memory_space<vmem>>
      tpu.wait_dma2 semaphore(%run_scoped3A : memref<!tpu.dma_semaphore, #tpu.memory_space<semaphore_mem>>) src(%dma_wait3A_72 : memref<128x128xf32, #tpu.memory_space<vmem>>) dst(%dma_wait3A_69 : memref<128x128xf32, #tpu.memory_space<vmem_shared>>)
      tpu.yield
    }) : () -> ()
    %add3A_11 = arith.constant 512 : i32
    %add3A_12 = arith.addi %mul3A_2, %add3A_11 : i32
    "tpu.region"() ({
      %run_scoped3A = tpu.sem_alloc : memref<!tpu.dma_semaphore, #tpu.memory_space<semaphore_mem>>
      %dma_start3A = arith.constant 0 : i32
      %dma_start3A_55 = arith.constant 0 : i32
      %dma_start3A_56 = tpu.memref_slice %arg7[%dma_start3A, %dma_start3A_55] : memref<128x128xf32, #tpu.memory_space<vmem>> -> memref<120x128xf32, #tpu.memory_space<vmem>>
      %dma_start3A_57 = arith.constant 0 : i32
      %dma_start3A_58 = tpu.memref_slice %arg6[%add3A_12, %dma_start3A_57] : memref<10112x128xf32, #tpu.memory_space<vmem_shared>> -> memref<120x128xf32, #tpu.memory_space<vmem_shared>>
      %dma_start3A_59 = arith.constant 0 : i32
      %dma_start3A_60 = tpu.memref_slice %arg6[%add3A_12, %dma_start3A_59] : memref<10112x128xf32, #tpu.memory_space<vmem_shared>> -> memref<120x128xf32, #tpu.memory_space<vmem_shared>>
      %dma_start3A_61 = arith.constant 0 : i32
      %dma_start3A_62 = arith.constant 0 : i32
      %dma_start3A_63 = tpu.memref_slice %arg7[%dma_start3A_61, %dma_start3A_62] : memref<128x128xf32, #tpu.memory_space<vmem>> -> memref<120x128xf32, #tpu.memory_space<vmem>>
      tpu.enqueue_dma source(%dma_start3A_63 : memref<120x128xf32, #tpu.memory_space<vmem>>) target(%dma_start3A_60 : memref<120x128xf32, #tpu.memory_space<vmem_shared>>) target_semaphore(%run_scoped3A : memref<!tpu.dma_semaphore, #tpu.memory_space<semaphore_mem>>)
      %dma_wait3A = arith.constant 0 : i32
      %dma_wait3A_64 = arith.constant 0 : i32
      %dma_wait3A_65 = tpu.memref_slice %arg7[%dma_wait3A, %dma_wait3A_64] : memref<128x128xf32, #tpu.memory_space<vmem>> -> memref<120x128xf32, #tpu.memory_space<vmem>>
      %dma_wait3A_66 = arith.constant 0 : i32
      %dma_wait3A_67 = tpu.memref_slice %arg6[%add3A_12, %dma_wait3A_66] : memref<10112x128xf32, #tpu.memory_space<vmem_shared>> -> memref<120x128xf32, #tpu.memory_space<vmem_shared>>
      %dma_wait3A_68 = arith.constant 0 : i32
      %dma_wait3A_69 = tpu.memref_slice %arg6[%add3A_12, %dma_wait3A_68] : memref<10112x128xf32, #tpu.memory_space<vmem_shared>> -> memref<120x128xf32, #tpu.memory_space<vmem_shared>>
      %dma_wait3A_70 = arith.constant 0 : i32
      %dma_wait3A_71 = arith.constant 0 : i32
      %dma_wait3A_72 = tpu.memref_slice %arg7[%dma_wait3A_70, %dma_wait3A_71] : memref<128x128xf32, #tpu.memory_space<vmem>> -> memref<120x128xf32, #tpu.memory_space<vmem>>
      tpu.wait_dma2 semaphore(%run_scoped3A : memref<!tpu.dma_semaphore, #tpu.memory_space<semaphore_mem>>) src(%dma_wait3A_72 : memref<120x128xf32, #tpu.memory_space<vmem>>) dst(%dma_wait3A_69 : memref<120x128xf32, #tpu.memory_space<vmem_shared>>)
      tpu.yield
    }) : () -> ()
    "tpu.region"() ({
      %run_scoped3A = tpu.sem_alloc : memref<!tpu.dma_semaphore, #tpu.memory_space<semaphore_mem>>
      tpu.enqueue_dma source(%arg3 : memref<128x128xf32, #tpu.memory_space<hbm>>) target(%arg7 : memref<128x128xf32, #tpu.memory_space<vmem>>) target_semaphore(%run_scoped3A : memref<!tpu.dma_semaphore, #tpu.memory_space<semaphore_mem>>)
      tpu.wait_dma2 semaphore(%run_scoped3A : memref<!tpu.dma_semaphore, #tpu.memory_space<semaphore_mem>>) src(%arg3 : memref<128x128xf32, #tpu.memory_space<hbm>>) dst(%arg7 : memref<128x128xf32, #tpu.memory_space<vmem>>)
      tpu.yield
    }) : () -> ()
    %barrier3A = arith.constant 0 : index
    tpu.barrier barrier_id(%barrier3A)
    %scan3A = arith.constant 0 : i32
    %scan3A_13 = arith.constant 0 : i32
    %scan3A_14 = arith.constant 79 : i32
    %scan3A_15 = arith.addi %scan3A_13, %scan3A_14 : i32
    %scan3A_16 = arith.constant 1 : i32
    %scan3A_17 = scf.for %scan3A_55 = %scan3A_13 to %scan3A_15 step %scan3A_16 iter_args(%scan3A_56 = %scan3A) -> (i32)  : i32 {
      %mul3A_57 = arith.constant 79 : i32
      %mul3A_58 = arith.muli %add3A, %mul3A_57 : i32
      %add3A_59 = arith.addi %mul3A_58, %scan3A_55 : i32
      %mul3A_60 = arith.constant 128 : i32
      %mul3A_61 = arith.muli %add3A_59, %mul3A_60 : i32
      %multiple_of3A = tpu.assume_multiple %mul3A_61, 128 : i32
      "tpu.region"() ({
        %run_scoped3A = tpu.sem_alloc : memref<!tpu.dma_semaphore, #tpu.memory_space<semaphore_mem>>
        %dma_start3A = tpu.memref_slice %arg2[%multiple_of3A] : memref<323584xi32, #tpu.memory_space<hbm>> -> memref<128xi32, #tpu.memory_space<hbm>>
        %dma_start3A_63 = tpu.memref_slice %arg2[%multiple_of3A] : memref<323584xi32, #tpu.memory_space<hbm>> -> memref<128xi32, #tpu.memory_space<hbm>>
        tpu.enqueue_dma source(%dma_start3A_63 : memref<128xi32, #tpu.memory_space<hbm>>) target(%arg8 : memref<128xi32, #tpu.memory_space<vmem>>) target_semaphore(%run_scoped3A : memref<!tpu.dma_semaphore, #tpu.memory_space<semaphore_mem>>)
        %dma_wait3A = tpu.memref_slice %arg2[%multiple_of3A] : memref<323584xi32, #tpu.memory_space<hbm>> -> memref<128xi32, #tpu.memory_space<hbm>>
        %dma_wait3A_64 = tpu.memref_slice %arg2[%multiple_of3A] : memref<323584xi32, #tpu.memory_space<hbm>> -> memref<128xi32, #tpu.memory_space<hbm>>
        tpu.wait_dma2 semaphore(%run_scoped3A : memref<!tpu.dma_semaphore, #tpu.memory_space<semaphore_mem>>) src(%dma_wait3A_64 : memref<128xi32, #tpu.memory_space<hbm>>) dst(%arg8 : memref<128xi32, #tpu.memory_space<vmem>>)
        tpu.yield
      }) : () -> ()
      "tpu.region"() ({
        %run_scoped3A = tpu.sem_alloc : memref<!tpu.dma_semaphore, #tpu.memory_space<semaphore_mem>>
        %dma_start3A = arith.constant 0 : i32
        %dma_start3A_63 = arith.constant 0 : i32
        %dma_start3A_64 = tpu.memref_slice %arg6[%dma_start3A, %dma_start3A_63] : memref<10112x128xf32, #tpu.memory_space<vmem_shared>> -> memref<10112x128xf32, #tpu.memory_space<vmem_shared>>
        tpu.enqueue_indirect_dma source(%arg7 : memref<128x128xf32, #tpu.memory_space<vmem>>) target(%dma_start3A_64 : memref<10112x128xf32, #tpu.memory_space<vmem_shared>>) offsets(%arg8 : memref<128xi32, #tpu.memory_space<vmem>>) semaphore(%run_scoped3A : memref<!tpu.dma_semaphore, #tpu.memory_space<semaphore_mem>>) {add = true}
        %dma_wait3A = arith.constant 0 : i32
        %dma_wait3A_65 = arith.constant 0 : i32
        %dma_wait3A_66 = tpu.memref_slice %arg6[%dma_wait3A, %dma_wait3A_65] : memref<10112x128xf32, #tpu.memory_space<vmem_shared>> -> memref<10112x128xf32, #tpu.memory_space<vmem_shared>>
        tpu.wait_indirect_dma semaphore(%run_scoped3A : memref<!tpu.dma_semaphore, #tpu.memory_space<semaphore_mem>>) src(%arg7 : memref<128x128xf32, #tpu.memory_space<vmem>>) dst(%dma_wait3A_66 : memref<10112x128xf32, #tpu.memory_space<vmem_shared>>)
        tpu.yield
      }) : () -> ()
      %scan3A_62 = arith.constant 0 : i32
      scf.yield %scan3A_62 : i32
    }
    %scan3A_18 = arith.constant 79 : i32
    %barrier3A_19 = arith.constant 0 : index
    tpu.barrier barrier_id(%barrier3A_19)
    %add3A_20 = arith.constant 0 : i32
    %add3A_21 = arith.addi %mul3A_2, %add3A_20 : i32
    "tpu.region"() ({
      %run_scoped3A = tpu.sem_alloc : memref<!tpu.dma_semaphore, #tpu.memory_space<semaphore_mem>>
      %dma_start3A = arith.constant 0 : i32
      %dma_start3A_55 = arith.constant 0 : i32
      %dma_start3A_56 = tpu.memref_slice %arg7[%dma_start3A, %dma_start3A_55] : memref<128x128xf32, #tpu.memory_space<vmem>> -> memref<128x128xf32, #tpu.memory_space<vmem>>
      %dma_start3A_57 = arith.constant 0 : i32
      %dma_start3A_58 = tpu.memref_slice %arg6[%add3A_21, %dma_start3A_57] : memref<10112x128xf32, #tpu.memory_space<vmem_shared>> -> memref<128x128xf32, #tpu.memory_space<vmem_shared>>
      %dma_start3A_59 = arith.constant 0 : i32
      %dma_start3A_60 = arith.constant 0 : i32
      %dma_start3A_61 = tpu.memref_slice %arg7[%dma_start3A_59, %dma_start3A_60] : memref<128x128xf32, #tpu.memory_space<vmem>> -> memref<128x128xf32, #tpu.memory_space<vmem>>
      %dma_start3A_62 = arith.constant 0 : i32
      %dma_start3A_63 = tpu.memref_slice %arg6[%add3A_21, %dma_start3A_62] : memref<10112x128xf32, #tpu.memory_space<vmem_shared>> -> memref<128x128xf32, #tpu.memory_space<vmem_shared>>
      tpu.enqueue_dma source(%dma_start3A_63 : memref<128x128xf32, #tpu.memory_space<vmem_shared>>) target(%dma_start3A_61 : memref<128x128xf32, #tpu.memory_space<vmem>>) target_semaphore(%run_scoped3A : memref<!tpu.dma_semaphore, #tpu.memory_space<semaphore_mem>>)
      %dma_wait3A = arith.constant 0 : i32
      %dma_wait3A_64 = arith.constant 0 : i32
      %dma_wait3A_65 = tpu.memref_slice %arg7[%dma_wait3A, %dma_wait3A_64] : memref<128x128xf32, #tpu.memory_space<vmem>> -> memref<128x128xf32, #tpu.memory_space<vmem>>
      %dma_wait3A_66 = arith.constant 0 : i32
      %dma_wait3A_67 = tpu.memref_slice %arg6[%add3A_21, %dma_wait3A_66] : memref<10112x128xf32, #tpu.memory_space<vmem_shared>> -> memref<128x128xf32, #tpu.memory_space<vmem_shared>>
      %dma_wait3A_68 = arith.constant 0 : i32
      %dma_wait3A_69 = arith.constant 0 : i32
      %dma_wait3A_70 = tpu.memref_slice %arg7[%dma_wait3A_68, %dma_wait3A_69] : memref<128x128xf32, #tpu.memory_space<vmem>> -> memref<128x128xf32, #tpu.memory_space<vmem>>
      %dma_wait3A_71 = arith.constant 0 : i32
      %dma_wait3A_72 = tpu.memref_slice %arg6[%add3A_21, %dma_wait3A_71] : memref<10112x128xf32, #tpu.memory_space<vmem_shared>> -> memref<128x128xf32, #tpu.memory_space<vmem_shared>>
      tpu.wait_dma2 semaphore(%run_scoped3A : memref<!tpu.dma_semaphore, #tpu.memory_space<semaphore_mem>>) src(%dma_wait3A_72 : memref<128x128xf32, #tpu.memory_space<vmem_shared>>) dst(%dma_wait3A_70 : memref<128x128xf32, #tpu.memory_space<vmem>>)
      tpu.yield
    }) : () -> ()
    %mul3A_22 = arith.constant 10112 : i32
    %mul3A_23 = arith.muli %arg0, %mul3A_22 : i32
    %add3A_24 = arith.addi %mul3A_23, %mul3A_2 : i32
    %add3A_25 = arith.constant 0 : i32
    %add3A_26 = arith.addi %add3A_24, %add3A_25 : i32
    "tpu.region"() ({
      %run_scoped3A = tpu.sem_alloc : memref<!tpu.dma_semaphore, #tpu.memory_space<semaphore_mem>>
      %dma_start3A = arith.constant 0 : i32
      %dma_start3A_55 = arith.constant 0 : i32
      %dma_start3A_56 = tpu.memref_slice %arg7[%dma_start3A, %dma_start3A_55] : memref<128x128xf32, #tpu.memory_space<vmem>> -> memref<128x128xf32, #tpu.memory_space<vmem>>
      %dma_start3A_57 = arith.constant 0 : i32
      %dma_start3A_58 = tpu.memref_slice %arg5[%add3A_26, %dma_start3A_57] : memref<20224x128xf32, #tpu.memory_space<hbm>> -> memref<128x128xf32, #tpu.memory_space<hbm>>
      %dma_start3A_59 = arith.constant 0 : i32
      %dma_start3A_60 = tpu.memref_slice %arg5[%add3A_26, %dma_start3A_59] : memref<20224x128xf32, #tpu.memory_space<hbm>> -> memref<128x128xf32, #tpu.memory_space<hbm>>
      %dma_start3A_61 = arith.constant 0 : i32
      %dma_start3A_62 = arith.constant 0 : i32
      %dma_start3A_63 = tpu.memref_slice %arg7[%dma_start3A_61, %dma_start3A_62] : memref<128x128xf32, #tpu.memory_space<vmem>> -> memref<128x128xf32, #tpu.memory_space<vmem>>
      tpu.enqueue_dma source(%dma_start3A_63 : memref<128x128xf32, #tpu.memory_space<vmem>>) target(%dma_start3A_60 : memref<128x128xf32, #tpu.memory_space<hbm>>) target_semaphore(%run_scoped3A : memref<!tpu.dma_semaphore, #tpu.memory_space<semaphore_mem>>)
      %dma_wait3A = arith.constant 0 : i32
      %dma_wait3A_64 = arith.constant 0 : i32
      %dma_wait3A_65 = tpu.memref_slice %arg7[%dma_wait3A, %dma_wait3A_64] : memref<128x128xf32, #tpu.memory_space<vmem>> -> memref<128x128xf32, #tpu.memory_space<vmem>>
      %dma_wait3A_66 = arith.constant 0 : i32
      %dma_wait3A_67 = tpu.memref_slice %arg5[%add3A_26, %dma_wait3A_66] : memref<20224x128xf32, #tpu.memory_space<hbm>> -> memref<128x128xf32, #tpu.memory_space<hbm>>
      %dma_wait3A_68 = arith.constant 0 : i32
      %dma_wait3A_69 = tpu.memref_slice %arg5[%add3A_26, %dma_wait3A_68] : memref<20224x128xf32, #tpu.memory_space<hbm>> -> memref<128x128xf32, #tpu.memory_space<hbm>>
      %dma_wait3A_70 = arith.constant 0 : i32
      %dma_wait3A_71 = arith.constant 0 : i32
      %dma_wait3A_72 = tpu.memref_slice %arg7[%dma_wait3A_70, %dma_wait3A_71] : memref<128x128xf32, #tpu.memory_space<vmem>> -> memref<128x128xf32, #tpu.memory_space<vmem>>
      tpu.wait_dma2 semaphore(%run_scoped3A : memref<!tpu.dma_semaphore, #tpu.memory_space<semaphore_mem>>) src(%dma_wait3A_72 : memref<128x128xf32, #tpu.memory_space<vmem>>) dst(%dma_wait3A_69 : memref<128x128xf32, #tpu.memory_space<hbm>>)
      tpu.yield
    }) : () -> ()
    %add3A_27 = arith.constant 128 : i32
    %add3A_28 = arith.addi %mul3A_2, %add3A_27 : i32
    "tpu.region"() ({
      %run_scoped3A = tpu.sem_alloc : memref<!tpu.dma_semaphore, #tpu.memory_space<semaphore_mem>>
      %dma_start3A = arith.constant 0 : i32
      %dma_start3A_55 = arith.constant 0 : i32
      %dma_start3A_56 = tpu.memref_slice %arg7[%dma_start3A, %dma_start3A_55] : memref<128x128xf32, #tpu.memory_space<vmem>> -> memref<128x128xf32, #tpu.memory_space<vmem>>
      %dma_start3A_57 = arith.constant 0 : i32
      %dma_start3A_58 = tpu.memref_slice %arg6[%add3A_28, %dma_start3A_57] : memref<10112x128xf32, #tpu.memory_space<vmem_shared>> -> memref<128x128xf32, #tpu.memory_space<vmem_shared>>
      %dma_start3A_59 = arith.constant 0 : i32
      %dma_start3A_60 = arith.constant 0 : i32
      %dma_start3A_61 = tpu.memref_slice %arg7[%dma_start3A_59, %dma_start3A_60] : memref<128x128xf32, #tpu.memory_space<vmem>> -> memref<128x128xf32, #tpu.memory_space<vmem>>
      %dma_start3A_62 = arith.constant 0 : i32
      %dma_start3A_63 = tpu.memref_slice %arg6[%add3A_28, %dma_start3A_62] : memref<10112x128xf32, #tpu.memory_space<vmem_shared>> -> memref<128x128xf32, #tpu.memory_space<vmem_shared>>
      tpu.enqueue_dma source(%dma_start3A_63 : memref<128x128xf32, #tpu.memory_space<vmem_shared>>) target(%dma_start3A_61 : memref<128x128xf32, #tpu.memory_space<vmem>>) target_semaphore(%run_scoped3A : memref<!tpu.dma_semaphore, #tpu.memory_space<semaphore_mem>>)
      %dma_wait3A = arith.constant 0 : i32
      %dma_wait3A_64 = arith.constant 0 : i32
      %dma_wait3A_65 = tpu.memref_slice %arg7[%dma_wait3A, %dma_wait3A_64] : memref<128x128xf32, #tpu.memory_space<vmem>> -> memref<128x128xf32, #tpu.memory_space<vmem>>
      %dma_wait3A_66 = arith.constant 0 : i32
      %dma_wait3A_67 = tpu.memref_slice %arg6[%add3A_28, %dma_wait3A_66] : memref<10112x128xf32, #tpu.memory_space<vmem_shared>> -> memref<128x128xf32, #tpu.memory_space<vmem_shared>>
      %dma_wait3A_68 = arith.constant 0 : i32
      %dma_wait3A_69 = arith.constant 0 : i32
      %dma_wait3A_70 = tpu.memref_slice %arg7[%dma_wait3A_68, %dma_wait3A_69] : memref<128x128xf32, #tpu.memory_space<vmem>> -> memref<128x128xf32, #tpu.memory_space<vmem>>
      %dma_wait3A_71 = arith.constant 0 : i32
      %dma_wait3A_72 = tpu.memref_slice %arg6[%add3A_28, %dma_wait3A_71] : memref<10112x128xf32, #tpu.memory_space<vmem_shared>> -> memref<128x128xf32, #tpu.memory_space<vmem_shared>>
      tpu.wait_dma2 semaphore(%run_scoped3A : memref<!tpu.dma_semaphore, #tpu.memory_space<semaphore_mem>>) src(%dma_wait3A_72 : memref<128x128xf32, #tpu.memory_space<vmem_shared>>) dst(%dma_wait3A_70 : memref<128x128xf32, #tpu.memory_space<vmem>>)
      tpu.yield
    }) : () -> ()
    %mul3A_29 = arith.constant 10112 : i32
    %mul3A_30 = arith.muli %arg0, %mul3A_29 : i32
    %add3A_31 = arith.addi %mul3A_30, %mul3A_2 : i32
    %add3A_32 = arith.constant 128 : i32
    %add3A_33 = arith.addi %add3A_31, %add3A_32 : i32
    "tpu.region"() ({
      %run_scoped3A = tpu.sem_alloc : memref<!tpu.dma_semaphore, #tpu.memory_space<semaphore_mem>>
      %dma_start3A = arith.constant 0 : i32
      %dma_start3A_55 = arith.constant 0 : i32
      %dma_start3A_56 = tpu.memref_slice %arg7[%dma_start3A, %dma_start3A_55] : memref<128x128xf32, #tpu.memory_space<vmem>> -> memref<128x128xf32, #tpu.memory_space<vmem>>
      %dma_start3A_57 = arith.constant 0 : i32
      %dma_start3A_58 = tpu.memref_slice %arg5[%add3A_33, %dma_start3A_57] : memref<20224x128xf32, #tpu.memory_space<hbm>> -> memref<128x128xf32, #tpu.memory_space<hbm>>
      %dma_start3A_59 = arith.constant 0 : i32
      %dma_start3A_60 = tpu.memref_slice %arg5[%add3A_33, %dma_start3A_59] : memref<20224x128xf32, #tpu.memory_space<hbm>> -> memref<128x128xf32, #tpu.memory_space<hbm>>
      %dma_start3A_61 = arith.constant 0 : i32
      %dma_start3A_62 = arith.constant 0 : i32
      %dma_start3A_63 = tpu.memref_slice %arg7[%dma_start3A_61, %dma_start3A_62] : memref<128x128xf32, #tpu.memory_space<vmem>> -> memref<128x128xf32, #tpu.memory_space<vmem>>
      tpu.enqueue_dma source(%dma_start3A_63 : memref<128x128xf32, #tpu.memory_space<vmem>>) target(%dma_start3A_60 : memref<128x128xf32, #tpu.memory_space<hbm>>) target_semaphore(%run_scoped3A : memref<!tpu.dma_semaphore, #tpu.memory_space<semaphore_mem>>)
      %dma_wait3A = arith.constant 0 : i32
      %dma_wait3A_64 = arith.constant 0 : i32
      %dma_wait3A_65 = tpu.memref_slice %arg7[%dma_wait3A, %dma_wait3A_64] : memref<128x128xf32, #tpu.memory_space<vmem>> -> memref<128x128xf32, #tpu.memory_space<vmem>>
      %dma_wait3A_66 = arith.constant 0 : i32
      %dma_wait3A_67 = tpu.memref_slice %arg5[%add3A_33, %dma_wait3A_66] : memref<20224x128xf32, #tpu.memory_space<hbm>> -> memref<128x128xf32, #tpu.memory_space<hbm>>
      %dma_wait3A_68 = arith.constant 0 : i32
      %dma_wait3A_69 = tpu.memref_slice %arg5[%add3A_33, %dma_wait3A_68] : memref<20224x128xf32, #tpu.memory_space<hbm>> -> memref<128x128xf32, #tpu.memory_space<hbm>>
      %dma_wait3A_70 = arith.constant 0 : i32
      %dma_wait3A_71 = arith.constant 0 : i32
      %dma_wait3A_72 = tpu.memref_slice %arg7[%dma_wait3A_70, %dma_wait3A_71] : memref<128x128xf32, #tpu.memory_space<vmem>> -> memref<128x128xf32, #tpu.memory_space<vmem>>
      tpu.wait_dma2 semaphore(%run_scoped3A : memref<!tpu.dma_semaphore, #tpu.memory_space<semaphore_mem>>) src(%dma_wait3A_72 : memref<128x128xf32, #tpu.memory_space<vmem>>) dst(%dma_wait3A_69 : memref<128x128xf32, #tpu.memory_space<hbm>>)
      tpu.yield
    }) : () -> ()
    %add3A_34 = arith.constant 256 : i32
    %add3A_35 = arith.addi %mul3A_2, %add3A_34 : i32
    "tpu.region"() ({
      %run_scoped3A = tpu.sem_alloc : memref<!tpu.dma_semaphore, #tpu.memory_space<semaphore_mem>>
      %dma_start3A = arith.constant 0 : i32
      %dma_start3A_55 = arith.constant 0 : i32
      %dma_start3A_56 = tpu.memref_slice %arg7[%dma_start3A, %dma_start3A_55] : memref<128x128xf32, #tpu.memory_space<vmem>> -> memref<128x128xf32, #tpu.memory_space<vmem>>
      %dma_start3A_57 = arith.constant 0 : i32
      %dma_start3A_58 = tpu.memref_slice %arg6[%add3A_35, %dma_start3A_57] : memref<10112x128xf32, #tpu.memory_space<vmem_shared>> -> memref<128x128xf32, #tpu.memory_space<vmem_shared>>
      %dma_start3A_59 = arith.constant 0 : i32
      %dma_start3A_60 = arith.constant 0 : i32
      %dma_start3A_61 = tpu.memref_slice %arg7[%dma_start3A_59, %dma_start3A_60] : memref<128x128xf32, #tpu.memory_space<vmem>> -> memref<128x128xf32, #tpu.memory_space<vmem>>
      %dma_start3A_62 = arith.constant 0 : i32
      %dma_start3A_63 = tpu.memref_slice %arg6[%add3A_35, %dma_start3A_62] : memref<10112x128xf32, #tpu.memory_space<vmem_shared>> -> memref<128x128xf32, #tpu.memory_space<vmem_shared>>
      tpu.enqueue_dma source(%dma_start3A_63 : memref<128x128xf32, #tpu.memory_space<vmem_shared>>) target(%dma_start3A_61 : memref<128x128xf32, #tpu.memory_space<vmem>>) target_semaphore(%run_scoped3A : memref<!tpu.dma_semaphore, #tpu.memory_space<semaphore_mem>>)
      %dma_wait3A = arith.constant 0 : i32
      %dma_wait3A_64 = arith.constant 0 : i32
      %dma_wait3A_65 = tpu.memref_slice %arg7[%dma_wait3A, %dma_wait3A_64] : memref<128x128xf32, #tpu.memory_space<vmem>> -> memref<128x128xf32, #tpu.memory_space<vmem>>
      %dma_wait3A_66 = arith.constant 0 : i32
      %dma_wait3A_67 = tpu.memref_slice %arg6[%add3A_35, %dma_wait3A_66] : memref<10112x128xf32, #tpu.memory_space<vmem_shared>> -> memref<128x128xf32, #tpu.memory_space<vmem_shared>>
      %dma_wait3A_68 = arith.constant 0 : i32
      %dma_wait3A_69 = arith.constant 0 : i32
      %dma_wait3A_70 = tpu.memref_slice %arg7[%dma_wait3A_68, %dma_wait3A_69] : memref<128x128xf32, #tpu.memory_space<vmem>> -> memref<128x128xf32, #tpu.memory_space<vmem>>
      %dma_wait3A_71 = arith.constant 0 : i32
      %dma_wait3A_72 = tpu.memref_slice %arg6[%add3A_35, %dma_wait3A_71] : memref<10112x128xf32, #tpu.memory_space<vmem_shared>> -> memref<128x128xf32, #tpu.memory_space<vmem_shared>>
      tpu.wait_dma2 semaphore(%run_scoped3A : memref<!tpu.dma_semaphore, #tpu.memory_space<semaphore_mem>>) src(%dma_wait3A_72 : memref<128x128xf32, #tpu.memory_space<vmem_shared>>) dst(%dma_wait3A_70 : memref<128x128xf32, #tpu.memory_space<vmem>>)
      tpu.yield
    }) : () -> ()
    %mul3A_36 = arith.constant 10112 : i32
    %mul3A_37 = arith.muli %arg0, %mul3A_36 : i32
    %add3A_38 = arith.addi %mul3A_37, %mul3A_2 : i32
    %add3A_39 = arith.constant 256 : i32
    %add3A_40 = arith.addi %add3A_38, %add3A_39 : i32
    "tpu.region"() ({
      %run_scoped3A = tpu.sem_alloc : memref<!tpu.dma_semaphore, #tpu.memory_space<semaphore_mem>>
      %dma_start3A = arith.constant 0 : i32
      %dma_start3A_55 = arith.constant 0 : i32
      %dma_start3A_56 = tpu.memref_slice %arg7[%dma_start3A, %dma_start3A_55] : memref<128x128xf32, #tpu.memory_space<vmem>> -> memref<128x128xf32, #tpu.memory_space<vmem>>
      %dma_start3A_57 = arith.constant 0 : i32
      %dma_start3A_58 = tpu.memref_slice %arg5[%add3A_40, %dma_start3A_57] : memref<20224x128xf32, #tpu.memory_space<hbm>> -> memref<128x128xf32, #tpu.memory_space<hbm>>
      %dma_start3A_59 = arith.constant 0 : i32
      %dma_start3A_60 = tpu.memref_slice %arg5[%add3A_40, %dma_start3A_59] : memref<20224x128xf32, #tpu.memory_space<hbm>> -> memref<128x128xf32, #tpu.memory_space<hbm>>
      %dma_start3A_61 = arith.constant 0 : i32
      %dma_start3A_62 = arith.constant 0 : i32
      %dma_start3A_63 = tpu.memref_slice %arg7[%dma_start3A_61, %dma_start3A_62] : memref<128x128xf32, #tpu.memory_space<vmem>> -> memref<128x128xf32, #tpu.memory_space<vmem>>
      tpu.enqueue_dma source(%dma_start3A_63 : memref<128x128xf32, #tpu.memory_space<vmem>>) target(%dma_start3A_60 : memref<128x128xf32, #tpu.memory_space<hbm>>) target_semaphore(%run_scoped3A : memref<!tpu.dma_semaphore, #tpu.memory_space<semaphore_mem>>)
      %dma_wait3A = arith.constant 0 : i32
      %dma_wait3A_64 = arith.constant 0 : i32
      %dma_wait3A_65 = tpu.memref_slice %arg7[%dma_wait3A, %dma_wait3A_64] : memref<128x128xf32, #tpu.memory_space<vmem>> -> memref<128x128xf32, #tpu.memory_space<vmem>>
      %dma_wait3A_66 = arith.constant 0 : i32
      %dma_wait3A_67 = tpu.memref_slice %arg5[%add3A_40, %dma_wait3A_66] : memref<20224x128xf32, #tpu.memory_space<hbm>> -> memref<128x128xf32, #tpu.memory_space<hbm>>
      %dma_wait3A_68 = arith.constant 0 : i32
      %dma_wait3A_69 = tpu.memref_slice %arg5[%add3A_40, %dma_wait3A_68] : memref<20224x128xf32, #tpu.memory_space<hbm>> -> memref<128x128xf32, #tpu.memory_space<hbm>>
      %dma_wait3A_70 = arith.constant 0 : i32
      %dma_wait3A_71 = arith.constant 0 : i32
      %dma_wait3A_72 = tpu.memref_slice %arg7[%dma_wait3A_70, %dma_wait3A_71] : memref<128x128xf32, #tpu.memory_space<vmem>> -> memref<128x128xf32, #tpu.memory_space<vmem>>
      tpu.wait_dma2 semaphore(%run_scoped3A : memref<!tpu.dma_semaphore, #tpu.memory_space<semaphore_mem>>) src(%dma_wait3A_72 : memref<128x128xf32, #tpu.memory_space<vmem>>) dst(%dma_wait3A_69 : memref<128x128xf32, #tpu.memory_space<hbm>>)
      tpu.yield
    }) : () -> ()
    %add3A_41 = arith.constant 384 : i32
    %add3A_42 = arith.addi %mul3A_2, %add3A_41 : i32
    "tpu.region"() ({
      %run_scoped3A = tpu.sem_alloc : memref<!tpu.dma_semaphore, #tpu.memory_space<semaphore_mem>>
      %dma_start3A = arith.constant 0 : i32
      %dma_start3A_55 = arith.constant 0 : i32
      %dma_start3A_56 = tpu.memref_slice %arg7[%dma_start3A, %dma_start3A_55] : memref<128x128xf32, #tpu.memory_space<vmem>> -> memref<128x128xf32, #tpu.memory_space<vmem>>
      %dma_start3A_57 = arith.constant 0 : i32
      %dma_start3A_58 = tpu.memref_slice %arg6[%add3A_42, %dma_start3A_57] : memref<10112x128xf32, #tpu.memory_space<vmem_shared>> -> memref<128x128xf32, #tpu.memory_space<vmem_shared>>
      %dma_start3A_59 = arith.constant 0 : i32
      %dma_start3A_60 = arith.constant 0 : i32
      %dma_start3A_61 = tpu.memref_slice %arg7[%dma_start3A_59, %dma_start3A_60] : memref<128x128xf32, #tpu.memory_space<vmem>> -> memref<128x128xf32, #tpu.memory_space<vmem>>
      %dma_start3A_62 = arith.constant 0 : i32
      %dma_start3A_63 = tpu.memref_slice %arg6[%add3A_42, %dma_start3A_62] : memref<10112x128xf32, #tpu.memory_space<vmem_shared>> -> memref<128x128xf32, #tpu.memory_space<vmem_shared>>
      tpu.enqueue_dma source(%dma_start3A_63 : memref<128x128xf32, #tpu.memory_space<vmem_shared>>) target(%dma_start3A_61 : memref<128x128xf32, #tpu.memory_space<vmem>>) target_semaphore(%run_scoped3A : memref<!tpu.dma_semaphore, #tpu.memory_space<semaphore_mem>>)
      %dma_wait3A = arith.constant 0 : i32
      %dma_wait3A_64 = arith.constant 0 : i32
      %dma_wait3A_65 = tpu.memref_slice %arg7[%dma_wait3A, %dma_wait3A_64] : memref<128x128xf32, #tpu.memory_space<vmem>> -> memref<128x128xf32, #tpu.memory_space<vmem>>
      %dma_wait3A_66 = arith.constant 0 : i32
      %dma_wait3A_67 = tpu.memref_slice %arg6[%add3A_42, %dma_wait3A_66] : memref<10112x128xf32, #tpu.memory_space<vmem_shared>> -> memref<128x128xf32, #tpu.memory_space<vmem_shared>>
      %dma_wait3A_68 = arith.constant 0 : i32
      %dma_wait3A_69 = arith.constant 0 : i32
      %dma_wait3A_70 = tpu.memref_slice %arg7[%dma_wait3A_68, %dma_wait3A_69] : memref<128x128xf32, #tpu.memory_space<vmem>> -> memref<128x128xf32, #tpu.memory_space<vmem>>
      %dma_wait3A_71 = arith.constant 0 : i32
      %dma_wait3A_72 = tpu.memref_slice %arg6[%add3A_42, %dma_wait3A_71] : memref<10112x128xf32, #tpu.memory_space<vmem_shared>> -> memref<128x128xf32, #tpu.memory_space<vmem_shared>>
      tpu.wait_dma2 semaphore(%run_scoped3A : memref<!tpu.dma_semaphore, #tpu.memory_space<semaphore_mem>>) src(%dma_wait3A_72 : memref<128x128xf32, #tpu.memory_space<vmem_shared>>) dst(%dma_wait3A_70 : memref<128x128xf32, #tpu.memory_space<vmem>>)
      tpu.yield
    }) : () -> ()
    %mul3A_43 = arith.constant 10112 : i32
    %mul3A_44 = arith.muli %arg0, %mul3A_43 : i32
    %add3A_45 = arith.addi %mul3A_44, %mul3A_2 : i32
    %add3A_46 = arith.constant 384 : i32
    %add3A_47 = arith.addi %add3A_45, %add3A_46 : i32
    "tpu.region"() ({
      %run_scoped3A = tpu.sem_alloc : memref<!tpu.dma_semaphore, #tpu.memory_space<semaphore_mem>>
      %dma_start3A = arith.constant 0 : i32
      %dma_start3A_55 = arith.constant 0 : i32
      %dma_start3A_56 = tpu.memref_slice %arg7[%dma_start3A, %dma_start3A_55] : memref<128x128xf32, #tpu.memory_space<vmem>> -> memref<128x128xf32, #tpu.memory_space<vmem>>
      %dma_start3A_57 = arith.constant 0 : i32
      %dma_start3A_58 = tpu.memref_slice %arg5[%add3A_47, %dma_start3A_57] : memref<20224x128xf32, #tpu.memory_space<hbm>> -> memref<128x128xf32, #tpu.memory_space<hbm>>
      %dma_start3A_59 = arith.constant 0 : i32
      %dma_start3A_60 = tpu.memref_slice %arg5[%add3A_47, %dma_start3A_59] : memref<20224x128xf32, #tpu.memory_space<hbm>> -> memref<128x128xf32, #tpu.memory_space<hbm>>
      %dma_start3A_61 = arith.constant 0 : i32
      %dma_start3A_62 = arith.constant 0 : i32
      %dma_start3A_63 = tpu.memref_slice %arg7[%dma_start3A_61, %dma_start3A_62] : memref<128x128xf32, #tpu.memory_space<vmem>> -> memref<128x128xf32, #tpu.memory_space<vmem>>
      tpu.enqueue_dma source(%dma_start3A_63 : memref<128x128xf32, #tpu.memory_space<vmem>>) target(%dma_start3A_60 : memref<128x128xf32, #tpu.memory_space<hbm>>) target_semaphore(%run_scoped3A : memref<!tpu.dma_semaphore, #tpu.memory_space<semaphore_mem>>)
      %dma_wait3A = arith.constant 0 : i32
      %dma_wait3A_64 = arith.constant 0 : i32
      %dma_wait3A_65 = tpu.memref_slice %arg7[%dma_wait3A, %dma_wait3A_64] : memref<128x128xf32, #tpu.memory_space<vmem>> -> memref<128x128xf32, #tpu.memory_space<vmem>>
      %dma_wait3A_66 = arith.constant 0 : i32
      %dma_wait3A_67 = tpu.memref_slice %arg5[%add3A_47, %dma_wait3A_66] : memref<20224x128xf32, #tpu.memory_space<hbm>> -> memref<128x128xf32, #tpu.memory_space<hbm>>
      %dma_wait3A_68 = arith.constant 0 : i32
      %dma_wait3A_69 = tpu.memref_slice %arg5[%add3A_47, %dma_wait3A_68] : memref<20224x128xf32, #tpu.memory_space<hbm>> -> memref<128x128xf32, #tpu.memory_space<hbm>>
      %dma_wait3A_70 = arith.constant 0 : i32
      %dma_wait3A_71 = arith.constant 0 : i32
      %dma_wait3A_72 = tpu.memref_slice %arg7[%dma_wait3A_70, %dma_wait3A_71] : memref<128x128xf32, #tpu.memory_space<vmem>> -> memref<128x128xf32, #tpu.memory_space<vmem>>
      tpu.wait_dma2 semaphore(%run_scoped3A : memref<!tpu.dma_semaphore, #tpu.memory_space<semaphore_mem>>) src(%dma_wait3A_72 : memref<128x128xf32, #tpu.memory_space<vmem>>) dst(%dma_wait3A_69 : memref<128x128xf32, #tpu.memory_space<hbm>>)
      tpu.yield
    }) : () -> ()
    %add3A_48 = arith.constant 512 : i32
    %add3A_49 = arith.addi %mul3A_2, %add3A_48 : i32
    "tpu.region"() ({
      %run_scoped3A = tpu.sem_alloc : memref<!tpu.dma_semaphore, #tpu.memory_space<semaphore_mem>>
      %dma_start3A = arith.constant 0 : i32
      %dma_start3A_55 = arith.constant 0 : i32
      %dma_start3A_56 = tpu.memref_slice %arg7[%dma_start3A, %dma_start3A_55] : memref<128x128xf32, #tpu.memory_space<vmem>> -> memref<120x128xf32, #tpu.memory_space<vmem>>
      %dma_start3A_57 = arith.constant 0 : i32
      %dma_start3A_58 = tpu.memref_slice %arg6[%add3A_49, %dma_start3A_57] : memref<10112x128xf32, #tpu.memory_space<vmem_shared>> -> memref<120x128xf32, #tpu.memory_space<vmem_shared>>
      %dma_start3A_59 = arith.constant 0 : i32
      %dma_start3A_60 = arith.constant 0 : i32
      %dma_start3A_61 = tpu.memref_slice %arg7[%dma_start3A_59, %dma_start3A_60] : memref<128x128xf32, #tpu.memory_space<vmem>> -> memref<120x128xf32, #tpu.memory_space<vmem>>
      %dma_start3A_62 = arith.constant 0 : i32
      %dma_start3A_63 = tpu.memref_slice %arg6[%add3A_49, %dma_start3A_62] : memref<10112x128xf32, #tpu.memory_space<vmem_shared>> -> memref<120x128xf32, #tpu.memory_space<vmem_shared>>
      tpu.enqueue_dma source(%dma_start3A_63 : memref<120x128xf32, #tpu.memory_space<vmem_shared>>) target(%dma_start3A_61 : memref<120x128xf32, #tpu.memory_space<vmem>>) target_semaphore(%run_scoped3A : memref<!tpu.dma_semaphore, #tpu.memory_space<semaphore_mem>>)
      %dma_wait3A = arith.constant 0 : i32
      %dma_wait3A_64 = arith.constant 0 : i32
      %dma_wait3A_65 = tpu.memref_slice %arg7[%dma_wait3A, %dma_wait3A_64] : memref<128x128xf32, #tpu.memory_space<vmem>> -> memref<120x128xf32, #tpu.memory_space<vmem>>
      %dma_wait3A_66 = arith.constant 0 : i32
      %dma_wait3A_67 = tpu.memref_slice %arg6[%add3A_49, %dma_wait3A_66] : memref<10112x128xf32, #tpu.memory_space<vmem_shared>> -> memref<120x128xf32, #tpu.memory_space<vmem_shared>>
      %dma_wait3A_68 = arith.constant 0 : i32
      %dma_wait3A_69 = arith.constant 0 : i32
      %dma_wait3A_70 = tpu.memref_slice %arg7[%dma_wait3A_68, %dma_wait3A_69] : memref<128x128xf32, #tpu.memory_space<vmem>> -> memref<120x128xf32, #tpu.memory_space<vmem>>
      %dma_wait3A_71 = arith.constant 0 : i32
      %dma_wait3A_72 = tpu.memref_slice %arg6[%add3A_49, %dma_wait3A_71] : memref<10112x128xf32, #tpu.memory_space<vmem_shared>> -> memref<120x128xf32, #tpu.memory_space<vmem_shared>>
      tpu.wait_dma2 semaphore(%run_scoped3A : memref<!tpu.dma_semaphore, #tpu.memory_space<semaphore_mem>>) src(%dma_wait3A_72 : memref<120x128xf32, #tpu.memory_space<vmem_shared>>) dst(%dma_wait3A_70 : memref<120x128xf32, #tpu.memory_space<vmem>>)
      tpu.yield
    }) : () -> ()
    %mul3A_50 = arith.constant 10112 : i32
    %mul3A_51 = arith.muli %arg0, %mul3A_50 : i32
    %add3A_52 = arith.addi %mul3A_51, %mul3A_2 : i32
    %add3A_53 = arith.constant 512 : i32
    %add3A_54 = arith.addi %add3A_52, %add3A_53 : i32
    "tpu.region"() ({
      %run_scoped3A = tpu.sem_alloc : memref<!tpu.dma_semaphore, #tpu.memory_space<semaphore_mem>>
      %dma_start3A = arith.constant 0 : i32
      %dma_start3A_55 = arith.constant 0 : i32
      %dma_start3A_56 = tpu.memref_slice %arg7[%dma_start3A, %dma_start3A_55] : memref<128x128xf32, #tpu.memory_space<vmem>> -> memref<120x128xf32, #tpu.memory_space<vmem>>
      %dma_start3A_57 = arith.constant 0 : i32
      %dma_start3A_58 = tpu.memref_slice %arg5[%add3A_54, %dma_start3A_57] : memref<20224x128xf32, #tpu.memory_space<hbm>> -> memref<120x128xf32, #tpu.memory_space<hbm>>
      %dma_start3A_59 = arith.constant 0 : i32
      %dma_start3A_60 = tpu.memref_slice %arg5[%add3A_54, %dma_start3A_59] : memref<20224x128xf32, #tpu.memory_space<hbm>> -> memref<120x128xf32, #tpu.memory_space<hbm>>
      %dma_start3A_61 = arith.constant 0 : i32
      %dma_start3A_62 = arith.constant 0 : i32
      %dma_start3A_63 = tpu.memref_slice %arg7[%dma_start3A_61, %dma_start3A_62] : memref<128x128xf32, #tpu.memory_space<vmem>> -> memref<120x128xf32, #tpu.memory_space<vmem>>
      tpu.enqueue_dma source(%dma_start3A_63 : memref<120x128xf32, #tpu.memory_space<vmem>>) target(%dma_start3A_60 : memref<120x128xf32, #tpu.memory_space<hbm>>) target_semaphore(%run_scoped3A : memref<!tpu.dma_semaphore, #tpu.memory_space<semaphore_mem>>)
      %dma_wait3A = arith.constant 0 : i32
      %dma_wait3A_64 = arith.constant 0 : i32
      %dma_wait3A_65 = tpu.memref_slice %arg7[%dma_wait3A, %dma_wait3A_64] : memref<128x128xf32, #tpu.memory_space<vmem>> -> memref<120x128xf32, #tpu.memory_space<vmem>>
      %dma_wait3A_66 = arith.constant 0 : i32
      %dma_wait3A_67 = tpu.memref_slice %arg5[%add3A_54, %dma_wait3A_66] : memref<20224x128xf32, #tpu.memory_space<hbm>> -> memref<120x128xf32, #tpu.memory_space<hbm>>
      %dma_wait3A_68 = arith.constant 0 : i32
      %dma_wait3A_69 = tpu.memref_slice %arg5[%add3A_54, %dma_wait3A_68] : memref<20224x128xf32, #tpu.memory_space<hbm>> -> memref<120x128xf32, #tpu.memory_space<hbm>>
      %dma_wait3A_70 = arith.constant 0 : i32
      %dma_wait3A_71 = arith.constant 0 : i32
      %dma_wait3A_72 = tpu.memref_slice %arg7[%dma_wait3A_70, %dma_wait3A_71] : memref<128x128xf32, #tpu.memory_space<vmem>> -> memref<120x128xf32, #tpu.memory_space<vmem>>
      tpu.wait_dma2 semaphore(%run_scoped3A : memref<!tpu.dma_semaphore, #tpu.memory_space<semaphore_mem>>) src(%dma_wait3A_72 : memref<120x128xf32, #tpu.memory_space<vmem>>) dst(%dma_wait3A_69 : memref<120x128xf32, #tpu.memory_space<hbm>>)
      tpu.yield
    }) : () -> ()
    return
  }
}

#map = affine_map<(d0, d1) -> (0, 0)>
#map1 = affine_map<(d0, d1) -> (0)>
module attributes {stable_mosaic.version = 14 : i64} {
  func.func @_sc_spmm_pair_body(%arg0: i32, %arg1: i32, %arg2: memref<10000x128xf32, #tpu.memory_space<hbm>>, %arg3: memref<10000x128xf32, #tpu.memory_space<hbm>>, %arg4: memref<321536xi32, #tpu.memory_space<hbm>>, %arg5: memref<321536xi32, #tpu.memory_space<hbm>>, %arg6: memref<321536xi32, #tpu.memory_space<hbm>>, %arg7: memref<321536xi32, #tpu.memory_space<hbm>>, %arg8: memref<128x128xf32, #tpu.memory_space<hbm>>, %arg9: memref<10112x128xf32, #tpu.memory_space<hbm>>, %arg10: memref<10112x128xf32, #tpu.memory_space<hbm>>, %arg11: memref<10112x128xf32, #tpu.memory_space<vmem_shared>>, %arg12: memref<128x128xf32, #tpu.memory_space<vmem>>, %arg13: memref<128xi32, #tpu.memory_space<vmem>>, %arg14: memref<128xi32, #tpu.memory_space<vmem>>, %arg15: memref<!tpu.dma_semaphore, #tpu.memory_space<semaphore_mem>>) attributes {dimension_semantics = [#tpu.dimension_semantics<core_parallel>, #tpu.dimension_semantics<subcore_parallel>], iteration_bounds = array<i64: 2, 16>, scalar_prefetch = 0 : i64, scratch_operands = 5 : i64, tpu.core_type = #tpu.core_type<sc_vector_subcore>, window_params = [{transform_indices = #map}, {transform_indices = #map}, {transform_indices = #map1}, {transform_indices = #map1}, {transform_indices = #map1}, {transform_indices = #map1}, {transform_indices = #map}, {transform_indices = #map}, {transform_indices = #map}]} {
    %mul3A = arith.constant 632 : i32
    %mul3A_0 = arith.muli %arg1, %mul3A : i32
    "tpu.region"() ({
      %run_scoped3A = tpu.sem_alloc : memref<!tpu.dma_semaphore, #tpu.memory_space<semaphore_mem>>
      tpu.enqueue_dma source(%arg8 : memref<128x128xf32, #tpu.memory_space<hbm>>) target(%arg12 : memref<128x128xf32, #tpu.memory_space<vmem>>) target_semaphore(%run_scoped3A : memref<!tpu.dma_semaphore, #tpu.memory_space<semaphore_mem>>)
      tpu.wait_dma2 semaphore(%run_scoped3A : memref<!tpu.dma_semaphore, #tpu.memory_space<semaphore_mem>>) src(%arg8 : memref<128x128xf32, #tpu.memory_space<hbm>>) dst(%arg12 : memref<128x128xf32, #tpu.memory_space<vmem>>)
      tpu.yield
    }) : () -> ()
    %add3A = arith.constant 0 : i32
    %add3A_1 = arith.addi %mul3A_0, %add3A : i32
    "tpu.region"() ({
      %run_scoped3A = tpu.sem_alloc : memref<!tpu.dma_semaphore, #tpu.memory_space<semaphore_mem>>
      %dma_start3A = arith.constant 0 : i32
      %dma_start3A_28 = arith.constant 0 : i32
      %dma_start3A_29 = tpu.memref_slice %arg12[%dma_start3A, %dma_start3A_28] : memref<128x128xf32, #tpu.memory_space<vmem>> -> memref<128x128xf32, #tpu.memory_space<vmem>>
      %dma_start3A_30 = arith.constant 0 : i32
      %dma_start3A_31 = tpu.memref_slice %arg11[%add3A_1, %dma_start3A_30] : memref<10112x128xf32, #tpu.memory_space<vmem_shared>> -> memref<128x128xf32, #tpu.memory_space<vmem_shared>>
      %dma_start3A_32 = arith.constant 0 : i32
      %dma_start3A_33 = tpu.memref_slice %arg11[%add3A_1, %dma_start3A_32] : memref<10112x128xf32, #tpu.memory_space<vmem_shared>> -> memref<128x128xf32, #tpu.memory_space<vmem_shared>>
      %dma_start3A_34 = arith.constant 0 : i32
      %dma_start3A_35 = arith.constant 0 : i32
      %dma_start3A_36 = tpu.memref_slice %arg12[%dma_start3A_34, %dma_start3A_35] : memref<128x128xf32, #tpu.memory_space<vmem>> -> memref<128x128xf32, #tpu.memory_space<vmem>>
      tpu.enqueue_dma source(%dma_start3A_36 : memref<128x128xf32, #tpu.memory_space<vmem>>) target(%dma_start3A_33 : memref<128x128xf32, #tpu.memory_space<vmem_shared>>) target_semaphore(%run_scoped3A : memref<!tpu.dma_semaphore, #tpu.memory_space<semaphore_mem>>)
      %dma_wait3A = arith.constant 0 : i32
      %dma_wait3A_37 = arith.constant 0 : i32
      %dma_wait3A_38 = tpu.memref_slice %arg12[%dma_wait3A, %dma_wait3A_37] : memref<128x128xf32, #tpu.memory_space<vmem>> -> memref<128x128xf32, #tpu.memory_space<vmem>>
      %dma_wait3A_39 = arith.constant 0 : i32
      %dma_wait3A_40 = tpu.memref_slice %arg11[%add3A_1, %dma_wait3A_39] : memref<10112x128xf32, #tpu.memory_space<vmem_shared>> -> memref<128x128xf32, #tpu.memory_space<vmem_shared>>
      %dma_wait3A_41 = arith.constant 0 : i32
      %dma_wait3A_42 = tpu.memref_slice %arg11[%add3A_1, %dma_wait3A_41] : memref<10112x128xf32, #tpu.memory_space<vmem_shared>> -> memref<128x128xf32, #tpu.memory_space<vmem_shared>>
      %dma_wait3A_43 = arith.constant 0 : i32
      %dma_wait3A_44 = arith.constant 0 : i32
      %dma_wait3A_45 = tpu.memref_slice %arg12[%dma_wait3A_43, %dma_wait3A_44] : memref<128x128xf32, #tpu.memory_space<vmem>> -> memref<128x128xf32, #tpu.memory_space<vmem>>
      tpu.wait_dma2 semaphore(%run_scoped3A : memref<!tpu.dma_semaphore, #tpu.memory_space<semaphore_mem>>) src(%dma_wait3A_45 : memref<128x128xf32, #tpu.memory_space<vmem>>) dst(%dma_wait3A_42 : memref<128x128xf32, #tpu.memory_space<vmem_shared>>)
      tpu.yield
    }) : () -> ()
    %add3A_2 = arith.constant 128 : i32
    %add3A_3 = arith.addi %mul3A_0, %add3A_2 : i32
    "tpu.region"() ({
      %run_scoped3A = tpu.sem_alloc : memref<!tpu.dma_semaphore, #tpu.memory_space<semaphore_mem>>
      %dma_start3A = arith.constant 0 : i32
      %dma_start3A_28 = arith.constant 0 : i32
      %dma_start3A_29 = tpu.memref_slice %arg12[%dma_start3A, %dma_start3A_28] : memref<128x128xf32, #tpu.memory_space<vmem>> -> memref<128x128xf32, #tpu.memory_space<vmem>>
      %dma_start3A_30 = arith.constant 0 : i32
      %dma_start3A_31 = tpu.memref_slice %arg11[%add3A_3, %dma_start3A_30] : memref<10112x128xf32, #tpu.memory_space<vmem_shared>> -> memref<128x128xf32, #tpu.memory_space<vmem_shared>>
      %dma_start3A_32 = arith.constant 0 : i32
      %dma_start3A_33 = tpu.memref_slice %arg11[%add3A_3, %dma_start3A_32] : memref<10112x128xf32, #tpu.memory_space<vmem_shared>> -> memref<128x128xf32, #tpu.memory_space<vmem_shared>>
      %dma_start3A_34 = arith.constant 0 : i32
      %dma_start3A_35 = arith.constant 0 : i32
      %dma_start3A_36 = tpu.memref_slice %arg12[%dma_start3A_34, %dma_start3A_35] : memref<128x128xf32, #tpu.memory_space<vmem>> -> memref<128x128xf32, #tpu.memory_space<vmem>>
      tpu.enqueue_dma source(%dma_start3A_36 : memref<128x128xf32, #tpu.memory_space<vmem>>) target(%dma_start3A_33 : memref<128x128xf32, #tpu.memory_space<vmem_shared>>) target_semaphore(%run_scoped3A : memref<!tpu.dma_semaphore, #tpu.memory_space<semaphore_mem>>)
      %dma_wait3A = arith.constant 0 : i32
      %dma_wait3A_37 = arith.constant 0 : i32
      %dma_wait3A_38 = tpu.memref_slice %arg12[%dma_wait3A, %dma_wait3A_37] : memref<128x128xf32, #tpu.memory_space<vmem>> -> memref<128x128xf32, #tpu.memory_space<vmem>>
      %dma_wait3A_39 = arith.constant 0 : i32
      %dma_wait3A_40 = tpu.memref_slice %arg11[%add3A_3, %dma_wait3A_39] : memref<10112x128xf32, #tpu.memory_space<vmem_shared>> -> memref<128x128xf32, #tpu.memory_space<vmem_shared>>
      %dma_wait3A_41 = arith.constant 0 : i32
      %dma_wait3A_42 = tpu.memref_slice %arg11[%add3A_3, %dma_wait3A_41] : memref<10112x128xf32, #tpu.memory_space<vmem_shared>> -> memref<128x128xf32, #tpu.memory_space<vmem_shared>>
      %dma_wait3A_43 = arith.constant 0 : i32
      %dma_wait3A_44 = arith.constant 0 : i32
      %dma_wait3A_45 = tpu.memref_slice %arg12[%dma_wait3A_43, %dma_wait3A_44] : memref<128x128xf32, #tpu.memory_space<vmem>> -> memref<128x128xf32, #tpu.memory_space<vmem>>
      tpu.wait_dma2 semaphore(%run_scoped3A : memref<!tpu.dma_semaphore, #tpu.memory_space<semaphore_mem>>) src(%dma_wait3A_45 : memref<128x128xf32, #tpu.memory_space<vmem>>) dst(%dma_wait3A_42 : memref<128x128xf32, #tpu.memory_space<vmem_shared>>)
      tpu.yield
    }) : () -> ()
    %add3A_4 = arith.constant 256 : i32
    %add3A_5 = arith.addi %mul3A_0, %add3A_4 : i32
    "tpu.region"() ({
      %run_scoped3A = tpu.sem_alloc : memref<!tpu.dma_semaphore, #tpu.memory_space<semaphore_mem>>
      %dma_start3A = arith.constant 0 : i32
      %dma_start3A_28 = arith.constant 0 : i32
      %dma_start3A_29 = tpu.memref_slice %arg12[%dma_start3A, %dma_start3A_28] : memref<128x128xf32, #tpu.memory_space<vmem>> -> memref<128x128xf32, #tpu.memory_space<vmem>>
      %dma_start3A_30 = arith.constant 0 : i32
      %dma_start3A_31 = tpu.memref_slice %arg11[%add3A_5, %dma_start3A_30] : memref<10112x128xf32, #tpu.memory_space<vmem_shared>> -> memref<128x128xf32, #tpu.memory_space<vmem_shared>>
      %dma_start3A_32 = arith.constant 0 : i32
      %dma_start3A_33 = tpu.memref_slice %arg11[%add3A_5, %dma_start3A_32] : memref<10112x128xf32, #tpu.memory_space<vmem_shared>> -> memref<128x128xf32, #tpu.memory_space<vmem_shared>>
      %dma_start3A_34 = arith.constant 0 : i32
      %dma_start3A_35 = arith.constant 0 : i32
      %dma_start3A_36 = tpu.memref_slice %arg12[%dma_start3A_34, %dma_start3A_35] : memref<128x128xf32, #tpu.memory_space<vmem>> -> memref<128x128xf32, #tpu.memory_space<vmem>>
      tpu.enqueue_dma source(%dma_start3A_36 : memref<128x128xf32, #tpu.memory_space<vmem>>) target(%dma_start3A_33 : memref<128x128xf32, #tpu.memory_space<vmem_shared>>) target_semaphore(%run_scoped3A : memref<!tpu.dma_semaphore, #tpu.memory_space<semaphore_mem>>)
      %dma_wait3A = arith.constant 0 : i32
      %dma_wait3A_37 = arith.constant 0 : i32
      %dma_wait3A_38 = tpu.memref_slice %arg12[%dma_wait3A, %dma_wait3A_37] : memref<128x128xf32, #tpu.memory_space<vmem>> -> memref<128x128xf32, #tpu.memory_space<vmem>>
      %dma_wait3A_39 = arith.constant 0 : i32
      %dma_wait3A_40 = tpu.memref_slice %arg11[%add3A_5, %dma_wait3A_39] : memref<10112x128xf32, #tpu.memory_space<vmem_shared>> -> memref<128x128xf32, #tpu.memory_space<vmem_shared>>
      %dma_wait3A_41 = arith.constant 0 : i32
      %dma_wait3A_42 = tpu.memref_slice %arg11[%add3A_5, %dma_wait3A_41] : memref<10112x128xf32, #tpu.memory_space<vmem_shared>> -> memref<128x128xf32, #tpu.memory_space<vmem_shared>>
      %dma_wait3A_43 = arith.constant 0 : i32
      %dma_wait3A_44 = arith.constant 0 : i32
      %dma_wait3A_45 = tpu.memref_slice %arg12[%dma_wait3A_43, %dma_wait3A_44] : memref<128x128xf32, #tpu.memory_space<vmem>> -> memref<128x128xf32, #tpu.memory_space<vmem>>
      tpu.wait_dma2 semaphore(%run_scoped3A : memref<!tpu.dma_semaphore, #tpu.memory_space<semaphore_mem>>) src(%dma_wait3A_45 : memref<128x128xf32, #tpu.memory_space<vmem>>) dst(%dma_wait3A_42 : memref<128x128xf32, #tpu.memory_space<vmem_shared>>)
      tpu.yield
    }) : () -> ()
    %add3A_6 = arith.constant 384 : i32
    %add3A_7 = arith.addi %mul3A_0, %add3A_6 : i32
    "tpu.region"() ({
      %run_scoped3A = tpu.sem_alloc : memref<!tpu.dma_semaphore, #tpu.memory_space<semaphore_mem>>
      %dma_start3A = arith.constant 0 : i32
      %dma_start3A_28 = arith.constant 0 : i32
      %dma_start3A_29 = tpu.memref_slice %arg12[%dma_start3A, %dma_start3A_28] : memref<128x128xf32, #tpu.memory_space<vmem>> -> memref<128x128xf32, #tpu.memory_space<vmem>>
      %dma_start3A_30 = arith.constant 0 : i32
      %dma_start3A_31 = tpu.memref_slice %arg11[%add3A_7, %dma_start3A_30] : memref<10112x128xf32, #tpu.memory_space<vmem_shared>> -> memref<128x128xf32, #tpu.memory_space<vmem_shared>>
      %dma_start3A_32 = arith.constant 0 : i32
      %dma_start3A_33 = tpu.memref_slice %arg11[%add3A_7, %dma_start3A_32] : memref<10112x128xf32, #tpu.memory_space<vmem_shared>> -> memref<128x128xf32, #tpu.memory_space<vmem_shared>>
      %dma_start3A_34 = arith.constant 0 : i32
      %dma_start3A_35 = arith.constant 0 : i32
      %dma_start3A_36 = tpu.memref_slice %arg12[%dma_start3A_34, %dma_start3A_35] : memref<128x128xf32, #tpu.memory_space<vmem>> -> memref<128x128xf32, #tpu.memory_space<vmem>>
      tpu.enqueue_dma source(%dma_start3A_36 : memref<128x128xf32, #tpu.memory_space<vmem>>) target(%dma_start3A_33 : memref<128x128xf32, #tpu.memory_space<vmem_shared>>) target_semaphore(%run_scoped3A : memref<!tpu.dma_semaphore, #tpu.memory_space<semaphore_mem>>)
      %dma_wait3A = arith.constant 0 : i32
      %dma_wait3A_37 = arith.constant 0 : i32
      %dma_wait3A_38 = tpu.memref_slice %arg12[%dma_wait3A, %dma_wait3A_37] : memref<128x128xf32, #tpu.memory_space<vmem>> -> memref<128x128xf32, #tpu.memory_space<vmem>>
      %dma_wait3A_39 = arith.constant 0 : i32
      %dma_wait3A_40 = tpu.memref_slice %arg11[%add3A_7, %dma_wait3A_39] : memref<10112x128xf32, #tpu.memory_space<vmem_shared>> -> memref<128x128xf32, #tpu.memory_space<vmem_shared>>
      %dma_wait3A_41 = arith.constant 0 : i32
      %dma_wait3A_42 = tpu.memref_slice %arg11[%add3A_7, %dma_wait3A_41] : memref<10112x128xf32, #tpu.memory_space<vmem_shared>> -> memref<128x128xf32, #tpu.memory_space<vmem_shared>>
      %dma_wait3A_43 = arith.constant 0 : i32
      %dma_wait3A_44 = arith.constant 0 : i32
      %dma_wait3A_45 = tpu.memref_slice %arg12[%dma_wait3A_43, %dma_wait3A_44] : memref<128x128xf32, #tpu.memory_space<vmem>> -> memref<128x128xf32, #tpu.memory_space<vmem>>
      tpu.wait_dma2 semaphore(%run_scoped3A : memref<!tpu.dma_semaphore, #tpu.memory_space<semaphore_mem>>) src(%dma_wait3A_45 : memref<128x128xf32, #tpu.memory_space<vmem>>) dst(%dma_wait3A_42 : memref<128x128xf32, #tpu.memory_space<vmem_shared>>)
      tpu.yield
    }) : () -> ()
    %add3A_8 = arith.constant 512 : i32
    %add3A_9 = arith.addi %mul3A_0, %add3A_8 : i32
    "tpu.region"() ({
      %run_scoped3A = tpu.sem_alloc : memref<!tpu.dma_semaphore, #tpu.memory_space<semaphore_mem>>
      %dma_start3A = arith.constant 0 : i32
      %dma_start3A_28 = arith.constant 0 : i32
      %dma_start3A_29 = tpu.memref_slice %arg12[%dma_start3A, %dma_start3A_28] : memref<128x128xf32, #tpu.memory_space<vmem>> -> memref<120x128xf32, #tpu.memory_space<vmem>>
      %dma_start3A_30 = arith.constant 0 : i32
      %dma_start3A_31 = tpu.memref_slice %arg11[%add3A_9, %dma_start3A_30] : memref<10112x128xf32, #tpu.memory_space<vmem_shared>> -> memref<120x128xf32, #tpu.memory_space<vmem_shared>>
      %dma_start3A_32 = arith.constant 0 : i32
      %dma_start3A_33 = tpu.memref_slice %arg11[%add3A_9, %dma_start3A_32] : memref<10112x128xf32, #tpu.memory_space<vmem_shared>> -> memref<120x128xf32, #tpu.memory_space<vmem_shared>>
      %dma_start3A_34 = arith.constant 0 : i32
      %dma_start3A_35 = arith.constant 0 : i32
      %dma_start3A_36 = tpu.memref_slice %arg12[%dma_start3A_34, %dma_start3A_35] : memref<128x128xf32, #tpu.memory_space<vmem>> -> memref<120x128xf32, #tpu.memory_space<vmem>>
      tpu.enqueue_dma source(%dma_start3A_36 : memref<120x128xf32, #tpu.memory_space<vmem>>) target(%dma_start3A_33 : memref<120x128xf32, #tpu.memory_space<vmem_shared>>) target_semaphore(%run_scoped3A : memref<!tpu.dma_semaphore, #tpu.memory_space<semaphore_mem>>)
      %dma_wait3A = arith.constant 0 : i32
      %dma_wait3A_37 = arith.constant 0 : i32
      %dma_wait3A_38 = tpu.memref_slice %arg12[%dma_wait3A, %dma_wait3A_37] : memref<128x128xf32, #tpu.memory_space<vmem>> -> memref<120x128xf32, #tpu.memory_space<vmem>>
      %dma_wait3A_39 = arith.constant 0 : i32
      %dma_wait3A_40 = tpu.memref_slice %arg11[%add3A_9, %dma_wait3A_39] : memref<10112x128xf32, #tpu.memory_space<vmem_shared>> -> memref<120x128xf32, #tpu.memory_space<vmem_shared>>
      %dma_wait3A_41 = arith.constant 0 : i32
      %dma_wait3A_42 = tpu.memref_slice %arg11[%add3A_9, %dma_wait3A_41] : memref<10112x128xf32, #tpu.memory_space<vmem_shared>> -> memref<120x128xf32, #tpu.memory_space<vmem_shared>>
      %dma_wait3A_43 = arith.constant 0 : i32
      %dma_wait3A_44 = arith.constant 0 : i32
      %dma_wait3A_45 = tpu.memref_slice %arg12[%dma_wait3A_43, %dma_wait3A_44] : memref<128x128xf32, #tpu.memory_space<vmem>> -> memref<120x128xf32, #tpu.memory_space<vmem>>
      tpu.wait_dma2 semaphore(%run_scoped3A : memref<!tpu.dma_semaphore, #tpu.memory_space<semaphore_mem>>) src(%dma_wait3A_45 : memref<120x128xf32, #tpu.memory_space<vmem>>) dst(%dma_wait3A_42 : memref<120x128xf32, #tpu.memory_space<vmem_shared>>)
      tpu.yield
    }) : () -> ()
    %barrier3A = arith.constant 0 : index
    tpu.barrier barrier_id(%barrier3A)
    %eq3A = arith.constant 0 : i32
    %eq3A_10 = arith.cmpi eq, %arg0, %eq3A : i32
    %convert_element_type3A = arith.extui %eq3A_10 : i1 to i32
    %cond3A = arith.constant 0 : i32
    %cond3A_11 = arith.cmpi ne, %convert_element_type3A, %cond3A : i32
    scf.if %cond3A_11 {
      %scan3A = arith.constant 0 : i32
      %scan3A_28 = arith.constant 0 : i32
      %scan3A_29 = arith.constant 157 : i32
      %scan3A_30 = arith.addi %scan3A_28, %scan3A_29 : i32
      %scan3A_31 = arith.constant 1 : i32
      %scan3A_32 = scf.for %scan3A_34 = %scan3A_28 to %scan3A_30 step %scan3A_31 iter_args(%scan3A_35 = %scan3A) -> (i32)  : i32 {
        %mul3A_36 = arith.constant 157 : i32
        %mul3A_37 = arith.muli %arg1, %mul3A_36 : i32
        %add3A_38 = arith.addi %mul3A_37, %scan3A_34 : i32
        %mul3A_39 = arith.constant 128 : i32
        %mul3A_40 = arith.muli %add3A_38, %mul3A_39 : i32
        %multiple_of3A = tpu.assume_multiple %mul3A_40, 128 : i32
        "tpu.region"() ({
          %run_scoped3A = tpu.sem_alloc : memref<!tpu.dma_semaphore, #tpu.memory_space<semaphore_mem>>
          %dma_start3A_46 = tpu.memref_slice %arg4[%multiple_of3A] : memref<321536xi32, #tpu.memory_space<hbm>> -> memref<128xi32, #tpu.memory_space<hbm>>
          %dma_start3A_47 = tpu.memref_slice %arg4[%multiple_of3A] : memref<321536xi32, #tpu.memory_space<hbm>> -> memref<128xi32, #tpu.memory_space<hbm>>
          tpu.enqueue_dma source(%dma_start3A_47 : memref<128xi32, #tpu.memory_space<hbm>>) target(%arg13 : memref<128xi32, #tpu.memory_space<vmem>>) target_semaphore(%run_scoped3A : memref<!tpu.dma_semaphore, #tpu.memory_space<semaphore_mem>>)
          %dma_wait3A_48 = tpu.memref_slice %arg4[%multiple_of3A] : memref<321536xi32, #tpu.memory_space<hbm>> -> memref<128xi32, #tpu.memory_space<hbm>>
          %dma_wait3A_49 = tpu.memref_slice %arg4[%multiple_of3A] : memref<321536xi32, #tpu.memory_space<hbm>> -> memref<128xi32, #tpu.memory_space<hbm>>
          tpu.wait_dma2 semaphore(%run_scoped3A : memref<!tpu.dma_semaphore, #tpu.memory_space<semaphore_mem>>) src(%dma_wait3A_49 : memref<128xi32, #tpu.memory_space<hbm>>) dst(%arg13 : memref<128xi32, #tpu.memory_space<vmem>>)
          tpu.yield
        }) : () -> ()
        "tpu.region"() ({
          %run_scoped3A = tpu.sem_alloc : memref<!tpu.dma_semaphore, #tpu.memory_space<semaphore_mem>>
          %dma_start3A_46 = tpu.memref_slice %arg5[%multiple_of3A] : memref<321536xi32, #tpu.memory_space<hbm>> -> memref<128xi32, #tpu.memory_space<hbm>>
          %dma_start3A_47 = tpu.memref_slice %arg5[%multiple_of3A] : memref<321536xi32, #tpu.memory_space<hbm>> -> memref<128xi32, #tpu.memory_space<hbm>>
          tpu.enqueue_dma source(%dma_start3A_47 : memref<128xi32, #tpu.memory_space<hbm>>) target(%arg14 : memref<128xi32, #tpu.memory_space<vmem>>) target_semaphore(%run_scoped3A : memref<!tpu.dma_semaphore, #tpu.memory_space<semaphore_mem>>)
          %dma_wait3A_48 = tpu.memref_slice %arg5[%multiple_of3A] : memref<321536xi32, #tpu.memory_space<hbm>> -> memref<128xi32, #tpu.memory_space<hbm>>
          %dma_wait3A_49 = tpu.memref_slice %arg5[%multiple_of3A] : memref<321536xi32, #tpu.memory_space<hbm>> -> memref<128xi32, #tpu.memory_space<hbm>>
          tpu.wait_dma2 semaphore(%run_scoped3A : memref<!tpu.dma_semaphore, #tpu.memory_space<semaphore_mem>>) src(%dma_wait3A_49 : memref<128xi32, #tpu.memory_space<hbm>>) dst(%arg14 : memref<128xi32, #tpu.memory_space<vmem>>)
          tpu.yield
        }) : () -> ()
        %dma_start3A = arith.constant 0 : i32
        %dma_start3A_41 = arith.constant 0 : i32
        %dma_start3A_42 = tpu.memref_slice %arg2[%dma_start3A, %dma_start3A_41] : memref<10000x128xf32, #tpu.memory_space<hbm>> -> memref<10000x128xf32, #tpu.memory_space<hbm>>
        tpu.enqueue_indirect_dma source(%dma_start3A_42 : memref<10000x128xf32, #tpu.memory_space<hbm>>) target(%arg12 : memref<128x128xf32, #tpu.memory_space<vmem>>) offsets(%arg13 : memref<128xi32, #tpu.memory_space<vmem>>) semaphore(%arg15 : memref<!tpu.dma_semaphore, #tpu.memory_space<semaphore_mem>>)
        %dma_wait3A = arith.constant 0 : i32
        %dma_wait3A_43 = arith.constant 0 : i32
        %dma_wait3A_44 = tpu.memref_slice %arg2[%dma_wait3A, %dma_wait3A_43] : memref<10000x128xf32, #tpu.memory_space<hbm>> -> memref<10000x128xf32, #tpu.memory_space<hbm>>
        tpu.wait_indirect_dma semaphore(%arg15 : memref<!tpu.dma_semaphore, #tpu.memory_space<semaphore_mem>>) src(%dma_wait3A_44 : memref<10000x128xf32, #tpu.memory_space<hbm>>) dst(%arg12 : memref<128x128xf32, #tpu.memory_space<vmem>>)
        "tpu.region"() ({
          %run_scoped3A = tpu.sem_alloc : memref<!tpu.dma_semaphore, #tpu.memory_space<semaphore_mem>>
          %dma_start3A_46 = arith.constant 0 : i32
          %dma_start3A_47 = arith.constant 0 : i32
          %dma_start3A_48 = tpu.memref_slice %arg11[%dma_start3A_46, %dma_start3A_47] : memref<10112x128xf32, #tpu.memory_space<vmem_shared>> -> memref<10112x128xf32, #tpu.memory_space<vmem_shared>>
          tpu.enqueue_indirect_dma source(%arg12 : memref<128x128xf32, #tpu.memory_space<vmem>>) target(%dma_start3A_48 : memref<10112x128xf32, #tpu.memory_space<vmem_shared>>) offsets(%arg14 : memref<128xi32, #tpu.memory_space<vmem>>) semaphore(%run_scoped3A : memref<!tpu.dma_semaphore, #tpu.memory_space<semaphore_mem>>) {add = true}
          %dma_wait3A_49 = arith.constant 0 : i32
          %dma_wait3A_50 = arith.constant 0 : i32
          %dma_wait3A_51 = tpu.memref_slice %arg11[%dma_wait3A_49, %dma_wait3A_50] : memref<10112x128xf32, #tpu.memory_space<vmem_shared>> -> memref<10112x128xf32, #tpu.memory_space<vmem_shared>>
          tpu.wait_indirect_dma semaphore(%run_scoped3A : memref<!tpu.dma_semaphore, #tpu.memory_space<semaphore_mem>>) src(%arg12 : memref<128x128xf32, #tpu.memory_space<vmem>>) dst(%dma_wait3A_51 : memref<10112x128xf32, #tpu.memory_space<vmem_shared>>)
          tpu.yield
        }) : () -> ()
        %scan3A_45 = arith.constant 0 : i32
        scf.yield %scan3A_45 : i32
      }
      %scan3A_33 = arith.constant 157 : i32
    } else {
    }
    %eq3A_12 = arith.constant 1 : i32
    %eq3A_13 = arith.cmpi eq, %arg0, %eq3A_12 : i32
    %convert_element_type3A_14 = arith.extui %eq3A_13 : i1 to i32
    %cond3A_15 = arith.constant 0 : i32
    %cond3A_16 = arith.cmpi ne, %convert_element_type3A_14, %cond3A_15 : i32
    scf.if %cond3A_16 {
      %scan3A = arith.constant 0 : i32
      %scan3A_28 = arith.constant 0 : i32
      %scan3A_29 = arith.constant 157 : i32
      %scan3A_30 = arith.addi %scan3A_28, %scan3A_29 : i32
      %scan3A_31 = arith.constant 1 : i32
      %scan3A_32 = scf.for %scan3A_34 = %scan3A_28 to %scan3A_30 step %scan3A_31 iter_args(%scan3A_35 = %scan3A) -> (i32)  : i32 {
        %mul3A_36 = arith.constant 157 : i32
        %mul3A_37 = arith.muli %arg1, %mul3A_36 : i32
        %add3A_38 = arith.addi %mul3A_37, %scan3A_34 : i32
        %mul3A_39 = arith.constant 128 : i32
        %mul3A_40 = arith.muli %add3A_38, %mul3A_39 : i32
        %multiple_of3A = tpu.assume_multiple %mul3A_40, 128 : i32
        "tpu.region"() ({
          %run_scoped3A = tpu.sem_alloc : memref<!tpu.dma_semaphore, #tpu.memory_space<semaphore_mem>>
          %dma_start3A_46 = tpu.memref_slice %arg6[%multiple_of3A] : memref<321536xi32, #tpu.memory_space<hbm>> -> memref<128xi32, #tpu.memory_space<hbm>>
          %dma_start3A_47 = tpu.memref_slice %arg6[%multiple_of3A] : memref<321536xi32, #tpu.memory_space<hbm>> -> memref<128xi32, #tpu.memory_space<hbm>>
          tpu.enqueue_dma source(%dma_start3A_47 : memref<128xi32, #tpu.memory_space<hbm>>) target(%arg13 : memref<128xi32, #tpu.memory_space<vmem>>) target_semaphore(%run_scoped3A : memref<!tpu.dma_semaphore, #tpu.memory_space<semaphore_mem>>)
          %dma_wait3A_48 = tpu.memref_slice %arg6[%multiple_of3A] : memref<321536xi32, #tpu.memory_space<hbm>> -> memref<128xi32, #tpu.memory_space<hbm>>
          %dma_wait3A_49 = tpu.memref_slice %arg6[%multiple_of3A] : memref<321536xi32, #tpu.memory_space<hbm>> -> memref<128xi32, #tpu.memory_space<hbm>>
          tpu.wait_dma2 semaphore(%run_scoped3A : memref<!tpu.dma_semaphore, #tpu.memory_space<semaphore_mem>>) src(%dma_wait3A_49 : memref<128xi32, #tpu.memory_space<hbm>>) dst(%arg13 : memref<128xi32, #tpu.memory_space<vmem>>)
          tpu.yield
        }) : () -> ()
        "tpu.region"() ({
          %run_scoped3A = tpu.sem_alloc : memref<!tpu.dma_semaphore, #tpu.memory_space<semaphore_mem>>
          %dma_start3A_46 = tpu.memref_slice %arg7[%multiple_of3A] : memref<321536xi32, #tpu.memory_space<hbm>> -> memref<128xi32, #tpu.memory_space<hbm>>
          %dma_start3A_47 = tpu.memref_slice %arg7[%multiple_of3A] : memref<321536xi32, #tpu.memory_space<hbm>> -> memref<128xi32, #tpu.memory_space<hbm>>
          tpu.enqueue_dma source(%dma_start3A_47 : memref<128xi32, #tpu.memory_space<hbm>>) target(%arg14 : memref<128xi32, #tpu.memory_space<vmem>>) target_semaphore(%run_scoped3A : memref<!tpu.dma_semaphore, #tpu.memory_space<semaphore_mem>>)
          %dma_wait3A_48 = tpu.memref_slice %arg7[%multiple_of3A] : memref<321536xi32, #tpu.memory_space<hbm>> -> memref<128xi32, #tpu.memory_space<hbm>>
          %dma_wait3A_49 = tpu.memref_slice %arg7[%multiple_of3A] : memref<321536xi32, #tpu.memory_space<hbm>> -> memref<128xi32, #tpu.memory_space<hbm>>
          tpu.wait_dma2 semaphore(%run_scoped3A : memref<!tpu.dma_semaphore, #tpu.memory_space<semaphore_mem>>) src(%dma_wait3A_49 : memref<128xi32, #tpu.memory_space<hbm>>) dst(%arg14 : memref<128xi32, #tpu.memory_space<vmem>>)
          tpu.yield
        }) : () -> ()
        %dma_start3A = arith.constant 0 : i32
        %dma_start3A_41 = arith.constant 0 : i32
        %dma_start3A_42 = tpu.memref_slice %arg3[%dma_start3A, %dma_start3A_41] : memref<10000x128xf32, #tpu.memory_space<hbm>> -> memref<10000x128xf32, #tpu.memory_space<hbm>>
        tpu.enqueue_indirect_dma source(%dma_start3A_42 : memref<10000x128xf32, #tpu.memory_space<hbm>>) target(%arg12 : memref<128x128xf32, #tpu.memory_space<vmem>>) offsets(%arg13 : memref<128xi32, #tpu.memory_space<vmem>>) semaphore(%arg15 : memref<!tpu.dma_semaphore, #tpu.memory_space<semaphore_mem>>)
        %dma_wait3A = arith.constant 0 : i32
        %dma_wait3A_43 = arith.constant 0 : i32
        %dma_wait3A_44 = tpu.memref_slice %arg3[%dma_wait3A, %dma_wait3A_43] : memref<10000x128xf32, #tpu.memory_space<hbm>> -> memref<10000x128xf32, #tpu.memory_space<hbm>>
        tpu.wait_indirect_dma semaphore(%arg15 : memref<!tpu.dma_semaphore, #tpu.memory_space<semaphore_mem>>) src(%dma_wait3A_44 : memref<10000x128xf32, #tpu.memory_space<hbm>>) dst(%arg12 : memref<128x128xf32, #tpu.memory_space<vmem>>)
        "tpu.region"() ({
          %run_scoped3A = tpu.sem_alloc : memref<!tpu.dma_semaphore, #tpu.memory_space<semaphore_mem>>
          %dma_start3A_46 = arith.constant 0 : i32
          %dma_start3A_47 = arith.constant 0 : i32
          %dma_start3A_48 = tpu.memref_slice %arg11[%dma_start3A_46, %dma_start3A_47] : memref<10112x128xf32, #tpu.memory_space<vmem_shared>> -> memref<10112x128xf32, #tpu.memory_space<vmem_shared>>
          tpu.enqueue_indirect_dma source(%arg12 : memref<128x128xf32, #tpu.memory_space<vmem>>) target(%dma_start3A_48 : memref<10112x128xf32, #tpu.memory_space<vmem_shared>>) offsets(%arg14 : memref<128xi32, #tpu.memory_space<vmem>>) semaphore(%run_scoped3A : memref<!tpu.dma_semaphore, #tpu.memory_space<semaphore_mem>>) {add = true}
          %dma_wait3A_49 = arith.constant 0 : i32
          %dma_wait3A_50 = arith.constant 0 : i32
          %dma_wait3A_51 = tpu.memref_slice %arg11[%dma_wait3A_49, %dma_wait3A_50] : memref<10112x128xf32, #tpu.memory_space<vmem_shared>> -> memref<10112x128xf32, #tpu.memory_space<vmem_shared>>
          tpu.wait_indirect_dma semaphore(%run_scoped3A : memref<!tpu.dma_semaphore, #tpu.memory_space<semaphore_mem>>) src(%arg12 : memref<128x128xf32, #tpu.memory_space<vmem>>) dst(%dma_wait3A_51 : memref<10112x128xf32, #tpu.memory_space<vmem_shared>>)
          tpu.yield
        }) : () -> ()
        %scan3A_45 = arith.constant 0 : i32
        scf.yield %scan3A_45 : i32
      }
      %scan3A_33 = arith.constant 157 : i32
    } else {
    }
    %barrier3A_17 = arith.constant 0 : index
    tpu.barrier barrier_id(%barrier3A_17)
    %eq3A_18 = arith.constant 0 : i32
    %eq3A_19 = arith.cmpi eq, %arg0, %eq3A_18 : i32
    %convert_element_type3A_20 = arith.extui %eq3A_19 : i1 to i32
    %cond3A_21 = arith.constant 0 : i32
    %cond3A_22 = arith.cmpi ne, %convert_element_type3A_20, %cond3A_21 : i32
    scf.if %cond3A_22 {
      %add3A_28 = arith.constant 0 : i32
      %add3A_29 = arith.addi %mul3A_0, %add3A_28 : i32
      "tpu.region"() ({
        %run_scoped3A = tpu.sem_alloc : memref<!tpu.dma_semaphore, #tpu.memory_space<semaphore_mem>>
        %dma_start3A = arith.constant 0 : i32
        %dma_start3A_48 = arith.constant 0 : i32
        %dma_start3A_49 = tpu.memref_slice %arg12[%dma_start3A, %dma_start3A_48] : memref<128x128xf32, #tpu.memory_space<vmem>> -> memref<128x128xf32, #tpu.memory_space<vmem>>
        %dma_start3A_50 = arith.constant 0 : i32
        %dma_start3A_51 = tpu.memref_slice %arg11[%add3A_29, %dma_start3A_50] : memref<10112x128xf32, #tpu.memory_space<vmem_shared>> -> memref<128x128xf32, #tpu.memory_space<vmem_shared>>
        %dma_start3A_52 = arith.constant 0 : i32
        %dma_start3A_53 = arith.constant 0 : i32
        %dma_start3A_54 = tpu.memref_slice %arg12[%dma_start3A_52, %dma_start3A_53] : memref<128x128xf32, #tpu.memory_space<vmem>> -> memref<128x128xf32, #tpu.memory_space<vmem>>
        %dma_start3A_55 = arith.constant 0 : i32
        %dma_start3A_56 = tpu.memref_slice %arg11[%add3A_29, %dma_start3A_55] : memref<10112x128xf32, #tpu.memory_space<vmem_shared>> -> memref<128x128xf32, #tpu.memory_space<vmem_shared>>
        tpu.enqueue_dma source(%dma_start3A_56 : memref<128x128xf32, #tpu.memory_space<vmem_shared>>) target(%dma_start3A_54 : memref<128x128xf32, #tpu.memory_space<vmem>>) target_semaphore(%run_scoped3A : memref<!tpu.dma_semaphore, #tpu.memory_space<semaphore_mem>>)
        %dma_wait3A = arith.constant 0 : i32
        %dma_wait3A_57 = arith.constant 0 : i32
        %dma_wait3A_58 = tpu.memref_slice %arg12[%dma_wait3A, %dma_wait3A_57] : memref<128x128xf32, #tpu.memory_space<vmem>> -> memref<128x128xf32, #tpu.memory_space<vmem>>
        %dma_wait3A_59 = arith.constant 0 : i32
        %dma_wait3A_60 = tpu.memref_slice %arg11[%add3A_29, %dma_wait3A_59] : memref<10112x128xf32, #tpu.memory_space<vmem_shared>> -> memref<128x128xf32, #tpu.memory_space<vmem_shared>>
        %dma_wait3A_61 = arith.constant 0 : i32
        %dma_wait3A_62 = arith.constant 0 : i32
        %dma_wait3A_63 = tpu.memref_slice %arg12[%dma_wait3A_61, %dma_wait3A_62] : memref<128x128xf32, #tpu.memory_space<vmem>> -> memref<128x128xf32, #tpu.memory_space<vmem>>
        %dma_wait3A_64 = arith.constant 0 : i32
        %dma_wait3A_65 = tpu.memref_slice %arg11[%add3A_29, %dma_wait3A_64] : memref<10112x128xf32, #tpu.memory_space<vmem_shared>> -> memref<128x128xf32, #tpu.memory_space<vmem_shared>>
        tpu.wait_dma2 semaphore(%run_scoped3A : memref<!tpu.dma_semaphore, #tpu.memory_space<semaphore_mem>>) src(%dma_wait3A_65 : memref<128x128xf32, #tpu.memory_space<vmem_shared>>) dst(%dma_wait3A_63 : memref<128x128xf32, #tpu.memory_space<vmem>>)
        tpu.yield
      }) : () -> ()
      %add3A_30 = arith.constant 0 : i32
      %add3A_31 = arith.addi %mul3A_0, %add3A_30 : i32
      "tpu.region"() ({
        %run_scoped3A = tpu.sem_alloc : memref<!tpu.dma_semaphore, #tpu.memory_space<semaphore_mem>>
        %dma_start3A = arith.constant 0 : i32
        %dma_start3A_48 = arith.constant 0 : i32
        %dma_start3A_49 = tpu.memref_slice %arg12[%dma_start3A, %dma_start3A_48] : memref<128x128xf32, #tpu.memory_space<vmem>> -> memref<128x128xf32, #tpu.memory_space<vmem>>
        %dma_start3A_50 = arith.constant 0 : i32
        %dma_start3A_51 = tpu.memref_slice %arg9[%add3A_31, %dma_start3A_50] : memref<10112x128xf32, #tpu.memory_space<hbm>> -> memref<128x128xf32, #tpu.memory_space<hbm>>
        %dma_start3A_52 = arith.constant 0 : i32
        %dma_start3A_53 = tpu.memref_slice %arg9[%add3A_31, %dma_start3A_52] : memref<10112x128xf32, #tpu.memory_space<hbm>> -> memref<128x128xf32, #tpu.memory_space<hbm>>
        %dma_start3A_54 = arith.constant 0 : i32
        %dma_start3A_55 = arith.constant 0 : i32
        %dma_start3A_56 = tpu.memref_slice %arg12[%dma_start3A_54, %dma_start3A_55] : memref<128x128xf32, #tpu.memory_space<vmem>> -> memref<128x128xf32, #tpu.memory_space<vmem>>
        tpu.enqueue_dma source(%dma_start3A_56 : memref<128x128xf32, #tpu.memory_space<vmem>>) target(%dma_start3A_53 : memref<128x128xf32, #tpu.memory_space<hbm>>) target_semaphore(%run_scoped3A : memref<!tpu.dma_semaphore, #tpu.memory_space<semaphore_mem>>)
        %dma_wait3A = arith.constant 0 : i32
        %dma_wait3A_57 = arith.constant 0 : i32
        %dma_wait3A_58 = tpu.memref_slice %arg12[%dma_wait3A, %dma_wait3A_57] : memref<128x128xf32, #tpu.memory_space<vmem>> -> memref<128x128xf32, #tpu.memory_space<vmem>>
        %dma_wait3A_59 = arith.constant 0 : i32
        %dma_wait3A_60 = tpu.memref_slice %arg9[%add3A_31, %dma_wait3A_59] : memref<10112x128xf32, #tpu.memory_space<hbm>> -> memref<128x128xf32, #tpu.memory_space<hbm>>
        %dma_wait3A_61 = arith.constant 0 : i32
        %dma_wait3A_62 = tpu.memref_slice %arg9[%add3A_31, %dma_wait3A_61] : memref<10112x128xf32, #tpu.memory_space<hbm>> -> memref<128x128xf32, #tpu.memory_space<hbm>>
        %dma_wait3A_63 = arith.constant 0 : i32
        %dma_wait3A_64 = arith.constant 0 : i32
        %dma_wait3A_65 = tpu.memref_slice %arg12[%dma_wait3A_63, %dma_wait3A_64] : memref<128x128xf32, #tpu.memory_space<vmem>> -> memref<128x128xf32, #tpu.memory_space<vmem>>
        tpu.wait_dma2 semaphore(%run_scoped3A : memref<!tpu.dma_semaphore, #tpu.memory_space<semaphore_mem>>) src(%dma_wait3A_65 : memref<128x128xf32, #tpu.memory_space<vmem>>) dst(%dma_wait3A_62 : memref<128x128xf32, #tpu.memory_space<hbm>>)
        tpu.yield
      }) : () -> ()
      %add3A_32 = arith.constant 128 : i32
      %add3A_33 = arith.addi %mul3A_0, %add3A_32 : i32
      "tpu.region"() ({
        %run_scoped3A = tpu.sem_alloc : memref<!tpu.dma_semaphore, #tpu.memory_space<semaphore_mem>>
        %dma_start3A = arith.constant 0 : i32
        %dma_start3A_48 = arith.constant 0 : i32
        %dma_start3A_49 = tpu.memref_slice %arg12[%dma_start3A, %dma_start3A_48] : memref<128x128xf32, #tpu.memory_space<vmem>> -> memref<128x128xf32, #tpu.memory_space<vmem>>
        %dma_start3A_50 = arith.constant 0 : i32
        %dma_start3A_51 = tpu.memref_slice %arg11[%add3A_33, %dma_start3A_50] : memref<10112x128xf32, #tpu.memory_space<vmem_shared>> -> memref<128x128xf32, #tpu.memory_space<vmem_shared>>
        %dma_start3A_52 = arith.constant 0 : i32
        %dma_start3A_53 = arith.constant 0 : i32
        %dma_start3A_54 = tpu.memref_slice %arg12[%dma_start3A_52, %dma_start3A_53] : memref<128x128xf32, #tpu.memory_space<vmem>> -> memref<128x128xf32, #tpu.memory_space<vmem>>
        %dma_start3A_55 = arith.constant 0 : i32
        %dma_start3A_56 = tpu.memref_slice %arg11[%add3A_33, %dma_start3A_55] : memref<10112x128xf32, #tpu.memory_space<vmem_shared>> -> memref<128x128xf32, #tpu.memory_space<vmem_shared>>
        tpu.enqueue_dma source(%dma_start3A_56 : memref<128x128xf32, #tpu.memory_space<vmem_shared>>) target(%dma_start3A_54 : memref<128x128xf32, #tpu.memory_space<vmem>>) target_semaphore(%run_scoped3A : memref<!tpu.dma_semaphore, #tpu.memory_space<semaphore_mem>>)
        %dma_wait3A = arith.constant 0 : i32
        %dma_wait3A_57 = arith.constant 0 : i32
        %dma_wait3A_58 = tpu.memref_slice %arg12[%dma_wait3A, %dma_wait3A_57] : memref<128x128xf32, #tpu.memory_space<vmem>> -> memref<128x128xf32, #tpu.memory_space<vmem>>
        %dma_wait3A_59 = arith.constant 0 : i32
        %dma_wait3A_60 = tpu.memref_slice %arg11[%add3A_33, %dma_wait3A_59] : memref<10112x128xf32, #tpu.memory_space<vmem_shared>> -> memref<128x128xf32, #tpu.memory_space<vmem_shared>>
        %dma_wait3A_61 = arith.constant 0 : i32
        %dma_wait3A_62 = arith.constant 0 : i32
        %dma_wait3A_63 = tpu.memref_slice %arg12[%dma_wait3A_61, %dma_wait3A_62] : memref<128x128xf32, #tpu.memory_space<vmem>> -> memref<128x128xf32, #tpu.memory_space<vmem>>
        %dma_wait3A_64 = arith.constant 0 : i32
        %dma_wait3A_65 = tpu.memref_slice %arg11[%add3A_33, %dma_wait3A_64] : memref<10112x128xf32, #tpu.memory_space<vmem_shared>> -> memref<128x128xf32, #tpu.memory_space<vmem_shared>>
        tpu.wait_dma2 semaphore(%run_scoped3A : memref<!tpu.dma_semaphore, #tpu.memory_space<semaphore_mem>>) src(%dma_wait3A_65 : memref<128x128xf32, #tpu.memory_space<vmem_shared>>) dst(%dma_wait3A_63 : memref<128x128xf32, #tpu.memory_space<vmem>>)
        tpu.yield
      }) : () -> ()
      %add3A_34 = arith.constant 128 : i32
      %add3A_35 = arith.addi %mul3A_0, %add3A_34 : i32
      "tpu.region"() ({
        %run_scoped3A = tpu.sem_alloc : memref<!tpu.dma_semaphore, #tpu.memory_space<semaphore_mem>>
        %dma_start3A = arith.constant 0 : i32
        %dma_start3A_48 = arith.constant 0 : i32
        %dma_start3A_49 = tpu.memref_slice %arg12[%dma_start3A, %dma_start3A_48] : memref<128x128xf32, #tpu.memory_space<vmem>> -> memref<128x128xf32, #tpu.memory_space<vmem>>
        %dma_start3A_50 = arith.constant 0 : i32
        %dma_start3A_51 = tpu.memref_slice %arg9[%add3A_35, %dma_start3A_50] : memref<10112x128xf32, #tpu.memory_space<hbm>> -> memref<128x128xf32, #tpu.memory_space<hbm>>
        %dma_start3A_52 = arith.constant 0 : i32
        %dma_start3A_53 = tpu.memref_slice %arg9[%add3A_35, %dma_start3A_52] : memref<10112x128xf32, #tpu.memory_space<hbm>> -> memref<128x128xf32, #tpu.memory_space<hbm>>
        %dma_start3A_54 = arith.constant 0 : i32
        %dma_start3A_55 = arith.constant 0 : i32
        %dma_start3A_56 = tpu.memref_slice %arg12[%dma_start3A_54, %dma_start3A_55] : memref<128x128xf32, #tpu.memory_space<vmem>> -> memref<128x128xf32, #tpu.memory_space<vmem>>
        tpu.enqueue_dma source(%dma_start3A_56 : memref<128x128xf32, #tpu.memory_space<vmem>>) target(%dma_start3A_53 : memref<128x128xf32, #tpu.memory_space<hbm>>) target_semaphore(%run_scoped3A : memref<!tpu.dma_semaphore, #tpu.memory_space<semaphore_mem>>)
        %dma_wait3A = arith.constant 0 : i32
        %dma_wait3A_57 = arith.constant 0 : i32
        %dma_wait3A_58 = tpu.memref_slice %arg12[%dma_wait3A, %dma_wait3A_57] : memref<128x128xf32, #tpu.memory_space<vmem>> -> memref<128x128xf32, #tpu.memory_space<vmem>>
        %dma_wait3A_59 = arith.constant 0 : i32
        %dma_wait3A_60 = tpu.memref_slice %arg9[%add3A_35, %dma_wait3A_59] : memref<10112x128xf32, #tpu.memory_space<hbm>> -> memref<128x128xf32, #tpu.memory_space<hbm>>
        %dma_wait3A_61 = arith.constant 0 : i32
        %dma_wait3A_62 = tpu.memref_slice %arg9[%add3A_35, %dma_wait3A_61] : memref<10112x128xf32, #tpu.memory_space<hbm>> -> memref<128x128xf32, #tpu.memory_space<hbm>>
        %dma_wait3A_63 = arith.constant 0 : i32
        %dma_wait3A_64 = arith.constant 0 : i32
        %dma_wait3A_65 = tpu.memref_slice %arg12[%dma_wait3A_63, %dma_wait3A_64] : memref<128x128xf32, #tpu.memory_space<vmem>> -> memref<128x128xf32, #tpu.memory_space<vmem>>
        tpu.wait_dma2 semaphore(%run_scoped3A : memref<!tpu.dma_semaphore, #tpu.memory_space<semaphore_mem>>) src(%dma_wait3A_65 : memref<128x128xf32, #tpu.memory_space<vmem>>) dst(%dma_wait3A_62 : memref<128x128xf32, #tpu.memory_space<hbm>>)
        tpu.yield
      }) : () -> ()
      %add3A_36 = arith.constant 256 : i32
      %add3A_37 = arith.addi %mul3A_0, %add3A_36 : i32
      "tpu.region"() ({
        %run_scoped3A = tpu.sem_alloc : memref<!tpu.dma_semaphore, #tpu.memory_space<semaphore_mem>>
        %dma_start3A = arith.constant 0 : i32
        %dma_start3A_48 = arith.constant 0 : i32
        %dma_start3A_49 = tpu.memref_slice %arg12[%dma_start3A, %dma_start3A_48] : memref<128x128xf32, #tpu.memory_space<vmem>> -> memref<128x128xf32, #tpu.memory_space<vmem>>
        %dma_start3A_50 = arith.constant 0 : i32
        %dma_start3A_51 = tpu.memref_slice %arg11[%add3A_37, %dma_start3A_50] : memref<10112x128xf32, #tpu.memory_space<vmem_shared>> -> memref<128x128xf32, #tpu.memory_space<vmem_shared>>
        %dma_start3A_52 = arith.constant 0 : i32
        %dma_start3A_53 = arith.constant 0 : i32
        %dma_start3A_54 = tpu.memref_slice %arg12[%dma_start3A_52, %dma_start3A_53] : memref<128x128xf32, #tpu.memory_space<vmem>> -> memref<128x128xf32, #tpu.memory_space<vmem>>
        %dma_start3A_55 = arith.constant 0 : i32
        %dma_start3A_56 = tpu.memref_slice %arg11[%add3A_37, %dma_start3A_55] : memref<10112x128xf32, #tpu.memory_space<vmem_shared>> -> memref<128x128xf32, #tpu.memory_space<vmem_shared>>
        tpu.enqueue_dma source(%dma_start3A_56 : memref<128x128xf32, #tpu.memory_space<vmem_shared>>) target(%dma_start3A_54 : memref<128x128xf32, #tpu.memory_space<vmem>>) target_semaphore(%run_scoped3A : memref<!tpu.dma_semaphore, #tpu.memory_space<semaphore_mem>>)
        %dma_wait3A = arith.constant 0 : i32
        %dma_wait3A_57 = arith.constant 0 : i32
        %dma_wait3A_58 = tpu.memref_slice %arg12[%dma_wait3A, %dma_wait3A_57] : memref<128x128xf32, #tpu.memory_space<vmem>> -> memref<128x128xf32, #tpu.memory_space<vmem>>
        %dma_wait3A_59 = arith.constant 0 : i32
        %dma_wait3A_60 = tpu.memref_slice %arg11[%add3A_37, %dma_wait3A_59] : memref<10112x128xf32, #tpu.memory_space<vmem_shared>> -> memref<128x128xf32, #tpu.memory_space<vmem_shared>>
        %dma_wait3A_61 = arith.constant 0 : i32
        %dma_wait3A_62 = arith.constant 0 : i32
        %dma_wait3A_63 = tpu.memref_slice %arg12[%dma_wait3A_61, %dma_wait3A_62] : memref<128x128xf32, #tpu.memory_space<vmem>> -> memref<128x128xf32, #tpu.memory_space<vmem>>
        %dma_wait3A_64 = arith.constant 0 : i32
        %dma_wait3A_65 = tpu.memref_slice %arg11[%add3A_37, %dma_wait3A_64] : memref<10112x128xf32, #tpu.memory_space<vmem_shared>> -> memref<128x128xf32, #tpu.memory_space<vmem_shared>>
        tpu.wait_dma2 semaphore(%run_scoped3A : memref<!tpu.dma_semaphore, #tpu.memory_space<semaphore_mem>>) src(%dma_wait3A_65 : memref<128x128xf32, #tpu.memory_space<vmem_shared>>) dst(%dma_wait3A_63 : memref<128x128xf32, #tpu.memory_space<vmem>>)
        tpu.yield
      }) : () -> ()
      %add3A_38 = arith.constant 256 : i32
      %add3A_39 = arith.addi %mul3A_0, %add3A_38 : i32
      "tpu.region"() ({
        %run_scoped3A = tpu.sem_alloc : memref<!tpu.dma_semaphore, #tpu.memory_space<semaphore_mem>>
        %dma_start3A = arith.constant 0 : i32
        %dma_start3A_48 = arith.constant 0 : i32
        %dma_start3A_49 = tpu.memref_slice %arg12[%dma_start3A, %dma_start3A_48] : memref<128x128xf32, #tpu.memory_space<vmem>> -> memref<128x128xf32, #tpu.memory_space<vmem>>
        %dma_start3A_50 = arith.constant 0 : i32
        %dma_start3A_51 = tpu.memref_slice %arg9[%add3A_39, %dma_start3A_50] : memref<10112x128xf32, #tpu.memory_space<hbm>> -> memref<128x128xf32, #tpu.memory_space<hbm>>
        %dma_start3A_52 = arith.constant 0 : i32
        %dma_start3A_53 = tpu.memref_slice %arg9[%add3A_39, %dma_start3A_52] : memref<10112x128xf32, #tpu.memory_space<hbm>> -> memref<128x128xf32, #tpu.memory_space<hbm>>
        %dma_start3A_54 = arith.constant 0 : i32
        %dma_start3A_55 = arith.constant 0 : i32
        %dma_start3A_56 = tpu.memref_slice %arg12[%dma_start3A_54, %dma_start3A_55] : memref<128x128xf32, #tpu.memory_space<vmem>> -> memref<128x128xf32, #tpu.memory_space<vmem>>
        tpu.enqueue_dma source(%dma_start3A_56 : memref<128x128xf32, #tpu.memory_space<vmem>>) target(%dma_start3A_53 : memref<128x128xf32, #tpu.memory_space<hbm>>) target_semaphore(%run_scoped3A : memref<!tpu.dma_semaphore, #tpu.memory_space<semaphore_mem>>)
        %dma_wait3A = arith.constant 0 : i32
        %dma_wait3A_57 = arith.constant 0 : i32
        %dma_wait3A_58 = tpu.memref_slice %arg12[%dma_wait3A, %dma_wait3A_57] : memref<128x128xf32, #tpu.memory_space<vmem>> -> memref<128x128xf32, #tpu.memory_space<vmem>>
        %dma_wait3A_59 = arith.constant 0 : i32
        %dma_wait3A_60 = tpu.memref_slice %arg9[%add3A_39, %dma_wait3A_59] : memref<10112x128xf32, #tpu.memory_space<hbm>> -> memref<128x128xf32, #tpu.memory_space<hbm>>
        %dma_wait3A_61 = arith.constant 0 : i32
        %dma_wait3A_62 = tpu.memref_slice %arg9[%add3A_39, %dma_wait3A_61] : memref<10112x128xf32, #tpu.memory_space<hbm>> -> memref<128x128xf32, #tpu.memory_space<hbm>>
        %dma_wait3A_63 = arith.constant 0 : i32
        %dma_wait3A_64 = arith.constant 0 : i32
        %dma_wait3A_65 = tpu.memref_slice %arg12[%dma_wait3A_63, %dma_wait3A_64] : memref<128x128xf32, #tpu.memory_space<vmem>> -> memref<128x128xf32, #tpu.memory_space<vmem>>
        tpu.wait_dma2 semaphore(%run_scoped3A : memref<!tpu.dma_semaphore, #tpu.memory_space<semaphore_mem>>) src(%dma_wait3A_65 : memref<128x128xf32, #tpu.memory_space<vmem>>) dst(%dma_wait3A_62 : memref<128x128xf32, #tpu.memory_space<hbm>>)
        tpu.yield
      }) : () -> ()
      %add3A_40 = arith.constant 384 : i32
      %add3A_41 = arith.addi %mul3A_0, %add3A_40 : i32
      "tpu.region"() ({
        %run_scoped3A = tpu.sem_alloc : memref<!tpu.dma_semaphore, #tpu.memory_space<semaphore_mem>>
        %dma_start3A = arith.constant 0 : i32
        %dma_start3A_48 = arith.constant 0 : i32
        %dma_start3A_49 = tpu.memref_slice %arg12[%dma_start3A, %dma_start3A_48] : memref<128x128xf32, #tpu.memory_space<vmem>> -> memref<128x128xf32, #tpu.memory_space<vmem>>
        %dma_start3A_50 = arith.constant 0 : i32
        %dma_start3A_51 = tpu.memref_slice %arg11[%add3A_41, %dma_start3A_50] : memref<10112x128xf32, #tpu.memory_space<vmem_shared>> -> memref<128x128xf32, #tpu.memory_space<vmem_shared>>
        %dma_start3A_52 = arith.constant 0 : i32
        %dma_start3A_53 = arith.constant 0 : i32
        %dma_start3A_54 = tpu.memref_slice %arg12[%dma_start3A_52, %dma_start3A_53] : memref<128x128xf32, #tpu.memory_space<vmem>> -> memref<128x128xf32, #tpu.memory_space<vmem>>
        %dma_start3A_55 = arith.constant 0 : i32
        %dma_start3A_56 = tpu.memref_slice %arg11[%add3A_41, %dma_start3A_55] : memref<10112x128xf32, #tpu.memory_space<vmem_shared>> -> memref<128x128xf32, #tpu.memory_space<vmem_shared>>
        tpu.enqueue_dma source(%dma_start3A_56 : memref<128x128xf32, #tpu.memory_space<vmem_shared>>) target(%dma_start3A_54 : memref<128x128xf32, #tpu.memory_space<vmem>>) target_semaphore(%run_scoped3A : memref<!tpu.dma_semaphore, #tpu.memory_space<semaphore_mem>>)
        %dma_wait3A = arith.constant 0 : i32
        %dma_wait3A_57 = arith.constant 0 : i32
        %dma_wait3A_58 = tpu.memref_slice %arg12[%dma_wait3A, %dma_wait3A_57] : memref<128x128xf32, #tpu.memory_space<vmem>> -> memref<128x128xf32, #tpu.memory_space<vmem>>
        %dma_wait3A_59 = arith.constant 0 : i32
        %dma_wait3A_60 = tpu.memref_slice %arg11[%add3A_41, %dma_wait3A_59] : memref<10112x128xf32, #tpu.memory_space<vmem_shared>> -> memref<128x128xf32, #tpu.memory_space<vmem_shared>>
        %dma_wait3A_61 = arith.constant 0 : i32
        %dma_wait3A_62 = arith.constant 0 : i32
        %dma_wait3A_63 = tpu.memref_slice %arg12[%dma_wait3A_61, %dma_wait3A_62] : memref<128x128xf32, #tpu.memory_space<vmem>> -> memref<128x128xf32, #tpu.memory_space<vmem>>
        %dma_wait3A_64 = arith.constant 0 : i32
        %dma_wait3A_65 = tpu.memref_slice %arg11[%add3A_41, %dma_wait3A_64] : memref<10112x128xf32, #tpu.memory_space<vmem_shared>> -> memref<128x128xf32, #tpu.memory_space<vmem_shared>>
        tpu.wait_dma2 semaphore(%run_scoped3A : memref<!tpu.dma_semaphore, #tpu.memory_space<semaphore_mem>>) src(%dma_wait3A_65 : memref<128x128xf32, #tpu.memory_space<vmem_shared>>) dst(%dma_wait3A_63 : memref<128x128xf32, #tpu.memory_space<vmem>>)
        tpu.yield
      }) : () -> ()
      %add3A_42 = arith.constant 384 : i32
      %add3A_43 = arith.addi %mul3A_0, %add3A_42 : i32
      "tpu.region"() ({
        %run_scoped3A = tpu.sem_alloc : memref<!tpu.dma_semaphore, #tpu.memory_space<semaphore_mem>>
        %dma_start3A = arith.constant 0 : i32
        %dma_start3A_48 = arith.constant 0 : i32
        %dma_start3A_49 = tpu.memref_slice %arg12[%dma_start3A, %dma_start3A_48] : memref<128x128xf32, #tpu.memory_space<vmem>> -> memref<128x128xf32, #tpu.memory_space<vmem>>
        %dma_start3A_50 = arith.constant 0 : i32
        %dma_start3A_51 = tpu.memref_slice %arg9[%add3A_43, %dma_start3A_50] : memref<10112x128xf32, #tpu.memory_space<hbm>> -> memref<128x128xf32, #tpu.memory_space<hbm>>
        %dma_start3A_52 = arith.constant 0 : i32
        %dma_start3A_53 = tpu.memref_slice %arg9[%add3A_43, %dma_start3A_52] : memref<10112x128xf32, #tpu.memory_space<hbm>> -> memref<128x128xf32, #tpu.memory_space<hbm>>
        %dma_start3A_54 = arith.constant 0 : i32
        %dma_start3A_55 = arith.constant 0 : i32
        %dma_start3A_56 = tpu.memref_slice %arg12[%dma_start3A_54, %dma_start3A_55] : memref<128x128xf32, #tpu.memory_space<vmem>> -> memref<128x128xf32, #tpu.memory_space<vmem>>
        tpu.enqueue_dma source(%dma_start3A_56 : memref<128x128xf32, #tpu.memory_space<vmem>>) target(%dma_start3A_53 : memref<128x128xf32, #tpu.memory_space<hbm>>) target_semaphore(%run_scoped3A : memref<!tpu.dma_semaphore, #tpu.memory_space<semaphore_mem>>)
        %dma_wait3A = arith.constant 0 : i32
        %dma_wait3A_57 = arith.constant 0 : i32
        %dma_wait3A_58 = tpu.memref_slice %arg12[%dma_wait3A, %dma_wait3A_57] : memref<128x128xf32, #tpu.memory_space<vmem>> -> memref<128x128xf32, #tpu.memory_space<vmem>>
        %dma_wait3A_59 = arith.constant 0 : i32
        %dma_wait3A_60 = tpu.memref_slice %arg9[%add3A_43, %dma_wait3A_59] : memref<10112x128xf32, #tpu.memory_space<hbm>> -> memref<128x128xf32, #tpu.memory_space<hbm>>
        %dma_wait3A_61 = arith.constant 0 : i32
        %dma_wait3A_62 = tpu.memref_slice %arg9[%add3A_43, %dma_wait3A_61] : memref<10112x128xf32, #tpu.memory_space<hbm>> -> memref<128x128xf32, #tpu.memory_space<hbm>>
        %dma_wait3A_63 = arith.constant 0 : i32
        %dma_wait3A_64 = arith.constant 0 : i32
        %dma_wait3A_65 = tpu.memref_slice %arg12[%dma_wait3A_63, %dma_wait3A_64] : memref<128x128xf32, #tpu.memory_space<vmem>> -> memref<128x128xf32, #tpu.memory_space<vmem>>
        tpu.wait_dma2 semaphore(%run_scoped3A : memref<!tpu.dma_semaphore, #tpu.memory_space<semaphore_mem>>) src(%dma_wait3A_65 : memref<128x128xf32, #tpu.memory_space<vmem>>) dst(%dma_wait3A_62 : memref<128x128xf32, #tpu.memory_space<hbm>>)
        tpu.yield
      }) : () -> ()
      %add3A_44 = arith.constant 512 : i32
      %add3A_45 = arith.addi %mul3A_0, %add3A_44 : i32
      "tpu.region"() ({
        %run_scoped3A = tpu.sem_alloc : memref<!tpu.dma_semaphore, #tpu.memory_space<semaphore_mem>>
        %dma_start3A = arith.constant 0 : i32
        %dma_start3A_48 = arith.constant 0 : i32
        %dma_start3A_49 = tpu.memref_slice %arg12[%dma_start3A, %dma_start3A_48] : memref<128x128xf32, #tpu.memory_space<vmem>> -> memref<120x128xf32, #tpu.memory_space<vmem>>
        %dma_start3A_50 = arith.constant 0 : i32
        %dma_start3A_51 = tpu.memref_slice %arg11[%add3A_45, %dma_start3A_50] : memref<10112x128xf32, #tpu.memory_space<vmem_shared>> -> memref<120x128xf32, #tpu.memory_space<vmem_shared>>
        %dma_start3A_52 = arith.constant 0 : i32
        %dma_start3A_53 = arith.constant 0 : i32
        %dma_start3A_54 = tpu.memref_slice %arg12[%dma_start3A_52, %dma_start3A_53] : memref<128x128xf32, #tpu.memory_space<vmem>> -> memref<120x128xf32, #tpu.memory_space<vmem>>
        %dma_start3A_55 = arith.constant 0 : i32
        %dma_start3A_56 = tpu.memref_slice %arg11[%add3A_45, %dma_start3A_55] : memref<10112x128xf32, #tpu.memory_space<vmem_shared>> -> memref<120x128xf32, #tpu.memory_space<vmem_shared>>
        tpu.enqueue_dma source(%dma_start3A_56 : memref<120x128xf32, #tpu.memory_space<vmem_shared>>) target(%dma_start3A_54 : memref<120x128xf32, #tpu.memory_space<vmem>>) target_semaphore(%run_scoped3A : memref<!tpu.dma_semaphore, #tpu.memory_space<semaphore_mem>>)
        %dma_wait3A = arith.constant 0 : i32
        %dma_wait3A_57 = arith.constant 0 : i32
        %dma_wait3A_58 = tpu.memref_slice %arg12[%dma_wait3A, %dma_wait3A_57] : memref<128x128xf32, #tpu.memory_space<vmem>> -> memref<120x128xf32, #tpu.memory_space<vmem>>
        %dma_wait3A_59 = arith.constant 0 : i32
        %dma_wait3A_60 = tpu.memref_slice %arg11[%add3A_45, %dma_wait3A_59] : memref<10112x128xf32, #tpu.memory_space<vmem_shared>> -> memref<120x128xf32, #tpu.memory_space<vmem_shared>>
        %dma_wait3A_61 = arith.constant 0 : i32
        %dma_wait3A_62 = arith.constant 0 : i32
        %dma_wait3A_63 = tpu.memref_slice %arg12[%dma_wait3A_61, %dma_wait3A_62] : memref<128x128xf32, #tpu.memory_space<vmem>> -> memref<120x128xf32, #tpu.memory_space<vmem>>
        %dma_wait3A_64 = arith.constant 0 : i32
        %dma_wait3A_65 = tpu.memref_slice %arg11[%add3A_45, %dma_wait3A_64] : memref<10112x128xf32, #tpu.memory_space<vmem_shared>> -> memref<120x128xf32, #tpu.memory_space<vmem_shared>>
        tpu.wait_dma2 semaphore(%run_scoped3A : memref<!tpu.dma_semaphore, #tpu.memory_space<semaphore_mem>>) src(%dma_wait3A_65 : memref<120x128xf32, #tpu.memory_space<vmem_shared>>) dst(%dma_wait3A_63 : memref<120x128xf32, #tpu.memory_space<vmem>>)
        tpu.yield
      }) : () -> ()
      %add3A_46 = arith.constant 512 : i32
      %add3A_47 = arith.addi %mul3A_0, %add3A_46 : i32
      "tpu.region"() ({
        %run_scoped3A = tpu.sem_alloc : memref<!tpu.dma_semaphore, #tpu.memory_space<semaphore_mem>>
        %dma_start3A = arith.constant 0 : i32
        %dma_start3A_48 = arith.constant 0 : i32
        %dma_start3A_49 = tpu.memref_slice %arg12[%dma_start3A, %dma_start3A_48] : memref<128x128xf32, #tpu.memory_space<vmem>> -> memref<120x128xf32, #tpu.memory_space<vmem>>
        %dma_start3A_50 = arith.constant 0 : i32
        %dma_start3A_51 = tpu.memref_slice %arg9[%add3A_47, %dma_start3A_50] : memref<10112x128xf32, #tpu.memory_space<hbm>> -> memref<120x128xf32, #tpu.memory_space<hbm>>
        %dma_start3A_52 = arith.constant 0 : i32
        %dma_start3A_53 = tpu.memref_slice %arg9[%add3A_47, %dma_start3A_52] : memref<10112x128xf32, #tpu.memory_space<hbm>> -> memref<120x128xf32, #tpu.memory_space<hbm>>
        %dma_start3A_54 = arith.constant 0 : i32
        %dma_start3A_55 = arith.constant 0 : i32
        %dma_start3A_56 = tpu.memref_slice %arg12[%dma_start3A_54, %dma_start3A_55] : memref<128x128xf32, #tpu.memory_space<vmem>> -> memref<120x128xf32, #tpu.memory_space<vmem>>
        tpu.enqueue_dma source(%dma_start3A_56 : memref<120x128xf32, #tpu.memory_space<vmem>>) target(%dma_start3A_53 : memref<120x128xf32, #tpu.memory_space<hbm>>) target_semaphore(%run_scoped3A : memref<!tpu.dma_semaphore, #tpu.memory_space<semaphore_mem>>)
        %dma_wait3A = arith.constant 0 : i32
        %dma_wait3A_57 = arith.constant 0 : i32
        %dma_wait3A_58 = tpu.memref_slice %arg12[%dma_wait3A, %dma_wait3A_57] : memref<128x128xf32, #tpu.memory_space<vmem>> -> memref<120x128xf32, #tpu.memory_space<vmem>>
        %dma_wait3A_59 = arith.constant 0 : i32
        %dma_wait3A_60 = tpu.memref_slice %arg9[%add3A_47, %dma_wait3A_59] : memref<10112x128xf32, #tpu.memory_space<hbm>> -> memref<120x128xf32, #tpu.memory_space<hbm>>
        %dma_wait3A_61 = arith.constant 0 : i32
        %dma_wait3A_62 = tpu.memref_slice %arg9[%add3A_47, %dma_wait3A_61] : memref<10112x128xf32, #tpu.memory_space<hbm>> -> memref<120x128xf32, #tpu.memory_space<hbm>>
        %dma_wait3A_63 = arith.constant 0 : i32
        %dma_wait3A_64 = arith.constant 0 : i32
        %dma_wait3A_65 = tpu.memref_slice %arg12[%dma_wait3A_63, %dma_wait3A_64] : memref<128x128xf32, #tpu.memory_space<vmem>> -> memref<120x128xf32, #tpu.memory_space<vmem>>
        tpu.wait_dma2 semaphore(%run_scoped3A : memref<!tpu.dma_semaphore, #tpu.memory_space<semaphore_mem>>) src(%dma_wait3A_65 : memref<120x128xf32, #tpu.memory_space<vmem>>) dst(%dma_wait3A_62 : memref<120x128xf32, #tpu.memory_space<hbm>>)
        tpu.yield
      }) : () -> ()
    } else {
    }
    %eq3A_23 = arith.constant 1 : i32
    %eq3A_24 = arith.cmpi eq, %arg0, %eq3A_23 : i32
    %convert_element_type3A_25 = arith.extui %eq3A_24 : i1 to i32
    %cond3A_26 = arith.constant 0 : i32
    %cond3A_27 = arith.cmpi ne, %convert_element_type3A_25, %cond3A_26 : i32
    scf.if %cond3A_27 {
      %add3A_28 = arith.constant 0 : i32
      %add3A_29 = arith.addi %mul3A_0, %add3A_28 : i32
      "tpu.region"() ({
        %run_scoped3A = tpu.sem_alloc : memref<!tpu.dma_semaphore, #tpu.memory_space<semaphore_mem>>
        %dma_start3A = arith.constant 0 : i32
        %dma_start3A_48 = arith.constant 0 : i32
        %dma_start3A_49 = tpu.memref_slice %arg12[%dma_start3A, %dma_start3A_48] : memref<128x128xf32, #tpu.memory_space<vmem>> -> memref<128x128xf32, #tpu.memory_space<vmem>>
        %dma_start3A_50 = arith.constant 0 : i32
        %dma_start3A_51 = tpu.memref_slice %arg11[%add3A_29, %dma_start3A_50] : memref<10112x128xf32, #tpu.memory_space<vmem_shared>> -> memref<128x128xf32, #tpu.memory_space<vmem_shared>>
        %dma_start3A_52 = arith.constant 0 : i32
        %dma_start3A_53 = arith.constant 0 : i32
        %dma_start3A_54 = tpu.memref_slice %arg12[%dma_start3A_52, %dma_start3A_53] : memref<128x128xf32, #tpu.memory_space<vmem>> -> memref<128x128xf32, #tpu.memory_space<vmem>>
        %dma_start3A_55 = arith.constant 0 : i32
        %dma_start3A_56 = tpu.memref_slice %arg11[%add3A_29, %dma_start3A_55] : memref<10112x128xf32, #tpu.memory_space<vmem_shared>> -> memref<128x128xf32, #tpu.memory_space<vmem_shared>>
        tpu.enqueue_dma source(%dma_start3A_56 : memref<128x128xf32, #tpu.memory_space<vmem_shared>>) target(%dma_start3A_54 : memref<128x128xf32, #tpu.memory_space<vmem>>) target_semaphore(%run_scoped3A : memref<!tpu.dma_semaphore, #tpu.memory_space<semaphore_mem>>)
        %dma_wait3A = arith.constant 0 : i32
        %dma_wait3A_57 = arith.constant 0 : i32
        %dma_wait3A_58 = tpu.memref_slice %arg12[%dma_wait3A, %dma_wait3A_57] : memref<128x128xf32, #tpu.memory_space<vmem>> -> memref<128x128xf32, #tpu.memory_space<vmem>>
        %dma_wait3A_59 = arith.constant 0 : i32
        %dma_wait3A_60 = tpu.memref_slice %arg11[%add3A_29, %dma_wait3A_59] : memref<10112x128xf32, #tpu.memory_space<vmem_shared>> -> memref<128x128xf32, #tpu.memory_space<vmem_shared>>
        %dma_wait3A_61 = arith.constant 0 : i32
        %dma_wait3A_62 = arith.constant 0 : i32
        %dma_wait3A_63 = tpu.memref_slice %arg12[%dma_wait3A_61, %dma_wait3A_62] : memref<128x128xf32, #tpu.memory_space<vmem>> -> memref<128x128xf32, #tpu.memory_space<vmem>>
        %dma_wait3A_64 = arith.constant 0 : i32
        %dma_wait3A_65 = tpu.memref_slice %arg11[%add3A_29, %dma_wait3A_64] : memref<10112x128xf32, #tpu.memory_space<vmem_shared>> -> memref<128x128xf32, #tpu.memory_space<vmem_shared>>
        tpu.wait_dma2 semaphore(%run_scoped3A : memref<!tpu.dma_semaphore, #tpu.memory_space<semaphore_mem>>) src(%dma_wait3A_65 : memref<128x128xf32, #tpu.memory_space<vmem_shared>>) dst(%dma_wait3A_63 : memref<128x128xf32, #tpu.memory_space<vmem>>)
        tpu.yield
      }) : () -> ()
      %add3A_30 = arith.constant 0 : i32
      %add3A_31 = arith.addi %mul3A_0, %add3A_30 : i32
      "tpu.region"() ({
        %run_scoped3A = tpu.sem_alloc : memref<!tpu.dma_semaphore, #tpu.memory_space<semaphore_mem>>
        %dma_start3A = arith.constant 0 : i32
        %dma_start3A_48 = arith.constant 0 : i32
        %dma_start3A_49 = tpu.memref_slice %arg12[%dma_start3A, %dma_start3A_48] : memref<128x128xf32, #tpu.memory_space<vmem>> -> memref<128x128xf32, #tpu.memory_space<vmem>>
        %dma_start3A_50 = arith.constant 0 : i32
        %dma_start3A_51 = tpu.memref_slice %arg10[%add3A_31, %dma_start3A_50] : memref<10112x128xf32, #tpu.memory_space<hbm>> -> memref<128x128xf32, #tpu.memory_space<hbm>>
        %dma_start3A_52 = arith.constant 0 : i32
        %dma_start3A_53 = tpu.memref_slice %arg10[%add3A_31, %dma_start3A_52] : memref<10112x128xf32, #tpu.memory_space<hbm>> -> memref<128x128xf32, #tpu.memory_space<hbm>>
        %dma_start3A_54 = arith.constant 0 : i32
        %dma_start3A_55 = arith.constant 0 : i32
        %dma_start3A_56 = tpu.memref_slice %arg12[%dma_start3A_54, %dma_start3A_55] : memref<128x128xf32, #tpu.memory_space<vmem>> -> memref<128x128xf32, #tpu.memory_space<vmem>>
        tpu.enqueue_dma source(%dma_start3A_56 : memref<128x128xf32, #tpu.memory_space<vmem>>) target(%dma_start3A_53 : memref<128x128xf32, #tpu.memory_space<hbm>>) target_semaphore(%run_scoped3A : memref<!tpu.dma_semaphore, #tpu.memory_space<semaphore_mem>>)
        %dma_wait3A = arith.constant 0 : i32
        %dma_wait3A_57 = arith.constant 0 : i32
        %dma_wait3A_58 = tpu.memref_slice %arg12[%dma_wait3A, %dma_wait3A_57] : memref<128x128xf32, #tpu.memory_space<vmem>> -> memref<128x128xf32, #tpu.memory_space<vmem>>
        %dma_wait3A_59 = arith.constant 0 : i32
        %dma_wait3A_60 = tpu.memref_slice %arg10[%add3A_31, %dma_wait3A_59] : memref<10112x128xf32, #tpu.memory_space<hbm>> -> memref<128x128xf32, #tpu.memory_space<hbm>>
        %dma_wait3A_61 = arith.constant 0 : i32
        %dma_wait3A_62 = tpu.memref_slice %arg10[%add3A_31, %dma_wait3A_61] : memref<10112x128xf32, #tpu.memory_space<hbm>> -> memref<128x128xf32, #tpu.memory_space<hbm>>
        %dma_wait3A_63 = arith.constant 0 : i32
        %dma_wait3A_64 = arith.constant 0 : i32
        %dma_wait3A_65 = tpu.memref_slice %arg12[%dma_wait3A_63, %dma_wait3A_64] : memref<128x128xf32, #tpu.memory_space<vmem>> -> memref<128x128xf32, #tpu.memory_space<vmem>>
        tpu.wait_dma2 semaphore(%run_scoped3A : memref<!tpu.dma_semaphore, #tpu.memory_space<semaphore_mem>>) src(%dma_wait3A_65 : memref<128x128xf32, #tpu.memory_space<vmem>>) dst(%dma_wait3A_62 : memref<128x128xf32, #tpu.memory_space<hbm>>)
        tpu.yield
      }) : () -> ()
      %add3A_32 = arith.constant 128 : i32
      %add3A_33 = arith.addi %mul3A_0, %add3A_32 : i32
      "tpu.region"() ({
        %run_scoped3A = tpu.sem_alloc : memref<!tpu.dma_semaphore, #tpu.memory_space<semaphore_mem>>
        %dma_start3A = arith.constant 0 : i32
        %dma_start3A_48 = arith.constant 0 : i32
        %dma_start3A_49 = tpu.memref_slice %arg12[%dma_start3A, %dma_start3A_48] : memref<128x128xf32, #tpu.memory_space<vmem>> -> memref<128x128xf32, #tpu.memory_space<vmem>>
        %dma_start3A_50 = arith.constant 0 : i32
        %dma_start3A_51 = tpu.memref_slice %arg11[%add3A_33, %dma_start3A_50] : memref<10112x128xf32, #tpu.memory_space<vmem_shared>> -> memref<128x128xf32, #tpu.memory_space<vmem_shared>>
        %dma_start3A_52 = arith.constant 0 : i32
        %dma_start3A_53 = arith.constant 0 : i32
        %dma_start3A_54 = tpu.memref_slice %arg12[%dma_start3A_52, %dma_start3A_53] : memref<128x128xf32, #tpu.memory_space<vmem>> -> memref<128x128xf32, #tpu.memory_space<vmem>>
        %dma_start3A_55 = arith.constant 0 : i32
        %dma_start3A_56 = tpu.memref_slice %arg11[%add3A_33, %dma_start3A_55] : memref<10112x128xf32, #tpu.memory_space<vmem_shared>> -> memref<128x128xf32, #tpu.memory_space<vmem_shared>>
        tpu.enqueue_dma source(%dma_start3A_56 : memref<128x128xf32, #tpu.memory_space<vmem_shared>>) target(%dma_start3A_54 : memref<128x128xf32, #tpu.memory_space<vmem>>) target_semaphore(%run_scoped3A : memref<!tpu.dma_semaphore, #tpu.memory_space<semaphore_mem>>)
        %dma_wait3A = arith.constant 0 : i32
        %dma_wait3A_57 = arith.constant 0 : i32
        %dma_wait3A_58 = tpu.memref_slice %arg12[%dma_wait3A, %dma_wait3A_57] : memref<128x128xf32, #tpu.memory_space<vmem>> -> memref<128x128xf32, #tpu.memory_space<vmem>>
        %dma_wait3A_59 = arith.constant 0 : i32
        %dma_wait3A_60 = tpu.memref_slice %arg11[%add3A_33, %dma_wait3A_59] : memref<10112x128xf32, #tpu.memory_space<vmem_shared>> -> memref<128x128xf32, #tpu.memory_space<vmem_shared>>
        %dma_wait3A_61 = arith.constant 0 : i32
        %dma_wait3A_62 = arith.constant 0 : i32
        %dma_wait3A_63 = tpu.memref_slice %arg12[%dma_wait3A_61, %dma_wait3A_62] : memref<128x128xf32, #tpu.memory_space<vmem>> -> memref<128x128xf32, #tpu.memory_space<vmem>>
        %dma_wait3A_64 = arith.constant 0 : i32
        %dma_wait3A_65 = tpu.memref_slice %arg11[%add3A_33, %dma_wait3A_64] : memref<10112x128xf32, #tpu.memory_space<vmem_shared>> -> memref<128x128xf32, #tpu.memory_space<vmem_shared>>
        tpu.wait_dma2 semaphore(%run_scoped3A : memref<!tpu.dma_semaphore, #tpu.memory_space<semaphore_mem>>) src(%dma_wait3A_65 : memref<128x128xf32, #tpu.memory_space<vmem_shared>>) dst(%dma_wait3A_63 : memref<128x128xf32, #tpu.memory_space<vmem>>)
        tpu.yield
      }) : () -> ()
      %add3A_34 = arith.constant 128 : i32
      %add3A_35 = arith.addi %mul3A_0, %add3A_34 : i32
      "tpu.region"() ({
        %run_scoped3A = tpu.sem_alloc : memref<!tpu.dma_semaphore, #tpu.memory_space<semaphore_mem>>
        %dma_start3A = arith.constant 0 : i32
        %dma_start3A_48 = arith.constant 0 : i32
        %dma_start3A_49 = tpu.memref_slice %arg12[%dma_start3A, %dma_start3A_48] : memref<128x128xf32, #tpu.memory_space<vmem>> -> memref<128x128xf32, #tpu.memory_space<vmem>>
        %dma_start3A_50 = arith.constant 0 : i32
        %dma_start3A_51 = tpu.memref_slice %arg10[%add3A_35, %dma_start3A_50] : memref<10112x128xf32, #tpu.memory_space<hbm>> -> memref<128x128xf32, #tpu.memory_space<hbm>>
        %dma_start3A_52 = arith.constant 0 : i32
        %dma_start3A_53 = tpu.memref_slice %arg10[%add3A_35, %dma_start3A_52] : memref<10112x128xf32, #tpu.memory_space<hbm>> -> memref<128x128xf32, #tpu.memory_space<hbm>>
        %dma_start3A_54 = arith.constant 0 : i32
        %dma_start3A_55 = arith.constant 0 : i32
        %dma_start3A_56 = tpu.memref_slice %arg12[%dma_start3A_54, %dma_start3A_55] : memref<128x128xf32, #tpu.memory_space<vmem>> -> memref<128x128xf32, #tpu.memory_space<vmem>>
        tpu.enqueue_dma source(%dma_start3A_56 : memref<128x128xf32, #tpu.memory_space<vmem>>) target(%dma_start3A_53 : memref<128x128xf32, #tpu.memory_space<hbm>>) target_semaphore(%run_scoped3A : memref<!tpu.dma_semaphore, #tpu.memory_space<semaphore_mem>>)
        %dma_wait3A = arith.constant 0 : i32
        %dma_wait3A_57 = arith.constant 0 : i32
        %dma_wait3A_58 = tpu.memref_slice %arg12[%dma_wait3A, %dma_wait3A_57] : memref<128x128xf32, #tpu.memory_space<vmem>> -> memref<128x128xf32, #tpu.memory_space<vmem>>
        %dma_wait3A_59 = arith.constant 0 : i32
        %dma_wait3A_60 = tpu.memref_slice %arg10[%add3A_35, %dma_wait3A_59] : memref<10112x128xf32, #tpu.memory_space<hbm>> -> memref<128x128xf32, #tpu.memory_space<hbm>>
        %dma_wait3A_61 = arith.constant 0 : i32
        %dma_wait3A_62 = tpu.memref_slice %arg10[%add3A_35, %dma_wait3A_61] : memref<10112x128xf32, #tpu.memory_space<hbm>> -> memref<128x128xf32, #tpu.memory_space<hbm>>
        %dma_wait3A_63 = arith.constant 0 : i32
        %dma_wait3A_64 = arith.constant 0 : i32
        %dma_wait3A_65 = tpu.memref_slice %arg12[%dma_wait3A_63, %dma_wait3A_64] : memref<128x128xf32, #tpu.memory_space<vmem>> -> memref<128x128xf32, #tpu.memory_space<vmem>>
        tpu.wait_dma2 semaphore(%run_scoped3A : memref<!tpu.dma_semaphore, #tpu.memory_space<semaphore_mem>>) src(%dma_wait3A_65 : memref<128x128xf32, #tpu.memory_space<vmem>>) dst(%dma_wait3A_62 : memref<128x128xf32, #tpu.memory_space<hbm>>)
        tpu.yield
      }) : () -> ()
      %add3A_36 = arith.constant 256 : i32
      %add3A_37 = arith.addi %mul3A_0, %add3A_36 : i32
      "tpu.region"() ({
        %run_scoped3A = tpu.sem_alloc : memref<!tpu.dma_semaphore, #tpu.memory_space<semaphore_mem>>
        %dma_start3A = arith.constant 0 : i32
        %dma_start3A_48 = arith.constant 0 : i32
        %dma_start3A_49 = tpu.memref_slice %arg12[%dma_start3A, %dma_start3A_48] : memref<128x128xf32, #tpu.memory_space<vmem>> -> memref<128x128xf32, #tpu.memory_space<vmem>>
        %dma_start3A_50 = arith.constant 0 : i32
        %dma_start3A_51 = tpu.memref_slice %arg11[%add3A_37, %dma_start3A_50] : memref<10112x128xf32, #tpu.memory_space<vmem_shared>> -> memref<128x128xf32, #tpu.memory_space<vmem_shared>>
        %dma_start3A_52 = arith.constant 0 : i32
        %dma_start3A_53 = arith.constant 0 : i32
        %dma_start3A_54 = tpu.memref_slice %arg12[%dma_start3A_52, %dma_start3A_53] : memref<128x128xf32, #tpu.memory_space<vmem>> -> memref<128x128xf32, #tpu.memory_space<vmem>>
        %dma_start3A_55 = arith.constant 0 : i32
        %dma_start3A_56 = tpu.memref_slice %arg11[%add3A_37, %dma_start3A_55] : memref<10112x128xf32, #tpu.memory_space<vmem_shared>> -> memref<128x128xf32, #tpu.memory_space<vmem_shared>>
        tpu.enqueue_dma source(%dma_start3A_56 : memref<128x128xf32, #tpu.memory_space<vmem_shared>>) target(%dma_start3A_54 : memref<128x128xf32, #tpu.memory_space<vmem>>) target_semaphore(%run_scoped3A : memref<!tpu.dma_semaphore, #tpu.memory_space<semaphore_mem>>)
        %dma_wait3A = arith.constant 0 : i32
        %dma_wait3A_57 = arith.constant 0 : i32
        %dma_wait3A_58 = tpu.memref_slice %arg12[%dma_wait3A, %dma_wait3A_57] : memref<128x128xf32, #tpu.memory_space<vmem>> -> memref<128x128xf32, #tpu.memory_space<vmem>>
        %dma_wait3A_59 = arith.constant 0 : i32
        %dma_wait3A_60 = tpu.memref_slice %arg11[%add3A_37, %dma_wait3A_59] : memref<10112x128xf32, #tpu.memory_space<vmem_shared>> -> memref<128x128xf32, #tpu.memory_space<vmem_shared>>
        %dma_wait3A_61 = arith.constant 0 : i32
        %dma_wait3A_62 = arith.constant 0 : i32
        %dma_wait3A_63 = tpu.memref_slice %arg12[%dma_wait3A_61, %dma_wait3A_62] : memref<128x128xf32, #tpu.memory_space<vmem>> -> memref<128x128xf32, #tpu.memory_space<vmem>>
        %dma_wait3A_64 = arith.constant 0 : i32
        %dma_wait3A_65 = tpu.memref_slice %arg11[%add3A_37, %dma_wait3A_64] : memref<10112x128xf32, #tpu.memory_space<vmem_shared>> -> memref<128x128xf32, #tpu.memory_space<vmem_shared>>
        tpu.wait_dma2 semaphore(%run_scoped3A : memref<!tpu.dma_semaphore, #tpu.memory_space<semaphore_mem>>) src(%dma_wait3A_65 : memref<128x128xf32, #tpu.memory_space<vmem_shared>>) dst(%dma_wait3A_63 : memref<128x128xf32, #tpu.memory_space<vmem>>)
        tpu.yield
      }) : () -> ()
      %add3A_38 = arith.constant 256 : i32
      %add3A_39 = arith.addi %mul3A_0, %add3A_38 : i32
      "tpu.region"() ({
        %run_scoped3A = tpu.sem_alloc : memref<!tpu.dma_semaphore, #tpu.memory_space<semaphore_mem>>
        %dma_start3A = arith.constant 0 : i32
        %dma_start3A_48 = arith.constant 0 : i32
        %dma_start3A_49 = tpu.memref_slice %arg12[%dma_start3A, %dma_start3A_48] : memref<128x128xf32, #tpu.memory_space<vmem>> -> memref<128x128xf32, #tpu.memory_space<vmem>>
        %dma_start3A_50 = arith.constant 0 : i32
        %dma_start3A_51 = tpu.memref_slice %arg10[%add3A_39, %dma_start3A_50] : memref<10112x128xf32, #tpu.memory_space<hbm>> -> memref<128x128xf32, #tpu.memory_space<hbm>>
        %dma_start3A_52 = arith.constant 0 : i32
        %dma_start3A_53 = tpu.memref_slice %arg10[%add3A_39, %dma_start3A_52] : memref<10112x128xf32, #tpu.memory_space<hbm>> -> memref<128x128xf32, #tpu.memory_space<hbm>>
        %dma_start3A_54 = arith.constant 0 : i32
        %dma_start3A_55 = arith.constant 0 : i32
        %dma_start3A_56 = tpu.memref_slice %arg12[%dma_start3A_54, %dma_start3A_55] : memref<128x128xf32, #tpu.memory_space<vmem>> -> memref<128x128xf32, #tpu.memory_space<vmem>>
        tpu.enqueue_dma source(%dma_start3A_56 : memref<128x128xf32, #tpu.memory_space<vmem>>) target(%dma_start3A_53 : memref<128x128xf32, #tpu.memory_space<hbm>>) target_semaphore(%run_scoped3A : memref<!tpu.dma_semaphore, #tpu.memory_space<semaphore_mem>>)
        %dma_wait3A = arith.constant 0 : i32
        %dma_wait3A_57 = arith.constant 0 : i32
        %dma_wait3A_58 = tpu.memref_slice %arg12[%dma_wait3A, %dma_wait3A_57] : memref<128x128xf32, #tpu.memory_space<vmem>> -> memref<128x128xf32, #tpu.memory_space<vmem>>
        %dma_wait3A_59 = arith.constant 0 : i32
        %dma_wait3A_60 = tpu.memref_slice %arg10[%add3A_39, %dma_wait3A_59] : memref<10112x128xf32, #tpu.memory_space<hbm>> -> memref<128x128xf32, #tpu.memory_space<hbm>>
        %dma_wait3A_61 = arith.constant 0 : i32
        %dma_wait3A_62 = tpu.memref_slice %arg10[%add3A_39, %dma_wait3A_61] : memref<10112x128xf32, #tpu.memory_space<hbm>> -> memref<128x128xf32, #tpu.memory_space<hbm>>
        %dma_wait3A_63 = arith.constant 0 : i32
        %dma_wait3A_64 = arith.constant 0 : i32
        %dma_wait3A_65 = tpu.memref_slice %arg12[%dma_wait3A_63, %dma_wait3A_64] : memref<128x128xf32, #tpu.memory_space<vmem>> -> memref<128x128xf32, #tpu.memory_space<vmem>>
        tpu.wait_dma2 semaphore(%run_scoped3A : memref<!tpu.dma_semaphore, #tpu.memory_space<semaphore_mem>>) src(%dma_wait3A_65 : memref<128x128xf32, #tpu.memory_space<vmem>>) dst(%dma_wait3A_62 : memref<128x128xf32, #tpu.memory_space<hbm>>)
        tpu.yield
      }) : () -> ()
      %add3A_40 = arith.constant 384 : i32
      %add3A_41 = arith.addi %mul3A_0, %add3A_40 : i32
      "tpu.region"() ({
        %run_scoped3A = tpu.sem_alloc : memref<!tpu.dma_semaphore, #tpu.memory_space<semaphore_mem>>
        %dma_start3A = arith.constant 0 : i32
        %dma_start3A_48 = arith.constant 0 : i32
        %dma_start3A_49 = tpu.memref_slice %arg12[%dma_start3A, %dma_start3A_48] : memref<128x128xf32, #tpu.memory_space<vmem>> -> memref<128x128xf32, #tpu.memory_space<vmem>>
        %dma_start3A_50 = arith.constant 0 : i32
        %dma_start3A_51 = tpu.memref_slice %arg11[%add3A_41, %dma_start3A_50] : memref<10112x128xf32, #tpu.memory_space<vmem_shared>> -> memref<128x128xf32, #tpu.memory_space<vmem_shared>>
        %dma_start3A_52 = arith.constant 0 : i32
        %dma_start3A_53 = arith.constant 0 : i32
        %dma_start3A_54 = tpu.memref_slice %arg12[%dma_start3A_52, %dma_start3A_53] : memref<128x128xf32, #tpu.memory_space<vmem>> -> memref<128x128xf32, #tpu.memory_space<vmem>>
        %dma_start3A_55 = arith.constant 0 : i32
        %dma_start3A_56 = tpu.memref_slice %arg11[%add3A_41, %dma_start3A_55] : memref<10112x128xf32, #tpu.memory_space<vmem_shared>> -> memref<128x128xf32, #tpu.memory_space<vmem_shared>>
        tpu.enqueue_dma source(%dma_start3A_56 : memref<128x128xf32, #tpu.memory_space<vmem_shared>>) target(%dma_start3A_54 : memref<128x128xf32, #tpu.memory_space<vmem>>) target_semaphore(%run_scoped3A : memref<!tpu.dma_semaphore, #tpu.memory_space<semaphore_mem>>)
        %dma_wait3A = arith.constant 0 : i32
        %dma_wait3A_57 = arith.constant 0 : i32
        %dma_wait3A_58 = tpu.memref_slice %arg12[%dma_wait3A, %dma_wait3A_57] : memref<128x128xf32, #tpu.memory_space<vmem>> -> memref<128x128xf32, #tpu.memory_space<vmem>>
        %dma_wait3A_59 = arith.constant 0 : i32
        %dma_wait3A_60 = tpu.memref_slice %arg11[%add3A_41, %dma_wait3A_59] : memref<10112x128xf32, #tpu.memory_space<vmem_shared>> -> memref<128x128xf32, #tpu.memory_space<vmem_shared>>
        %dma_wait3A_61 = arith.constant 0 : i32
        %dma_wait3A_62 = arith.constant 0 : i32
        %dma_wait3A_63 = tpu.memref_slice %arg12[%dma_wait3A_61, %dma_wait3A_62] : memref<128x128xf32, #tpu.memory_space<vmem>> -> memref<128x128xf32, #tpu.memory_space<vmem>>
        %dma_wait3A_64 = arith.constant 0 : i32
        %dma_wait3A_65 = tpu.memref_slice %arg11[%add3A_41, %dma_wait3A_64] : memref<10112x128xf32, #tpu.memory_space<vmem_shared>> -> memref<128x128xf32, #tpu.memory_space<vmem_shared>>
        tpu.wait_dma2 semaphore(%run_scoped3A : memref<!tpu.dma_semaphore, #tpu.memory_space<semaphore_mem>>) src(%dma_wait3A_65 : memref<128x128xf32, #tpu.memory_space<vmem_shared>>) dst(%dma_wait3A_63 : memref<128x128xf32, #tpu.memory_space<vmem>>)
        tpu.yield
      }) : () -> ()
      %add3A_42 = arith.constant 384 : i32
      %add3A_43 = arith.addi %mul3A_0, %add3A_42 : i32
      "tpu.region"() ({
        %run_scoped3A = tpu.sem_alloc : memref<!tpu.dma_semaphore, #tpu.memory_space<semaphore_mem>>
        %dma_start3A = arith.constant 0 : i32
        %dma_start3A_48 = arith.constant 0 : i32
        %dma_start3A_49 = tpu.memref_slice %arg12[%dma_start3A, %dma_start3A_48] : memref<128x128xf32, #tpu.memory_space<vmem>> -> memref<128x128xf32, #tpu.memory_space<vmem>>
        %dma_start3A_50 = arith.constant 0 : i32
        %dma_start3A_51 = tpu.memref_slice %arg10[%add3A_43, %dma_start3A_50] : memref<10112x128xf32, #tpu.memory_space<hbm>> -> memref<128x128xf32, #tpu.memory_space<hbm>>
        %dma_start3A_52 = arith.constant 0 : i32
        %dma_start3A_53 = tpu.memref_slice %arg10[%add3A_43, %dma_start3A_52] : memref<10112x128xf32, #tpu.memory_space<hbm>> -> memref<128x128xf32, #tpu.memory_space<hbm>>
        %dma_start3A_54 = arith.constant 0 : i32
        %dma_start3A_55 = arith.constant 0 : i32
        %dma_start3A_56 = tpu.memref_slice %arg12[%dma_start3A_54, %dma_start3A_55] : memref<128x128xf32, #tpu.memory_space<vmem>> -> memref<128x128xf32, #tpu.memory_space<vmem>>
        tpu.enqueue_dma source(%dma_start3A_56 : memref<128x128xf32, #tpu.memory_space<vmem>>) target(%dma_start3A_53 : memref<128x128xf32, #tpu.memory_space<hbm>>) target_semaphore(%run_scoped3A : memref<!tpu.dma_semaphore, #tpu.memory_space<semaphore_mem>>)
        %dma_wait3A = arith.constant 0 : i32
        %dma_wait3A_57 = arith.constant 0 : i32
        %dma_wait3A_58 = tpu.memref_slice %arg12[%dma_wait3A, %dma_wait3A_57] : memref<128x128xf32, #tpu.memory_space<vmem>> -> memref<128x128xf32, #tpu.memory_space<vmem>>
        %dma_wait3A_59 = arith.constant 0 : i32
        %dma_wait3A_60 = tpu.memref_slice %arg10[%add3A_43, %dma_wait3A_59] : memref<10112x128xf32, #tpu.memory_space<hbm>> -> memref<128x128xf32, #tpu.memory_space<hbm>>
        %dma_wait3A_61 = arith.constant 0 : i32
        %dma_wait3A_62 = tpu.memref_slice %arg10[%add3A_43, %dma_wait3A_61] : memref<10112x128xf32, #tpu.memory_space<hbm>> -> memref<128x128xf32, #tpu.memory_space<hbm>>
        %dma_wait3A_63 = arith.constant 0 : i32
        %dma_wait3A_64 = arith.constant 0 : i32
        %dma_wait3A_65 = tpu.memref_slice %arg12[%dma_wait3A_63, %dma_wait3A_64] : memref<128x128xf32, #tpu.memory_space<vmem>> -> memref<128x128xf32, #tpu.memory_space<vmem>>
        tpu.wait_dma2 semaphore(%run_scoped3A : memref<!tpu.dma_semaphore, #tpu.memory_space<semaphore_mem>>) src(%dma_wait3A_65 : memref<128x128xf32, #tpu.memory_space<vmem>>) dst(%dma_wait3A_62 : memref<128x128xf32, #tpu.memory_space<hbm>>)
        tpu.yield
      }) : () -> ()
      %add3A_44 = arith.constant 512 : i32
      %add3A_45 = arith.addi %mul3A_0, %add3A_44 : i32
      "tpu.region"() ({
        %run_scoped3A = tpu.sem_alloc : memref<!tpu.dma_semaphore, #tpu.memory_space<semaphore_mem>>
        %dma_start3A = arith.constant 0 : i32
        %dma_start3A_48 = arith.constant 0 : i32
        %dma_start3A_49 = tpu.memref_slice %arg12[%dma_start3A, %dma_start3A_48] : memref<128x128xf32, #tpu.memory_space<vmem>> -> memref<120x128xf32, #tpu.memory_space<vmem>>
        %dma_start3A_50 = arith.constant 0 : i32
        %dma_start3A_51 = tpu.memref_slice %arg11[%add3A_45, %dma_start3A_50] : memref<10112x128xf32, #tpu.memory_space<vmem_shared>> -> memref<120x128xf32, #tpu.memory_space<vmem_shared>>
        %dma_start3A_52 = arith.constant 0 : i32
        %dma_start3A_53 = arith.constant 0 : i32
        %dma_start3A_54 = tpu.memref_slice %arg12[%dma_start3A_52, %dma_start3A_53] : memref<128x128xf32, #tpu.memory_space<vmem>> -> memref<120x128xf32, #tpu.memory_space<vmem>>
        %dma_start3A_55 = arith.constant 0 : i32
        %dma_start3A_56 = tpu.memref_slice %arg11[%add3A_45, %dma_start3A_55] : memref<10112x128xf32, #tpu.memory_space<vmem_shared>> -> memref<120x128xf32, #tpu.memory_space<vmem_shared>>
        tpu.enqueue_dma source(%dma_start3A_56 : memref<120x128xf32, #tpu.memory_space<vmem_shared>>) target(%dma_start3A_54 : memref<120x128xf32, #tpu.memory_space<vmem>>) target_semaphore(%run_scoped3A : memref<!tpu.dma_semaphore, #tpu.memory_space<semaphore_mem>>)
        %dma_wait3A = arith.constant 0 : i32
        %dma_wait3A_57 = arith.constant 0 : i32
        %dma_wait3A_58 = tpu.memref_slice %arg12[%dma_wait3A, %dma_wait3A_57] : memref<128x128xf32, #tpu.memory_space<vmem>> -> memref<120x128xf32, #tpu.memory_space<vmem>>
        %dma_wait3A_59 = arith.constant 0 : i32
        %dma_wait3A_60 = tpu.memref_slice %arg11[%add3A_45, %dma_wait3A_59] : memref<10112x128xf32, #tpu.memory_space<vmem_shared>> -> memref<120x128xf32, #tpu.memory_space<vmem_shared>>
        %dma_wait3A_61 = arith.constant 0 : i32
        %dma_wait3A_62 = arith.constant 0 : i32
        %dma_wait3A_63 = tpu.memref_slice %arg12[%dma_wait3A_61, %dma_wait3A_62] : memref<128x128xf32, #tpu.memory_space<vmem>> -> memref<120x128xf32, #tpu.memory_space<vmem>>
        %dma_wait3A_64 = arith.constant 0 : i32
        %dma_wait3A_65 = tpu.memref_slice %arg11[%add3A_45, %dma_wait3A_64] : memref<10112x128xf32, #tpu.memory_space<vmem_shared>> -> memref<120x128xf32, #tpu.memory_space<vmem_shared>>
        tpu.wait_dma2 semaphore(%run_scoped3A : memref<!tpu.dma_semaphore, #tpu.memory_space<semaphore_mem>>) src(%dma_wait3A_65 : memref<120x128xf32, #tpu.memory_space<vmem_shared>>) dst(%dma_wait3A_63 : memref<120x128xf32, #tpu.memory_space<vmem>>)
        tpu.yield
      }) : () -> ()
      %add3A_46 = arith.constant 512 : i32
      %add3A_47 = arith.addi %mul3A_0, %add3A_46 : i32
      "tpu.region"() ({
        %run_scoped3A = tpu.sem_alloc : memref<!tpu.dma_semaphore, #tpu.memory_space<semaphore_mem>>
        %dma_start3A = arith.constant 0 : i32
        %dma_start3A_48 = arith.constant 0 : i32
        %dma_start3A_49 = tpu.memref_slice %arg12[%dma_start3A, %dma_start3A_48] : memref<128x128xf32, #tpu.memory_space<vmem>> -> memref<120x128xf32, #tpu.memory_space<vmem>>
        %dma_start3A_50 = arith.constant 0 : i32
        %dma_start3A_51 = tpu.memref_slice %arg10[%add3A_47, %dma_start3A_50] : memref<10112x128xf32, #tpu.memory_space<hbm>> -> memref<120x128xf32, #tpu.memory_space<hbm>>
        %dma_start3A_52 = arith.constant 0 : i32
        %dma_start3A_53 = tpu.memref_slice %arg10[%add3A_47, %dma_start3A_52] : memref<10112x128xf32, #tpu.memory_space<hbm>> -> memref<120x128xf32, #tpu.memory_space<hbm>>
        %dma_start3A_54 = arith.constant 0 : i32
        %dma_start3A_55 = arith.constant 0 : i32
        %dma_start3A_56 = tpu.memref_slice %arg12[%dma_start3A_54, %dma_start3A_55] : memref<128x128xf32, #tpu.memory_space<vmem>> -> memref<120x128xf32, #tpu.memory_space<vmem>>
        tpu.enqueue_dma source(%dma_start3A_56 : memref<120x128xf32, #tpu.memory_space<vmem>>) target(%dma_start3A_53 : memref<120x128xf32, #tpu.memory_space<hbm>>) target_semaphore(%run_scoped3A : memref<!tpu.dma_semaphore, #tpu.memory_space<semaphore_mem>>)
        %dma_wait3A = arith.constant 0 : i32
        %dma_wait3A_57 = arith.constant 0 : i32
        %dma_wait3A_58 = tpu.memref_slice %arg12[%dma_wait3A, %dma_wait3A_57] : memref<128x128xf32, #tpu.memory_space<vmem>> -> memref<120x128xf32, #tpu.memory_space<vmem>>
        %dma_wait3A_59 = arith.constant 0 : i32
        %dma_wait3A_60 = tpu.memref_slice %arg10[%add3A_47, %dma_wait3A_59] : memref<10112x128xf32, #tpu.memory_space<hbm>> -> memref<120x128xf32, #tpu.memory_space<hbm>>
        %dma_wait3A_61 = arith.constant 0 : i32
        %dma_wait3A_62 = tpu.memref_slice %arg10[%add3A_47, %dma_wait3A_61] : memref<10112x128xf32, #tpu.memory_space<hbm>> -> memref<120x128xf32, #tpu.memory_space<hbm>>
        %dma_wait3A_63 = arith.constant 0 : i32
        %dma_wait3A_64 = arith.constant 0 : i32
        %dma_wait3A_65 = tpu.memref_slice %arg12[%dma_wait3A_63, %dma_wait3A_64] : memref<128x128xf32, #tpu.memory_space<vmem>> -> memref<120x128xf32, #tpu.memory_space<vmem>>
        tpu.wait_dma2 semaphore(%run_scoped3A : memref<!tpu.dma_semaphore, #tpu.memory_space<semaphore_mem>>) src(%dma_wait3A_65 : memref<120x128xf32, #tpu.memory_space<vmem>>) dst(%dma_wait3A_62 : memref<120x128xf32, #tpu.memory_space<hbm>>)
        tpu.yield
      }) : () -> ()
    } else {
    }
    return
  }
}

#map = affine_map<(d0, d1) -> (0, 0)>
#map1 = affine_map<(d0, d1) -> (0)>
module attributes {stable_mosaic.version = 14 : i64} {
  func.func @_sc_spmm_pair_body(%arg0: i32, %arg1: i32, %arg2: memref<10000x128xf32, #tpu.memory_space<hbm>>, %arg3: memref<10000x128xf32, #tpu.memory_space<hbm>>, %arg4: memref<321536xi32, #tpu.memory_space<hbm>>, %arg5: memref<321536xi32, #tpu.memory_space<hbm>>, %arg6: memref<321536xi32, #tpu.memory_space<hbm>>, %arg7: memref<321536xi32, #tpu.memory_space<hbm>>, %arg8: memref<128x128xf32, #tpu.memory_space<hbm>>, %arg9: memref<10112x128xf32, #tpu.memory_space<hbm>>, %arg10: memref<10112x128xf32, #tpu.memory_space<hbm>>, %arg11: memref<10112x128xf32, #tpu.memory_space<vmem_shared>>, %arg12: memref<128x128xf32, #tpu.memory_space<vmem>>, %arg13: memref<128xi32, #tpu.memory_space<vmem>>, %arg14: memref<128xi32, #tpu.memory_space<vmem>>, %arg15: memref<!tpu.dma_semaphore, #tpu.memory_space<semaphore_mem>>) attributes {dimension_semantics = [#tpu.dimension_semantics<core_parallel>, #tpu.dimension_semantics<subcore_parallel>], iteration_bounds = array<i64: 2, 16>, scalar_prefetch = 0 : i64, scratch_operands = 5 : i64, tpu.core_type = #tpu.core_type<sc_vector_subcore>, window_params = [{transform_indices = #map}, {transform_indices = #map}, {transform_indices = #map1}, {transform_indices = #map1}, {transform_indices = #map1}, {transform_indices = #map1}, {transform_indices = #map}, {transform_indices = #map}, {transform_indices = #map}]} {
    %mul3A = arith.constant 632 : i32
    %mul3A_0 = arith.muli %arg1, %mul3A : i32
    "tpu.region"() ({
      %run_scoped3A = tpu.sem_alloc : memref<!tpu.dma_semaphore, #tpu.memory_space<semaphore_mem>>
      tpu.enqueue_dma source(%arg8 : memref<128x128xf32, #tpu.memory_space<hbm>>) target(%arg12 : memref<128x128xf32, #tpu.memory_space<vmem>>) target_semaphore(%run_scoped3A : memref<!tpu.dma_semaphore, #tpu.memory_space<semaphore_mem>>)
      tpu.wait_dma2 semaphore(%run_scoped3A : memref<!tpu.dma_semaphore, #tpu.memory_space<semaphore_mem>>) src(%arg8 : memref<128x128xf32, #tpu.memory_space<hbm>>) dst(%arg12 : memref<128x128xf32, #tpu.memory_space<vmem>>)
      tpu.yield
    }) : () -> ()
    %add3A = arith.constant 0 : i32
    %add3A_1 = arith.addi %mul3A_0, %add3A : i32
    "tpu.region"() ({
      %run_scoped3A = tpu.sem_alloc : memref<!tpu.dma_semaphore, #tpu.memory_space<semaphore_mem>>
      %dma_start3A = arith.constant 0 : i32
      %dma_start3A_28 = arith.constant 0 : i32
      %dma_start3A_29 = tpu.memref_slice %arg12[%dma_start3A, %dma_start3A_28] : memref<128x128xf32, #tpu.memory_space<vmem>> -> memref<128x128xf32, #tpu.memory_space<vmem>>
      %dma_start3A_30 = arith.constant 0 : i32
      %dma_start3A_31 = tpu.memref_slice %arg11[%add3A_1, %dma_start3A_30] : memref<10112x128xf32, #tpu.memory_space<vmem_shared>> -> memref<128x128xf32, #tpu.memory_space<vmem_shared>>
      %dma_start3A_32 = arith.constant 0 : i32
      %dma_start3A_33 = tpu.memref_slice %arg11[%add3A_1, %dma_start3A_32] : memref<10112x128xf32, #tpu.memory_space<vmem_shared>> -> memref<128x128xf32, #tpu.memory_space<vmem_shared>>
      %dma_start3A_34 = arith.constant 0 : i32
      %dma_start3A_35 = arith.constant 0 : i32
      %dma_start3A_36 = tpu.memref_slice %arg12[%dma_start3A_34, %dma_start3A_35] : memref<128x128xf32, #tpu.memory_space<vmem>> -> memref<128x128xf32, #tpu.memory_space<vmem>>
      tpu.enqueue_dma source(%dma_start3A_36 : memref<128x128xf32, #tpu.memory_space<vmem>>) target(%dma_start3A_33 : memref<128x128xf32, #tpu.memory_space<vmem_shared>>) target_semaphore(%run_scoped3A : memref<!tpu.dma_semaphore, #tpu.memory_space<semaphore_mem>>)
      %dma_wait3A = arith.constant 0 : i32
      %dma_wait3A_37 = arith.constant 0 : i32
      %dma_wait3A_38 = tpu.memref_slice %arg12[%dma_wait3A, %dma_wait3A_37] : memref<128x128xf32, #tpu.memory_space<vmem>> -> memref<128x128xf32, #tpu.memory_space<vmem>>
      %dma_wait3A_39 = arith.constant 0 : i32
      %dma_wait3A_40 = tpu.memref_slice %arg11[%add3A_1, %dma_wait3A_39] : memref<10112x128xf32, #tpu.memory_space<vmem_shared>> -> memref<128x128xf32, #tpu.memory_space<vmem_shared>>
      %dma_wait3A_41 = arith.constant 0 : i32
      %dma_wait3A_42 = tpu.memref_slice %arg11[%add3A_1, %dma_wait3A_41] : memref<10112x128xf32, #tpu.memory_space<vmem_shared>> -> memref<128x128xf32, #tpu.memory_space<vmem_shared>>
      %dma_wait3A_43 = arith.constant 0 : i32
      %dma_wait3A_44 = arith.constant 0 : i32
      %dma_wait3A_45 = tpu.memref_slice %arg12[%dma_wait3A_43, %dma_wait3A_44] : memref<128x128xf32, #tpu.memory_space<vmem>> -> memref<128x128xf32, #tpu.memory_space<vmem>>
      tpu.wait_dma2 semaphore(%run_scoped3A : memref<!tpu.dma_semaphore, #tpu.memory_space<semaphore_mem>>) src(%dma_wait3A_45 : memref<128x128xf32, #tpu.memory_space<vmem>>) dst(%dma_wait3A_42 : memref<128x128xf32, #tpu.memory_space<vmem_shared>>)
      tpu.yield
    }) : () -> ()
    %add3A_2 = arith.constant 128 : i32
    %add3A_3 = arith.addi %mul3A_0, %add3A_2 : i32
    "tpu.region"() ({
      %run_scoped3A = tpu.sem_alloc : memref<!tpu.dma_semaphore, #tpu.memory_space<semaphore_mem>>
      %dma_start3A = arith.constant 0 : i32
      %dma_start3A_28 = arith.constant 0 : i32
      %dma_start3A_29 = tpu.memref_slice %arg12[%dma_start3A, %dma_start3A_28] : memref<128x128xf32, #tpu.memory_space<vmem>> -> memref<128x128xf32, #tpu.memory_space<vmem>>
      %dma_start3A_30 = arith.constant 0 : i32
      %dma_start3A_31 = tpu.memref_slice %arg11[%add3A_3, %dma_start3A_30] : memref<10112x128xf32, #tpu.memory_space<vmem_shared>> -> memref<128x128xf32, #tpu.memory_space<vmem_shared>>
      %dma_start3A_32 = arith.constant 0 : i32
      %dma_start3A_33 = tpu.memref_slice %arg11[%add3A_3, %dma_start3A_32] : memref<10112x128xf32, #tpu.memory_space<vmem_shared>> -> memref<128x128xf32, #tpu.memory_space<vmem_shared>>
      %dma_start3A_34 = arith.constant 0 : i32
      %dma_start3A_35 = arith.constant 0 : i32
      %dma_start3A_36 = tpu.memref_slice %arg12[%dma_start3A_34, %dma_start3A_35] : memref<128x128xf32, #tpu.memory_space<vmem>> -> memref<128x128xf32, #tpu.memory_space<vmem>>
      tpu.enqueue_dma source(%dma_start3A_36 : memref<128x128xf32, #tpu.memory_space<vmem>>) target(%dma_start3A_33 : memref<128x128xf32, #tpu.memory_space<vmem_shared>>) target_semaphore(%run_scoped3A : memref<!tpu.dma_semaphore, #tpu.memory_space<semaphore_mem>>)
      %dma_wait3A = arith.constant 0 : i32
      %dma_wait3A_37 = arith.constant 0 : i32
      %dma_wait3A_38 = tpu.memref_slice %arg12[%dma_wait3A, %dma_wait3A_37] : memref<128x128xf32, #tpu.memory_space<vmem>> -> memref<128x128xf32, #tpu.memory_space<vmem>>
      %dma_wait3A_39 = arith.constant 0 : i32
      %dma_wait3A_40 = tpu.memref_slice %arg11[%add3A_3, %dma_wait3A_39] : memref<10112x128xf32, #tpu.memory_space<vmem_shared>> -> memref<128x128xf32, #tpu.memory_space<vmem_shared>>
      %dma_wait3A_41 = arith.constant 0 : i32
      %dma_wait3A_42 = tpu.memref_slice %arg11[%add3A_3, %dma_wait3A_41] : memref<10112x128xf32, #tpu.memory_space<vmem_shared>> -> memref<128x128xf32, #tpu.memory_space<vmem_shared>>
      %dma_wait3A_43 = arith.constant 0 : i32
      %dma_wait3A_44 = arith.constant 0 : i32
      %dma_wait3A_45 = tpu.memref_slice %arg12[%dma_wait3A_43, %dma_wait3A_44] : memref<128x128xf32, #tpu.memory_space<vmem>> -> memref<128x128xf32, #tpu.memory_space<vmem>>
      tpu.wait_dma2 semaphore(%run_scoped3A : memref<!tpu.dma_semaphore, #tpu.memory_space<semaphore_mem>>) src(%dma_wait3A_45 : memref<128x128xf32, #tpu.memory_space<vmem>>) dst(%dma_wait3A_42 : memref<128x128xf32, #tpu.memory_space<vmem_shared>>)
      tpu.yield
    }) : () -> ()
    %add3A_4 = arith.constant 256 : i32
    %add3A_5 = arith.addi %mul3A_0, %add3A_4 : i32
    "tpu.region"() ({
      %run_scoped3A = tpu.sem_alloc : memref<!tpu.dma_semaphore, #tpu.memory_space<semaphore_mem>>
      %dma_start3A = arith.constant 0 : i32
      %dma_start3A_28 = arith.constant 0 : i32
      %dma_start3A_29 = tpu.memref_slice %arg12[%dma_start3A, %dma_start3A_28] : memref<128x128xf32, #tpu.memory_space<vmem>> -> memref<128x128xf32, #tpu.memory_space<vmem>>
      %dma_start3A_30 = arith.constant 0 : i32
      %dma_start3A_31 = tpu.memref_slice %arg11[%add3A_5, %dma_start3A_30] : memref<10112x128xf32, #tpu.memory_space<vmem_shared>> -> memref<128x128xf32, #tpu.memory_space<vmem_shared>>
      %dma_start3A_32 = arith.constant 0 : i32
      %dma_start3A_33 = tpu.memref_slice %arg11[%add3A_5, %dma_start3A_32] : memref<10112x128xf32, #tpu.memory_space<vmem_shared>> -> memref<128x128xf32, #tpu.memory_space<vmem_shared>>
      %dma_start3A_34 = arith.constant 0 : i32
      %dma_start3A_35 = arith.constant 0 : i32
      %dma_start3A_36 = tpu.memref_slice %arg12[%dma_start3A_34, %dma_start3A_35] : memref<128x128xf32, #tpu.memory_space<vmem>> -> memref<128x128xf32, #tpu.memory_space<vmem>>
      tpu.enqueue_dma source(%dma_start3A_36 : memref<128x128xf32, #tpu.memory_space<vmem>>) target(%dma_start3A_33 : memref<128x128xf32, #tpu.memory_space<vmem_shared>>) target_semaphore(%run_scoped3A : memref<!tpu.dma_semaphore, #tpu.memory_space<semaphore_mem>>)
      %dma_wait3A = arith.constant 0 : i32
      %dma_wait3A_37 = arith.constant 0 : i32
      %dma_wait3A_38 = tpu.memref_slice %arg12[%dma_wait3A, %dma_wait3A_37] : memref<128x128xf32, #tpu.memory_space<vmem>> -> memref<128x128xf32, #tpu.memory_space<vmem>>
      %dma_wait3A_39 = arith.constant 0 : i32
      %dma_wait3A_40 = tpu.memref_slice %arg11[%add3A_5, %dma_wait3A_39] : memref<10112x128xf32, #tpu.memory_space<vmem_shared>> -> memref<128x128xf32, #tpu.memory_space<vmem_shared>>
      %dma_wait3A_41 = arith.constant 0 : i32
      %dma_wait3A_42 = tpu.memref_slice %arg11[%add3A_5, %dma_wait3A_41] : memref<10112x128xf32, #tpu.memory_space<vmem_shared>> -> memref<128x128xf32, #tpu.memory_space<vmem_shared>>
      %dma_wait3A_43 = arith.constant 0 : i32
      %dma_wait3A_44 = arith.constant 0 : i32
      %dma_wait3A_45 = tpu.memref_slice %arg12[%dma_wait3A_43, %dma_wait3A_44] : memref<128x128xf32, #tpu.memory_space<vmem>> -> memref<128x128xf32, #tpu.memory_space<vmem>>
      tpu.wait_dma2 semaphore(%run_scoped3A : memref<!tpu.dma_semaphore, #tpu.memory_space<semaphore_mem>>) src(%dma_wait3A_45 : memref<128x128xf32, #tpu.memory_space<vmem>>) dst(%dma_wait3A_42 : memref<128x128xf32, #tpu.memory_space<vmem_shared>>)
      tpu.yield
    }) : () -> ()
    %add3A_6 = arith.constant 384 : i32
    %add3A_7 = arith.addi %mul3A_0, %add3A_6 : i32
    "tpu.region"() ({
      %run_scoped3A = tpu.sem_alloc : memref<!tpu.dma_semaphore, #tpu.memory_space<semaphore_mem>>
      %dma_start3A = arith.constant 0 : i32
      %dma_start3A_28 = arith.constant 0 : i32
      %dma_start3A_29 = tpu.memref_slice %arg12[%dma_start3A, %dma_start3A_28] : memref<128x128xf32, #tpu.memory_space<vmem>> -> memref<128x128xf32, #tpu.memory_space<vmem>>
      %dma_start3A_30 = arith.constant 0 : i32
      %dma_start3A_31 = tpu.memref_slice %arg11[%add3A_7, %dma_start3A_30] : memref<10112x128xf32, #tpu.memory_space<vmem_shared>> -> memref<128x128xf32, #tpu.memory_space<vmem_shared>>
      %dma_start3A_32 = arith.constant 0 : i32
      %dma_start3A_33 = tpu.memref_slice %arg11[%add3A_7, %dma_start3A_32] : memref<10112x128xf32, #tpu.memory_space<vmem_shared>> -> memref<128x128xf32, #tpu.memory_space<vmem_shared>>
      %dma_start3A_34 = arith.constant 0 : i32
      %dma_start3A_35 = arith.constant 0 : i32
      %dma_start3A_36 = tpu.memref_slice %arg12[%dma_start3A_34, %dma_start3A_35] : memref<128x128xf32, #tpu.memory_space<vmem>> -> memref<128x128xf32, #tpu.memory_space<vmem>>
      tpu.enqueue_dma source(%dma_start3A_36 : memref<128x128xf32, #tpu.memory_space<vmem>>) target(%dma_start3A_33 : memref<128x128xf32, #tpu.memory_space<vmem_shared>>) target_semaphore(%run_scoped3A : memref<!tpu.dma_semaphore, #tpu.memory_space<semaphore_mem>>)
      %dma_wait3A = arith.constant 0 : i32
      %dma_wait3A_37 = arith.constant 0 : i32
      %dma_wait3A_38 = tpu.memref_slice %arg12[%dma_wait3A, %dma_wait3A_37] : memref<128x128xf32, #tpu.memory_space<vmem>> -> memref<128x128xf32, #tpu.memory_space<vmem>>
      %dma_wait3A_39 = arith.constant 0 : i32
      %dma_wait3A_40 = tpu.memref_slice %arg11[%add3A_7, %dma_wait3A_39] : memref<10112x128xf32, #tpu.memory_space<vmem_shared>> -> memref<128x128xf32, #tpu.memory_space<vmem_shared>>
      %dma_wait3A_41 = arith.constant 0 : i32
      %dma_wait3A_42 = tpu.memref_slice %arg11[%add3A_7, %dma_wait3A_41] : memref<10112x128xf32, #tpu.memory_space<vmem_shared>> -> memref<128x128xf32, #tpu.memory_space<vmem_shared>>
      %dma_wait3A_43 = arith.constant 0 : i32
      %dma_wait3A_44 = arith.constant 0 : i32
      %dma_wait3A_45 = tpu.memref_slice %arg12[%dma_wait3A_43, %dma_wait3A_44] : memref<128x128xf32, #tpu.memory_space<vmem>> -> memref<128x128xf32, #tpu.memory_space<vmem>>
      tpu.wait_dma2 semaphore(%run_scoped3A : memref<!tpu.dma_semaphore, #tpu.memory_space<semaphore_mem>>) src(%dma_wait3A_45 : memref<128x128xf32, #tpu.memory_space<vmem>>) dst(%dma_wait3A_42 : memref<128x128xf32, #tpu.memory_space<vmem_shared>>)
      tpu.yield
    }) : () -> ()
    %add3A_8 = arith.constant 512 : i32
    %add3A_9 = arith.addi %mul3A_0, %add3A_8 : i32
    "tpu.region"() ({
      %run_scoped3A = tpu.sem_alloc : memref<!tpu.dma_semaphore, #tpu.memory_space<semaphore_mem>>
      %dma_start3A = arith.constant 0 : i32
      %dma_start3A_28 = arith.constant 0 : i32
      %dma_start3A_29 = tpu.memref_slice %arg12[%dma_start3A, %dma_start3A_28] : memref<128x128xf32, #tpu.memory_space<vmem>> -> memref<120x128xf32, #tpu.memory_space<vmem>>
      %dma_start3A_30 = arith.constant 0 : i32
      %dma_start3A_31 = tpu.memref_slice %arg11[%add3A_9, %dma_start3A_30] : memref<10112x128xf32, #tpu.memory_space<vmem_shared>> -> memref<120x128xf32, #tpu.memory_space<vmem_shared>>
      %dma_start3A_32 = arith.constant 0 : i32
      %dma_start3A_33 = tpu.memref_slice %arg11[%add3A_9, %dma_start3A_32] : memref<10112x128xf32, #tpu.memory_space<vmem_shared>> -> memref<120x128xf32, #tpu.memory_space<vmem_shared>>
      %dma_start3A_34 = arith.constant 0 : i32
      %dma_start3A_35 = arith.constant 0 : i32
      %dma_start3A_36 = tpu.memref_slice %arg12[%dma_start3A_34, %dma_start3A_35] : memref<128x128xf32, #tpu.memory_space<vmem>> -> memref<120x128xf32, #tpu.memory_space<vmem>>
      tpu.enqueue_dma source(%dma_start3A_36 : memref<120x128xf32, #tpu.memory_space<vmem>>) target(%dma_start3A_33 : memref<120x128xf32, #tpu.memory_space<vmem_shared>>) target_semaphore(%run_scoped3A : memref<!tpu.dma_semaphore, #tpu.memory_space<semaphore_mem>>)
      %dma_wait3A = arith.constant 0 : i32
      %dma_wait3A_37 = arith.constant 0 : i32
      %dma_wait3A_38 = tpu.memref_slice %arg12[%dma_wait3A, %dma_wait3A_37] : memref<128x128xf32, #tpu.memory_space<vmem>> -> memref<120x128xf32, #tpu.memory_space<vmem>>
      %dma_wait3A_39 = arith.constant 0 : i32
      %dma_wait3A_40 = tpu.memref_slice %arg11[%add3A_9, %dma_wait3A_39] : memref<10112x128xf32, #tpu.memory_space<vmem_shared>> -> memref<120x128xf32, #tpu.memory_space<vmem_shared>>
      %dma_wait3A_41 = arith.constant 0 : i32
      %dma_wait3A_42 = tpu.memref_slice %arg11[%add3A_9, %dma_wait3A_41] : memref<10112x128xf32, #tpu.memory_space<vmem_shared>> -> memref<120x128xf32, #tpu.memory_space<vmem_shared>>
      %dma_wait3A_43 = arith.constant 0 : i32
      %dma_wait3A_44 = arith.constant 0 : i32
      %dma_wait3A_45 = tpu.memref_slice %arg12[%dma_wait3A_43, %dma_wait3A_44] : memref<128x128xf32, #tpu.memory_space<vmem>> -> memref<120x128xf32, #tpu.memory_space<vmem>>
      tpu.wait_dma2 semaphore(%run_scoped3A : memref<!tpu.dma_semaphore, #tpu.memory_space<semaphore_mem>>) src(%dma_wait3A_45 : memref<120x128xf32, #tpu.memory_space<vmem>>) dst(%dma_wait3A_42 : memref<120x128xf32, #tpu.memory_space<vmem_shared>>)
      tpu.yield
    }) : () -> ()
    %barrier3A = arith.constant 0 : index
    tpu.barrier barrier_id(%barrier3A)
    %eq3A = arith.constant 0 : i32
    %eq3A_10 = arith.cmpi eq, %arg0, %eq3A : i32
    %convert_element_type3A = arith.extui %eq3A_10 : i1 to i32
    %cond3A = arith.constant 0 : i32
    %cond3A_11 = arith.cmpi ne, %convert_element_type3A, %cond3A : i32
    scf.if %cond3A_11 {
      %scan3A = arith.constant 0 : i32
      %scan3A_28 = arith.constant 0 : i32
      %scan3A_29 = arith.constant 157 : i32
      %scan3A_30 = arith.addi %scan3A_28, %scan3A_29 : i32
      %scan3A_31 = arith.constant 1 : i32
      %scan3A_32 = scf.for %scan3A_34 = %scan3A_28 to %scan3A_30 step %scan3A_31 iter_args(%scan3A_35 = %scan3A) -> (i32)  : i32 {
        %mul3A_36 = arith.constant 157 : i32
        %mul3A_37 = arith.muli %arg1, %mul3A_36 : i32
        %add3A_38 = arith.addi %mul3A_37, %scan3A_34 : i32
        %mul3A_39 = arith.constant 128 : i32
        %mul3A_40 = arith.muli %add3A_38, %mul3A_39 : i32
        %multiple_of3A = tpu.assume_multiple %mul3A_40, 128 : i32
        "tpu.region"() ({
          %run_scoped3A = tpu.sem_alloc : memref<!tpu.dma_semaphore, #tpu.memory_space<semaphore_mem>>
          %dma_start3A_46 = tpu.memref_slice %arg4[%multiple_of3A] : memref<321536xi32, #tpu.memory_space<hbm>> -> memref<128xi32, #tpu.memory_space<hbm>>
          %dma_start3A_47 = tpu.memref_slice %arg4[%multiple_of3A] : memref<321536xi32, #tpu.memory_space<hbm>> -> memref<128xi32, #tpu.memory_space<hbm>>
          tpu.enqueue_dma source(%dma_start3A_47 : memref<128xi32, #tpu.memory_space<hbm>>) target(%arg13 : memref<128xi32, #tpu.memory_space<vmem>>) target_semaphore(%run_scoped3A : memref<!tpu.dma_semaphore, #tpu.memory_space<semaphore_mem>>)
          %dma_wait3A_48 = tpu.memref_slice %arg4[%multiple_of3A] : memref<321536xi32, #tpu.memory_space<hbm>> -> memref<128xi32, #tpu.memory_space<hbm>>
          %dma_wait3A_49 = tpu.memref_slice %arg4[%multiple_of3A] : memref<321536xi32, #tpu.memory_space<hbm>> -> memref<128xi32, #tpu.memory_space<hbm>>
          tpu.wait_dma2 semaphore(%run_scoped3A : memref<!tpu.dma_semaphore, #tpu.memory_space<semaphore_mem>>) src(%dma_wait3A_49 : memref<128xi32, #tpu.memory_space<hbm>>) dst(%arg13 : memref<128xi32, #tpu.memory_space<vmem>>)
          tpu.yield
        }) : () -> ()
        "tpu.region"() ({
          %run_scoped3A = tpu.sem_alloc : memref<!tpu.dma_semaphore, #tpu.memory_space<semaphore_mem>>
          %dma_start3A_46 = tpu.memref_slice %arg5[%multiple_of3A] : memref<321536xi32, #tpu.memory_space<hbm>> -> memref<128xi32, #tpu.memory_space<hbm>>
          %dma_start3A_47 = tpu.memref_slice %arg5[%multiple_of3A] : memref<321536xi32, #tpu.memory_space<hbm>> -> memref<128xi32, #tpu.memory_space<hbm>>
          tpu.enqueue_dma source(%dma_start3A_47 : memref<128xi32, #tpu.memory_space<hbm>>) target(%arg14 : memref<128xi32, #tpu.memory_space<vmem>>) target_semaphore(%run_scoped3A : memref<!tpu.dma_semaphore, #tpu.memory_space<semaphore_mem>>)
          %dma_wait3A_48 = tpu.memref_slice %arg5[%multiple_of3A] : memref<321536xi32, #tpu.memory_space<hbm>> -> memref<128xi32, #tpu.memory_space<hbm>>
          %dma_wait3A_49 = tpu.memref_slice %arg5[%multiple_of3A] : memref<321536xi32, #tpu.memory_space<hbm>> -> memref<128xi32, #tpu.memory_space<hbm>>
          tpu.wait_dma2 semaphore(%run_scoped3A : memref<!tpu.dma_semaphore, #tpu.memory_space<semaphore_mem>>) src(%dma_wait3A_49 : memref<128xi32, #tpu.memory_space<hbm>>) dst(%arg14 : memref<128xi32, #tpu.memory_space<vmem>>)
          tpu.yield
        }) : () -> ()
        %dma_start3A = arith.constant 0 : i32
        %dma_start3A_41 = arith.constant 0 : i32
        %dma_start3A_42 = tpu.memref_slice %arg2[%dma_start3A, %dma_start3A_41] : memref<10000x128xf32, #tpu.memory_space<hbm>> -> memref<10000x128xf32, #tpu.memory_space<hbm>>
        tpu.enqueue_indirect_dma source(%dma_start3A_42 : memref<10000x128xf32, #tpu.memory_space<hbm>>) target(%arg12 : memref<128x128xf32, #tpu.memory_space<vmem>>) offsets(%arg13 : memref<128xi32, #tpu.memory_space<vmem>>) semaphore(%arg15 : memref<!tpu.dma_semaphore, #tpu.memory_space<semaphore_mem>>)
        %dma_wait3A = arith.constant 0 : i32
        %dma_wait3A_43 = arith.constant 0 : i32
        %dma_wait3A_44 = tpu.memref_slice %arg2[%dma_wait3A, %dma_wait3A_43] : memref<10000x128xf32, #tpu.memory_space<hbm>> -> memref<10000x128xf32, #tpu.memory_space<hbm>>
        tpu.wait_indirect_dma semaphore(%arg15 : memref<!tpu.dma_semaphore, #tpu.memory_space<semaphore_mem>>) src(%dma_wait3A_44 : memref<10000x128xf32, #tpu.memory_space<hbm>>) dst(%arg12 : memref<128x128xf32, #tpu.memory_space<vmem>>)
        "tpu.region"() ({
          %run_scoped3A = tpu.sem_alloc : memref<!tpu.dma_semaphore, #tpu.memory_space<semaphore_mem>>
          %dma_start3A_46 = arith.constant 0 : i32
          %dma_start3A_47 = arith.constant 0 : i32
          %dma_start3A_48 = tpu.memref_slice %arg11[%dma_start3A_46, %dma_start3A_47] : memref<10112x128xf32, #tpu.memory_space<vmem_shared>> -> memref<10112x128xf32, #tpu.memory_space<vmem_shared>>
          tpu.enqueue_indirect_dma source(%arg12 : memref<128x128xf32, #tpu.memory_space<vmem>>) target(%dma_start3A_48 : memref<10112x128xf32, #tpu.memory_space<vmem_shared>>) offsets(%arg14 : memref<128xi32, #tpu.memory_space<vmem>>) semaphore(%run_scoped3A : memref<!tpu.dma_semaphore, #tpu.memory_space<semaphore_mem>>) {add = true}
          %dma_wait3A_49 = arith.constant 0 : i32
          %dma_wait3A_50 = arith.constant 0 : i32
          %dma_wait3A_51 = tpu.memref_slice %arg11[%dma_wait3A_49, %dma_wait3A_50] : memref<10112x128xf32, #tpu.memory_space<vmem_shared>> -> memref<10112x128xf32, #tpu.memory_space<vmem_shared>>
          tpu.wait_indirect_dma semaphore(%run_scoped3A : memref<!tpu.dma_semaphore, #tpu.memory_space<semaphore_mem>>) src(%arg12 : memref<128x128xf32, #tpu.memory_space<vmem>>) dst(%dma_wait3A_51 : memref<10112x128xf32, #tpu.memory_space<vmem_shared>>)
          tpu.yield
        }) : () -> ()
        %scan3A_45 = arith.constant 0 : i32
        scf.yield %scan3A_45 : i32
      }
      %scan3A_33 = arith.constant 157 : i32
    } else {
    }
    %eq3A_12 = arith.constant 1 : i32
    %eq3A_13 = arith.cmpi eq, %arg0, %eq3A_12 : i32
    %convert_element_type3A_14 = arith.extui %eq3A_13 : i1 to i32
    %cond3A_15 = arith.constant 0 : i32
    %cond3A_16 = arith.cmpi ne, %convert_element_type3A_14, %cond3A_15 : i32
    scf.if %cond3A_16 {
      %scan3A = arith.constant 0 : i32
      %scan3A_28 = arith.constant 0 : i32
      %scan3A_29 = arith.constant 157 : i32
      %scan3A_30 = arith.addi %scan3A_28, %scan3A_29 : i32
      %scan3A_31 = arith.constant 1 : i32
      %scan3A_32 = scf.for %scan3A_34 = %scan3A_28 to %scan3A_30 step %scan3A_31 iter_args(%scan3A_35 = %scan3A) -> (i32)  : i32 {
        %mul3A_36 = arith.constant 157 : i32
        %mul3A_37 = arith.muli %arg1, %mul3A_36 : i32
        %add3A_38 = arith.addi %mul3A_37, %scan3A_34 : i32
        %mul3A_39 = arith.constant 128 : i32
        %mul3A_40 = arith.muli %add3A_38, %mul3A_39 : i32
        %multiple_of3A = tpu.assume_multiple %mul3A_40, 128 : i32
        "tpu.region"() ({
          %run_scoped3A = tpu.sem_alloc : memref<!tpu.dma_semaphore, #tpu.memory_space<semaphore_mem>>
          %dma_start3A_46 = tpu.memref_slice %arg6[%multiple_of3A] : memref<321536xi32, #tpu.memory_space<hbm>> -> memref<128xi32, #tpu.memory_space<hbm>>
          %dma_start3A_47 = tpu.memref_slice %arg6[%multiple_of3A] : memref<321536xi32, #tpu.memory_space<hbm>> -> memref<128xi32, #tpu.memory_space<hbm>>
          tpu.enqueue_dma source(%dma_start3A_47 : memref<128xi32, #tpu.memory_space<hbm>>) target(%arg13 : memref<128xi32, #tpu.memory_space<vmem>>) target_semaphore(%run_scoped3A : memref<!tpu.dma_semaphore, #tpu.memory_space<semaphore_mem>>)
          %dma_wait3A_48 = tpu.memref_slice %arg6[%multiple_of3A] : memref<321536xi32, #tpu.memory_space<hbm>> -> memref<128xi32, #tpu.memory_space<hbm>>
          %dma_wait3A_49 = tpu.memref_slice %arg6[%multiple_of3A] : memref<321536xi32, #tpu.memory_space<hbm>> -> memref<128xi32, #tpu.memory_space<hbm>>
          tpu.wait_dma2 semaphore(%run_scoped3A : memref<!tpu.dma_semaphore, #tpu.memory_space<semaphore_mem>>) src(%dma_wait3A_49 : memref<128xi32, #tpu.memory_space<hbm>>) dst(%arg13 : memref<128xi32, #tpu.memory_space<vmem>>)
          tpu.yield
        }) : () -> ()
        "tpu.region"() ({
          %run_scoped3A = tpu.sem_alloc : memref<!tpu.dma_semaphore, #tpu.memory_space<semaphore_mem>>
          %dma_start3A_46 = tpu.memref_slice %arg7[%multiple_of3A] : memref<321536xi32, #tpu.memory_space<hbm>> -> memref<128xi32, #tpu.memory_space<hbm>>
          %dma_start3A_47 = tpu.memref_slice %arg7[%multiple_of3A] : memref<321536xi32, #tpu.memory_space<hbm>> -> memref<128xi32, #tpu.memory_space<hbm>>
          tpu.enqueue_dma source(%dma_start3A_47 : memref<128xi32, #tpu.memory_space<hbm>>) target(%arg14 : memref<128xi32, #tpu.memory_space<vmem>>) target_semaphore(%run_scoped3A : memref<!tpu.dma_semaphore, #tpu.memory_space<semaphore_mem>>)
          %dma_wait3A_48 = tpu.memref_slice %arg7[%multiple_of3A] : memref<321536xi32, #tpu.memory_space<hbm>> -> memref<128xi32, #tpu.memory_space<hbm>>
          %dma_wait3A_49 = tpu.memref_slice %arg7[%multiple_of3A] : memref<321536xi32, #tpu.memory_space<hbm>> -> memref<128xi32, #tpu.memory_space<hbm>>
          tpu.wait_dma2 semaphore(%run_scoped3A : memref<!tpu.dma_semaphore, #tpu.memory_space<semaphore_mem>>) src(%dma_wait3A_49 : memref<128xi32, #tpu.memory_space<hbm>>) dst(%arg14 : memref<128xi32, #tpu.memory_space<vmem>>)
          tpu.yield
        }) : () -> ()
        %dma_start3A = arith.constant 0 : i32
        %dma_start3A_41 = arith.constant 0 : i32
        %dma_start3A_42 = tpu.memref_slice %arg3[%dma_start3A, %dma_start3A_41] : memref<10000x128xf32, #tpu.memory_space<hbm>> -> memref<10000x128xf32, #tpu.memory_space<hbm>>
        tpu.enqueue_indirect_dma source(%dma_start3A_42 : memref<10000x128xf32, #tpu.memory_space<hbm>>) target(%arg12 : memref<128x128xf32, #tpu.memory_space<vmem>>) offsets(%arg13 : memref<128xi32, #tpu.memory_space<vmem>>) semaphore(%arg15 : memref<!tpu.dma_semaphore, #tpu.memory_space<semaphore_mem>>)
        %dma_wait3A = arith.constant 0 : i32
        %dma_wait3A_43 = arith.constant 0 : i32
        %dma_wait3A_44 = tpu.memref_slice %arg3[%dma_wait3A, %dma_wait3A_43] : memref<10000x128xf32, #tpu.memory_space<hbm>> -> memref<10000x128xf32, #tpu.memory_space<hbm>>
        tpu.wait_indirect_dma semaphore(%arg15 : memref<!tpu.dma_semaphore, #tpu.memory_space<semaphore_mem>>) src(%dma_wait3A_44 : memref<10000x128xf32, #tpu.memory_space<hbm>>) dst(%arg12 : memref<128x128xf32, #tpu.memory_space<vmem>>)
        "tpu.region"() ({
          %run_scoped3A = tpu.sem_alloc : memref<!tpu.dma_semaphore, #tpu.memory_space<semaphore_mem>>
          %dma_start3A_46 = arith.constant 0 : i32
          %dma_start3A_47 = arith.constant 0 : i32
          %dma_start3A_48 = tpu.memref_slice %arg11[%dma_start3A_46, %dma_start3A_47] : memref<10112x128xf32, #tpu.memory_space<vmem_shared>> -> memref<10112x128xf32, #tpu.memory_space<vmem_shared>>
          tpu.enqueue_indirect_dma source(%arg12 : memref<128x128xf32, #tpu.memory_space<vmem>>) target(%dma_start3A_48 : memref<10112x128xf32, #tpu.memory_space<vmem_shared>>) offsets(%arg14 : memref<128xi32, #tpu.memory_space<vmem>>) semaphore(%run_scoped3A : memref<!tpu.dma_semaphore, #tpu.memory_space<semaphore_mem>>) {add = true}
          %dma_wait3A_49 = arith.constant 0 : i32
          %dma_wait3A_50 = arith.constant 0 : i32
          %dma_wait3A_51 = tpu.memref_slice %arg11[%dma_wait3A_49, %dma_wait3A_50] : memref<10112x128xf32, #tpu.memory_space<vmem_shared>> -> memref<10112x128xf32, #tpu.memory_space<vmem_shared>>
          tpu.wait_indirect_dma semaphore(%run_scoped3A : memref<!tpu.dma_semaphore, #tpu.memory_space<semaphore_mem>>) src(%arg12 : memref<128x128xf32, #tpu.memory_space<vmem>>) dst(%dma_wait3A_51 : memref<10112x128xf32, #tpu.memory_space<vmem_shared>>)
          tpu.yield
        }) : () -> ()
        %scan3A_45 = arith.constant 0 : i32
        scf.yield %scan3A_45 : i32
      }
      %scan3A_33 = arith.constant 157 : i32
    } else {
    }
    %barrier3A_17 = arith.constant 0 : index
    tpu.barrier barrier_id(%barrier3A_17)
    %eq3A_18 = arith.constant 0 : i32
    %eq3A_19 = arith.cmpi eq, %arg0, %eq3A_18 : i32
    %convert_element_type3A_20 = arith.extui %eq3A_19 : i1 to i32
    %cond3A_21 = arith.constant 0 : i32
    %cond3A_22 = arith.cmpi ne, %convert_element_type3A_20, %cond3A_21 : i32
    scf.if %cond3A_22 {
      %add3A_28 = arith.constant 0 : i32
      %add3A_29 = arith.addi %mul3A_0, %add3A_28 : i32
      "tpu.region"() ({
        %run_scoped3A = tpu.sem_alloc : memref<!tpu.dma_semaphore, #tpu.memory_space<semaphore_mem>>
        %dma_start3A = arith.constant 0 : i32
        %dma_start3A_48 = arith.constant 0 : i32
        %dma_start3A_49 = tpu.memref_slice %arg12[%dma_start3A, %dma_start3A_48] : memref<128x128xf32, #tpu.memory_space<vmem>> -> memref<128x128xf32, #tpu.memory_space<vmem>>
        %dma_start3A_50 = arith.constant 0 : i32
        %dma_start3A_51 = tpu.memref_slice %arg11[%add3A_29, %dma_start3A_50] : memref<10112x128xf32, #tpu.memory_space<vmem_shared>> -> memref<128x128xf32, #tpu.memory_space<vmem_shared>>
        %dma_start3A_52 = arith.constant 0 : i32
        %dma_start3A_53 = arith.constant 0 : i32
        %dma_start3A_54 = tpu.memref_slice %arg12[%dma_start3A_52, %dma_start3A_53] : memref<128x128xf32, #tpu.memory_space<vmem>> -> memref<128x128xf32, #tpu.memory_space<vmem>>
        %dma_start3A_55 = arith.constant 0 : i32
        %dma_start3A_56 = tpu.memref_slice %arg11[%add3A_29, %dma_start3A_55] : memref<10112x128xf32, #tpu.memory_space<vmem_shared>> -> memref<128x128xf32, #tpu.memory_space<vmem_shared>>
        tpu.enqueue_dma source(%dma_start3A_56 : memref<128x128xf32, #tpu.memory_space<vmem_shared>>) target(%dma_start3A_54 : memref<128x128xf32, #tpu.memory_space<vmem>>) target_semaphore(%run_scoped3A : memref<!tpu.dma_semaphore, #tpu.memory_space<semaphore_mem>>)
        %dma_wait3A = arith.constant 0 : i32
        %dma_wait3A_57 = arith.constant 0 : i32
        %dma_wait3A_58 = tpu.memref_slice %arg12[%dma_wait3A, %dma_wait3A_57] : memref<128x128xf32, #tpu.memory_space<vmem>> -> memref<128x128xf32, #tpu.memory_space<vmem>>
        %dma_wait3A_59 = arith.constant 0 : i32
        %dma_wait3A_60 = tpu.memref_slice %arg11[%add3A_29, %dma_wait3A_59] : memref<10112x128xf32, #tpu.memory_space<vmem_shared>> -> memref<128x128xf32, #tpu.memory_space<vmem_shared>>
        %dma_wait3A_61 = arith.constant 0 : i32
        %dma_wait3A_62 = arith.constant 0 : i32
        %dma_wait3A_63 = tpu.memref_slice %arg12[%dma_wait3A_61, %dma_wait3A_62] : memref<128x128xf32, #tpu.memory_space<vmem>> -> memref<128x128xf32, #tpu.memory_space<vmem>>
        %dma_wait3A_64 = arith.constant 0 : i32
        %dma_wait3A_65 = tpu.memref_slice %arg11[%add3A_29, %dma_wait3A_64] : memref<10112x128xf32, #tpu.memory_space<vmem_shared>> -> memref<128x128xf32, #tpu.memory_space<vmem_shared>>
        tpu.wait_dma2 semaphore(%run_scoped3A : memref<!tpu.dma_semaphore, #tpu.memory_space<semaphore_mem>>) src(%dma_wait3A_65 : memref<128x128xf32, #tpu.memory_space<vmem_shared>>) dst(%dma_wait3A_63 : memref<128x128xf32, #tpu.memory_space<vmem>>)
        tpu.yield
      }) : () -> ()
      %add3A_30 = arith.constant 0 : i32
      %add3A_31 = arith.addi %mul3A_0, %add3A_30 : i32
      "tpu.region"() ({
        %run_scoped3A = tpu.sem_alloc : memref<!tpu.dma_semaphore, #tpu.memory_space<semaphore_mem>>
        %dma_start3A = arith.constant 0 : i32
        %dma_start3A_48 = arith.constant 0 : i32
        %dma_start3A_49 = tpu.memref_slice %arg12[%dma_start3A, %dma_start3A_48] : memref<128x128xf32, #tpu.memory_space<vmem>> -> memref<128x128xf32, #tpu.memory_space<vmem>>
        %dma_start3A_50 = arith.constant 0 : i32
        %dma_start3A_51 = tpu.memref_slice %arg9[%add3A_31, %dma_start3A_50] : memref<10112x128xf32, #tpu.memory_space<hbm>> -> memref<128x128xf32, #tpu.memory_space<hbm>>
        %dma_start3A_52 = arith.constant 0 : i32
        %dma_start3A_53 = tpu.memref_slice %arg9[%add3A_31, %dma_start3A_52] : memref<10112x128xf32, #tpu.memory_space<hbm>> -> memref<128x128xf32, #tpu.memory_space<hbm>>
        %dma_start3A_54 = arith.constant 0 : i32
        %dma_start3A_55 = arith.constant 0 : i32
        %dma_start3A_56 = tpu.memref_slice %arg12[%dma_start3A_54, %dma_start3A_55] : memref<128x128xf32, #tpu.memory_space<vmem>> -> memref<128x128xf32, #tpu.memory_space<vmem>>
        tpu.enqueue_dma source(%dma_start3A_56 : memref<128x128xf32, #tpu.memory_space<vmem>>) target(%dma_start3A_53 : memref<128x128xf32, #tpu.memory_space<hbm>>) target_semaphore(%run_scoped3A : memref<!tpu.dma_semaphore, #tpu.memory_space<semaphore_mem>>)
        %dma_wait3A = arith.constant 0 : i32
        %dma_wait3A_57 = arith.constant 0 : i32
        %dma_wait3A_58 = tpu.memref_slice %arg12[%dma_wait3A, %dma_wait3A_57] : memref<128x128xf32, #tpu.memory_space<vmem>> -> memref<128x128xf32, #tpu.memory_space<vmem>>
        %dma_wait3A_59 = arith.constant 0 : i32
        %dma_wait3A_60 = tpu.memref_slice %arg9[%add3A_31, %dma_wait3A_59] : memref<10112x128xf32, #tpu.memory_space<hbm>> -> memref<128x128xf32, #tpu.memory_space<hbm>>
        %dma_wait3A_61 = arith.constant 0 : i32
        %dma_wait3A_62 = tpu.memref_slice %arg9[%add3A_31, %dma_wait3A_61] : memref<10112x128xf32, #tpu.memory_space<hbm>> -> memref<128x128xf32, #tpu.memory_space<hbm>>
        %dma_wait3A_63 = arith.constant 0 : i32
        %dma_wait3A_64 = arith.constant 0 : i32
        %dma_wait3A_65 = tpu.memref_slice %arg12[%dma_wait3A_63, %dma_wait3A_64] : memref<128x128xf32, #tpu.memory_space<vmem>> -> memref<128x128xf32, #tpu.memory_space<vmem>>
        tpu.wait_dma2 semaphore(%run_scoped3A : memref<!tpu.dma_semaphore, #tpu.memory_space<semaphore_mem>>) src(%dma_wait3A_65 : memref<128x128xf32, #tpu.memory_space<vmem>>) dst(%dma_wait3A_62 : memref<128x128xf32, #tpu.memory_space<hbm>>)
        tpu.yield
      }) : () -> ()
      %add3A_32 = arith.constant 128 : i32
      %add3A_33 = arith.addi %mul3A_0, %add3A_32 : i32
      "tpu.region"() ({
        %run_scoped3A = tpu.sem_alloc : memref<!tpu.dma_semaphore, #tpu.memory_space<semaphore_mem>>
        %dma_start3A = arith.constant 0 : i32
        %dma_start3A_48 = arith.constant 0 : i32
        %dma_start3A_49 = tpu.memref_slice %arg12[%dma_start3A, %dma_start3A_48] : memref<128x128xf32, #tpu.memory_space<vmem>> -> memref<128x128xf32, #tpu.memory_space<vmem>>
        %dma_start3A_50 = arith.constant 0 : i32
        %dma_start3A_51 = tpu.memref_slice %arg11[%add3A_33, %dma_start3A_50] : memref<10112x128xf32, #tpu.memory_space<vmem_shared>> -> memref<128x128xf32, #tpu.memory_space<vmem_shared>>
        %dma_start3A_52 = arith.constant 0 : i32
        %dma_start3A_53 = arith.constant 0 : i32
        %dma_start3A_54 = tpu.memref_slice %arg12[%dma_start3A_52, %dma_start3A_53] : memref<128x128xf32, #tpu.memory_space<vmem>> -> memref<128x128xf32, #tpu.memory_space<vmem>>
        %dma_start3A_55 = arith.constant 0 : i32
        %dma_start3A_56 = tpu.memref_slice %arg11[%add3A_33, %dma_start3A_55] : memref<10112x128xf32, #tpu.memory_space<vmem_shared>> -> memref<128x128xf32, #tpu.memory_space<vmem_shared>>
        tpu.enqueue_dma source(%dma_start3A_56 : memref<128x128xf32, #tpu.memory_space<vmem_shared>>) target(%dma_start3A_54 : memref<128x128xf32, #tpu.memory_space<vmem>>) target_semaphore(%run_scoped3A : memref<!tpu.dma_semaphore, #tpu.memory_space<semaphore_mem>>)
        %dma_wait3A = arith.constant 0 : i32
        %dma_wait3A_57 = arith.constant 0 : i32
        %dma_wait3A_58 = tpu.memref_slice %arg12[%dma_wait3A, %dma_wait3A_57] : memref<128x128xf32, #tpu.memory_space<vmem>> -> memref<128x128xf32, #tpu.memory_space<vmem>>
        %dma_wait3A_59 = arith.constant 0 : i32
        %dma_wait3A_60 = tpu.memref_slice %arg11[%add3A_33, %dma_wait3A_59] : memref<10112x128xf32, #tpu.memory_space<vmem_shared>> -> memref<128x128xf32, #tpu.memory_space<vmem_shared>>
        %dma_wait3A_61 = arith.constant 0 : i32
        %dma_wait3A_62 = arith.constant 0 : i32
        %dma_wait3A_63 = tpu.memref_slice %arg12[%dma_wait3A_61, %dma_wait3A_62] : memref<128x128xf32, #tpu.memory_space<vmem>> -> memref<128x128xf32, #tpu.memory_space<vmem>>
        %dma_wait3A_64 = arith.constant 0 : i32
        %dma_wait3A_65 = tpu.memref_slice %arg11[%add3A_33, %dma_wait3A_64] : memref<10112x128xf32, #tpu.memory_space<vmem_shared>> -> memref<128x128xf32, #tpu.memory_space<vmem_shared>>
        tpu.wait_dma2 semaphore(%run_scoped3A : memref<!tpu.dma_semaphore, #tpu.memory_space<semaphore_mem>>) src(%dma_wait3A_65 : memref<128x128xf32, #tpu.memory_space<vmem_shared>>) dst(%dma_wait3A_63 : memref<128x128xf32, #tpu.memory_space<vmem>>)
        tpu.yield
      }) : () -> ()
      %add3A_34 = arith.constant 128 : i32
      %add3A_35 = arith.addi %mul3A_0, %add3A_34 : i32
      "tpu.region"() ({
        %run_scoped3A = tpu.sem_alloc : memref<!tpu.dma_semaphore, #tpu.memory_space<semaphore_mem>>
        %dma_start3A = arith.constant 0 : i32
        %dma_start3A_48 = arith.constant 0 : i32
        %dma_start3A_49 = tpu.memref_slice %arg12[%dma_start3A, %dma_start3A_48] : memref<128x128xf32, #tpu.memory_space<vmem>> -> memref<128x128xf32, #tpu.memory_space<vmem>>
        %dma_start3A_50 = arith.constant 0 : i32
        %dma_start3A_51 = tpu.memref_slice %arg9[%add3A_35, %dma_start3A_50] : memref<10112x128xf32, #tpu.memory_space<hbm>> -> memref<128x128xf32, #tpu.memory_space<hbm>>
        %dma_start3A_52 = arith.constant 0 : i32
        %dma_start3A_53 = tpu.memref_slice %arg9[%add3A_35, %dma_start3A_52] : memref<10112x128xf32, #tpu.memory_space<hbm>> -> memref<128x128xf32, #tpu.memory_space<hbm>>
        %dma_start3A_54 = arith.constant 0 : i32
        %dma_start3A_55 = arith.constant 0 : i32
        %dma_start3A_56 = tpu.memref_slice %arg12[%dma_start3A_54, %dma_start3A_55] : memref<128x128xf32, #tpu.memory_space<vmem>> -> memref<128x128xf32, #tpu.memory_space<vmem>>
        tpu.enqueue_dma source(%dma_start3A_56 : memref<128x128xf32, #tpu.memory_space<vmem>>) target(%dma_start3A_53 : memref<128x128xf32, #tpu.memory_space<hbm>>) target_semaphore(%run_scoped3A : memref<!tpu.dma_semaphore, #tpu.memory_space<semaphore_mem>>)
        %dma_wait3A = arith.constant 0 : i32
        %dma_wait3A_57 = arith.constant 0 : i32
        %dma_wait3A_58 = tpu.memref_slice %arg12[%dma_wait3A, %dma_wait3A_57] : memref<128x128xf32, #tpu.memory_space<vmem>> -> memref<128x128xf32, #tpu.memory_space<vmem>>
        %dma_wait3A_59 = arith.constant 0 : i32
        %dma_wait3A_60 = tpu.memref_slice %arg9[%add3A_35, %dma_wait3A_59] : memref<10112x128xf32, #tpu.memory_space<hbm>> -> memref<128x128xf32, #tpu.memory_space<hbm>>
        %dma_wait3A_61 = arith.constant 0 : i32
        %dma_wait3A_62 = tpu.memref_slice %arg9[%add3A_35, %dma_wait3A_61] : memref<10112x128xf32, #tpu.memory_space<hbm>> -> memref<128x128xf32, #tpu.memory_space<hbm>>
        %dma_wait3A_63 = arith.constant 0 : i32
        %dma_wait3A_64 = arith.constant 0 : i32
        %dma_wait3A_65 = tpu.memref_slice %arg12[%dma_wait3A_63, %dma_wait3A_64] : memref<128x128xf32, #tpu.memory_space<vmem>> -> memref<128x128xf32, #tpu.memory_space<vmem>>
        tpu.wait_dma2 semaphore(%run_scoped3A : memref<!tpu.dma_semaphore, #tpu.memory_space<semaphore_mem>>) src(%dma_wait3A_65 : memref<128x128xf32, #tpu.memory_space<vmem>>) dst(%dma_wait3A_62 : memref<128x128xf32, #tpu.memory_space<hbm>>)
        tpu.yield
      }) : () -> ()
      %add3A_36 = arith.constant 256 : i32
      %add3A_37 = arith.addi %mul3A_0, %add3A_36 : i32
      "tpu.region"() ({
        %run_scoped3A = tpu.sem_alloc : memref<!tpu.dma_semaphore, #tpu.memory_space<semaphore_mem>>
        %dma_start3A = arith.constant 0 : i32
        %dma_start3A_48 = arith.constant 0 : i32
        %dma_start3A_49 = tpu.memref_slice %arg12[%dma_start3A, %dma_start3A_48] : memref<128x128xf32, #tpu.memory_space<vmem>> -> memref<128x128xf32, #tpu.memory_space<vmem>>
        %dma_start3A_50 = arith.constant 0 : i32
        %dma_start3A_51 = tpu.memref_slice %arg11[%add3A_37, %dma_start3A_50] : memref<10112x128xf32, #tpu.memory_space<vmem_shared>> -> memref<128x128xf32, #tpu.memory_space<vmem_shared>>
        %dma_start3A_52 = arith.constant 0 : i32
        %dma_start3A_53 = arith.constant 0 : i32
        %dma_start3A_54 = tpu.memref_slice %arg12[%dma_start3A_52, %dma_start3A_53] : memref<128x128xf32, #tpu.memory_space<vmem>> -> memref<128x128xf32, #tpu.memory_space<vmem>>
        %dma_start3A_55 = arith.constant 0 : i32
        %dma_start3A_56 = tpu.memref_slice %arg11[%add3A_37, %dma_start3A_55] : memref<10112x128xf32, #tpu.memory_space<vmem_shared>> -> memref<128x128xf32, #tpu.memory_space<vmem_shared>>
        tpu.enqueue_dma source(%dma_start3A_56 : memref<128x128xf32, #tpu.memory_space<vmem_shared>>) target(%dma_start3A_54 : memref<128x128xf32, #tpu.memory_space<vmem>>) target_semaphore(%run_scoped3A : memref<!tpu.dma_semaphore, #tpu.memory_space<semaphore_mem>>)
        %dma_wait3A = arith.constant 0 : i32
        %dma_wait3A_57 = arith.constant 0 : i32
        %dma_wait3A_58 = tpu.memref_slice %arg12[%dma_wait3A, %dma_wait3A_57] : memref<128x128xf32, #tpu.memory_space<vmem>> -> memref<128x128xf32, #tpu.memory_space<vmem>>
        %dma_wait3A_59 = arith.constant 0 : i32
        %dma_wait3A_60 = tpu.memref_slice %arg11[%add3A_37, %dma_wait3A_59] : memref<10112x128xf32, #tpu.memory_space<vmem_shared>> -> memref<128x128xf32, #tpu.memory_space<vmem_shared>>
        %dma_wait3A_61 = arith.constant 0 : i32
        %dma_wait3A_62 = arith.constant 0 : i32
        %dma_wait3A_63 = tpu.memref_slice %arg12[%dma_wait3A_61, %dma_wait3A_62] : memref<128x128xf32, #tpu.memory_space<vmem>> -> memref<128x128xf32, #tpu.memory_space<vmem>>
        %dma_wait3A_64 = arith.constant 0 : i32
        %dma_wait3A_65 = tpu.memref_slice %arg11[%add3A_37, %dma_wait3A_64] : memref<10112x128xf32, #tpu.memory_space<vmem_shared>> -> memref<128x128xf32, #tpu.memory_space<vmem_shared>>
        tpu.wait_dma2 semaphore(%run_scoped3A : memref<!tpu.dma_semaphore, #tpu.memory_space<semaphore_mem>>) src(%dma_wait3A_65 : memref<128x128xf32, #tpu.memory_space<vmem_shared>>) dst(%dma_wait3A_63 : memref<128x128xf32, #tpu.memory_space<vmem>>)
        tpu.yield
      }) : () -> ()
      %add3A_38 = arith.constant 256 : i32
      %add3A_39 = arith.addi %mul3A_0, %add3A_38 : i32
      "tpu.region"() ({
        %run_scoped3A = tpu.sem_alloc : memref<!tpu.dma_semaphore, #tpu.memory_space<semaphore_mem>>
        %dma_start3A = arith.constant 0 : i32
        %dma_start3A_48 = arith.constant 0 : i32
        %dma_start3A_49 = tpu.memref_slice %arg12[%dma_start3A, %dma_start3A_48] : memref<128x128xf32, #tpu.memory_space<vmem>> -> memref<128x128xf32, #tpu.memory_space<vmem>>
        %dma_start3A_50 = arith.constant 0 : i32
        %dma_start3A_51 = tpu.memref_slice %arg9[%add3A_39, %dma_start3A_50] : memref<10112x128xf32, #tpu.memory_space<hbm>> -> memref<128x128xf32, #tpu.memory_space<hbm>>
        %dma_start3A_52 = arith.constant 0 : i32
        %dma_start3A_53 = tpu.memref_slice %arg9[%add3A_39, %dma_start3A_52] : memref<10112x128xf32, #tpu.memory_space<hbm>> -> memref<128x128xf32, #tpu.memory_space<hbm>>
        %dma_start3A_54 = arith.constant 0 : i32
        %dma_start3A_55 = arith.constant 0 : i32
        %dma_start3A_56 = tpu.memref_slice %arg12[%dma_start3A_54, %dma_start3A_55] : memref<128x128xf32, #tpu.memory_space<vmem>> -> memref<128x128xf32, #tpu.memory_space<vmem>>
        tpu.enqueue_dma source(%dma_start3A_56 : memref<128x128xf32, #tpu.memory_space<vmem>>) target(%dma_start3A_53 : memref<128x128xf32, #tpu.memory_space<hbm>>) target_semaphore(%run_scoped3A : memref<!tpu.dma_semaphore, #tpu.memory_space<semaphore_mem>>)
        %dma_wait3A = arith.constant 0 : i32
        %dma_wait3A_57 = arith.constant 0 : i32
        %dma_wait3A_58 = tpu.memref_slice %arg12[%dma_wait3A, %dma_wait3A_57] : memref<128x128xf32, #tpu.memory_space<vmem>> -> memref<128x128xf32, #tpu.memory_space<vmem>>
        %dma_wait3A_59 = arith.constant 0 : i32
        %dma_wait3A_60 = tpu.memref_slice %arg9[%add3A_39, %dma_wait3A_59] : memref<10112x128xf32, #tpu.memory_space<hbm>> -> memref<128x128xf32, #tpu.memory_space<hbm>>
        %dma_wait3A_61 = arith.constant 0 : i32
        %dma_wait3A_62 = tpu.memref_slice %arg9[%add3A_39, %dma_wait3A_61] : memref<10112x128xf32, #tpu.memory_space<hbm>> -> memref<128x128xf32, #tpu.memory_space<hbm>>
        %dma_wait3A_63 = arith.constant 0 : i32
        %dma_wait3A_64 = arith.constant 0 : i32
        %dma_wait3A_65 = tpu.memref_slice %arg12[%dma_wait3A_63, %dma_wait3A_64] : memref<128x128xf32, #tpu.memory_space<vmem>> -> memref<128x128xf32, #tpu.memory_space<vmem>>
        tpu.wait_dma2 semaphore(%run_scoped3A : memref<!tpu.dma_semaphore, #tpu.memory_space<semaphore_mem>>) src(%dma_wait3A_65 : memref<128x128xf32, #tpu.memory_space<vmem>>) dst(%dma_wait3A_62 : memref<128x128xf32, #tpu.memory_space<hbm>>)
        tpu.yield
      }) : () -> ()
      %add3A_40 = arith.constant 384 : i32
      %add3A_41 = arith.addi %mul3A_0, %add3A_40 : i32
      "tpu.region"() ({
        %run_scoped3A = tpu.sem_alloc : memref<!tpu.dma_semaphore, #tpu.memory_space<semaphore_mem>>
        %dma_start3A = arith.constant 0 : i32
        %dma_start3A_48 = arith.constant 0 : i32
        %dma_start3A_49 = tpu.memref_slice %arg12[%dma_start3A, %dma_start3A_48] : memref<128x128xf32, #tpu.memory_space<vmem>> -> memref<128x128xf32, #tpu.memory_space<vmem>>
        %dma_start3A_50 = arith.constant 0 : i32
        %dma_start3A_51 = tpu.memref_slice %arg11[%add3A_41, %dma_start3A_50] : memref<10112x128xf32, #tpu.memory_space<vmem_shared>> -> memref<128x128xf32, #tpu.memory_space<vmem_shared>>
        %dma_start3A_52 = arith.constant 0 : i32
        %dma_start3A_53 = arith.constant 0 : i32
        %dma_start3A_54 = tpu.memref_slice %arg12[%dma_start3A_52, %dma_start3A_53] : memref<128x128xf32, #tpu.memory_space<vmem>> -> memref<128x128xf32, #tpu.memory_space<vmem>>
        %dma_start3A_55 = arith.constant 0 : i32
        %dma_start3A_56 = tpu.memref_slice %arg11[%add3A_41, %dma_start3A_55] : memref<10112x128xf32, #tpu.memory_space<vmem_shared>> -> memref<128x128xf32, #tpu.memory_space<vmem_shared>>
        tpu.enqueue_dma source(%dma_start3A_56 : memref<128x128xf32, #tpu.memory_space<vmem_shared>>) target(%dma_start3A_54 : memref<128x128xf32, #tpu.memory_space<vmem>>) target_semaphore(%run_scoped3A : memref<!tpu.dma_semaphore, #tpu.memory_space<semaphore_mem>>)
        %dma_wait3A = arith.constant 0 : i32
        %dma_wait3A_57 = arith.constant 0 : i32
        %dma_wait3A_58 = tpu.memref_slice %arg12[%dma_wait3A, %dma_wait3A_57] : memref<128x128xf32, #tpu.memory_space<vmem>> -> memref<128x128xf32, #tpu.memory_space<vmem>>
        %dma_wait3A_59 = arith.constant 0 : i32
        %dma_wait3A_60 = tpu.memref_slice %arg11[%add3A_41, %dma_wait3A_59] : memref<10112x128xf32, #tpu.memory_space<vmem_shared>> -> memref<128x128xf32, #tpu.memory_space<vmem_shared>>
        %dma_wait3A_61 = arith.constant 0 : i32
        %dma_wait3A_62 = arith.constant 0 : i32
        %dma_wait3A_63 = tpu.memref_slice %arg12[%dma_wait3A_61, %dma_wait3A_62] : memref<128x128xf32, #tpu.memory_space<vmem>> -> memref<128x128xf32, #tpu.memory_space<vmem>>
        %dma_wait3A_64 = arith.constant 0 : i32
        %dma_wait3A_65 = tpu.memref_slice %arg11[%add3A_41, %dma_wait3A_64] : memref<10112x128xf32, #tpu.memory_space<vmem_shared>> -> memref<128x128xf32, #tpu.memory_space<vmem_shared>>
        tpu.wait_dma2 semaphore(%run_scoped3A : memref<!tpu.dma_semaphore, #tpu.memory_space<semaphore_mem>>) src(%dma_wait3A_65 : memref<128x128xf32, #tpu.memory_space<vmem_shared>>) dst(%dma_wait3A_63 : memref<128x128xf32, #tpu.memory_space<vmem>>)
        tpu.yield
      }) : () -> ()
      %add3A_42 = arith.constant 384 : i32
      %add3A_43 = arith.addi %mul3A_0, %add3A_42 : i32
      "tpu.region"() ({
        %run_scoped3A = tpu.sem_alloc : memref<!tpu.dma_semaphore, #tpu.memory_space<semaphore_mem>>
        %dma_start3A = arith.constant 0 : i32
        %dma_start3A_48 = arith.constant 0 : i32
        %dma_start3A_49 = tpu.memref_slice %arg12[%dma_start3A, %dma_start3A_48] : memref<128x128xf32, #tpu.memory_space<vmem>> -> memref<128x128xf32, #tpu.memory_space<vmem>>
        %dma_start3A_50 = arith.constant 0 : i32
        %dma_start3A_51 = tpu.memref_slice %arg9[%add3A_43, %dma_start3A_50] : memref<10112x128xf32, #tpu.memory_space<hbm>> -> memref<128x128xf32, #tpu.memory_space<hbm>>
        %dma_start3A_52 = arith.constant 0 : i32
        %dma_start3A_53 = tpu.memref_slice %arg9[%add3A_43, %dma_start3A_52] : memref<10112x128xf32, #tpu.memory_space<hbm>> -> memref<128x128xf32, #tpu.memory_space<hbm>>
        %dma_start3A_54 = arith.constant 0 : i32
        %dma_start3A_55 = arith.constant 0 : i32
        %dma_start3A_56 = tpu.memref_slice %arg12[%dma_start3A_54, %dma_start3A_55] : memref<128x128xf32, #tpu.memory_space<vmem>> -> memref<128x128xf32, #tpu.memory_space<vmem>>
        tpu.enqueue_dma source(%dma_start3A_56 : memref<128x128xf32, #tpu.memory_space<vmem>>) target(%dma_start3A_53 : memref<128x128xf32, #tpu.memory_space<hbm>>) target_semaphore(%run_scoped3A : memref<!tpu.dma_semaphore, #tpu.memory_space<semaphore_mem>>)
        %dma_wait3A = arith.constant 0 : i32
        %dma_wait3A_57 = arith.constant 0 : i32
        %dma_wait3A_58 = tpu.memref_slice %arg12[%dma_wait3A, %dma_wait3A_57] : memref<128x128xf32, #tpu.memory_space<vmem>> -> memref<128x128xf32, #tpu.memory_space<vmem>>
        %dma_wait3A_59 = arith.constant 0 : i32
        %dma_wait3A_60 = tpu.memref_slice %arg9[%add3A_43, %dma_wait3A_59] : memref<10112x128xf32, #tpu.memory_space<hbm>> -> memref<128x128xf32, #tpu.memory_space<hbm>>
        %dma_wait3A_61 = arith.constant 0 : i32
        %dma_wait3A_62 = tpu.memref_slice %arg9[%add3A_43, %dma_wait3A_61] : memref<10112x128xf32, #tpu.memory_space<hbm>> -> memref<128x128xf32, #tpu.memory_space<hbm>>
        %dma_wait3A_63 = arith.constant 0 : i32
        %dma_wait3A_64 = arith.constant 0 : i32
        %dma_wait3A_65 = tpu.memref_slice %arg12[%dma_wait3A_63, %dma_wait3A_64] : memref<128x128xf32, #tpu.memory_space<vmem>> -> memref<128x128xf32, #tpu.memory_space<vmem>>
        tpu.wait_dma2 semaphore(%run_scoped3A : memref<!tpu.dma_semaphore, #tpu.memory_space<semaphore_mem>>) src(%dma_wait3A_65 : memref<128x128xf32, #tpu.memory_space<vmem>>) dst(%dma_wait3A_62 : memref<128x128xf32, #tpu.memory_space<hbm>>)
        tpu.yield
      }) : () -> ()
      %add3A_44 = arith.constant 512 : i32
      %add3A_45 = arith.addi %mul3A_0, %add3A_44 : i32
      "tpu.region"() ({
        %run_scoped3A = tpu.sem_alloc : memref<!tpu.dma_semaphore, #tpu.memory_space<semaphore_mem>>
        %dma_start3A = arith.constant 0 : i32
        %dma_start3A_48 = arith.constant 0 : i32
        %dma_start3A_49 = tpu.memref_slice %arg12[%dma_start3A, %dma_start3A_48] : memref<128x128xf32, #tpu.memory_space<vmem>> -> memref<120x128xf32, #tpu.memory_space<vmem>>
        %dma_start3A_50 = arith.constant 0 : i32
        %dma_start3A_51 = tpu.memref_slice %arg11[%add3A_45, %dma_start3A_50] : memref<10112x128xf32, #tpu.memory_space<vmem_shared>> -> memref<120x128xf32, #tpu.memory_space<vmem_shared>>
        %dma_start3A_52 = arith.constant 0 : i32
        %dma_start3A_53 = arith.constant 0 : i32
        %dma_start3A_54 = tpu.memref_slice %arg12[%dma_start3A_52, %dma_start3A_53] : memref<128x128xf32, #tpu.memory_space<vmem>> -> memref<120x128xf32, #tpu.memory_space<vmem>>
        %dma_start3A_55 = arith.constant 0 : i32
        %dma_start3A_56 = tpu.memref_slice %arg11[%add3A_45, %dma_start3A_55] : memref<10112x128xf32, #tpu.memory_space<vmem_shared>> -> memref<120x128xf32, #tpu.memory_space<vmem_shared>>
        tpu.enqueue_dma source(%dma_start3A_56 : memref<120x128xf32, #tpu.memory_space<vmem_shared>>) target(%dma_start3A_54 : memref<120x128xf32, #tpu.memory_space<vmem>>) target_semaphore(%run_scoped3A : memref<!tpu.dma_semaphore, #tpu.memory_space<semaphore_mem>>)
        %dma_wait3A = arith.constant 0 : i32
        %dma_wait3A_57 = arith.constant 0 : i32
        %dma_wait3A_58 = tpu.memref_slice %arg12[%dma_wait3A, %dma_wait3A_57] : memref<128x128xf32, #tpu.memory_space<vmem>> -> memref<120x128xf32, #tpu.memory_space<vmem>>
        %dma_wait3A_59 = arith.constant 0 : i32
        %dma_wait3A_60 = tpu.memref_slice %arg11[%add3A_45, %dma_wait3A_59] : memref<10112x128xf32, #tpu.memory_space<vmem_shared>> -> memref<120x128xf32, #tpu.memory_space<vmem_shared>>
        %dma_wait3A_61 = arith.constant 0 : i32
        %dma_wait3A_62 = arith.constant 0 : i32
        %dma_wait3A_63 = tpu.memref_slice %arg12[%dma_wait3A_61, %dma_wait3A_62] : memref<128x128xf32, #tpu.memory_space<vmem>> -> memref<120x128xf32, #tpu.memory_space<vmem>>
        %dma_wait3A_64 = arith.constant 0 : i32
        %dma_wait3A_65 = tpu.memref_slice %arg11[%add3A_45, %dma_wait3A_64] : memref<10112x128xf32, #tpu.memory_space<vmem_shared>> -> memref<120x128xf32, #tpu.memory_space<vmem_shared>>
        tpu.wait_dma2 semaphore(%run_scoped3A : memref<!tpu.dma_semaphore, #tpu.memory_space<semaphore_mem>>) src(%dma_wait3A_65 : memref<120x128xf32, #tpu.memory_space<vmem_shared>>) dst(%dma_wait3A_63 : memref<120x128xf32, #tpu.memory_space<vmem>>)
        tpu.yield
      }) : () -> ()
      %add3A_46 = arith.constant 512 : i32
      %add3A_47 = arith.addi %mul3A_0, %add3A_46 : i32
      "tpu.region"() ({
        %run_scoped3A = tpu.sem_alloc : memref<!tpu.dma_semaphore, #tpu.memory_space<semaphore_mem>>
        %dma_start3A = arith.constant 0 : i32
        %dma_start3A_48 = arith.constant 0 : i32
        %dma_start3A_49 = tpu.memref_slice %arg12[%dma_start3A, %dma_start3A_48] : memref<128x128xf32, #tpu.memory_space<vmem>> -> memref<120x128xf32, #tpu.memory_space<vmem>>
        %dma_start3A_50 = arith.constant 0 : i32
        %dma_start3A_51 = tpu.memref_slice %arg9[%add3A_47, %dma_start3A_50] : memref<10112x128xf32, #tpu.memory_space<hbm>> -> memref<120x128xf32, #tpu.memory_space<hbm>>
        %dma_start3A_52 = arith.constant 0 : i32
        %dma_start3A_53 = tpu.memref_slice %arg9[%add3A_47, %dma_start3A_52] : memref<10112x128xf32, #tpu.memory_space<hbm>> -> memref<120x128xf32, #tpu.memory_space<hbm>>
        %dma_start3A_54 = arith.constant 0 : i32
        %dma_start3A_55 = arith.constant 0 : i32
        %dma_start3A_56 = tpu.memref_slice %arg12[%dma_start3A_54, %dma_start3A_55] : memref<128x128xf32, #tpu.memory_space<vmem>> -> memref<120x128xf32, #tpu.memory_space<vmem>>
        tpu.enqueue_dma source(%dma_start3A_56 : memref<120x128xf32, #tpu.memory_space<vmem>>) target(%dma_start3A_53 : memref<120x128xf32, #tpu.memory_space<hbm>>) target_semaphore(%run_scoped3A : memref<!tpu.dma_semaphore, #tpu.memory_space<semaphore_mem>>)
        %dma_wait3A = arith.constant 0 : i32
        %dma_wait3A_57 = arith.constant 0 : i32
        %dma_wait3A_58 = tpu.memref_slice %arg12[%dma_wait3A, %dma_wait3A_57] : memref<128x128xf32, #tpu.memory_space<vmem>> -> memref<120x128xf32, #tpu.memory_space<vmem>>
        %dma_wait3A_59 = arith.constant 0 : i32
        %dma_wait3A_60 = tpu.memref_slice %arg9[%add3A_47, %dma_wait3A_59] : memref<10112x128xf32, #tpu.memory_space<hbm>> -> memref<120x128xf32, #tpu.memory_space<hbm>>
        %dma_wait3A_61 = arith.constant 0 : i32
        %dma_wait3A_62 = tpu.memref_slice %arg9[%add3A_47, %dma_wait3A_61] : memref<10112x128xf32, #tpu.memory_space<hbm>> -> memref<120x128xf32, #tpu.memory_space<hbm>>
        %dma_wait3A_63 = arith.constant 0 : i32
        %dma_wait3A_64 = arith.constant 0 : i32
        %dma_wait3A_65 = tpu.memref_slice %arg12[%dma_wait3A_63, %dma_wait3A_64] : memref<128x128xf32, #tpu.memory_space<vmem>> -> memref<120x128xf32, #tpu.memory_space<vmem>>
        tpu.wait_dma2 semaphore(%run_scoped3A : memref<!tpu.dma_semaphore, #tpu.memory_space<semaphore_mem>>) src(%dma_wait3A_65 : memref<120x128xf32, #tpu.memory_space<vmem>>) dst(%dma_wait3A_62 : memref<120x128xf32, #tpu.memory_space<hbm>>)
        tpu.yield
      }) : () -> ()
    } else {
    }
    %eq3A_23 = arith.constant 1 : i32
    %eq3A_24 = arith.cmpi eq, %arg0, %eq3A_23 : i32
    %convert_element_type3A_25 = arith.extui %eq3A_24 : i1 to i32
    %cond3A_26 = arith.constant 0 : i32
    %cond3A_27 = arith.cmpi ne, %convert_element_type3A_25, %cond3A_26 : i32
    scf.if %cond3A_27 {
      %add3A_28 = arith.constant 0 : i32
      %add3A_29 = arith.addi %mul3A_0, %add3A_28 : i32
      "tpu.region"() ({
        %run_scoped3A = tpu.sem_alloc : memref<!tpu.dma_semaphore, #tpu.memory_space<semaphore_mem>>
        %dma_start3A = arith.constant 0 : i32
        %dma_start3A_48 = arith.constant 0 : i32
        %dma_start3A_49 = tpu.memref_slice %arg12[%dma_start3A, %dma_start3A_48] : memref<128x128xf32, #tpu.memory_space<vmem>> -> memref<128x128xf32, #tpu.memory_space<vmem>>
        %dma_start3A_50 = arith.constant 0 : i32
        %dma_start3A_51 = tpu.memref_slice %arg11[%add3A_29, %dma_start3A_50] : memref<10112x128xf32, #tpu.memory_space<vmem_shared>> -> memref<128x128xf32, #tpu.memory_space<vmem_shared>>
        %dma_start3A_52 = arith.constant 0 : i32
        %dma_start3A_53 = arith.constant 0 : i32
        %dma_start3A_54 = tpu.memref_slice %arg12[%dma_start3A_52, %dma_start3A_53] : memref<128x128xf32, #tpu.memory_space<vmem>> -> memref<128x128xf32, #tpu.memory_space<vmem>>
        %dma_start3A_55 = arith.constant 0 : i32
        %dma_start3A_56 = tpu.memref_slice %arg11[%add3A_29, %dma_start3A_55] : memref<10112x128xf32, #tpu.memory_space<vmem_shared>> -> memref<128x128xf32, #tpu.memory_space<vmem_shared>>
        tpu.enqueue_dma source(%dma_start3A_56 : memref<128x128xf32, #tpu.memory_space<vmem_shared>>) target(%dma_start3A_54 : memref<128x128xf32, #tpu.memory_space<vmem>>) target_semaphore(%run_scoped3A : memref<!tpu.dma_semaphore, #tpu.memory_space<semaphore_mem>>)
        %dma_wait3A = arith.constant 0 : i32
        %dma_wait3A_57 = arith.constant 0 : i32
        %dma_wait3A_58 = tpu.memref_slice %arg12[%dma_wait3A, %dma_wait3A_57] : memref<128x128xf32, #tpu.memory_space<vmem>> -> memref<128x128xf32, #tpu.memory_space<vmem>>
        %dma_wait3A_59 = arith.constant 0 : i32
        %dma_wait3A_60 = tpu.memref_slice %arg11[%add3A_29, %dma_wait3A_59] : memref<10112x128xf32, #tpu.memory_space<vmem_shared>> -> memref<128x128xf32, #tpu.memory_space<vmem_shared>>
        %dma_wait3A_61 = arith.constant 0 : i32
        %dma_wait3A_62 = arith.constant 0 : i32
        %dma_wait3A_63 = tpu.memref_slice %arg12[%dma_wait3A_61, %dma_wait3A_62] : memref<128x128xf32, #tpu.memory_space<vmem>> -> memref<128x128xf32, #tpu.memory_space<vmem>>
        %dma_wait3A_64 = arith.constant 0 : i32
        %dma_wait3A_65 = tpu.memref_slice %arg11[%add3A_29, %dma_wait3A_64] : memref<10112x128xf32, #tpu.memory_space<vmem_shared>> -> memref<128x128xf32, #tpu.memory_space<vmem_shared>>
        tpu.wait_dma2 semaphore(%run_scoped3A : memref<!tpu.dma_semaphore, #tpu.memory_space<semaphore_mem>>) src(%dma_wait3A_65 : memref<128x128xf32, #tpu.memory_space<vmem_shared>>) dst(%dma_wait3A_63 : memref<128x128xf32, #tpu.memory_space<vmem>>)
        tpu.yield
      }) : () -> ()
      %add3A_30 = arith.constant 0 : i32
      %add3A_31 = arith.addi %mul3A_0, %add3A_30 : i32
      "tpu.region"() ({
        %run_scoped3A = tpu.sem_alloc : memref<!tpu.dma_semaphore, #tpu.memory_space<semaphore_mem>>
        %dma_start3A = arith.constant 0 : i32
        %dma_start3A_48 = arith.constant 0 : i32
        %dma_start3A_49 = tpu.memref_slice %arg12[%dma_start3A, %dma_start3A_48] : memref<128x128xf32, #tpu.memory_space<vmem>> -> memref<128x128xf32, #tpu.memory_space<vmem>>
        %dma_start3A_50 = arith.constant 0 : i32
        %dma_start3A_51 = tpu.memref_slice %arg10[%add3A_31, %dma_start3A_50] : memref<10112x128xf32, #tpu.memory_space<hbm>> -> memref<128x128xf32, #tpu.memory_space<hbm>>
        %dma_start3A_52 = arith.constant 0 : i32
        %dma_start3A_53 = tpu.memref_slice %arg10[%add3A_31, %dma_start3A_52] : memref<10112x128xf32, #tpu.memory_space<hbm>> -> memref<128x128xf32, #tpu.memory_space<hbm>>
        %dma_start3A_54 = arith.constant 0 : i32
        %dma_start3A_55 = arith.constant 0 : i32
        %dma_start3A_56 = tpu.memref_slice %arg12[%dma_start3A_54, %dma_start3A_55] : memref<128x128xf32, #tpu.memory_space<vmem>> -> memref<128x128xf32, #tpu.memory_space<vmem>>
        tpu.enqueue_dma source(%dma_start3A_56 : memref<128x128xf32, #tpu.memory_space<vmem>>) target(%dma_start3A_53 : memref<128x128xf32, #tpu.memory_space<hbm>>) target_semaphore(%run_scoped3A : memref<!tpu.dma_semaphore, #tpu.memory_space<semaphore_mem>>)
        %dma_wait3A = arith.constant 0 : i32
        %dma_wait3A_57 = arith.constant 0 : i32
        %dma_wait3A_58 = tpu.memref_slice %arg12[%dma_wait3A, %dma_wait3A_57] : memref<128x128xf32, #tpu.memory_space<vmem>> -> memref<128x128xf32, #tpu.memory_space<vmem>>
        %dma_wait3A_59 = arith.constant 0 : i32
        %dma_wait3A_60 = tpu.memref_slice %arg10[%add3A_31, %dma_wait3A_59] : memref<10112x128xf32, #tpu.memory_space<hbm>> -> memref<128x128xf32, #tpu.memory_space<hbm>>
        %dma_wait3A_61 = arith.constant 0 : i32
        %dma_wait3A_62 = tpu.memref_slice %arg10[%add3A_31, %dma_wait3A_61] : memref<10112x128xf32, #tpu.memory_space<hbm>> -> memref<128x128xf32, #tpu.memory_space<hbm>>
        %dma_wait3A_63 = arith.constant 0 : i32
        %dma_wait3A_64 = arith.constant 0 : i32
        %dma_wait3A_65 = tpu.memref_slice %arg12[%dma_wait3A_63, %dma_wait3A_64] : memref<128x128xf32, #tpu.memory_space<vmem>> -> memref<128x128xf32, #tpu.memory_space<vmem>>
        tpu.wait_dma2 semaphore(%run_scoped3A : memref<!tpu.dma_semaphore, #tpu.memory_space<semaphore_mem>>) src(%dma_wait3A_65 : memref<128x128xf32, #tpu.memory_space<vmem>>) dst(%dma_wait3A_62 : memref<128x128xf32, #tpu.memory_space<hbm>>)
        tpu.yield
      }) : () -> ()
      %add3A_32 = arith.constant 128 : i32
      %add3A_33 = arith.addi %mul3A_0, %add3A_32 : i32
      "tpu.region"() ({
        %run_scoped3A = tpu.sem_alloc : memref<!tpu.dma_semaphore, #tpu.memory_space<semaphore_mem>>
        %dma_start3A = arith.constant 0 : i32
        %dma_start3A_48 = arith.constant 0 : i32
        %dma_start3A_49 = tpu.memref_slice %arg12[%dma_start3A, %dma_start3A_48] : memref<128x128xf32, #tpu.memory_space<vmem>> -> memref<128x128xf32, #tpu.memory_space<vmem>>
        %dma_start3A_50 = arith.constant 0 : i32
        %dma_start3A_51 = tpu.memref_slice %arg11[%add3A_33, %dma_start3A_50] : memref<10112x128xf32, #tpu.memory_space<vmem_shared>> -> memref<128x128xf32, #tpu.memory_space<vmem_shared>>
        %dma_start3A_52 = arith.constant 0 : i32
        %dma_start3A_53 = arith.constant 0 : i32
        %dma_start3A_54 = tpu.memref_slice %arg12[%dma_start3A_52, %dma_start3A_53] : memref<128x128xf32, #tpu.memory_space<vmem>> -> memref<128x128xf32, #tpu.memory_space<vmem>>
        %dma_start3A_55 = arith.constant 0 : i32
        %dma_start3A_56 = tpu.memref_slice %arg11[%add3A_33, %dma_start3A_55] : memref<10112x128xf32, #tpu.memory_space<vmem_shared>> -> memref<128x128xf32, #tpu.memory_space<vmem_shared>>
        tpu.enqueue_dma source(%dma_start3A_56 : memref<128x128xf32, #tpu.memory_space<vmem_shared>>) target(%dma_start3A_54 : memref<128x128xf32, #tpu.memory_space<vmem>>) target_semaphore(%run_scoped3A : memref<!tpu.dma_semaphore, #tpu.memory_space<semaphore_mem>>)
        %dma_wait3A = arith.constant 0 : i32
        %dma_wait3A_57 = arith.constant 0 : i32
        %dma_wait3A_58 = tpu.memref_slice %arg12[%dma_wait3A, %dma_wait3A_57] : memref<128x128xf32, #tpu.memory_space<vmem>> -> memref<128x128xf32, #tpu.memory_space<vmem>>
        %dma_wait3A_59 = arith.constant 0 : i32
        %dma_wait3A_60 = tpu.memref_slice %arg11[%add3A_33, %dma_wait3A_59] : memref<10112x128xf32, #tpu.memory_space<vmem_shared>> -> memref<128x128xf32, #tpu.memory_space<vmem_shared>>
        %dma_wait3A_61 = arith.constant 0 : i32
        %dma_wait3A_62 = arith.constant 0 : i32
        %dma_wait3A_63 = tpu.memref_slice %arg12[%dma_wait3A_61, %dma_wait3A_62] : memref<128x128xf32, #tpu.memory_space<vmem>> -> memref<128x128xf32, #tpu.memory_space<vmem>>
        %dma_wait3A_64 = arith.constant 0 : i32
        %dma_wait3A_65 = tpu.memref_slice %arg11[%add3A_33, %dma_wait3A_64] : memref<10112x128xf32, #tpu.memory_space<vmem_shared>> -> memref<128x128xf32, #tpu.memory_space<vmem_shared>>
        tpu.wait_dma2 semaphore(%run_scoped3A : memref<!tpu.dma_semaphore, #tpu.memory_space<semaphore_mem>>) src(%dma_wait3A_65 : memref<128x128xf32, #tpu.memory_space<vmem_shared>>) dst(%dma_wait3A_63 : memref<128x128xf32, #tpu.memory_space<vmem>>)
        tpu.yield
      }) : () -> ()
      %add3A_34 = arith.constant 128 : i32
      %add3A_35 = arith.addi %mul3A_0, %add3A_34 : i32
      "tpu.region"() ({
        %run_scoped3A = tpu.sem_alloc : memref<!tpu.dma_semaphore, #tpu.memory_space<semaphore_mem>>
        %dma_start3A = arith.constant 0 : i32
        %dma_start3A_48 = arith.constant 0 : i32
        %dma_start3A_49 = tpu.memref_slice %arg12[%dma_start3A, %dma_start3A_48] : memref<128x128xf32, #tpu.memory_space<vmem>> -> memref<128x128xf32, #tpu.memory_space<vmem>>
        %dma_start3A_50 = arith.constant 0 : i32
        %dma_start3A_51 = tpu.memref_slice %arg10[%add3A_35, %dma_start3A_50] : memref<10112x128xf32, #tpu.memory_space<hbm>> -> memref<128x128xf32, #tpu.memory_space<hbm>>
        %dma_start3A_52 = arith.constant 0 : i32
        %dma_start3A_53 = tpu.memref_slice %arg10[%add3A_35, %dma_start3A_52] : memref<10112x128xf32, #tpu.memory_space<hbm>> -> memref<128x128xf32, #tpu.memory_space<hbm>>
        %dma_start3A_54 = arith.constant 0 : i32
        %dma_start3A_55 = arith.constant 0 : i32
        %dma_start3A_56 = tpu.memref_slice %arg12[%dma_start3A_54, %dma_start3A_55] : memref<128x128xf32, #tpu.memory_space<vmem>> -> memref<128x128xf32, #tpu.memory_space<vmem>>
        tpu.enqueue_dma source(%dma_start3A_56 : memref<128x128xf32, #tpu.memory_space<vmem>>) target(%dma_start3A_53 : memref<128x128xf32, #tpu.memory_space<hbm>>) target_semaphore(%run_scoped3A : memref<!tpu.dma_semaphore, #tpu.memory_space<semaphore_mem>>)
        %dma_wait3A = arith.constant 0 : i32
        %dma_wait3A_57 = arith.constant 0 : i32
        %dma_wait3A_58 = tpu.memref_slice %arg12[%dma_wait3A, %dma_wait3A_57] : memref<128x128xf32, #tpu.memory_space<vmem>> -> memref<128x128xf32, #tpu.memory_space<vmem>>
        %dma_wait3A_59 = arith.constant 0 : i32
        %dma_wait3A_60 = tpu.memref_slice %arg10[%add3A_35, %dma_wait3A_59] : memref<10112x128xf32, #tpu.memory_space<hbm>> -> memref<128x128xf32, #tpu.memory_space<hbm>>
        %dma_wait3A_61 = arith.constant 0 : i32
        %dma_wait3A_62 = tpu.memref_slice %arg10[%add3A_35, %dma_wait3A_61] : memref<10112x128xf32, #tpu.memory_space<hbm>> -> memref<128x128xf32, #tpu.memory_space<hbm>>
        %dma_wait3A_63 = arith.constant 0 : i32
        %dma_wait3A_64 = arith.constant 0 : i32
        %dma_wait3A_65 = tpu.memref_slice %arg12[%dma_wait3A_63, %dma_wait3A_64] : memref<128x128xf32, #tpu.memory_space<vmem>> -> memref<128x128xf32, #tpu.memory_space<vmem>>
        tpu.wait_dma2 semaphore(%run_scoped3A : memref<!tpu.dma_semaphore, #tpu.memory_space<semaphore_mem>>) src(%dma_wait3A_65 : memref<128x128xf32, #tpu.memory_space<vmem>>) dst(%dma_wait3A_62 : memref<128x128xf32, #tpu.memory_space<hbm>>)
        tpu.yield
      }) : () -> ()
      %add3A_36 = arith.constant 256 : i32
      %add3A_37 = arith.addi %mul3A_0, %add3A_36 : i32
      "tpu.region"() ({
        %run_scoped3A = tpu.sem_alloc : memref<!tpu.dma_semaphore, #tpu.memory_space<semaphore_mem>>
        %dma_start3A = arith.constant 0 : i32
        %dma_start3A_48 = arith.constant 0 : i32
        %dma_start3A_49 = tpu.memref_slice %arg12[%dma_start3A, %dma_start3A_48] : memref<128x128xf32, #tpu.memory_space<vmem>> -> memref<128x128xf32, #tpu.memory_space<vmem>>
        %dma_start3A_50 = arith.constant 0 : i32
        %dma_start3A_51 = tpu.memref_slice %arg11[%add3A_37, %dma_start3A_50] : memref<10112x128xf32, #tpu.memory_space<vmem_shared>> -> memref<128x128xf32, #tpu.memory_space<vmem_shared>>
        %dma_start3A_52 = arith.constant 0 : i32
        %dma_start3A_53 = arith.constant 0 : i32
        %dma_start3A_54 = tpu.memref_slice %arg12[%dma_start3A_52, %dma_start3A_53] : memref<128x128xf32, #tpu.memory_space<vmem>> -> memref<128x128xf32, #tpu.memory_space<vmem>>
        %dma_start3A_55 = arith.constant 0 : i32
        %dma_start3A_56 = tpu.memref_slice %arg11[%add3A_37, %dma_start3A_55] : memref<10112x128xf32, #tpu.memory_space<vmem_shared>> -> memref<128x128xf32, #tpu.memory_space<vmem_shared>>
        tpu.enqueue_dma source(%dma_start3A_56 : memref<128x128xf32, #tpu.memory_space<vmem_shared>>) target(%dma_start3A_54 : memref<128x128xf32, #tpu.memory_space<vmem>>) target_semaphore(%run_scoped3A : memref<!tpu.dma_semaphore, #tpu.memory_space<semaphore_mem>>)
        %dma_wait3A = arith.constant 0 : i32
        %dma_wait3A_57 = arith.constant 0 : i32
        %dma_wait3A_58 = tpu.memref_slice %arg12[%dma_wait3A, %dma_wait3A_57] : memref<128x128xf32, #tpu.memory_space<vmem>> -> memref<128x128xf32, #tpu.memory_space<vmem>>
        %dma_wait3A_59 = arith.constant 0 : i32
        %dma_wait3A_60 = tpu.memref_slice %arg11[%add3A_37, %dma_wait3A_59] : memref<10112x128xf32, #tpu.memory_space<vmem_shared>> -> memref<128x128xf32, #tpu.memory_space<vmem_shared>>
        %dma_wait3A_61 = arith.constant 0 : i32
        %dma_wait3A_62 = arith.constant 0 : i32
        %dma_wait3A_63 = tpu.memref_slice %arg12[%dma_wait3A_61, %dma_wait3A_62] : memref<128x128xf32, #tpu.memory_space<vmem>> -> memref<128x128xf32, #tpu.memory_space<vmem>>
        %dma_wait3A_64 = arith.constant 0 : i32
        %dma_wait3A_65 = tpu.memref_slice %arg11[%add3A_37, %dma_wait3A_64] : memref<10112x128xf32, #tpu.memory_space<vmem_shared>> -> memref<128x128xf32, #tpu.memory_space<vmem_shared>>
        tpu.wait_dma2 semaphore(%run_scoped3A : memref<!tpu.dma_semaphore, #tpu.memory_space<semaphore_mem>>) src(%dma_wait3A_65 : memref<128x128xf32, #tpu.memory_space<vmem_shared>>) dst(%dma_wait3A_63 : memref<128x128xf32, #tpu.memory_space<vmem>>)
        tpu.yield
      }) : () -> ()
      %add3A_38 = arith.constant 256 : i32
      %add3A_39 = arith.addi %mul3A_0, %add3A_38 : i32
      "tpu.region"() ({
        %run_scoped3A = tpu.sem_alloc : memref<!tpu.dma_semaphore, #tpu.memory_space<semaphore_mem>>
        %dma_start3A = arith.constant 0 : i32
        %dma_start3A_48 = arith.constant 0 : i32
        %dma_start3A_49 = tpu.memref_slice %arg12[%dma_start3A, %dma_start3A_48] : memref<128x128xf32, #tpu.memory_space<vmem>> -> memref<128x128xf32, #tpu.memory_space<vmem>>
        %dma_start3A_50 = arith.constant 0 : i32
        %dma_start3A_51 = tpu.memref_slice %arg10[%add3A_39, %dma_start3A_50] : memref<10112x128xf32, #tpu.memory_space<hbm>> -> memref<128x128xf32, #tpu.memory_space<hbm>>
        %dma_start3A_52 = arith.constant 0 : i32
        %dma_start3A_53 = tpu.memref_slice %arg10[%add3A_39, %dma_start3A_52] : memref<10112x128xf32, #tpu.memory_space<hbm>> -> memref<128x128xf32, #tpu.memory_space<hbm>>
        %dma_start3A_54 = arith.constant 0 : i32
        %dma_start3A_55 = arith.constant 0 : i32
        %dma_start3A_56 = tpu.memref_slice %arg12[%dma_start3A_54, %dma_start3A_55] : memref<128x128xf32, #tpu.memory_space<vmem>> -> memref<128x128xf32, #tpu.memory_space<vmem>>
        tpu.enqueue_dma source(%dma_start3A_56 : memref<128x128xf32, #tpu.memory_space<vmem>>) target(%dma_start3A_53 : memref<128x128xf32, #tpu.memory_space<hbm>>) target_semaphore(%run_scoped3A : memref<!tpu.dma_semaphore, #tpu.memory_space<semaphore_mem>>)
        %dma_wait3A = arith.constant 0 : i32
        %dma_wait3A_57 = arith.constant 0 : i32
        %dma_wait3A_58 = tpu.memref_slice %arg12[%dma_wait3A, %dma_wait3A_57] : memref<128x128xf32, #tpu.memory_space<vmem>> -> memref<128x128xf32, #tpu.memory_space<vmem>>
        %dma_wait3A_59 = arith.constant 0 : i32
        %dma_wait3A_60 = tpu.memref_slice %arg10[%add3A_39, %dma_wait3A_59] : memref<10112x128xf32, #tpu.memory_space<hbm>> -> memref<128x128xf32, #tpu.memory_space<hbm>>
        %dma_wait3A_61 = arith.constant 0 : i32
        %dma_wait3A_62 = tpu.memref_slice %arg10[%add3A_39, %dma_wait3A_61] : memref<10112x128xf32, #tpu.memory_space<hbm>> -> memref<128x128xf32, #tpu.memory_space<hbm>>
        %dma_wait3A_63 = arith.constant 0 : i32
        %dma_wait3A_64 = arith.constant 0 : i32
        %dma_wait3A_65 = tpu.memref_slice %arg12[%dma_wait3A_63, %dma_wait3A_64] : memref<128x128xf32, #tpu.memory_space<vmem>> -> memref<128x128xf32, #tpu.memory_space<vmem>>
        tpu.wait_dma2 semaphore(%run_scoped3A : memref<!tpu.dma_semaphore, #tpu.memory_space<semaphore_mem>>) src(%dma_wait3A_65 : memref<128x128xf32, #tpu.memory_space<vmem>>) dst(%dma_wait3A_62 : memref<128x128xf32, #tpu.memory_space<hbm>>)
        tpu.yield
      }) : () -> ()
      %add3A_40 = arith.constant 384 : i32
      %add3A_41 = arith.addi %mul3A_0, %add3A_40 : i32
      "tpu.region"() ({
        %run_scoped3A = tpu.sem_alloc : memref<!tpu.dma_semaphore, #tpu.memory_space<semaphore_mem>>
        %dma_start3A = arith.constant 0 : i32
        %dma_start3A_48 = arith.constant 0 : i32
        %dma_start3A_49 = tpu.memref_slice %arg12[%dma_start3A, %dma_start3A_48] : memref<128x128xf32, #tpu.memory_space<vmem>> -> memref<128x128xf32, #tpu.memory_space<vmem>>
        %dma_start3A_50 = arith.constant 0 : i32
        %dma_start3A_51 = tpu.memref_slice %arg11[%add3A_41, %dma_start3A_50] : memref<10112x128xf32, #tpu.memory_space<vmem_shared>> -> memref<128x128xf32, #tpu.memory_space<vmem_shared>>
        %dma_start3A_52 = arith.constant 0 : i32
        %dma_start3A_53 = arith.constant 0 : i32
        %dma_start3A_54 = tpu.memref_slice %arg12[%dma_start3A_52, %dma_start3A_53] : memref<128x128xf32, #tpu.memory_space<vmem>> -> memref<128x128xf32, #tpu.memory_space<vmem>>
        %dma_start3A_55 = arith.constant 0 : i32
        %dma_start3A_56 = tpu.memref_slice %arg11[%add3A_41, %dma_start3A_55] : memref<10112x128xf32, #tpu.memory_space<vmem_shared>> -> memref<128x128xf32, #tpu.memory_space<vmem_shared>>
        tpu.enqueue_dma source(%dma_start3A_56 : memref<128x128xf32, #tpu.memory_space<vmem_shared>>) target(%dma_start3A_54 : memref<128x128xf32, #tpu.memory_space<vmem>>) target_semaphore(%run_scoped3A : memref<!tpu.dma_semaphore, #tpu.memory_space<semaphore_mem>>)
        %dma_wait3A = arith.constant 0 : i32
        %dma_wait3A_57 = arith.constant 0 : i32
        %dma_wait3A_58 = tpu.memref_slice %arg12[%dma_wait3A, %dma_wait3A_57] : memref<128x128xf32, #tpu.memory_space<vmem>> -> memref<128x128xf32, #tpu.memory_space<vmem>>
        %dma_wait3A_59 = arith.constant 0 : i32
        %dma_wait3A_60 = tpu.memref_slice %arg11[%add3A_41, %dma_wait3A_59] : memref<10112x128xf32, #tpu.memory_space<vmem_shared>> -> memref<128x128xf32, #tpu.memory_space<vmem_shared>>
        %dma_wait3A_61 = arith.constant 0 : i32
        %dma_wait3A_62 = arith.constant 0 : i32
        %dma_wait3A_63 = tpu.memref_slice %arg12[%dma_wait3A_61, %dma_wait3A_62] : memref<128x128xf32, #tpu.memory_space<vmem>> -> memref<128x128xf32, #tpu.memory_space<vmem>>
        %dma_wait3A_64 = arith.constant 0 : i32
        %dma_wait3A_65 = tpu.memref_slice %arg11[%add3A_41, %dma_wait3A_64] : memref<10112x128xf32, #tpu.memory_space<vmem_shared>> -> memref<128x128xf32, #tpu.memory_space<vmem_shared>>
        tpu.wait_dma2 semaphore(%run_scoped3A : memref<!tpu.dma_semaphore, #tpu.memory_space<semaphore_mem>>) src(%dma_wait3A_65 : memref<128x128xf32, #tpu.memory_space<vmem_shared>>) dst(%dma_wait3A_63 : memref<128x128xf32, #tpu.memory_space<vmem>>)
        tpu.yield
      }) : () -> ()
      %add3A_42 = arith.constant 384 : i32
      %add3A_43 = arith.addi %mul3A_0, %add3A_42 : i32
      "tpu.region"() ({
        %run_scoped3A = tpu.sem_alloc : memref<!tpu.dma_semaphore, #tpu.memory_space<semaphore_mem>>
        %dma_start3A = arith.constant 0 : i32
        %dma_start3A_48 = arith.constant 0 : i32
        %dma_start3A_49 = tpu.memref_slice %arg12[%dma_start3A, %dma_start3A_48] : memref<128x128xf32, #tpu.memory_space<vmem>> -> memref<128x128xf32, #tpu.memory_space<vmem>>
        %dma_start3A_50 = arith.constant 0 : i32
        %dma_start3A_51 = tpu.memref_slice %arg10[%add3A_43, %dma_start3A_50] : memref<10112x128xf32, #tpu.memory_space<hbm>> -> memref<128x128xf32, #tpu.memory_space<hbm>>
        %dma_start3A_52 = arith.constant 0 : i32
        %dma_start3A_53 = tpu.memref_slice %arg10[%add3A_43, %dma_start3A_52] : memref<10112x128xf32, #tpu.memory_space<hbm>> -> memref<128x128xf32, #tpu.memory_space<hbm>>
        %dma_start3A_54 = arith.constant 0 : i32
        %dma_start3A_55 = arith.constant 0 : i32
        %dma_start3A_56 = tpu.memref_slice %arg12[%dma_start3A_54, %dma_start3A_55] : memref<128x128xf32, #tpu.memory_space<vmem>> -> memref<128x128xf32, #tpu.memory_space<vmem>>
        tpu.enqueue_dma source(%dma_start3A_56 : memref<128x128xf32, #tpu.memory_space<vmem>>) target(%dma_start3A_53 : memref<128x128xf32, #tpu.memory_space<hbm>>) target_semaphore(%run_scoped3A : memref<!tpu.dma_semaphore, #tpu.memory_space<semaphore_mem>>)
        %dma_wait3A = arith.constant 0 : i32
        %dma_wait3A_57 = arith.constant 0 : i32
        %dma_wait3A_58 = tpu.memref_slice %arg12[%dma_wait3A, %dma_wait3A_57] : memref<128x128xf32, #tpu.memory_space<vmem>> -> memref<128x128xf32, #tpu.memory_space<vmem>>
        %dma_wait3A_59 = arith.constant 0 : i32
        %dma_wait3A_60 = tpu.memref_slice %arg10[%add3A_43, %dma_wait3A_59] : memref<10112x128xf32, #tpu.memory_space<hbm>> -> memref<128x128xf32, #tpu.memory_space<hbm>>
        %dma_wait3A_61 = arith.constant 0 : i32
        %dma_wait3A_62 = tpu.memref_slice %arg10[%add3A_43, %dma_wait3A_61] : memref<10112x128xf32, #tpu.memory_space<hbm>> -> memref<128x128xf32, #tpu.memory_space<hbm>>
        %dma_wait3A_63 = arith.constant 0 : i32
        %dma_wait3A_64 = arith.constant 0 : i32
        %dma_wait3A_65 = tpu.memref_slice %arg12[%dma_wait3A_63, %dma_wait3A_64] : memref<128x128xf32, #tpu.memory_space<vmem>> -> memref<128x128xf32, #tpu.memory_space<vmem>>
        tpu.wait_dma2 semaphore(%run_scoped3A : memref<!tpu.dma_semaphore, #tpu.memory_space<semaphore_mem>>) src(%dma_wait3A_65 : memref<128x128xf32, #tpu.memory_space<vmem>>) dst(%dma_wait3A_62 : memref<128x128xf32, #tpu.memory_space<hbm>>)
        tpu.yield
      }) : () -> ()
      %add3A_44 = arith.constant 512 : i32
      %add3A_45 = arith.addi %mul3A_0, %add3A_44 : i32
      "tpu.region"() ({
        %run_scoped3A = tpu.sem_alloc : memref<!tpu.dma_semaphore, #tpu.memory_space<semaphore_mem>>
        %dma_start3A = arith.constant 0 : i32
        %dma_start3A_48 = arith.constant 0 : i32
        %dma_start3A_49 = tpu.memref_slice %arg12[%dma_start3A, %dma_start3A_48] : memref<128x128xf32, #tpu.memory_space<vmem>> -> memref<120x128xf32, #tpu.memory_space<vmem>>
        %dma_start3A_50 = arith.constant 0 : i32
        %dma_start3A_51 = tpu.memref_slice %arg11[%add3A_45, %dma_start3A_50] : memref<10112x128xf32, #tpu.memory_space<vmem_shared>> -> memref<120x128xf32, #tpu.memory_space<vmem_shared>>
        %dma_start3A_52 = arith.constant 0 : i32
        %dma_start3A_53 = arith.constant 0 : i32
        %dma_start3A_54 = tpu.memref_slice %arg12[%dma_start3A_52, %dma_start3A_53] : memref<128x128xf32, #tpu.memory_space<vmem>> -> memref<120x128xf32, #tpu.memory_space<vmem>>
        %dma_start3A_55 = arith.constant 0 : i32
        %dma_start3A_56 = tpu.memref_slice %arg11[%add3A_45, %dma_start3A_55] : memref<10112x128xf32, #tpu.memory_space<vmem_shared>> -> memref<120x128xf32, #tpu.memory_space<vmem_shared>>
        tpu.enqueue_dma source(%dma_start3A_56 : memref<120x128xf32, #tpu.memory_space<vmem_shared>>) target(%dma_start3A_54 : memref<120x128xf32, #tpu.memory_space<vmem>>) target_semaphore(%run_scoped3A : memref<!tpu.dma_semaphore, #tpu.memory_space<semaphore_mem>>)
        %dma_wait3A = arith.constant 0 : i32
        %dma_wait3A_57 = arith.constant 0 : i32
        %dma_wait3A_58 = tpu.memref_slice %arg12[%dma_wait3A, %dma_wait3A_57] : memref<128x128xf32, #tpu.memory_space<vmem>> -> memref<120x128xf32, #tpu.memory_space<vmem>>
        %dma_wait3A_59 = arith.constant 0 : i32
        %dma_wait3A_60 = tpu.memref_slice %arg11[%add3A_45, %dma_wait3A_59] : memref<10112x128xf32, #tpu.memory_space<vmem_shared>> -> memref<120x128xf32, #tpu.memory_space<vmem_shared>>
        %dma_wait3A_61 = arith.constant 0 : i32
        %dma_wait3A_62 = arith.constant 0 : i32
        %dma_wait3A_63 = tpu.memref_slice %arg12[%dma_wait3A_61, %dma_wait3A_62] : memref<128x128xf32, #tpu.memory_space<vmem>> -> memref<120x128xf32, #tpu.memory_space<vmem>>
        %dma_wait3A_64 = arith.constant 0 : i32
        %dma_wait3A_65 = tpu.memref_slice %arg11[%add3A_45, %dma_wait3A_64] : memref<10112x128xf32, #tpu.memory_space<vmem_shared>> -> memref<120x128xf32, #tpu.memory_space<vmem_shared>>
        tpu.wait_dma2 semaphore(%run_scoped3A : memref<!tpu.dma_semaphore, #tpu.memory_space<semaphore_mem>>) src(%dma_wait3A_65 : memref<120x128xf32, #tpu.memory_space<vmem_shared>>) dst(%dma_wait3A_63 : memref<120x128xf32, #tpu.memory_space<vmem>>)
        tpu.yield
      }) : () -> ()
      %add3A_46 = arith.constant 512 : i32
      %add3A_47 = arith.addi %mul3A_0, %add3A_46 : i32
      "tpu.region"() ({
        %run_scoped3A = tpu.sem_alloc : memref<!tpu.dma_semaphore, #tpu.memory_space<semaphore_mem>>
        %dma_start3A = arith.constant 0 : i32
        %dma_start3A_48 = arith.constant 0 : i32
        %dma_start3A_49 = tpu.memref_slice %arg12[%dma_start3A, %dma_start3A_48] : memref<128x128xf32, #tpu.memory_space<vmem>> -> memref<120x128xf32, #tpu.memory_space<vmem>>
        %dma_start3A_50 = arith.constant 0 : i32
        %dma_start3A_51 = tpu.memref_slice %arg10[%add3A_47, %dma_start3A_50] : memref<10112x128xf32, #tpu.memory_space<hbm>> -> memref<120x128xf32, #tpu.memory_space<hbm>>
        %dma_start3A_52 = arith.constant 0 : i32
        %dma_start3A_53 = tpu.memref_slice %arg10[%add3A_47, %dma_start3A_52] : memref<10112x128xf32, #tpu.memory_space<hbm>> -> memref<120x128xf32, #tpu.memory_space<hbm>>
        %dma_start3A_54 = arith.constant 0 : i32
        %dma_start3A_55 = arith.constant 0 : i32
        %dma_start3A_56 = tpu.memref_slice %arg12[%dma_start3A_54, %dma_start3A_55] : memref<128x128xf32, #tpu.memory_space<vmem>> -> memref<120x128xf32, #tpu.memory_space<vmem>>
        tpu.enqueue_dma source(%dma_start3A_56 : memref<120x128xf32, #tpu.memory_space<vmem>>) target(%dma_start3A_53 : memref<120x128xf32, #tpu.memory_space<hbm>>) target_semaphore(%run_scoped3A : memref<!tpu.dma_semaphore, #tpu.memory_space<semaphore_mem>>)
        %dma_wait3A = arith.constant 0 : i32
        %dma_wait3A_57 = arith.constant 0 : i32
        %dma_wait3A_58 = tpu.memref_slice %arg12[%dma_wait3A, %dma_wait3A_57] : memref<128x128xf32, #tpu.memory_space<vmem>> -> memref<120x128xf32, #tpu.memory_space<vmem>>
        %dma_wait3A_59 = arith.constant 0 : i32
        %dma_wait3A_60 = tpu.memref_slice %arg10[%add3A_47, %dma_wait3A_59] : memref<10112x128xf32, #tpu.memory_space<hbm>> -> memref<120x128xf32, #tpu.memory_space<hbm>>
        %dma_wait3A_61 = arith.constant 0 : i32
        %dma_wait3A_62 = tpu.memref_slice %arg10[%add3A_47, %dma_wait3A_61] : memref<10112x128xf32, #tpu.memory_space<hbm>> -> memref<120x128xf32, #tpu.memory_space<hbm>>
        %dma_wait3A_63 = arith.constant 0 : i32
        %dma_wait3A_64 = arith.constant 0 : i32
        %dma_wait3A_65 = tpu.memref_slice %arg12[%dma_wait3A_63, %dma_wait3A_64] : memref<128x128xf32, #tpu.memory_space<vmem>> -> memref<120x128xf32, #tpu.memory_space<vmem>>
        tpu.wait_dma2 semaphore(%run_scoped3A : memref<!tpu.dma_semaphore, #tpu.memory_space<semaphore_mem>>) src(%dma_wait3A_65 : memref<120x128xf32, #tpu.memory_space<vmem>>) dst(%dma_wait3A_62 : memref<120x128xf32, #tpu.memory_space<hbm>>)
        tpu.yield
      }) : () -> ()
    } else {
    }
    return
  }
}

#map = affine_map<(d0, d1) -> (0, 0)>
#map1 = affine_map<(d0, d1) -> (0)>
module attributes {stable_mosaic.version = 14 : i64} {
  func.func @_sc_spmm_pair_body(%arg0: i32, %arg1: i32, %arg2: memref<10000x128xf32, #tpu.memory_space<hbm>>, %arg3: memref<10000x128xf32, #tpu.memory_space<hbm>>, %arg4: memref<321536xi32, #tpu.memory_space<hbm>>, %arg5: memref<321536xi32, #tpu.memory_space<hbm>>, %arg6: memref<321536xi32, #tpu.memory_space<hbm>>, %arg7: memref<321536xi32, #tpu.memory_space<hbm>>, %arg8: memref<128x128xf32, #tpu.memory_space<hbm>>, %arg9: memref<10112x128xf32, #tpu.memory_space<hbm>>, %arg10: memref<10112x128xf32, #tpu.memory_space<hbm>>, %arg11: memref<10112x128xf32, #tpu.memory_space<vmem_shared>>, %arg12: memref<128x128xf32, #tpu.memory_space<vmem>>, %arg13: memref<128xi32, #tpu.memory_space<vmem>>, %arg14: memref<128xi32, #tpu.memory_space<vmem>>, %arg15: memref<!tpu.dma_semaphore, #tpu.memory_space<semaphore_mem>>) attributes {dimension_semantics = [#tpu.dimension_semantics<core_parallel>, #tpu.dimension_semantics<subcore_parallel>], iteration_bounds = array<i64: 2, 16>, scalar_prefetch = 0 : i64, scratch_operands = 5 : i64, tpu.core_type = #tpu.core_type<sc_vector_subcore>, window_params = [{transform_indices = #map}, {transform_indices = #map}, {transform_indices = #map1}, {transform_indices = #map1}, {transform_indices = #map1}, {transform_indices = #map1}, {transform_indices = #map}, {transform_indices = #map}, {transform_indices = #map}]} {
    %mul3A = arith.constant 632 : i32
    %mul3A_0 = arith.muli %arg1, %mul3A : i32
    "tpu.region"() ({
      %run_scoped3A = tpu.sem_alloc : memref<!tpu.dma_semaphore, #tpu.memory_space<semaphore_mem>>
      tpu.enqueue_dma source(%arg8 : memref<128x128xf32, #tpu.memory_space<hbm>>) target(%arg12 : memref<128x128xf32, #tpu.memory_space<vmem>>) target_semaphore(%run_scoped3A : memref<!tpu.dma_semaphore, #tpu.memory_space<semaphore_mem>>)
      tpu.wait_dma2 semaphore(%run_scoped3A : memref<!tpu.dma_semaphore, #tpu.memory_space<semaphore_mem>>) src(%arg8 : memref<128x128xf32, #tpu.memory_space<hbm>>) dst(%arg12 : memref<128x128xf32, #tpu.memory_space<vmem>>)
      tpu.yield
    }) : () -> ()
    %add3A = arith.constant 0 : i32
    %add3A_1 = arith.addi %mul3A_0, %add3A : i32
    "tpu.region"() ({
      %run_scoped3A = tpu.sem_alloc : memref<!tpu.dma_semaphore, #tpu.memory_space<semaphore_mem>>
      %dma_start3A = arith.constant 0 : i32
      %dma_start3A_28 = arith.constant 0 : i32
      %dma_start3A_29 = tpu.memref_slice %arg12[%dma_start3A, %dma_start3A_28] : memref<128x128xf32, #tpu.memory_space<vmem>> -> memref<128x128xf32, #tpu.memory_space<vmem>>
      %dma_start3A_30 = arith.constant 0 : i32
      %dma_start3A_31 = tpu.memref_slice %arg11[%add3A_1, %dma_start3A_30] : memref<10112x128xf32, #tpu.memory_space<vmem_shared>> -> memref<128x128xf32, #tpu.memory_space<vmem_shared>>
      %dma_start3A_32 = arith.constant 0 : i32
      %dma_start3A_33 = tpu.memref_slice %arg11[%add3A_1, %dma_start3A_32] : memref<10112x128xf32, #tpu.memory_space<vmem_shared>> -> memref<128x128xf32, #tpu.memory_space<vmem_shared>>
      %dma_start3A_34 = arith.constant 0 : i32
      %dma_start3A_35 = arith.constant 0 : i32
      %dma_start3A_36 = tpu.memref_slice %arg12[%dma_start3A_34, %dma_start3A_35] : memref<128x128xf32, #tpu.memory_space<vmem>> -> memref<128x128xf32, #tpu.memory_space<vmem>>
      tpu.enqueue_dma source(%dma_start3A_36 : memref<128x128xf32, #tpu.memory_space<vmem>>) target(%dma_start3A_33 : memref<128x128xf32, #tpu.memory_space<vmem_shared>>) target_semaphore(%run_scoped3A : memref<!tpu.dma_semaphore, #tpu.memory_space<semaphore_mem>>)
      %dma_wait3A = arith.constant 0 : i32
      %dma_wait3A_37 = arith.constant 0 : i32
      %dma_wait3A_38 = tpu.memref_slice %arg12[%dma_wait3A, %dma_wait3A_37] : memref<128x128xf32, #tpu.memory_space<vmem>> -> memref<128x128xf32, #tpu.memory_space<vmem>>
      %dma_wait3A_39 = arith.constant 0 : i32
      %dma_wait3A_40 = tpu.memref_slice %arg11[%add3A_1, %dma_wait3A_39] : memref<10112x128xf32, #tpu.memory_space<vmem_shared>> -> memref<128x128xf32, #tpu.memory_space<vmem_shared>>
      %dma_wait3A_41 = arith.constant 0 : i32
      %dma_wait3A_42 = tpu.memref_slice %arg11[%add3A_1, %dma_wait3A_41] : memref<10112x128xf32, #tpu.memory_space<vmem_shared>> -> memref<128x128xf32, #tpu.memory_space<vmem_shared>>
      %dma_wait3A_43 = arith.constant 0 : i32
      %dma_wait3A_44 = arith.constant 0 : i32
      %dma_wait3A_45 = tpu.memref_slice %arg12[%dma_wait3A_43, %dma_wait3A_44] : memref<128x128xf32, #tpu.memory_space<vmem>> -> memref<128x128xf32, #tpu.memory_space<vmem>>
      tpu.wait_dma2 semaphore(%run_scoped3A : memref<!tpu.dma_semaphore, #tpu.memory_space<semaphore_mem>>) src(%dma_wait3A_45 : memref<128x128xf32, #tpu.memory_space<vmem>>) dst(%dma_wait3A_42 : memref<128x128xf32, #tpu.memory_space<vmem_shared>>)
      tpu.yield
    }) : () -> ()
    %add3A_2 = arith.constant 128 : i32
    %add3A_3 = arith.addi %mul3A_0, %add3A_2 : i32
    "tpu.region"() ({
      %run_scoped3A = tpu.sem_alloc : memref<!tpu.dma_semaphore, #tpu.memory_space<semaphore_mem>>
      %dma_start3A = arith.constant 0 : i32
      %dma_start3A_28 = arith.constant 0 : i32
      %dma_start3A_29 = tpu.memref_slice %arg12[%dma_start3A, %dma_start3A_28] : memref<128x128xf32, #tpu.memory_space<vmem>> -> memref<128x128xf32, #tpu.memory_space<vmem>>
      %dma_start3A_30 = arith.constant 0 : i32
      %dma_start3A_31 = tpu.memref_slice %arg11[%add3A_3, %dma_start3A_30] : memref<10112x128xf32, #tpu.memory_space<vmem_shared>> -> memref<128x128xf32, #tpu.memory_space<vmem_shared>>
      %dma_start3A_32 = arith.constant 0 : i32
      %dma_start3A_33 = tpu.memref_slice %arg11[%add3A_3, %dma_start3A_32] : memref<10112x128xf32, #tpu.memory_space<vmem_shared>> -> memref<128x128xf32, #tpu.memory_space<vmem_shared>>
      %dma_start3A_34 = arith.constant 0 : i32
      %dma_start3A_35 = arith.constant 0 : i32
      %dma_start3A_36 = tpu.memref_slice %arg12[%dma_start3A_34, %dma_start3A_35] : memref<128x128xf32, #tpu.memory_space<vmem>> -> memref<128x128xf32, #tpu.memory_space<vmem>>
      tpu.enqueue_dma source(%dma_start3A_36 : memref<128x128xf32, #tpu.memory_space<vmem>>) target(%dma_start3A_33 : memref<128x128xf32, #tpu.memory_space<vmem_shared>>) target_semaphore(%run_scoped3A : memref<!tpu.dma_semaphore, #tpu.memory_space<semaphore_mem>>)
      %dma_wait3A = arith.constant 0 : i32
      %dma_wait3A_37 = arith.constant 0 : i32
      %dma_wait3A_38 = tpu.memref_slice %arg12[%dma_wait3A, %dma_wait3A_37] : memref<128x128xf32, #tpu.memory_space<vmem>> -> memref<128x128xf32, #tpu.memory_space<vmem>>
      %dma_wait3A_39 = arith.constant 0 : i32
      %dma_wait3A_40 = tpu.memref_slice %arg11[%add3A_3, %dma_wait3A_39] : memref<10112x128xf32, #tpu.memory_space<vmem_shared>> -> memref<128x128xf32, #tpu.memory_space<vmem_shared>>
      %dma_wait3A_41 = arith.constant 0 : i32
      %dma_wait3A_42 = tpu.memref_slice %arg11[%add3A_3, %dma_wait3A_41] : memref<10112x128xf32, #tpu.memory_space<vmem_shared>> -> memref<128x128xf32, #tpu.memory_space<vmem_shared>>
      %dma_wait3A_43 = arith.constant 0 : i32
      %dma_wait3A_44 = arith.constant 0 : i32
      %dma_wait3A_45 = tpu.memref_slice %arg12[%dma_wait3A_43, %dma_wait3A_44] : memref<128x128xf32, #tpu.memory_space<vmem>> -> memref<128x128xf32, #tpu.memory_space<vmem>>
      tpu.wait_dma2 semaphore(%run_scoped3A : memref<!tpu.dma_semaphore, #tpu.memory_space<semaphore_mem>>) src(%dma_wait3A_45 : memref<128x128xf32, #tpu.memory_space<vmem>>) dst(%dma_wait3A_42 : memref<128x128xf32, #tpu.memory_space<vmem_shared>>)
      tpu.yield
    }) : () -> ()
    %add3A_4 = arith.constant 256 : i32
    %add3A_5 = arith.addi %mul3A_0, %add3A_4 : i32
    "tpu.region"() ({
      %run_scoped3A = tpu.sem_alloc : memref<!tpu.dma_semaphore, #tpu.memory_space<semaphore_mem>>
      %dma_start3A = arith.constant 0 : i32
      %dma_start3A_28 = arith.constant 0 : i32
      %dma_start3A_29 = tpu.memref_slice %arg12[%dma_start3A, %dma_start3A_28] : memref<128x128xf32, #tpu.memory_space<vmem>> -> memref<128x128xf32, #tpu.memory_space<vmem>>
      %dma_start3A_30 = arith.constant 0 : i32
      %dma_start3A_31 = tpu.memref_slice %arg11[%add3A_5, %dma_start3A_30] : memref<10112x128xf32, #tpu.memory_space<vmem_shared>> -> memref<128x128xf32, #tpu.memory_space<vmem_shared>>
      %dma_start3A_32 = arith.constant 0 : i32
      %dma_start3A_33 = tpu.memref_slice %arg11[%add3A_5, %dma_start3A_32] : memref<10112x128xf32, #tpu.memory_space<vmem_shared>> -> memref<128x128xf32, #tpu.memory_space<vmem_shared>>
      %dma_start3A_34 = arith.constant 0 : i32
      %dma_start3A_35 = arith.constant 0 : i32
      %dma_start3A_36 = tpu.memref_slice %arg12[%dma_start3A_34, %dma_start3A_35] : memref<128x128xf32, #tpu.memory_space<vmem>> -> memref<128x128xf32, #tpu.memory_space<vmem>>
      tpu.enqueue_dma source(%dma_start3A_36 : memref<128x128xf32, #tpu.memory_space<vmem>>) target(%dma_start3A_33 : memref<128x128xf32, #tpu.memory_space<vmem_shared>>) target_semaphore(%run_scoped3A : memref<!tpu.dma_semaphore, #tpu.memory_space<semaphore_mem>>)
      %dma_wait3A = arith.constant 0 : i32
      %dma_wait3A_37 = arith.constant 0 : i32
      %dma_wait3A_38 = tpu.memref_slice %arg12[%dma_wait3A, %dma_wait3A_37] : memref<128x128xf32, #tpu.memory_space<vmem>> -> memref<128x128xf32, #tpu.memory_space<vmem>>
      %dma_wait3A_39 = arith.constant 0 : i32
      %dma_wait3A_40 = tpu.memref_slice %arg11[%add3A_5, %dma_wait3A_39] : memref<10112x128xf32, #tpu.memory_space<vmem_shared>> -> memref<128x128xf32, #tpu.memory_space<vmem_shared>>
      %dma_wait3A_41 = arith.constant 0 : i32
      %dma_wait3A_42 = tpu.memref_slice %arg11[%add3A_5, %dma_wait3A_41] : memref<10112x128xf32, #tpu.memory_space<vmem_shared>> -> memref<128x128xf32, #tpu.memory_space<vmem_shared>>
      %dma_wait3A_43 = arith.constant 0 : i32
      %dma_wait3A_44 = arith.constant 0 : i32
      %dma_wait3A_45 = tpu.memref_slice %arg12[%dma_wait3A_43, %dma_wait3A_44] : memref<128x128xf32, #tpu.memory_space<vmem>> -> memref<128x128xf32, #tpu.memory_space<vmem>>
      tpu.wait_dma2 semaphore(%run_scoped3A : memref<!tpu.dma_semaphore, #tpu.memory_space<semaphore_mem>>) src(%dma_wait3A_45 : memref<128x128xf32, #tpu.memory_space<vmem>>) dst(%dma_wait3A_42 : memref<128x128xf32, #tpu.memory_space<vmem_shared>>)
      tpu.yield
    }) : () -> ()
    %add3A_6 = arith.constant 384 : i32
    %add3A_7 = arith.addi %mul3A_0, %add3A_6 : i32
    "tpu.region"() ({
      %run_scoped3A = tpu.sem_alloc : memref<!tpu.dma_semaphore, #tpu.memory_space<semaphore_mem>>
      %dma_start3A = arith.constant 0 : i32
      %dma_start3A_28 = arith.constant 0 : i32
      %dma_start3A_29 = tpu.memref_slice %arg12[%dma_start3A, %dma_start3A_28] : memref<128x128xf32, #tpu.memory_space<vmem>> -> memref<128x128xf32, #tpu.memory_space<vmem>>
      %dma_start3A_30 = arith.constant 0 : i32
      %dma_start3A_31 = tpu.memref_slice %arg11[%add3A_7, %dma_start3A_30] : memref<10112x128xf32, #tpu.memory_space<vmem_shared>> -> memref<128x128xf32, #tpu.memory_space<vmem_shared>>
      %dma_start3A_32 = arith.constant 0 : i32
      %dma_start3A_33 = tpu.memref_slice %arg11[%add3A_7, %dma_start3A_32] : memref<10112x128xf32, #tpu.memory_space<vmem_shared>> -> memref<128x128xf32, #tpu.memory_space<vmem_shared>>
      %dma_start3A_34 = arith.constant 0 : i32
      %dma_start3A_35 = arith.constant 0 : i32
      %dma_start3A_36 = tpu.memref_slice %arg12[%dma_start3A_34, %dma_start3A_35] : memref<128x128xf32, #tpu.memory_space<vmem>> -> memref<128x128xf32, #tpu.memory_space<vmem>>
      tpu.enqueue_dma source(%dma_start3A_36 : memref<128x128xf32, #tpu.memory_space<vmem>>) target(%dma_start3A_33 : memref<128x128xf32, #tpu.memory_space<vmem_shared>>) target_semaphore(%run_scoped3A : memref<!tpu.dma_semaphore, #tpu.memory_space<semaphore_mem>>)
      %dma_wait3A = arith.constant 0 : i32
      %dma_wait3A_37 = arith.constant 0 : i32
      %dma_wait3A_38 = tpu.memref_slice %arg12[%dma_wait3A, %dma_wait3A_37] : memref<128x128xf32, #tpu.memory_space<vmem>> -> memref<128x128xf32, #tpu.memory_space<vmem>>
      %dma_wait3A_39 = arith.constant 0 : i32
      %dma_wait3A_40 = tpu.memref_slice %arg11[%add3A_7, %dma_wait3A_39] : memref<10112x128xf32, #tpu.memory_space<vmem_shared>> -> memref<128x128xf32, #tpu.memory_space<vmem_shared>>
      %dma_wait3A_41 = arith.constant 0 : i32
      %dma_wait3A_42 = tpu.memref_slice %arg11[%add3A_7, %dma_wait3A_41] : memref<10112x128xf32, #tpu.memory_space<vmem_shared>> -> memref<128x128xf32, #tpu.memory_space<vmem_shared>>
      %dma_wait3A_43 = arith.constant 0 : i32
      %dma_wait3A_44 = arith.constant 0 : i32
      %dma_wait3A_45 = tpu.memref_slice %arg12[%dma_wait3A_43, %dma_wait3A_44] : memref<128x128xf32, #tpu.memory_space<vmem>> -> memref<128x128xf32, #tpu.memory_space<vmem>>
      tpu.wait_dma2 semaphore(%run_scoped3A : memref<!tpu.dma_semaphore, #tpu.memory_space<semaphore_mem>>) src(%dma_wait3A_45 : memref<128x128xf32, #tpu.memory_space<vmem>>) dst(%dma_wait3A_42 : memref<128x128xf32, #tpu.memory_space<vmem_shared>>)
      tpu.yield
    }) : () -> ()
    %add3A_8 = arith.constant 512 : i32
    %add3A_9 = arith.addi %mul3A_0, %add3A_8 : i32
    "tpu.region"() ({
      %run_scoped3A = tpu.sem_alloc : memref<!tpu.dma_semaphore, #tpu.memory_space<semaphore_mem>>
      %dma_start3A = arith.constant 0 : i32
      %dma_start3A_28 = arith.constant 0 : i32
      %dma_start3A_29 = tpu.memref_slice %arg12[%dma_start3A, %dma_start3A_28] : memref<128x128xf32, #tpu.memory_space<vmem>> -> memref<120x128xf32, #tpu.memory_space<vmem>>
      %dma_start3A_30 = arith.constant 0 : i32
      %dma_start3A_31 = tpu.memref_slice %arg11[%add3A_9, %dma_start3A_30] : memref<10112x128xf32, #tpu.memory_space<vmem_shared>> -> memref<120x128xf32, #tpu.memory_space<vmem_shared>>
      %dma_start3A_32 = arith.constant 0 : i32
      %dma_start3A_33 = tpu.memref_slice %arg11[%add3A_9, %dma_start3A_32] : memref<10112x128xf32, #tpu.memory_space<vmem_shared>> -> memref<120x128xf32, #tpu.memory_space<vmem_shared>>
      %dma_start3A_34 = arith.constant 0 : i32
      %dma_start3A_35 = arith.constant 0 : i32
      %dma_start3A_36 = tpu.memref_slice %arg12[%dma_start3A_34, %dma_start3A_35] : memref<128x128xf32, #tpu.memory_space<vmem>> -> memref<120x128xf32, #tpu.memory_space<vmem>>
      tpu.enqueue_dma source(%dma_start3A_36 : memref<120x128xf32, #tpu.memory_space<vmem>>) target(%dma_start3A_33 : memref<120x128xf32, #tpu.memory_space<vmem_shared>>) target_semaphore(%run_scoped3A : memref<!tpu.dma_semaphore, #tpu.memory_space<semaphore_mem>>)
      %dma_wait3A = arith.constant 0 : i32
      %dma_wait3A_37 = arith.constant 0 : i32
      %dma_wait3A_38 = tpu.memref_slice %arg12[%dma_wait3A, %dma_wait3A_37] : memref<128x128xf32, #tpu.memory_space<vmem>> -> memref<120x128xf32, #tpu.memory_space<vmem>>
      %dma_wait3A_39 = arith.constant 0 : i32
      %dma_wait3A_40 = tpu.memref_slice %arg11[%add3A_9, %dma_wait3A_39] : memref<10112x128xf32, #tpu.memory_space<vmem_shared>> -> memref<120x128xf32, #tpu.memory_space<vmem_shared>>
      %dma_wait3A_41 = arith.constant 0 : i32
      %dma_wait3A_42 = tpu.memref_slice %arg11[%add3A_9, %dma_wait3A_41] : memref<10112x128xf32, #tpu.memory_space<vmem_shared>> -> memref<120x128xf32, #tpu.memory_space<vmem_shared>>
      %dma_wait3A_43 = arith.constant 0 : i32
      %dma_wait3A_44 = arith.constant 0 : i32
      %dma_wait3A_45 = tpu.memref_slice %arg12[%dma_wait3A_43, %dma_wait3A_44] : memref<128x128xf32, #tpu.memory_space<vmem>> -> memref<120x128xf32, #tpu.memory_space<vmem>>
      tpu.wait_dma2 semaphore(%run_scoped3A : memref<!tpu.dma_semaphore, #tpu.memory_space<semaphore_mem>>) src(%dma_wait3A_45 : memref<120x128xf32, #tpu.memory_space<vmem>>) dst(%dma_wait3A_42 : memref<120x128xf32, #tpu.memory_space<vmem_shared>>)
      tpu.yield
    }) : () -> ()
    %barrier3A = arith.constant 0 : index
    tpu.barrier barrier_id(%barrier3A)
    %eq3A = arith.constant 0 : i32
    %eq3A_10 = arith.cmpi eq, %arg0, %eq3A : i32
    %convert_element_type3A = arith.extui %eq3A_10 : i1 to i32
    %cond3A = arith.constant 0 : i32
    %cond3A_11 = arith.cmpi ne, %convert_element_type3A, %cond3A : i32
    scf.if %cond3A_11 {
      %scan3A = arith.constant 0 : i32
      %scan3A_28 = arith.constant 0 : i32
      %scan3A_29 = arith.constant 157 : i32
      %scan3A_30 = arith.addi %scan3A_28, %scan3A_29 : i32
      %scan3A_31 = arith.constant 1 : i32
      %scan3A_32 = scf.for %scan3A_34 = %scan3A_28 to %scan3A_30 step %scan3A_31 iter_args(%scan3A_35 = %scan3A) -> (i32)  : i32 {
        %mul3A_36 = arith.constant 157 : i32
        %mul3A_37 = arith.muli %arg1, %mul3A_36 : i32
        %add3A_38 = arith.addi %mul3A_37, %scan3A_34 : i32
        %mul3A_39 = arith.constant 128 : i32
        %mul3A_40 = arith.muli %add3A_38, %mul3A_39 : i32
        %multiple_of3A = tpu.assume_multiple %mul3A_40, 128 : i32
        "tpu.region"() ({
          %run_scoped3A = tpu.sem_alloc : memref<!tpu.dma_semaphore, #tpu.memory_space<semaphore_mem>>
          %dma_start3A_46 = tpu.memref_slice %arg4[%multiple_of3A] : memref<321536xi32, #tpu.memory_space<hbm>> -> memref<128xi32, #tpu.memory_space<hbm>>
          %dma_start3A_47 = tpu.memref_slice %arg4[%multiple_of3A] : memref<321536xi32, #tpu.memory_space<hbm>> -> memref<128xi32, #tpu.memory_space<hbm>>
          tpu.enqueue_dma source(%dma_start3A_47 : memref<128xi32, #tpu.memory_space<hbm>>) target(%arg13 : memref<128xi32, #tpu.memory_space<vmem>>) target_semaphore(%run_scoped3A : memref<!tpu.dma_semaphore, #tpu.memory_space<semaphore_mem>>)
          %dma_wait3A_48 = tpu.memref_slice %arg4[%multiple_of3A] : memref<321536xi32, #tpu.memory_space<hbm>> -> memref<128xi32, #tpu.memory_space<hbm>>
          %dma_wait3A_49 = tpu.memref_slice %arg4[%multiple_of3A] : memref<321536xi32, #tpu.memory_space<hbm>> -> memref<128xi32, #tpu.memory_space<hbm>>
          tpu.wait_dma2 semaphore(%run_scoped3A : memref<!tpu.dma_semaphore, #tpu.memory_space<semaphore_mem>>) src(%dma_wait3A_49 : memref<128xi32, #tpu.memory_space<hbm>>) dst(%arg13 : memref<128xi32, #tpu.memory_space<vmem>>)
          tpu.yield
        }) : () -> ()
        "tpu.region"() ({
          %run_scoped3A = tpu.sem_alloc : memref<!tpu.dma_semaphore, #tpu.memory_space<semaphore_mem>>
          %dma_start3A_46 = tpu.memref_slice %arg5[%multiple_of3A] : memref<321536xi32, #tpu.memory_space<hbm>> -> memref<128xi32, #tpu.memory_space<hbm>>
          %dma_start3A_47 = tpu.memref_slice %arg5[%multiple_of3A] : memref<321536xi32, #tpu.memory_space<hbm>> -> memref<128xi32, #tpu.memory_space<hbm>>
          tpu.enqueue_dma source(%dma_start3A_47 : memref<128xi32, #tpu.memory_space<hbm>>) target(%arg14 : memref<128xi32, #tpu.memory_space<vmem>>) target_semaphore(%run_scoped3A : memref<!tpu.dma_semaphore, #tpu.memory_space<semaphore_mem>>)
          %dma_wait3A_48 = tpu.memref_slice %arg5[%multiple_of3A] : memref<321536xi32, #tpu.memory_space<hbm>> -> memref<128xi32, #tpu.memory_space<hbm>>
          %dma_wait3A_49 = tpu.memref_slice %arg5[%multiple_of3A] : memref<321536xi32, #tpu.memory_space<hbm>> -> memref<128xi32, #tpu.memory_space<hbm>>
          tpu.wait_dma2 semaphore(%run_scoped3A : memref<!tpu.dma_semaphore, #tpu.memory_space<semaphore_mem>>) src(%dma_wait3A_49 : memref<128xi32, #tpu.memory_space<hbm>>) dst(%arg14 : memref<128xi32, #tpu.memory_space<vmem>>)
          tpu.yield
        }) : () -> ()
        %dma_start3A = arith.constant 0 : i32
        %dma_start3A_41 = arith.constant 0 : i32
        %dma_start3A_42 = tpu.memref_slice %arg2[%dma_start3A, %dma_start3A_41] : memref<10000x128xf32, #tpu.memory_space<hbm>> -> memref<10000x128xf32, #tpu.memory_space<hbm>>
        tpu.enqueue_indirect_dma source(%dma_start3A_42 : memref<10000x128xf32, #tpu.memory_space<hbm>>) target(%arg12 : memref<128x128xf32, #tpu.memory_space<vmem>>) offsets(%arg13 : memref<128xi32, #tpu.memory_space<vmem>>) semaphore(%arg15 : memref<!tpu.dma_semaphore, #tpu.memory_space<semaphore_mem>>)
        %dma_wait3A = arith.constant 0 : i32
        %dma_wait3A_43 = arith.constant 0 : i32
        %dma_wait3A_44 = tpu.memref_slice %arg2[%dma_wait3A, %dma_wait3A_43] : memref<10000x128xf32, #tpu.memory_space<hbm>> -> memref<10000x128xf32, #tpu.memory_space<hbm>>
        tpu.wait_indirect_dma semaphore(%arg15 : memref<!tpu.dma_semaphore, #tpu.memory_space<semaphore_mem>>) src(%dma_wait3A_44 : memref<10000x128xf32, #tpu.memory_space<hbm>>) dst(%arg12 : memref<128x128xf32, #tpu.memory_space<vmem>>)
        "tpu.region"() ({
          %run_scoped3A = tpu.sem_alloc : memref<!tpu.dma_semaphore, #tpu.memory_space<semaphore_mem>>
          %dma_start3A_46 = arith.constant 0 : i32
          %dma_start3A_47 = arith.constant 0 : i32
          %dma_start3A_48 = tpu.memref_slice %arg11[%dma_start3A_46, %dma_start3A_47] : memref<10112x128xf32, #tpu.memory_space<vmem_shared>> -> memref<10112x128xf32, #tpu.memory_space<vmem_shared>>
          tpu.enqueue_indirect_dma source(%arg12 : memref<128x128xf32, #tpu.memory_space<vmem>>) target(%dma_start3A_48 : memref<10112x128xf32, #tpu.memory_space<vmem_shared>>) offsets(%arg14 : memref<128xi32, #tpu.memory_space<vmem>>) semaphore(%run_scoped3A : memref<!tpu.dma_semaphore, #tpu.memory_space<semaphore_mem>>) {add = true}
          %dma_wait3A_49 = arith.constant 0 : i32
          %dma_wait3A_50 = arith.constant 0 : i32
          %dma_wait3A_51 = tpu.memref_slice %arg11[%dma_wait3A_49, %dma_wait3A_50] : memref<10112x128xf32, #tpu.memory_space<vmem_shared>> -> memref<10112x128xf32, #tpu.memory_space<vmem_shared>>
          tpu.wait_indirect_dma semaphore(%run_scoped3A : memref<!tpu.dma_semaphore, #tpu.memory_space<semaphore_mem>>) src(%arg12 : memref<128x128xf32, #tpu.memory_space<vmem>>) dst(%dma_wait3A_51 : memref<10112x128xf32, #tpu.memory_space<vmem_shared>>)
          tpu.yield
        }) : () -> ()
        %scan3A_45 = arith.constant 0 : i32
        scf.yield %scan3A_45 : i32
      }
      %scan3A_33 = arith.constant 157 : i32
    } else {
    }
    %eq3A_12 = arith.constant 1 : i32
    %eq3A_13 = arith.cmpi eq, %arg0, %eq3A_12 : i32
    %convert_element_type3A_14 = arith.extui %eq3A_13 : i1 to i32
    %cond3A_15 = arith.constant 0 : i32
    %cond3A_16 = arith.cmpi ne, %convert_element_type3A_14, %cond3A_15 : i32
    scf.if %cond3A_16 {
      %scan3A = arith.constant 0 : i32
      %scan3A_28 = arith.constant 0 : i32
      %scan3A_29 = arith.constant 157 : i32
      %scan3A_30 = arith.addi %scan3A_28, %scan3A_29 : i32
      %scan3A_31 = arith.constant 1 : i32
      %scan3A_32 = scf.for %scan3A_34 = %scan3A_28 to %scan3A_30 step %scan3A_31 iter_args(%scan3A_35 = %scan3A) -> (i32)  : i32 {
        %mul3A_36 = arith.constant 157 : i32
        %mul3A_37 = arith.muli %arg1, %mul3A_36 : i32
        %add3A_38 = arith.addi %mul3A_37, %scan3A_34 : i32
        %mul3A_39 = arith.constant 128 : i32
        %mul3A_40 = arith.muli %add3A_38, %mul3A_39 : i32
        %multiple_of3A = tpu.assume_multiple %mul3A_40, 128 : i32
        "tpu.region"() ({
          %run_scoped3A = tpu.sem_alloc : memref<!tpu.dma_semaphore, #tpu.memory_space<semaphore_mem>>
          %dma_start3A_46 = tpu.memref_slice %arg6[%multiple_of3A] : memref<321536xi32, #tpu.memory_space<hbm>> -> memref<128xi32, #tpu.memory_space<hbm>>
          %dma_start3A_47 = tpu.memref_slice %arg6[%multiple_of3A] : memref<321536xi32, #tpu.memory_space<hbm>> -> memref<128xi32, #tpu.memory_space<hbm>>
          tpu.enqueue_dma source(%dma_start3A_47 : memref<128xi32, #tpu.memory_space<hbm>>) target(%arg13 : memref<128xi32, #tpu.memory_space<vmem>>) target_semaphore(%run_scoped3A : memref<!tpu.dma_semaphore, #tpu.memory_space<semaphore_mem>>)
          %dma_wait3A_48 = tpu.memref_slice %arg6[%multiple_of3A] : memref<321536xi32, #tpu.memory_space<hbm>> -> memref<128xi32, #tpu.memory_space<hbm>>
          %dma_wait3A_49 = tpu.memref_slice %arg6[%multiple_of3A] : memref<321536xi32, #tpu.memory_space<hbm>> -> memref<128xi32, #tpu.memory_space<hbm>>
          tpu.wait_dma2 semaphore(%run_scoped3A : memref<!tpu.dma_semaphore, #tpu.memory_space<semaphore_mem>>) src(%dma_wait3A_49 : memref<128xi32, #tpu.memory_space<hbm>>) dst(%arg13 : memref<128xi32, #tpu.memory_space<vmem>>)
          tpu.yield
        }) : () -> ()
        "tpu.region"() ({
          %run_scoped3A = tpu.sem_alloc : memref<!tpu.dma_semaphore, #tpu.memory_space<semaphore_mem>>
          %dma_start3A_46 = tpu.memref_slice %arg7[%multiple_of3A] : memref<321536xi32, #tpu.memory_space<hbm>> -> memref<128xi32, #tpu.memory_space<hbm>>
          %dma_start3A_47 = tpu.memref_slice %arg7[%multiple_of3A] : memref<321536xi32, #tpu.memory_space<hbm>> -> memref<128xi32, #tpu.memory_space<hbm>>
          tpu.enqueue_dma source(%dma_start3A_47 : memref<128xi32, #tpu.memory_space<hbm>>) target(%arg14 : memref<128xi32, #tpu.memory_space<vmem>>) target_semaphore(%run_scoped3A : memref<!tpu.dma_semaphore, #tpu.memory_space<semaphore_mem>>)
          %dma_wait3A_48 = tpu.memref_slice %arg7[%multiple_of3A] : memref<321536xi32, #tpu.memory_space<hbm>> -> memref<128xi32, #tpu.memory_space<hbm>>
          %dma_wait3A_49 = tpu.memref_slice %arg7[%multiple_of3A] : memref<321536xi32, #tpu.memory_space<hbm>> -> memref<128xi32, #tpu.memory_space<hbm>>
          tpu.wait_dma2 semaphore(%run_scoped3A : memref<!tpu.dma_semaphore, #tpu.memory_space<semaphore_mem>>) src(%dma_wait3A_49 : memref<128xi32, #tpu.memory_space<hbm>>) dst(%arg14 : memref<128xi32, #tpu.memory_space<vmem>>)
          tpu.yield
        }) : () -> ()
        %dma_start3A = arith.constant 0 : i32
        %dma_start3A_41 = arith.constant 0 : i32
        %dma_start3A_42 = tpu.memref_slice %arg3[%dma_start3A, %dma_start3A_41] : memref<10000x128xf32, #tpu.memory_space<hbm>> -> memref<10000x128xf32, #tpu.memory_space<hbm>>
        tpu.enqueue_indirect_dma source(%dma_start3A_42 : memref<10000x128xf32, #tpu.memory_space<hbm>>) target(%arg12 : memref<128x128xf32, #tpu.memory_space<vmem>>) offsets(%arg13 : memref<128xi32, #tpu.memory_space<vmem>>) semaphore(%arg15 : memref<!tpu.dma_semaphore, #tpu.memory_space<semaphore_mem>>)
        %dma_wait3A = arith.constant 0 : i32
        %dma_wait3A_43 = arith.constant 0 : i32
        %dma_wait3A_44 = tpu.memref_slice %arg3[%dma_wait3A, %dma_wait3A_43] : memref<10000x128xf32, #tpu.memory_space<hbm>> -> memref<10000x128xf32, #tpu.memory_space<hbm>>
        tpu.wait_indirect_dma semaphore(%arg15 : memref<!tpu.dma_semaphore, #tpu.memory_space<semaphore_mem>>) src(%dma_wait3A_44 : memref<10000x128xf32, #tpu.memory_space<hbm>>) dst(%arg12 : memref<128x128xf32, #tpu.memory_space<vmem>>)
        "tpu.region"() ({
          %run_scoped3A = tpu.sem_alloc : memref<!tpu.dma_semaphore, #tpu.memory_space<semaphore_mem>>
          %dma_start3A_46 = arith.constant 0 : i32
          %dma_start3A_47 = arith.constant 0 : i32
          %dma_start3A_48 = tpu.memref_slice %arg11[%dma_start3A_46, %dma_start3A_47] : memref<10112x128xf32, #tpu.memory_space<vmem_shared>> -> memref<10112x128xf32, #tpu.memory_space<vmem_shared>>
          tpu.enqueue_indirect_dma source(%arg12 : memref<128x128xf32, #tpu.memory_space<vmem>>) target(%dma_start3A_48 : memref<10112x128xf32, #tpu.memory_space<vmem_shared>>) offsets(%arg14 : memref<128xi32, #tpu.memory_space<vmem>>) semaphore(%run_scoped3A : memref<!tpu.dma_semaphore, #tpu.memory_space<semaphore_mem>>) {add = true}
          %dma_wait3A_49 = arith.constant 0 : i32
          %dma_wait3A_50 = arith.constant 0 : i32
          %dma_wait3A_51 = tpu.memref_slice %arg11[%dma_wait3A_49, %dma_wait3A_50] : memref<10112x128xf32, #tpu.memory_space<vmem_shared>> -> memref<10112x128xf32, #tpu.memory_space<vmem_shared>>
          tpu.wait_indirect_dma semaphore(%run_scoped3A : memref<!tpu.dma_semaphore, #tpu.memory_space<semaphore_mem>>) src(%arg12 : memref<128x128xf32, #tpu.memory_space<vmem>>) dst(%dma_wait3A_51 : memref<10112x128xf32, #tpu.memory_space<vmem_shared>>)
          tpu.yield
        }) : () -> ()
        %scan3A_45 = arith.constant 0 : i32
        scf.yield %scan3A_45 : i32
      }
      %scan3A_33 = arith.constant 157 : i32
    } else {
    }
    %barrier3A_17 = arith.constant 0 : index
    tpu.barrier barrier_id(%barrier3A_17)
    %eq3A_18 = arith.constant 0 : i32
    %eq3A_19 = arith.cmpi eq, %arg0, %eq3A_18 : i32
    %convert_element_type3A_20 = arith.extui %eq3A_19 : i1 to i32
    %cond3A_21 = arith.constant 0 : i32
    %cond3A_22 = arith.cmpi ne, %convert_element_type3A_20, %cond3A_21 : i32
    scf.if %cond3A_22 {
      %add3A_28 = arith.constant 0 : i32
      %add3A_29 = arith.addi %mul3A_0, %add3A_28 : i32
      "tpu.region"() ({
        %run_scoped3A = tpu.sem_alloc : memref<!tpu.dma_semaphore, #tpu.memory_space<semaphore_mem>>
        %dma_start3A = arith.constant 0 : i32
        %dma_start3A_48 = arith.constant 0 : i32
        %dma_start3A_49 = tpu.memref_slice %arg12[%dma_start3A, %dma_start3A_48] : memref<128x128xf32, #tpu.memory_space<vmem>> -> memref<128x128xf32, #tpu.memory_space<vmem>>
        %dma_start3A_50 = arith.constant 0 : i32
        %dma_start3A_51 = tpu.memref_slice %arg11[%add3A_29, %dma_start3A_50] : memref<10112x128xf32, #tpu.memory_space<vmem_shared>> -> memref<128x128xf32, #tpu.memory_space<vmem_shared>>
        %dma_start3A_52 = arith.constant 0 : i32
        %dma_start3A_53 = arith.constant 0 : i32
        %dma_start3A_54 = tpu.memref_slice %arg12[%dma_start3A_52, %dma_start3A_53] : memref<128x128xf32, #tpu.memory_space<vmem>> -> memref<128x128xf32, #tpu.memory_space<vmem>>
        %dma_start3A_55 = arith.constant 0 : i32
        %dma_start3A_56 = tpu.memref_slice %arg11[%add3A_29, %dma_start3A_55] : memref<10112x128xf32, #tpu.memory_space<vmem_shared>> -> memref<128x128xf32, #tpu.memory_space<vmem_shared>>
        tpu.enqueue_dma source(%dma_start3A_56 : memref<128x128xf32, #tpu.memory_space<vmem_shared>>) target(%dma_start3A_54 : memref<128x128xf32, #tpu.memory_space<vmem>>) target_semaphore(%run_scoped3A : memref<!tpu.dma_semaphore, #tpu.memory_space<semaphore_mem>>)
        %dma_wait3A = arith.constant 0 : i32
        %dma_wait3A_57 = arith.constant 0 : i32
        %dma_wait3A_58 = tpu.memref_slice %arg12[%dma_wait3A, %dma_wait3A_57] : memref<128x128xf32, #tpu.memory_space<vmem>> -> memref<128x128xf32, #tpu.memory_space<vmem>>
        %dma_wait3A_59 = arith.constant 0 : i32
        %dma_wait3A_60 = tpu.memref_slice %arg11[%add3A_29, %dma_wait3A_59] : memref<10112x128xf32, #tpu.memory_space<vmem_shared>> -> memref<128x128xf32, #tpu.memory_space<vmem_shared>>
        %dma_wait3A_61 = arith.constant 0 : i32
        %dma_wait3A_62 = arith.constant 0 : i32
        %dma_wait3A_63 = tpu.memref_slice %arg12[%dma_wait3A_61, %dma_wait3A_62] : memref<128x128xf32, #tpu.memory_space<vmem>> -> memref<128x128xf32, #tpu.memory_space<vmem>>
        %dma_wait3A_64 = arith.constant 0 : i32
        %dma_wait3A_65 = tpu.memref_slice %arg11[%add3A_29, %dma_wait3A_64] : memref<10112x128xf32, #tpu.memory_space<vmem_shared>> -> memref<128x128xf32, #tpu.memory_space<vmem_shared>>
        tpu.wait_dma2 semaphore(%run_scoped3A : memref<!tpu.dma_semaphore, #tpu.memory_space<semaphore_mem>>) src(%dma_wait3A_65 : memref<128x128xf32, #tpu.memory_space<vmem_shared>>) dst(%dma_wait3A_63 : memref<128x128xf32, #tpu.memory_space<vmem>>)
        tpu.yield
      }) : () -> ()
      %add3A_30 = arith.constant 0 : i32
      %add3A_31 = arith.addi %mul3A_0, %add3A_30 : i32
      "tpu.region"() ({
        %run_scoped3A = tpu.sem_alloc : memref<!tpu.dma_semaphore, #tpu.memory_space<semaphore_mem>>
        %dma_start3A = arith.constant 0 : i32
        %dma_start3A_48 = arith.constant 0 : i32
        %dma_start3A_49 = tpu.memref_slice %arg12[%dma_start3A, %dma_start3A_48] : memref<128x128xf32, #tpu.memory_space<vmem>> -> memref<128x128xf32, #tpu.memory_space<vmem>>
        %dma_start3A_50 = arith.constant 0 : i32
        %dma_start3A_51 = tpu.memref_slice %arg9[%add3A_31, %dma_start3A_50] : memref<10112x128xf32, #tpu.memory_space<hbm>> -> memref<128x128xf32, #tpu.memory_space<hbm>>
        %dma_start3A_52 = arith.constant 0 : i32
        %dma_start3A_53 = tpu.memref_slice %arg9[%add3A_31, %dma_start3A_52] : memref<10112x128xf32, #tpu.memory_space<hbm>> -> memref<128x128xf32, #tpu.memory_space<hbm>>
        %dma_start3A_54 = arith.constant 0 : i32
        %dma_start3A_55 = arith.constant 0 : i32
        %dma_start3A_56 = tpu.memref_slice %arg12[%dma_start3A_54, %dma_start3A_55] : memref<128x128xf32, #tpu.memory_space<vmem>> -> memref<128x128xf32, #tpu.memory_space<vmem>>
        tpu.enqueue_dma source(%dma_start3A_56 : memref<128x128xf32, #tpu.memory_space<vmem>>) target(%dma_start3A_53 : memref<128x128xf32, #tpu.memory_space<hbm>>) target_semaphore(%run_scoped3A : memref<!tpu.dma_semaphore, #tpu.memory_space<semaphore_mem>>)
        %dma_wait3A = arith.constant 0 : i32
        %dma_wait3A_57 = arith.constant 0 : i32
        %dma_wait3A_58 = tpu.memref_slice %arg12[%dma_wait3A, %dma_wait3A_57] : memref<128x128xf32, #tpu.memory_space<vmem>> -> memref<128x128xf32, #tpu.memory_space<vmem>>
        %dma_wait3A_59 = arith.constant 0 : i32
        %dma_wait3A_60 = tpu.memref_slice %arg9[%add3A_31, %dma_wait3A_59] : memref<10112x128xf32, #tpu.memory_space<hbm>> -> memref<128x128xf32, #tpu.memory_space<hbm>>
        %dma_wait3A_61 = arith.constant 0 : i32
        %dma_wait3A_62 = tpu.memref_slice %arg9[%add3A_31, %dma_wait3A_61] : memref<10112x128xf32, #tpu.memory_space<hbm>> -> memref<128x128xf32, #tpu.memory_space<hbm>>
        %dma_wait3A_63 = arith.constant 0 : i32
        %dma_wait3A_64 = arith.constant 0 : i32
        %dma_wait3A_65 = tpu.memref_slice %arg12[%dma_wait3A_63, %dma_wait3A_64] : memref<128x128xf32, #tpu.memory_space<vmem>> -> memref<128x128xf32, #tpu.memory_space<vmem>>
        tpu.wait_dma2 semaphore(%run_scoped3A : memref<!tpu.dma_semaphore, #tpu.memory_space<semaphore_mem>>) src(%dma_wait3A_65 : memref<128x128xf32, #tpu.memory_space<vmem>>) dst(%dma_wait3A_62 : memref<128x128xf32, #tpu.memory_space<hbm>>)
        tpu.yield
      }) : () -> ()
      %add3A_32 = arith.constant 128 : i32
      %add3A_33 = arith.addi %mul3A_0, %add3A_32 : i32
      "tpu.region"() ({
        %run_scoped3A = tpu.sem_alloc : memref<!tpu.dma_semaphore, #tpu.memory_space<semaphore_mem>>
        %dma_start3A = arith.constant 0 : i32
        %dma_start3A_48 = arith.constant 0 : i32
        %dma_start3A_49 = tpu.memref_slice %arg12[%dma_start3A, %dma_start3A_48] : memref<128x128xf32, #tpu.memory_space<vmem>> -> memref<128x128xf32, #tpu.memory_space<vmem>>
        %dma_start3A_50 = arith.constant 0 : i32
        %dma_start3A_51 = tpu.memref_slice %arg11[%add3A_33, %dma_start3A_50] : memref<10112x128xf32, #tpu.memory_space<vmem_shared>> -> memref<128x128xf32, #tpu.memory_space<vmem_shared>>
        %dma_start3A_52 = arith.constant 0 : i32
        %dma_start3A_53 = arith.constant 0 : i32
        %dma_start3A_54 = tpu.memref_slice %arg12[%dma_start3A_52, %dma_start3A_53] : memref<128x128xf32, #tpu.memory_space<vmem>> -> memref<128x128xf32, #tpu.memory_space<vmem>>
        %dma_start3A_55 = arith.constant 0 : i32
        %dma_start3A_56 = tpu.memref_slice %arg11[%add3A_33, %dma_start3A_55] : memref<10112x128xf32, #tpu.memory_space<vmem_shared>> -> memref<128x128xf32, #tpu.memory_space<vmem_shared>>
        tpu.enqueue_dma source(%dma_start3A_56 : memref<128x128xf32, #tpu.memory_space<vmem_shared>>) target(%dma_start3A_54 : memref<128x128xf32, #tpu.memory_space<vmem>>) target_semaphore(%run_scoped3A : memref<!tpu.dma_semaphore, #tpu.memory_space<semaphore_mem>>)
        %dma_wait3A = arith.constant 0 : i32
        %dma_wait3A_57 = arith.constant 0 : i32
        %dma_wait3A_58 = tpu.memref_slice %arg12[%dma_wait3A, %dma_wait3A_57] : memref<128x128xf32, #tpu.memory_space<vmem>> -> memref<128x128xf32, #tpu.memory_space<vmem>>
        %dma_wait3A_59 = arith.constant 0 : i32
        %dma_wait3A_60 = tpu.memref_slice %arg11[%add3A_33, %dma_wait3A_59] : memref<10112x128xf32, #tpu.memory_space<vmem_shared>> -> memref<128x128xf32, #tpu.memory_space<vmem_shared>>
        %dma_wait3A_61 = arith.constant 0 : i32
        %dma_wait3A_62 = arith.constant 0 : i32
        %dma_wait3A_63 = tpu.memref_slice %arg12[%dma_wait3A_61, %dma_wait3A_62] : memref<128x128xf32, #tpu.memory_space<vmem>> -> memref<128x128xf32, #tpu.memory_space<vmem>>
        %dma_wait3A_64 = arith.constant 0 : i32
        %dma_wait3A_65 = tpu.memref_slice %arg11[%add3A_33, %dma_wait3A_64] : memref<10112x128xf32, #tpu.memory_space<vmem_shared>> -> memref<128x128xf32, #tpu.memory_space<vmem_shared>>
        tpu.wait_dma2 semaphore(%run_scoped3A : memref<!tpu.dma_semaphore, #tpu.memory_space<semaphore_mem>>) src(%dma_wait3A_65 : memref<128x128xf32, #tpu.memory_space<vmem_shared>>) dst(%dma_wait3A_63 : memref<128x128xf32, #tpu.memory_space<vmem>>)
        tpu.yield
      }) : () -> ()
      %add3A_34 = arith.constant 128 : i32
      %add3A_35 = arith.addi %mul3A_0, %add3A_34 : i32
      "tpu.region"() ({
        %run_scoped3A = tpu.sem_alloc : memref<!tpu.dma_semaphore, #tpu.memory_space<semaphore_mem>>
        %dma_start3A = arith.constant 0 : i32
        %dma_start3A_48 = arith.constant 0 : i32
        %dma_start3A_49 = tpu.memref_slice %arg12[%dma_start3A, %dma_start3A_48] : memref<128x128xf32, #tpu.memory_space<vmem>> -> memref<128x128xf32, #tpu.memory_space<vmem>>
        %dma_start3A_50 = arith.constant 0 : i32
        %dma_start3A_51 = tpu.memref_slice %arg9[%add3A_35, %dma_start3A_50] : memref<10112x128xf32, #tpu.memory_space<hbm>> -> memref<128x128xf32, #tpu.memory_space<hbm>>
        %dma_start3A_52 = arith.constant 0 : i32
        %dma_start3A_53 = tpu.memref_slice %arg9[%add3A_35, %dma_start3A_52] : memref<10112x128xf32, #tpu.memory_space<hbm>> -> memref<128x128xf32, #tpu.memory_space<hbm>>
        %dma_start3A_54 = arith.constant 0 : i32
        %dma_start3A_55 = arith.constant 0 : i32
        %dma_start3A_56 = tpu.memref_slice %arg12[%dma_start3A_54, %dma_start3A_55] : memref<128x128xf32, #tpu.memory_space<vmem>> -> memref<128x128xf32, #tpu.memory_space<vmem>>
        tpu.enqueue_dma source(%dma_start3A_56 : memref<128x128xf32, #tpu.memory_space<vmem>>) target(%dma_start3A_53 : memref<128x128xf32, #tpu.memory_space<hbm>>) target_semaphore(%run_scoped3A : memref<!tpu.dma_semaphore, #tpu.memory_space<semaphore_mem>>)
        %dma_wait3A = arith.constant 0 : i32
        %dma_wait3A_57 = arith.constant 0 : i32
        %dma_wait3A_58 = tpu.memref_slice %arg12[%dma_wait3A, %dma_wait3A_57] : memref<128x128xf32, #tpu.memory_space<vmem>> -> memref<128x128xf32, #tpu.memory_space<vmem>>
        %dma_wait3A_59 = arith.constant 0 : i32
        %dma_wait3A_60 = tpu.memref_slice %arg9[%add3A_35, %dma_wait3A_59] : memref<10112x128xf32, #tpu.memory_space<hbm>> -> memref<128x128xf32, #tpu.memory_space<hbm>>
        %dma_wait3A_61 = arith.constant 0 : i32
        %dma_wait3A_62 = tpu.memref_slice %arg9[%add3A_35, %dma_wait3A_61] : memref<10112x128xf32, #tpu.memory_space<hbm>> -> memref<128x128xf32, #tpu.memory_space<hbm>>
        %dma_wait3A_63 = arith.constant 0 : i32
        %dma_wait3A_64 = arith.constant 0 : i32
        %dma_wait3A_65 = tpu.memref_slice %arg12[%dma_wait3A_63, %dma_wait3A_64] : memref<128x128xf32, #tpu.memory_space<vmem>> -> memref<128x128xf32, #tpu.memory_space<vmem>>
        tpu.wait_dma2 semaphore(%run_scoped3A : memref<!tpu.dma_semaphore, #tpu.memory_space<semaphore_mem>>) src(%dma_wait3A_65 : memref<128x128xf32, #tpu.memory_space<vmem>>) dst(%dma_wait3A_62 : memref<128x128xf32, #tpu.memory_space<hbm>>)
        tpu.yield
      }) : () -> ()
      %add3A_36 = arith.constant 256 : i32
      %add3A_37 = arith.addi %mul3A_0, %add3A_36 : i32
      "tpu.region"() ({
        %run_scoped3A = tpu.sem_alloc : memref<!tpu.dma_semaphore, #tpu.memory_space<semaphore_mem>>
        %dma_start3A = arith.constant 0 : i32
        %dma_start3A_48 = arith.constant 0 : i32
        %dma_start3A_49 = tpu.memref_slice %arg12[%dma_start3A, %dma_start3A_48] : memref<128x128xf32, #tpu.memory_space<vmem>> -> memref<128x128xf32, #tpu.memory_space<vmem>>
        %dma_start3A_50 = arith.constant 0 : i32
        %dma_start3A_51 = tpu.memref_slice %arg11[%add3A_37, %dma_start3A_50] : memref<10112x128xf32, #tpu.memory_space<vmem_shared>> -> memref<128x128xf32, #tpu.memory_space<vmem_shared>>
        %dma_start3A_52 = arith.constant 0 : i32
        %dma_start3A_53 = arith.constant 0 : i32
        %dma_start3A_54 = tpu.memref_slice %arg12[%dma_start3A_52, %dma_start3A_53] : memref<128x128xf32, #tpu.memory_space<vmem>> -> memref<128x128xf32, #tpu.memory_space<vmem>>
        %dma_start3A_55 = arith.constant 0 : i32
        %dma_start3A_56 = tpu.memref_slice %arg11[%add3A_37, %dma_start3A_55] : memref<10112x128xf32, #tpu.memory_space<vmem_shared>> -> memref<128x128xf32, #tpu.memory_space<vmem_shared>>
        tpu.enqueue_dma source(%dma_start3A_56 : memref<128x128xf32, #tpu.memory_space<vmem_shared>>) target(%dma_start3A_54 : memref<128x128xf32, #tpu.memory_space<vmem>>) target_semaphore(%run_scoped3A : memref<!tpu.dma_semaphore, #tpu.memory_space<semaphore_mem>>)
        %dma_wait3A = arith.constant 0 : i32
        %dma_wait3A_57 = arith.constant 0 : i32
        %dma_wait3A_58 = tpu.memref_slice %arg12[%dma_wait3A, %dma_wait3A_57] : memref<128x128xf32, #tpu.memory_space<vmem>> -> memref<128x128xf32, #tpu.memory_space<vmem>>
        %dma_wait3A_59 = arith.constant 0 : i32
        %dma_wait3A_60 = tpu.memref_slice %arg11[%add3A_37, %dma_wait3A_59] : memref<10112x128xf32, #tpu.memory_space<vmem_shared>> -> memref<128x128xf32, #tpu.memory_space<vmem_shared>>
        %dma_wait3A_61 = arith.constant 0 : i32
        %dma_wait3A_62 = arith.constant 0 : i32
        %dma_wait3A_63 = tpu.memref_slice %arg12[%dma_wait3A_61, %dma_wait3A_62] : memref<128x128xf32, #tpu.memory_space<vmem>> -> memref<128x128xf32, #tpu.memory_space<vmem>>
        %dma_wait3A_64 = arith.constant 0 : i32
        %dma_wait3A_65 = tpu.memref_slice %arg11[%add3A_37, %dma_wait3A_64] : memref<10112x128xf32, #tpu.memory_space<vmem_shared>> -> memref<128x128xf32, #tpu.memory_space<vmem_shared>>
        tpu.wait_dma2 semaphore(%run_scoped3A : memref<!tpu.dma_semaphore, #tpu.memory_space<semaphore_mem>>) src(%dma_wait3A_65 : memref<128x128xf32, #tpu.memory_space<vmem_shared>>) dst(%dma_wait3A_63 : memref<128x128xf32, #tpu.memory_space<vmem>>)
        tpu.yield
      }) : () -> ()
      %add3A_38 = arith.constant 256 : i32
      %add3A_39 = arith.addi %mul3A_0, %add3A_38 : i32
      "tpu.region"() ({
        %run_scoped3A = tpu.sem_alloc : memref<!tpu.dma_semaphore, #tpu.memory_space<semaphore_mem>>
        %dma_start3A = arith.constant 0 : i32
        %dma_start3A_48 = arith.constant 0 : i32
        %dma_start3A_49 = tpu.memref_slice %arg12[%dma_start3A, %dma_start3A_48] : memref<128x128xf32, #tpu.memory_space<vmem>> -> memref<128x128xf32, #tpu.memory_space<vmem>>
        %dma_start3A_50 = arith.constant 0 : i32
        %dma_start3A_51 = tpu.memref_slice %arg9[%add3A_39, %dma_start3A_50] : memref<10112x128xf32, #tpu.memory_space<hbm>> -> memref<128x128xf32, #tpu.memory_space<hbm>>
        %dma_start3A_52 = arith.constant 0 : i32
        %dma_start3A_53 = tpu.memref_slice %arg9[%add3A_39, %dma_start3A_52] : memref<10112x128xf32, #tpu.memory_space<hbm>> -> memref<128x128xf32, #tpu.memory_space<hbm>>
        %dma_start3A_54 = arith.constant 0 : i32
        %dma_start3A_55 = arith.constant 0 : i32
        %dma_start3A_56 = tpu.memref_slice %arg12[%dma_start3A_54, %dma_start3A_55] : memref<128x128xf32, #tpu.memory_space<vmem>> -> memref<128x128xf32, #tpu.memory_space<vmem>>
        tpu.enqueue_dma source(%dma_start3A_56 : memref<128x128xf32, #tpu.memory_space<vmem>>) target(%dma_start3A_53 : memref<128x128xf32, #tpu.memory_space<hbm>>) target_semaphore(%run_scoped3A : memref<!tpu.dma_semaphore, #tpu.memory_space<semaphore_mem>>)
        %dma_wait3A = arith.constant 0 : i32
        %dma_wait3A_57 = arith.constant 0 : i32
        %dma_wait3A_58 = tpu.memref_slice %arg12[%dma_wait3A, %dma_wait3A_57] : memref<128x128xf32, #tpu.memory_space<vmem>> -> memref<128x128xf32, #tpu.memory_space<vmem>>
        %dma_wait3A_59 = arith.constant 0 : i32
        %dma_wait3A_60 = tpu.memref_slice %arg9[%add3A_39, %dma_wait3A_59] : memref<10112x128xf32, #tpu.memory_space<hbm>> -> memref<128x128xf32, #tpu.memory_space<hbm>>
        %dma_wait3A_61 = arith.constant 0 : i32
        %dma_wait3A_62 = tpu.memref_slice %arg9[%add3A_39, %dma_wait3A_61] : memref<10112x128xf32, #tpu.memory_space<hbm>> -> memref<128x128xf32, #tpu.memory_space<hbm>>
        %dma_wait3A_63 = arith.constant 0 : i32
        %dma_wait3A_64 = arith.constant 0 : i32
        %dma_wait3A_65 = tpu.memref_slice %arg12[%dma_wait3A_63, %dma_wait3A_64] : memref<128x128xf32, #tpu.memory_space<vmem>> -> memref<128x128xf32, #tpu.memory_space<vmem>>
        tpu.wait_dma2 semaphore(%run_scoped3A : memref<!tpu.dma_semaphore, #tpu.memory_space<semaphore_mem>>) src(%dma_wait3A_65 : memref<128x128xf32, #tpu.memory_space<vmem>>) dst(%dma_wait3A_62 : memref<128x128xf32, #tpu.memory_space<hbm>>)
        tpu.yield
      }) : () -> ()
      %add3A_40 = arith.constant 384 : i32
      %add3A_41 = arith.addi %mul3A_0, %add3A_40 : i32
      "tpu.region"() ({
        %run_scoped3A = tpu.sem_alloc : memref<!tpu.dma_semaphore, #tpu.memory_space<semaphore_mem>>
        %dma_start3A = arith.constant 0 : i32
        %dma_start3A_48 = arith.constant 0 : i32
        %dma_start3A_49 = tpu.memref_slice %arg12[%dma_start3A, %dma_start3A_48] : memref<128x128xf32, #tpu.memory_space<vmem>> -> memref<128x128xf32, #tpu.memory_space<vmem>>
        %dma_start3A_50 = arith.constant 0 : i32
        %dma_start3A_51 = tpu.memref_slice %arg11[%add3A_41, %dma_start3A_50] : memref<10112x128xf32, #tpu.memory_space<vmem_shared>> -> memref<128x128xf32, #tpu.memory_space<vmem_shared>>
        %dma_start3A_52 = arith.constant 0 : i32
        %dma_start3A_53 = arith.constant 0 : i32
        %dma_start3A_54 = tpu.memref_slice %arg12[%dma_start3A_52, %dma_start3A_53] : memref<128x128xf32, #tpu.memory_space<vmem>> -> memref<128x128xf32, #tpu.memory_space<vmem>>
        %dma_start3A_55 = arith.constant 0 : i32
        %dma_start3A_56 = tpu.memref_slice %arg11[%add3A_41, %dma_start3A_55] : memref<10112x128xf32, #tpu.memory_space<vmem_shared>> -> memref<128x128xf32, #tpu.memory_space<vmem_shared>>
        tpu.enqueue_dma source(%dma_start3A_56 : memref<128x128xf32, #tpu.memory_space<vmem_shared>>) target(%dma_start3A_54 : memref<128x128xf32, #tpu.memory_space<vmem>>) target_semaphore(%run_scoped3A : memref<!tpu.dma_semaphore, #tpu.memory_space<semaphore_mem>>)
        %dma_wait3A = arith.constant 0 : i32
        %dma_wait3A_57 = arith.constant 0 : i32
        %dma_wait3A_58 = tpu.memref_slice %arg12[%dma_wait3A, %dma_wait3A_57] : memref<128x128xf32, #tpu.memory_space<vmem>> -> memref<128x128xf32, #tpu.memory_space<vmem>>
        %dma_wait3A_59 = arith.constant 0 : i32
        %dma_wait3A_60 = tpu.memref_slice %arg11[%add3A_41, %dma_wait3A_59] : memref<10112x128xf32, #tpu.memory_space<vmem_shared>> -> memref<128x128xf32, #tpu.memory_space<vmem_shared>>
        %dma_wait3A_61 = arith.constant 0 : i32
        %dma_wait3A_62 = arith.constant 0 : i32
        %dma_wait3A_63 = tpu.memref_slice %arg12[%dma_wait3A_61, %dma_wait3A_62] : memref<128x128xf32, #tpu.memory_space<vmem>> -> memref<128x128xf32, #tpu.memory_space<vmem>>
        %dma_wait3A_64 = arith.constant 0 : i32
        %dma_wait3A_65 = tpu.memref_slice %arg11[%add3A_41, %dma_wait3A_64] : memref<10112x128xf32, #tpu.memory_space<vmem_shared>> -> memref<128x128xf32, #tpu.memory_space<vmem_shared>>
        tpu.wait_dma2 semaphore(%run_scoped3A : memref<!tpu.dma_semaphore, #tpu.memory_space<semaphore_mem>>) src(%dma_wait3A_65 : memref<128x128xf32, #tpu.memory_space<vmem_shared>>) dst(%dma_wait3A_63 : memref<128x128xf32, #tpu.memory_space<vmem>>)
        tpu.yield
      }) : () -> ()
      %add3A_42 = arith.constant 384 : i32
      %add3A_43 = arith.addi %mul3A_0, %add3A_42 : i32
      "tpu.region"() ({
        %run_scoped3A = tpu.sem_alloc : memref<!tpu.dma_semaphore, #tpu.memory_space<semaphore_mem>>
        %dma_start3A = arith.constant 0 : i32
        %dma_start3A_48 = arith.constant 0 : i32
        %dma_start3A_49 = tpu.memref_slice %arg12[%dma_start3A, %dma_start3A_48] : memref<128x128xf32, #tpu.memory_space<vmem>> -> memref<128x128xf32, #tpu.memory_space<vmem>>
        %dma_start3A_50 = arith.constant 0 : i32
        %dma_start3A_51 = tpu.memref_slice %arg9[%add3A_43, %dma_start3A_50] : memref<10112x128xf32, #tpu.memory_space<hbm>> -> memref<128x128xf32, #tpu.memory_space<hbm>>
        %dma_start3A_52 = arith.constant 0 : i32
        %dma_start3A_53 = tpu.memref_slice %arg9[%add3A_43, %dma_start3A_52] : memref<10112x128xf32, #tpu.memory_space<hbm>> -> memref<128x128xf32, #tpu.memory_space<hbm>>
        %dma_start3A_54 = arith.constant 0 : i32
        %dma_start3A_55 = arith.constant 0 : i32
        %dma_start3A_56 = tpu.memref_slice %arg12[%dma_start3A_54, %dma_start3A_55] : memref<128x128xf32, #tpu.memory_space<vmem>> -> memref<128x128xf32, #tpu.memory_space<vmem>>
        tpu.enqueue_dma source(%dma_start3A_56 : memref<128x128xf32, #tpu.memory_space<vmem>>) target(%dma_start3A_53 : memref<128x128xf32, #tpu.memory_space<hbm>>) target_semaphore(%run_scoped3A : memref<!tpu.dma_semaphore, #tpu.memory_space<semaphore_mem>>)
        %dma_wait3A = arith.constant 0 : i32
        %dma_wait3A_57 = arith.constant 0 : i32
        %dma_wait3A_58 = tpu.memref_slice %arg12[%dma_wait3A, %dma_wait3A_57] : memref<128x128xf32, #tpu.memory_space<vmem>> -> memref<128x128xf32, #tpu.memory_space<vmem>>
        %dma_wait3A_59 = arith.constant 0 : i32
        %dma_wait3A_60 = tpu.memref_slice %arg9[%add3A_43, %dma_wait3A_59] : memref<10112x128xf32, #tpu.memory_space<hbm>> -> memref<128x128xf32, #tpu.memory_space<hbm>>
        %dma_wait3A_61 = arith.constant 0 : i32
        %dma_wait3A_62 = tpu.memref_slice %arg9[%add3A_43, %dma_wait3A_61] : memref<10112x128xf32, #tpu.memory_space<hbm>> -> memref<128x128xf32, #tpu.memory_space<hbm>>
        %dma_wait3A_63 = arith.constant 0 : i32
        %dma_wait3A_64 = arith.constant 0 : i32
        %dma_wait3A_65 = tpu.memref_slice %arg12[%dma_wait3A_63, %dma_wait3A_64] : memref<128x128xf32, #tpu.memory_space<vmem>> -> memref<128x128xf32, #tpu.memory_space<vmem>>
        tpu.wait_dma2 semaphore(%run_scoped3A : memref<!tpu.dma_semaphore, #tpu.memory_space<semaphore_mem>>) src(%dma_wait3A_65 : memref<128x128xf32, #tpu.memory_space<vmem>>) dst(%dma_wait3A_62 : memref<128x128xf32, #tpu.memory_space<hbm>>)
        tpu.yield
      }) : () -> ()
      %add3A_44 = arith.constant 512 : i32
      %add3A_45 = arith.addi %mul3A_0, %add3A_44 : i32
      "tpu.region"() ({
        %run_scoped3A = tpu.sem_alloc : memref<!tpu.dma_semaphore, #tpu.memory_space<semaphore_mem>>
        %dma_start3A = arith.constant 0 : i32
        %dma_start3A_48 = arith.constant 0 : i32
        %dma_start3A_49 = tpu.memref_slice %arg12[%dma_start3A, %dma_start3A_48] : memref<128x128xf32, #tpu.memory_space<vmem>> -> memref<120x128xf32, #tpu.memory_space<vmem>>
        %dma_start3A_50 = arith.constant 0 : i32
        %dma_start3A_51 = tpu.memref_slice %arg11[%add3A_45, %dma_start3A_50] : memref<10112x128xf32, #tpu.memory_space<vmem_shared>> -> memref<120x128xf32, #tpu.memory_space<vmem_shared>>
        %dma_start3A_52 = arith.constant 0 : i32
        %dma_start3A_53 = arith.constant 0 : i32
        %dma_start3A_54 = tpu.memref_slice %arg12[%dma_start3A_52, %dma_start3A_53] : memref<128x128xf32, #tpu.memory_space<vmem>> -> memref<120x128xf32, #tpu.memory_space<vmem>>
        %dma_start3A_55 = arith.constant 0 : i32
        %dma_start3A_56 = tpu.memref_slice %arg11[%add3A_45, %dma_start3A_55] : memref<10112x128xf32, #tpu.memory_space<vmem_shared>> -> memref<120x128xf32, #tpu.memory_space<vmem_shared>>
        tpu.enqueue_dma source(%dma_start3A_56 : memref<120x128xf32, #tpu.memory_space<vmem_shared>>) target(%dma_start3A_54 : memref<120x128xf32, #tpu.memory_space<vmem>>) target_semaphore(%run_scoped3A : memref<!tpu.dma_semaphore, #tpu.memory_space<semaphore_mem>>)
        %dma_wait3A = arith.constant 0 : i32
        %dma_wait3A_57 = arith.constant 0 : i32
        %dma_wait3A_58 = tpu.memref_slice %arg12[%dma_wait3A, %dma_wait3A_57] : memref<128x128xf32, #tpu.memory_space<vmem>> -> memref<120x128xf32, #tpu.memory_space<vmem>>
        %dma_wait3A_59 = arith.constant 0 : i32
        %dma_wait3A_60 = tpu.memref_slice %arg11[%add3A_45, %dma_wait3A_59] : memref<10112x128xf32, #tpu.memory_space<vmem_shared>> -> memref<120x128xf32, #tpu.memory_space<vmem_shared>>
        %dma_wait3A_61 = arith.constant 0 : i32
        %dma_wait3A_62 = arith.constant 0 : i32
        %dma_wait3A_63 = tpu.memref_slice %arg12[%dma_wait3A_61, %dma_wait3A_62] : memref<128x128xf32, #tpu.memory_space<vmem>> -> memref<120x128xf32, #tpu.memory_space<vmem>>
        %dma_wait3A_64 = arith.constant 0 : i32
        %dma_wait3A_65 = tpu.memref_slice %arg11[%add3A_45, %dma_wait3A_64] : memref<10112x128xf32, #tpu.memory_space<vmem_shared>> -> memref<120x128xf32, #tpu.memory_space<vmem_shared>>
        tpu.wait_dma2 semaphore(%run_scoped3A : memref<!tpu.dma_semaphore, #tpu.memory_space<semaphore_mem>>) src(%dma_wait3A_65 : memref<120x128xf32, #tpu.memory_space<vmem_shared>>) dst(%dma_wait3A_63 : memref<120x128xf32, #tpu.memory_space<vmem>>)
        tpu.yield
      }) : () -> ()
      %add3A_46 = arith.constant 512 : i32
      %add3A_47 = arith.addi %mul3A_0, %add3A_46 : i32
      "tpu.region"() ({
        %run_scoped3A = tpu.sem_alloc : memref<!tpu.dma_semaphore, #tpu.memory_space<semaphore_mem>>
        %dma_start3A = arith.constant 0 : i32
        %dma_start3A_48 = arith.constant 0 : i32
        %dma_start3A_49 = tpu.memref_slice %arg12[%dma_start3A, %dma_start3A_48] : memref<128x128xf32, #tpu.memory_space<vmem>> -> memref<120x128xf32, #tpu.memory_space<vmem>>
        %dma_start3A_50 = arith.constant 0 : i32
        %dma_start3A_51 = tpu.memref_slice %arg9[%add3A_47, %dma_start3A_50] : memref<10112x128xf32, #tpu.memory_space<hbm>> -> memref<120x128xf32, #tpu.memory_space<hbm>>
        %dma_start3A_52 = arith.constant 0 : i32
        %dma_start3A_53 = tpu.memref_slice %arg9[%add3A_47, %dma_start3A_52] : memref<10112x128xf32, #tpu.memory_space<hbm>> -> memref<120x128xf32, #tpu.memory_space<hbm>>
        %dma_start3A_54 = arith.constant 0 : i32
        %dma_start3A_55 = arith.constant 0 : i32
        %dma_start3A_56 = tpu.memref_slice %arg12[%dma_start3A_54, %dma_start3A_55] : memref<128x128xf32, #tpu.memory_space<vmem>> -> memref<120x128xf32, #tpu.memory_space<vmem>>
        tpu.enqueue_dma source(%dma_start3A_56 : memref<120x128xf32, #tpu.memory_space<vmem>>) target(%dma_start3A_53 : memref<120x128xf32, #tpu.memory_space<hbm>>) target_semaphore(%run_scoped3A : memref<!tpu.dma_semaphore, #tpu.memory_space<semaphore_mem>>)
        %dma_wait3A = arith.constant 0 : i32
        %dma_wait3A_57 = arith.constant 0 : i32
        %dma_wait3A_58 = tpu.memref_slice %arg12[%dma_wait3A, %dma_wait3A_57] : memref<128x128xf32, #tpu.memory_space<vmem>> -> memref<120x128xf32, #tpu.memory_space<vmem>>
        %dma_wait3A_59 = arith.constant 0 : i32
        %dma_wait3A_60 = tpu.memref_slice %arg9[%add3A_47, %dma_wait3A_59] : memref<10112x128xf32, #tpu.memory_space<hbm>> -> memref<120x128xf32, #tpu.memory_space<hbm>>
        %dma_wait3A_61 = arith.constant 0 : i32
        %dma_wait3A_62 = tpu.memref_slice %arg9[%add3A_47, %dma_wait3A_61] : memref<10112x128xf32, #tpu.memory_space<hbm>> -> memref<120x128xf32, #tpu.memory_space<hbm>>
        %dma_wait3A_63 = arith.constant 0 : i32
        %dma_wait3A_64 = arith.constant 0 : i32
        %dma_wait3A_65 = tpu.memref_slice %arg12[%dma_wait3A_63, %dma_wait3A_64] : memref<128x128xf32, #tpu.memory_space<vmem>> -> memref<120x128xf32, #tpu.memory_space<vmem>>
        tpu.wait_dma2 semaphore(%run_scoped3A : memref<!tpu.dma_semaphore, #tpu.memory_space<semaphore_mem>>) src(%dma_wait3A_65 : memref<120x128xf32, #tpu.memory_space<vmem>>) dst(%dma_wait3A_62 : memref<120x128xf32, #tpu.memory_space<hbm>>)
        tpu.yield
      }) : () -> ()
    } else {
    }
    %eq3A_23 = arith.constant 1 : i32
    %eq3A_24 = arith.cmpi eq, %arg0, %eq3A_23 : i32
    %convert_element_type3A_25 = arith.extui %eq3A_24 : i1 to i32
    %cond3A_26 = arith.constant 0 : i32
    %cond3A_27 = arith.cmpi ne, %convert_element_type3A_25, %cond3A_26 : i32
    scf.if %cond3A_27 {
      %add3A_28 = arith.constant 0 : i32
      %add3A_29 = arith.addi %mul3A_0, %add3A_28 : i32
      "tpu.region"() ({
        %run_scoped3A = tpu.sem_alloc : memref<!tpu.dma_semaphore, #tpu.memory_space<semaphore_mem>>
        %dma_start3A = arith.constant 0 : i32
        %dma_start3A_48 = arith.constant 0 : i32
        %dma_start3A_49 = tpu.memref_slice %arg12[%dma_start3A, %dma_start3A_48] : memref<128x128xf32, #tpu.memory_space<vmem>> -> memref<128x128xf32, #tpu.memory_space<vmem>>
        %dma_start3A_50 = arith.constant 0 : i32
        %dma_start3A_51 = tpu.memref_slice %arg11[%add3A_29, %dma_start3A_50] : memref<10112x128xf32, #tpu.memory_space<vmem_shared>> -> memref<128x128xf32, #tpu.memory_space<vmem_shared>>
        %dma_start3A_52 = arith.constant 0 : i32
        %dma_start3A_53 = arith.constant 0 : i32
        %dma_start3A_54 = tpu.memref_slice %arg12[%dma_start3A_52, %dma_start3A_53] : memref<128x128xf32, #tpu.memory_space<vmem>> -> memref<128x128xf32, #tpu.memory_space<vmem>>
        %dma_start3A_55 = arith.constant 0 : i32
        %dma_start3A_56 = tpu.memref_slice %arg11[%add3A_29, %dma_start3A_55] : memref<10112x128xf32, #tpu.memory_space<vmem_shared>> -> memref<128x128xf32, #tpu.memory_space<vmem_shared>>
        tpu.enqueue_dma source(%dma_start3A_56 : memref<128x128xf32, #tpu.memory_space<vmem_shared>>) target(%dma_start3A_54 : memref<128x128xf32, #tpu.memory_space<vmem>>) target_semaphore(%run_scoped3A : memref<!tpu.dma_semaphore, #tpu.memory_space<semaphore_mem>>)
        %dma_wait3A = arith.constant 0 : i32
        %dma_wait3A_57 = arith.constant 0 : i32
        %dma_wait3A_58 = tpu.memref_slice %arg12[%dma_wait3A, %dma_wait3A_57] : memref<128x128xf32, #tpu.memory_space<vmem>> -> memref<128x128xf32, #tpu.memory_space<vmem>>
        %dma_wait3A_59 = arith.constant 0 : i32
        %dma_wait3A_60 = tpu.memref_slice %arg11[%add3A_29, %dma_wait3A_59] : memref<10112x128xf32, #tpu.memory_space<vmem_shared>> -> memref<128x128xf32, #tpu.memory_space<vmem_shared>>
        %dma_wait3A_61 = arith.constant 0 : i32
        %dma_wait3A_62 = arith.constant 0 : i32
        %dma_wait3A_63 = tpu.memref_slice %arg12[%dma_wait3A_61, %dma_wait3A_62] : memref<128x128xf32, #tpu.memory_space<vmem>> -> memref<128x128xf32, #tpu.memory_space<vmem>>
        %dma_wait3A_64 = arith.constant 0 : i32
        %dma_wait3A_65 = tpu.memref_slice %arg11[%add3A_29, %dma_wait3A_64] : memref<10112x128xf32, #tpu.memory_space<vmem_shared>> -> memref<128x128xf32, #tpu.memory_space<vmem_shared>>
        tpu.wait_dma2 semaphore(%run_scoped3A : memref<!tpu.dma_semaphore, #tpu.memory_space<semaphore_mem>>) src(%dma_wait3A_65 : memref<128x128xf32, #tpu.memory_space<vmem_shared>>) dst(%dma_wait3A_63 : memref<128x128xf32, #tpu.memory_space<vmem>>)
        tpu.yield
      }) : () -> ()
      %add3A_30 = arith.constant 0 : i32
      %add3A_31 = arith.addi %mul3A_0, %add3A_30 : i32
      "tpu.region"() ({
        %run_scoped3A = tpu.sem_alloc : memref<!tpu.dma_semaphore, #tpu.memory_space<semaphore_mem>>
        %dma_start3A = arith.constant 0 : i32
        %dma_start3A_48 = arith.constant 0 : i32
        %dma_start3A_49 = tpu.memref_slice %arg12[%dma_start3A, %dma_start3A_48] : memref<128x128xf32, #tpu.memory_space<vmem>> -> memref<128x128xf32, #tpu.memory_space<vmem>>
        %dma_start3A_50 = arith.constant 0 : i32
        %dma_start3A_51 = tpu.memref_slice %arg10[%add3A_31, %dma_start3A_50] : memref<10112x128xf32, #tpu.memory_space<hbm>> -> memref<128x128xf32, #tpu.memory_space<hbm>>
        %dma_start3A_52 = arith.constant 0 : i32
        %dma_start3A_53 = tpu.memref_slice %arg10[%add3A_31, %dma_start3A_52] : memref<10112x128xf32, #tpu.memory_space<hbm>> -> memref<128x128xf32, #tpu.memory_space<hbm>>
        %dma_start3A_54 = arith.constant 0 : i32
        %dma_start3A_55 = arith.constant 0 : i32
        %dma_start3A_56 = tpu.memref_slice %arg12[%dma_start3A_54, %dma_start3A_55] : memref<128x128xf32, #tpu.memory_space<vmem>> -> memref<128x128xf32, #tpu.memory_space<vmem>>
        tpu.enqueue_dma source(%dma_start3A_56 : memref<128x128xf32, #tpu.memory_space<vmem>>) target(%dma_start3A_53 : memref<128x128xf32, #tpu.memory_space<hbm>>) target_semaphore(%run_scoped3A : memref<!tpu.dma_semaphore, #tpu.memory_space<semaphore_mem>>)
        %dma_wait3A = arith.constant 0 : i32
        %dma_wait3A_57 = arith.constant 0 : i32
        %dma_wait3A_58 = tpu.memref_slice %arg12[%dma_wait3A, %dma_wait3A_57] : memref<128x128xf32, #tpu.memory_space<vmem>> -> memref<128x128xf32, #tpu.memory_space<vmem>>
        %dma_wait3A_59 = arith.constant 0 : i32
        %dma_wait3A_60 = tpu.memref_slice %arg10[%add3A_31, %dma_wait3A_59] : memref<10112x128xf32, #tpu.memory_space<hbm>> -> memref<128x128xf32, #tpu.memory_space<hbm>>
        %dma_wait3A_61 = arith.constant 0 : i32
        %dma_wait3A_62 = tpu.memref_slice %arg10[%add3A_31, %dma_wait3A_61] : memref<10112x128xf32, #tpu.memory_space<hbm>> -> memref<128x128xf32, #tpu.memory_space<hbm>>
        %dma_wait3A_63 = arith.constant 0 : i32
        %dma_wait3A_64 = arith.constant 0 : i32
        %dma_wait3A_65 = tpu.memref_slice %arg12[%dma_wait3A_63, %dma_wait3A_64] : memref<128x128xf32, #tpu.memory_space<vmem>> -> memref<128x128xf32, #tpu.memory_space<vmem>>
        tpu.wait_dma2 semaphore(%run_scoped3A : memref<!tpu.dma_semaphore, #tpu.memory_space<semaphore_mem>>) src(%dma_wait3A_65 : memref<128x128xf32, #tpu.memory_space<vmem>>) dst(%dma_wait3A_62 : memref<128x128xf32, #tpu.memory_space<hbm>>)
        tpu.yield
      }) : () -> ()
      %add3A_32 = arith.constant 128 : i32
      %add3A_33 = arith.addi %mul3A_0, %add3A_32 : i32
      "tpu.region"() ({
        %run_scoped3A = tpu.sem_alloc : memref<!tpu.dma_semaphore, #tpu.memory_space<semaphore_mem>>
        %dma_start3A = arith.constant 0 : i32
        %dma_start3A_48 = arith.constant 0 : i32
        %dma_start3A_49 = tpu.memref_slice %arg12[%dma_start3A, %dma_start3A_48] : memref<128x128xf32, #tpu.memory_space<vmem>> -> memref<128x128xf32, #tpu.memory_space<vmem>>
        %dma_start3A_50 = arith.constant 0 : i32
        %dma_start3A_51 = tpu.memref_slice %arg11[%add3A_33, %dma_start3A_50] : memref<10112x128xf32, #tpu.memory_space<vmem_shared>> -> memref<128x128xf32, #tpu.memory_space<vmem_shared>>
        %dma_start3A_52 = arith.constant 0 : i32
        %dma_start3A_53 = arith.constant 0 : i32
        %dma_start3A_54 = tpu.memref_slice %arg12[%dma_start3A_52, %dma_start3A_53] : memref<128x128xf32, #tpu.memory_space<vmem>> -> memref<128x128xf32, #tpu.memory_space<vmem>>
        %dma_start3A_55 = arith.constant 0 : i32
        %dma_start3A_56 = tpu.memref_slice %arg11[%add3A_33, %dma_start3A_55] : memref<10112x128xf32, #tpu.memory_space<vmem_shared>> -> memref<128x128xf32, #tpu.memory_space<vmem_shared>>
        tpu.enqueue_dma source(%dma_start3A_56 : memref<128x128xf32, #tpu.memory_space<vmem_shared>>) target(%dma_start3A_54 : memref<128x128xf32, #tpu.memory_space<vmem>>) target_semaphore(%run_scoped3A : memref<!tpu.dma_semaphore, #tpu.memory_space<semaphore_mem>>)
        %dma_wait3A = arith.constant 0 : i32
        %dma_wait3A_57 = arith.constant 0 : i32
        %dma_wait3A_58 = tpu.memref_slice %arg12[%dma_wait3A, %dma_wait3A_57] : memref<128x128xf32, #tpu.memory_space<vmem>> -> memref<128x128xf32, #tpu.memory_space<vmem>>
        %dma_wait3A_59 = arith.constant 0 : i32
        %dma_wait3A_60 = tpu.memref_slice %arg11[%add3A_33, %dma_wait3A_59] : memref<10112x128xf32, #tpu.memory_space<vmem_shared>> -> memref<128x128xf32, #tpu.memory_space<vmem_shared>>
        %dma_wait3A_61 = arith.constant 0 : i32
        %dma_wait3A_62 = arith.constant 0 : i32
        %dma_wait3A_63 = tpu.memref_slice %arg12[%dma_wait3A_61, %dma_wait3A_62] : memref<128x128xf32, #tpu.memory_space<vmem>> -> memref<128x128xf32, #tpu.memory_space<vmem>>
        %dma_wait3A_64 = arith.constant 0 : i32
        %dma_wait3A_65 = tpu.memref_slice %arg11[%add3A_33, %dma_wait3A_64] : memref<10112x128xf32, #tpu.memory_space<vmem_shared>> -> memref<128x128xf32, #tpu.memory_space<vmem_shared>>
        tpu.wait_dma2 semaphore(%run_scoped3A : memref<!tpu.dma_semaphore, #tpu.memory_space<semaphore_mem>>) src(%dma_wait3A_65 : memref<128x128xf32, #tpu.memory_space<vmem_shared>>) dst(%dma_wait3A_63 : memref<128x128xf32, #tpu.memory_space<vmem>>)
        tpu.yield
      }) : () -> ()
      %add3A_34 = arith.constant 128 : i32
      %add3A_35 = arith.addi %mul3A_0, %add3A_34 : i32
      "tpu.region"() ({
        %run_scoped3A = tpu.sem_alloc : memref<!tpu.dma_semaphore, #tpu.memory_space<semaphore_mem>>
        %dma_start3A = arith.constant 0 : i32
        %dma_start3A_48 = arith.constant 0 : i32
        %dma_start3A_49 = tpu.memref_slice %arg12[%dma_start3A, %dma_start3A_48] : memref<128x128xf32, #tpu.memory_space<vmem>> -> memref<128x128xf32, #tpu.memory_space<vmem>>
        %dma_start3A_50 = arith.constant 0 : i32
        %dma_start3A_51 = tpu.memref_slice %arg10[%add3A_35, %dma_start3A_50] : memref<10112x128xf32, #tpu.memory_space<hbm>> -> memref<128x128xf32, #tpu.memory_space<hbm>>
        %dma_start3A_52 = arith.constant 0 : i32
        %dma_start3A_53 = tpu.memref_slice %arg10[%add3A_35, %dma_start3A_52] : memref<10112x128xf32, #tpu.memory_space<hbm>> -> memref<128x128xf32, #tpu.memory_space<hbm>>
        %dma_start3A_54 = arith.constant 0 : i32
        %dma_start3A_55 = arith.constant 0 : i32
        %dma_start3A_56 = tpu.memref_slice %arg12[%dma_start3A_54, %dma_start3A_55] : memref<128x128xf32, #tpu.memory_space<vmem>> -> memref<128x128xf32, #tpu.memory_space<vmem>>
        tpu.enqueue_dma source(%dma_start3A_56 : memref<128x128xf32, #tpu.memory_space<vmem>>) target(%dma_start3A_53 : memref<128x128xf32, #tpu.memory_space<hbm>>) target_semaphore(%run_scoped3A : memref<!tpu.dma_semaphore, #tpu.memory_space<semaphore_mem>>)
        %dma_wait3A = arith.constant 0 : i32
        %dma_wait3A_57 = arith.constant 0 : i32
        %dma_wait3A_58 = tpu.memref_slice %arg12[%dma_wait3A, %dma_wait3A_57] : memref<128x128xf32, #tpu.memory_space<vmem>> -> memref<128x128xf32, #tpu.memory_space<vmem>>
        %dma_wait3A_59 = arith.constant 0 : i32
        %dma_wait3A_60 = tpu.memref_slice %arg10[%add3A_35, %dma_wait3A_59] : memref<10112x128xf32, #tpu.memory_space<hbm>> -> memref<128x128xf32, #tpu.memory_space<hbm>>
        %dma_wait3A_61 = arith.constant 0 : i32
        %dma_wait3A_62 = tpu.memref_slice %arg10[%add3A_35, %dma_wait3A_61] : memref<10112x128xf32, #tpu.memory_space<hbm>> -> memref<128x128xf32, #tpu.memory_space<hbm>>
        %dma_wait3A_63 = arith.constant 0 : i32
        %dma_wait3A_64 = arith.constant 0 : i32
        %dma_wait3A_65 = tpu.memref_slice %arg12[%dma_wait3A_63, %dma_wait3A_64] : memref<128x128xf32, #tpu.memory_space<vmem>> -> memref<128x128xf32, #tpu.memory_space<vmem>>
        tpu.wait_dma2 semaphore(%run_scoped3A : memref<!tpu.dma_semaphore, #tpu.memory_space<semaphore_mem>>) src(%dma_wait3A_65 : memref<128x128xf32, #tpu.memory_space<vmem>>) dst(%dma_wait3A_62 : memref<128x128xf32, #tpu.memory_space<hbm>>)
        tpu.yield
      }) : () -> ()
      %add3A_36 = arith.constant 256 : i32
      %add3A_37 = arith.addi %mul3A_0, %add3A_36 : i32
      "tpu.region"() ({
        %run_scoped3A = tpu.sem_alloc : memref<!tpu.dma_semaphore, #tpu.memory_space<semaphore_mem>>
        %dma_start3A = arith.constant 0 : i32
        %dma_start3A_48 = arith.constant 0 : i32
        %dma_start3A_49 = tpu.memref_slice %arg12[%dma_start3A, %dma_start3A_48] : memref<128x128xf32, #tpu.memory_space<vmem>> -> memref<128x128xf32, #tpu.memory_space<vmem>>
        %dma_start3A_50 = arith.constant 0 : i32
        %dma_start3A_51 = tpu.memref_slice %arg11[%add3A_37, %dma_start3A_50] : memref<10112x128xf32, #tpu.memory_space<vmem_shared>> -> memref<128x128xf32, #tpu.memory_space<vmem_shared>>
        %dma_start3A_52 = arith.constant 0 : i32
        %dma_start3A_53 = arith.constant 0 : i32
        %dma_start3A_54 = tpu.memref_slice %arg12[%dma_start3A_52, %dma_start3A_53] : memref<128x128xf32, #tpu.memory_space<vmem>> -> memref<128x128xf32, #tpu.memory_space<vmem>>
        %dma_start3A_55 = arith.constant 0 : i32
        %dma_start3A_56 = tpu.memref_slice %arg11[%add3A_37, %dma_start3A_55] : memref<10112x128xf32, #tpu.memory_space<vmem_shared>> -> memref<128x128xf32, #tpu.memory_space<vmem_shared>>
        tpu.enqueue_dma source(%dma_start3A_56 : memref<128x128xf32, #tpu.memory_space<vmem_shared>>) target(%dma_start3A_54 : memref<128x128xf32, #tpu.memory_space<vmem>>) target_semaphore(%run_scoped3A : memref<!tpu.dma_semaphore, #tpu.memory_space<semaphore_mem>>)
        %dma_wait3A = arith.constant 0 : i32
        %dma_wait3A_57 = arith.constant 0 : i32
        %dma_wait3A_58 = tpu.memref_slice %arg12[%dma_wait3A, %dma_wait3A_57] : memref<128x128xf32, #tpu.memory_space<vmem>> -> memref<128x128xf32, #tpu.memory_space<vmem>>
        %dma_wait3A_59 = arith.constant 0 : i32
        %dma_wait3A_60 = tpu.memref_slice %arg11[%add3A_37, %dma_wait3A_59] : memref<10112x128xf32, #tpu.memory_space<vmem_shared>> -> memref<128x128xf32, #tpu.memory_space<vmem_shared>>
        %dma_wait3A_61 = arith.constant 0 : i32
        %dma_wait3A_62 = arith.constant 0 : i32
        %dma_wait3A_63 = tpu.memref_slice %arg12[%dma_wait3A_61, %dma_wait3A_62] : memref<128x128xf32, #tpu.memory_space<vmem>> -> memref<128x128xf32, #tpu.memory_space<vmem>>
        %dma_wait3A_64 = arith.constant 0 : i32
        %dma_wait3A_65 = tpu.memref_slice %arg11[%add3A_37, %dma_wait3A_64] : memref<10112x128xf32, #tpu.memory_space<vmem_shared>> -> memref<128x128xf32, #tpu.memory_space<vmem_shared>>
        tpu.wait_dma2 semaphore(%run_scoped3A : memref<!tpu.dma_semaphore, #tpu.memory_space<semaphore_mem>>) src(%dma_wait3A_65 : memref<128x128xf32, #tpu.memory_space<vmem_shared>>) dst(%dma_wait3A_63 : memref<128x128xf32, #tpu.memory_space<vmem>>)
        tpu.yield
      }) : () -> ()
      %add3A_38 = arith.constant 256 : i32
      %add3A_39 = arith.addi %mul3A_0, %add3A_38 : i32
      "tpu.region"() ({
        %run_scoped3A = tpu.sem_alloc : memref<!tpu.dma_semaphore, #tpu.memory_space<semaphore_mem>>
        %dma_start3A = arith.constant 0 : i32
        %dma_start3A_48 = arith.constant 0 : i32
        %dma_start3A_49 = tpu.memref_slice %arg12[%dma_start3A, %dma_start3A_48] : memref<128x128xf32, #tpu.memory_space<vmem>> -> memref<128x128xf32, #tpu.memory_space<vmem>>
        %dma_start3A_50 = arith.constant 0 : i32
        %dma_start3A_51 = tpu.memref_slice %arg10[%add3A_39, %dma_start3A_50] : memref<10112x128xf32, #tpu.memory_space<hbm>> -> memref<128x128xf32, #tpu.memory_space<hbm>>
        %dma_start3A_52 = arith.constant 0 : i32
        %dma_start3A_53 = tpu.memref_slice %arg10[%add3A_39, %dma_start3A_52] : memref<10112x128xf32, #tpu.memory_space<hbm>> -> memref<128x128xf32, #tpu.memory_space<hbm>>
        %dma_start3A_54 = arith.constant 0 : i32
        %dma_start3A_55 = arith.constant 0 : i32
        %dma_start3A_56 = tpu.memref_slice %arg12[%dma_start3A_54, %dma_start3A_55] : memref<128x128xf32, #tpu.memory_space<vmem>> -> memref<128x128xf32, #tpu.memory_space<vmem>>
        tpu.enqueue_dma source(%dma_start3A_56 : memref<128x128xf32, #tpu.memory_space<vmem>>) target(%dma_start3A_53 : memref<128x128xf32, #tpu.memory_space<hbm>>) target_semaphore(%run_scoped3A : memref<!tpu.dma_semaphore, #tpu.memory_space<semaphore_mem>>)
        %dma_wait3A = arith.constant 0 : i32
        %dma_wait3A_57 = arith.constant 0 : i32
        %dma_wait3A_58 = tpu.memref_slice %arg12[%dma_wait3A, %dma_wait3A_57] : memref<128x128xf32, #tpu.memory_space<vmem>> -> memref<128x128xf32, #tpu.memory_space<vmem>>
        %dma_wait3A_59 = arith.constant 0 : i32
        %dma_wait3A_60 = tpu.memref_slice %arg10[%add3A_39, %dma_wait3A_59] : memref<10112x128xf32, #tpu.memory_space<hbm>> -> memref<128x128xf32, #tpu.memory_space<hbm>>
        %dma_wait3A_61 = arith.constant 0 : i32
        %dma_wait3A_62 = tpu.memref_slice %arg10[%add3A_39, %dma_wait3A_61] : memref<10112x128xf32, #tpu.memory_space<hbm>> -> memref<128x128xf32, #tpu.memory_space<hbm>>
        %dma_wait3A_63 = arith.constant 0 : i32
        %dma_wait3A_64 = arith.constant 0 : i32
        %dma_wait3A_65 = tpu.memref_slice %arg12[%dma_wait3A_63, %dma_wait3A_64] : memref<128x128xf32, #tpu.memory_space<vmem>> -> memref<128x128xf32, #tpu.memory_space<vmem>>
        tpu.wait_dma2 semaphore(%run_scoped3A : memref<!tpu.dma_semaphore, #tpu.memory_space<semaphore_mem>>) src(%dma_wait3A_65 : memref<128x128xf32, #tpu.memory_space<vmem>>) dst(%dma_wait3A_62 : memref<128x128xf32, #tpu.memory_space<hbm>>)
        tpu.yield
      }) : () -> ()
      %add3A_40 = arith.constant 384 : i32
      %add3A_41 = arith.addi %mul3A_0, %add3A_40 : i32
      "tpu.region"() ({
        %run_scoped3A = tpu.sem_alloc : memref<!tpu.dma_semaphore, #tpu.memory_space<semaphore_mem>>
        %dma_start3A = arith.constant 0 : i32
        %dma_start3A_48 = arith.constant 0 : i32
        %dma_start3A_49 = tpu.memref_slice %arg12[%dma_start3A, %dma_start3A_48] : memref<128x128xf32, #tpu.memory_space<vmem>> -> memref<128x128xf32, #tpu.memory_space<vmem>>
        %dma_start3A_50 = arith.constant 0 : i32
        %dma_start3A_51 = tpu.memref_slice %arg11[%add3A_41, %dma_start3A_50] : memref<10112x128xf32, #tpu.memory_space<vmem_shared>> -> memref<128x128xf32, #tpu.memory_space<vmem_shared>>
        %dma_start3A_52 = arith.constant 0 : i32
        %dma_start3A_53 = arith.constant 0 : i32
        %dma_start3A_54 = tpu.memref_slice %arg12[%dma_start3A_52, %dma_start3A_53] : memref<128x128xf32, #tpu.memory_space<vmem>> -> memref<128x128xf32, #tpu.memory_space<vmem>>
        %dma_start3A_55 = arith.constant 0 : i32
        %dma_start3A_56 = tpu.memref_slice %arg11[%add3A_41, %dma_start3A_55] : memref<10112x128xf32, #tpu.memory_space<vmem_shared>> -> memref<128x128xf32, #tpu.memory_space<vmem_shared>>
        tpu.enqueue_dma source(%dma_start3A_56 : memref<128x128xf32, #tpu.memory_space<vmem_shared>>) target(%dma_start3A_54 : memref<128x128xf32, #tpu.memory_space<vmem>>) target_semaphore(%run_scoped3A : memref<!tpu.dma_semaphore, #tpu.memory_space<semaphore_mem>>)
        %dma_wait3A = arith.constant 0 : i32
        %dma_wait3A_57 = arith.constant 0 : i32
        %dma_wait3A_58 = tpu.memref_slice %arg12[%dma_wait3A, %dma_wait3A_57] : memref<128x128xf32, #tpu.memory_space<vmem>> -> memref<128x128xf32, #tpu.memory_space<vmem>>
        %dma_wait3A_59 = arith.constant 0 : i32
        %dma_wait3A_60 = tpu.memref_slice %arg11[%add3A_41, %dma_wait3A_59] : memref<10112x128xf32, #tpu.memory_space<vmem_shared>> -> memref<128x128xf32, #tpu.memory_space<vmem_shared>>
        %dma_wait3A_61 = arith.constant 0 : i32
        %dma_wait3A_62 = arith.constant 0 : i32
        %dma_wait3A_63 = tpu.memref_slice %arg12[%dma_wait3A_61, %dma_wait3A_62] : memref<128x128xf32, #tpu.memory_space<vmem>> -> memref<128x128xf32, #tpu.memory_space<vmem>>
        %dma_wait3A_64 = arith.constant 0 : i32
        %dma_wait3A_65 = tpu.memref_slice %arg11[%add3A_41, %dma_wait3A_64] : memref<10112x128xf32, #tpu.memory_space<vmem_shared>> -> memref<128x128xf32, #tpu.memory_space<vmem_shared>>
        tpu.wait_dma2 semaphore(%run_scoped3A : memref<!tpu.dma_semaphore, #tpu.memory_space<semaphore_mem>>) src(%dma_wait3A_65 : memref<128x128xf32, #tpu.memory_space<vmem_shared>>) dst(%dma_wait3A_63 : memref<128x128xf32, #tpu.memory_space<vmem>>)
        tpu.yield
      }) : () -> ()
      %add3A_42 = arith.constant 384 : i32
      %add3A_43 = arith.addi %mul3A_0, %add3A_42 : i32
      "tpu.region"() ({
        %run_scoped3A = tpu.sem_alloc : memref<!tpu.dma_semaphore, #tpu.memory_space<semaphore_mem>>
        %dma_start3A = arith.constant 0 : i32
        %dma_start3A_48 = arith.constant 0 : i32
        %dma_start3A_49 = tpu.memref_slice %arg12[%dma_start3A, %dma_start3A_48] : memref<128x128xf32, #tpu.memory_space<vmem>> -> memref<128x128xf32, #tpu.memory_space<vmem>>
        %dma_start3A_50 = arith.constant 0 : i32
        %dma_start3A_51 = tpu.memref_slice %arg10[%add3A_43, %dma_start3A_50] : memref<10112x128xf32, #tpu.memory_space<hbm>> -> memref<128x128xf32, #tpu.memory_space<hbm>>
        %dma_start3A_52 = arith.constant 0 : i32
        %dma_start3A_53 = tpu.memref_slice %arg10[%add3A_43, %dma_start3A_52] : memref<10112x128xf32, #tpu.memory_space<hbm>> -> memref<128x128xf32, #tpu.memory_space<hbm>>
        %dma_start3A_54 = arith.constant 0 : i32
        %dma_start3A_55 = arith.constant 0 : i32
        %dma_start3A_56 = tpu.memref_slice %arg12[%dma_start3A_54, %dma_start3A_55] : memref<128x128xf32, #tpu.memory_space<vmem>> -> memref<128x128xf32, #tpu.memory_space<vmem>>
        tpu.enqueue_dma source(%dma_start3A_56 : memref<128x128xf32, #tpu.memory_space<vmem>>) target(%dma_start3A_53 : memref<128x128xf32, #tpu.memory_space<hbm>>) target_semaphore(%run_scoped3A : memref<!tpu.dma_semaphore, #tpu.memory_space<semaphore_mem>>)
        %dma_wait3A = arith.constant 0 : i32
        %dma_wait3A_57 = arith.constant 0 : i32
        %dma_wait3A_58 = tpu.memref_slice %arg12[%dma_wait3A, %dma_wait3A_57] : memref<128x128xf32, #tpu.memory_space<vmem>> -> memref<128x128xf32, #tpu.memory_space<vmem>>
        %dma_wait3A_59 = arith.constant 0 : i32
        %dma_wait3A_60 = tpu.memref_slice %arg10[%add3A_43, %dma_wait3A_59] : memref<10112x128xf32, #tpu.memory_space<hbm>> -> memref<128x128xf32, #tpu.memory_space<hbm>>
        %dma_wait3A_61 = arith.constant 0 : i32
        %dma_wait3A_62 = tpu.memref_slice %arg10[%add3A_43, %dma_wait3A_61] : memref<10112x128xf32, #tpu.memory_space<hbm>> -> memref<128x128xf32, #tpu.memory_space<hbm>>
        %dma_wait3A_63 = arith.constant 0 : i32
        %dma_wait3A_64 = arith.constant 0 : i32
        %dma_wait3A_65 = tpu.memref_slice %arg12[%dma_wait3A_63, %dma_wait3A_64] : memref<128x128xf32, #tpu.memory_space<vmem>> -> memref<128x128xf32, #tpu.memory_space<vmem>>
        tpu.wait_dma2 semaphore(%run_scoped3A : memref<!tpu.dma_semaphore, #tpu.memory_space<semaphore_mem>>) src(%dma_wait3A_65 : memref<128x128xf32, #tpu.memory_space<vmem>>) dst(%dma_wait3A_62 : memref<128x128xf32, #tpu.memory_space<hbm>>)
        tpu.yield
      }) : () -> ()
      %add3A_44 = arith.constant 512 : i32
      %add3A_45 = arith.addi %mul3A_0, %add3A_44 : i32
      "tpu.region"() ({
        %run_scoped3A = tpu.sem_alloc : memref<!tpu.dma_semaphore, #tpu.memory_space<semaphore_mem>>
        %dma_start3A = arith.constant 0 : i32
        %dma_start3A_48 = arith.constant 0 : i32
        %dma_start3A_49 = tpu.memref_slice %arg12[%dma_start3A, %dma_start3A_48] : memref<128x128xf32, #tpu.memory_space<vmem>> -> memref<120x128xf32, #tpu.memory_space<vmem>>
        %dma_start3A_50 = arith.constant 0 : i32
        %dma_start3A_51 = tpu.memref_slice %arg11[%add3A_45, %dma_start3A_50] : memref<10112x128xf32, #tpu.memory_space<vmem_shared>> -> memref<120x128xf32, #tpu.memory_space<vmem_shared>>
        %dma_start3A_52 = arith.constant 0 : i32
        %dma_start3A_53 = arith.constant 0 : i32
        %dma_start3A_54 = tpu.memref_slice %arg12[%dma_start3A_52, %dma_start3A_53] : memref<128x128xf32, #tpu.memory_space<vmem>> -> memref<120x128xf32, #tpu.memory_space<vmem>>
        %dma_start3A_55 = arith.constant 0 : i32
        %dma_start3A_56 = tpu.memref_slice %arg11[%add3A_45, %dma_start3A_55] : memref<10112x128xf32, #tpu.memory_space<vmem_shared>> -> memref<120x128xf32, #tpu.memory_space<vmem_shared>>
        tpu.enqueue_dma source(%dma_start3A_56 : memref<120x128xf32, #tpu.memory_space<vmem_shared>>) target(%dma_start3A_54 : memref<120x128xf32, #tpu.memory_space<vmem>>) target_semaphore(%run_scoped3A : memref<!tpu.dma_semaphore, #tpu.memory_space<semaphore_mem>>)
        %dma_wait3A = arith.constant 0 : i32
        %dma_wait3A_57 = arith.constant 0 : i32
        %dma_wait3A_58 = tpu.memref_slice %arg12[%dma_wait3A, %dma_wait3A_57] : memref<128x128xf32, #tpu.memory_space<vmem>> -> memref<120x128xf32, #tpu.memory_space<vmem>>
        %dma_wait3A_59 = arith.constant 0 : i32
        %dma_wait3A_60 = tpu.memref_slice %arg11[%add3A_45, %dma_wait3A_59] : memref<10112x128xf32, #tpu.memory_space<vmem_shared>> -> memref<120x128xf32, #tpu.memory_space<vmem_shared>>
        %dma_wait3A_61 = arith.constant 0 : i32
        %dma_wait3A_62 = arith.constant 0 : i32
        %dma_wait3A_63 = tpu.memref_slice %arg12[%dma_wait3A_61, %dma_wait3A_62] : memref<128x128xf32, #tpu.memory_space<vmem>> -> memref<120x128xf32, #tpu.memory_space<vmem>>
        %dma_wait3A_64 = arith.constant 0 : i32
        %dma_wait3A_65 = tpu.memref_slice %arg11[%add3A_45, %dma_wait3A_64] : memref<10112x128xf32, #tpu.memory_space<vmem_shared>> -> memref<120x128xf32, #tpu.memory_space<vmem_shared>>
        tpu.wait_dma2 semaphore(%run_scoped3A : memref<!tpu.dma_semaphore, #tpu.memory_space<semaphore_mem>>) src(%dma_wait3A_65 : memref<120x128xf32, #tpu.memory_space<vmem_shared>>) dst(%dma_wait3A_63 : memref<120x128xf32, #tpu.memory_space<vmem>>)
        tpu.yield
      }) : () -> ()
      %add3A_46 = arith.constant 512 : i32
      %add3A_47 = arith.addi %mul3A_0, %add3A_46 : i32
      "tpu.region"() ({
        %run_scoped3A = tpu.sem_alloc : memref<!tpu.dma_semaphore, #tpu.memory_space<semaphore_mem>>
        %dma_start3A = arith.constant 0 : i32
        %dma_start3A_48 = arith.constant 0 : i32
        %dma_start3A_49 = tpu.memref_slice %arg12[%dma_start3A, %dma_start3A_48] : memref<128x128xf32, #tpu.memory_space<vmem>> -> memref<120x128xf32, #tpu.memory_space<vmem>>
        %dma_start3A_50 = arith.constant 0 : i32
        %dma_start3A_51 = tpu.memref_slice %arg10[%add3A_47, %dma_start3A_50] : memref<10112x128xf32, #tpu.memory_space<hbm>> -> memref<120x128xf32, #tpu.memory_space<hbm>>
        %dma_start3A_52 = arith.constant 0 : i32
        %dma_start3A_53 = tpu.memref_slice %arg10[%add3A_47, %dma_start3A_52] : memref<10112x128xf32, #tpu.memory_space<hbm>> -> memref<120x128xf32, #tpu.memory_space<hbm>>
        %dma_start3A_54 = arith.constant 0 : i32
        %dma_start3A_55 = arith.constant 0 : i32
        %dma_start3A_56 = tpu.memref_slice %arg12[%dma_start3A_54, %dma_start3A_55] : memref<128x128xf32, #tpu.memory_space<vmem>> -> memref<120x128xf32, #tpu.memory_space<vmem>>
        tpu.enqueue_dma source(%dma_start3A_56 : memref<120x128xf32, #tpu.memory_space<vmem>>) target(%dma_start3A_53 : memref<120x128xf32, #tpu.memory_space<hbm>>) target_semaphore(%run_scoped3A : memref<!tpu.dma_semaphore, #tpu.memory_space<semaphore_mem>>)
        %dma_wait3A = arith.constant 0 : i32
        %dma_wait3A_57 = arith.constant 0 : i32
        %dma_wait3A_58 = tpu.memref_slice %arg12[%dma_wait3A, %dma_wait3A_57] : memref<128x128xf32, #tpu.memory_space<vmem>> -> memref<120x128xf32, #tpu.memory_space<vmem>>
        %dma_wait3A_59 = arith.constant 0 : i32
        %dma_wait3A_60 = tpu.memref_slice %arg10[%add3A_47, %dma_wait3A_59] : memref<10112x128xf32, #tpu.memory_space<hbm>> -> memref<120x128xf32, #tpu.memory_space<hbm>>
        %dma_wait3A_61 = arith.constant 0 : i32
        %dma_wait3A_62 = tpu.memref_slice %arg10[%add3A_47, %dma_wait3A_61] : memref<10112x128xf32, #tpu.memory_space<hbm>> -> memref<120x128xf32, #tpu.memory_space<hbm>>
        %dma_wait3A_63 = arith.constant 0 : i32
        %dma_wait3A_64 = arith.constant 0 : i32
        %dma_wait3A_65 = tpu.memref_slice %arg12[%dma_wait3A_63, %dma_wait3A_64] : memref<128x128xf32, #tpu.memory_space<vmem>> -> memref<120x128xf32, #tpu.memory_space<vmem>>
        tpu.wait_dma2 semaphore(%run_scoped3A : memref<!tpu.dma_semaphore, #tpu.memory_space<semaphore_mem>>) src(%dma_wait3A_65 : memref<120x128xf32, #tpu.memory_space<vmem>>) dst(%dma_wait3A_62 : memref<120x128xf32, #tpu.memory_space<hbm>>)
        tpu.yield
      }) : () -> ()
    } else {
    }
    return
  }
}

module attributes {stable_mosaic.version = 14 : i64} {
  func.func @body(%arg0: memref<10000x128xf32, #tpu.memory_space<vmem>>, %arg1: memref<10000x128xf32, #tpu.memory_space<vmem>>, %arg2: memref<10000x128xf32, #tpu.memory_space<vmem>>, %arg3: memref<10000x1xf32, #tpu.memory_space<vmem>>, %arg4: memref<10000x128xf32, #tpu.memory_space<vmem>>) attributes {dimension_semantics = [], scalar_prefetch = 0 : i64, scratch_operands = 0 : i64, tpu.core_type = #tpu.core_type<tc>} {
    %get3A = arith.constant 0 : index
    %get3A_0 = arith.constant 0 : index
    %get3A_1 = vector.load %arg1[%get3A, %get3A_0] : memref<10000x128xf32, #tpu.memory_space<vmem>>, vector<10000x1xf32>
    %get3A_2 = arith.constant 0 : index
    %get3A_3 = arith.constant 0 : index
    %get3A_4 = vector.load %arg2[%get3A_2, %get3A_3] : memref<10000x128xf32, #tpu.memory_space<vmem>>, vector<10000x1xf32>
    %add3A = arith.addf %get3A_1, %get3A_4 : vector<10000x1xf32>
    %gt3A = arith.constant 0.000000e+00 : f32
    %gt3A_5 = vector.broadcast %gt3A : f32 to vector<10000x1xf32>
    %gt3A_6 = arith.cmpf ogt, %add3A, %gt3A_5 : vector<10000x1xf32>
    %max3A = arith.constant 1.000000e+00 : f32
    %max3A_7 = vector.broadcast %max3A : f32 to vector<10000x1xf32>
    %max3A_8 = arith.maximumf %add3A, %max3A_7 : vector<10000x1xf32>
    %rsqrt3A = math.rsqrt %max3A_8 : vector<10000x1xf32>
    %jit3A = arith.constant 0.000000e+00 : f32
    %broadcast_in_dim3A = vector.broadcast %jit3A : f32 to vector<10000x1xf32>
    %select_n3A = arith.select %gt3A_6, %rsqrt3A, %broadcast_in_dim3A : vector<10000x1xi1>, vector<10000x1xf32>
    %swap3A = arith.constant 0 : index
    %swap3A_9 = arith.constant 0 : index
    %swap3A_10 = vector.load %arg3[%swap3A, %swap3A_9] : memref<10000x1xf32, #tpu.memory_space<vmem>>, vector<10000x1xf32>
    tpu.vector_store %arg3[%swap3A, %swap3A_9], %select_n3A {strides = array<i32>} : memref<10000x1xf32, #tpu.memory_space<vmem>>, vector<10000x1xf32>,
    %get3A_11 = arith.constant 0 : index
    %get3A_12 = arith.constant 0 : index
    %get3A_13 = vector.load %arg0[%get3A_11, %get3A_12] : memref<10000x128xf32, #tpu.memory_space<vmem>>, vector<10000x128xf32>
    %mul3A = vector.broadcast %select_n3A : vector<10000x1xf32> to vector<10000x128xf32>
    %mul3A_14 = arith.mulf %get3A_13, %mul3A : vector<10000x128xf32>
    %swap3A_15 = arith.constant 0 : index
    %swap3A_16 = arith.constant 0 : index
    %swap3A_17 = vector.load %arg4[%swap3A_15, %swap3A_16] : memref<10000x128xf32, #tpu.memory_space<vmem>>, vector<10000x128xf32>
    tpu.vector_store %arg4[%swap3A_15, %swap3A_16], %mul3A_14 {strides = array<i32>} : memref<10000x128xf32, #tpu.memory_space<vmem>>, vector<10000x128xf32>,
    return
  }
}

module attributes {stable_mosaic.version = 14 : i64} {
  func.func @body(%arg0: memref<10000x128xf32, #tpu.memory_space<vmem>>, %arg1: memref<10000x128xf32, #tpu.memory_space<vmem>>, %arg2: memref<10000x128xf32, #tpu.memory_space<vmem>>, %arg3: memref<10000x1xf32, #tpu.memory_space<vmem>>, %arg4: memref<10000x128xf32, #tpu.memory_space<vmem>>, %arg5: memref<10000x128xf32, #tpu.memory_space<vmem>>, %arg6: memref<10000x128xf32, #tpu.memory_space<vmem>>) attributes {dimension_semantics = [], scalar_prefetch = 0 : i64, scratch_operands = 0 : i64, tpu.core_type = #tpu.core_type<tc>} {
    %get3A = arith.constant 0 : index
    %get3A_0 = arith.constant 0 : index
    %get3A_1 = vector.load %arg3[%get3A, %get3A_0] : memref<10000x1xf32, #tpu.memory_space<vmem>>, vector<10000x1xf32>
    %get3A_2 = arith.constant 0 : index
    %get3A_3 = arith.constant 0 : index
    %get3A_4 = vector.load %arg0[%get3A_2, %get3A_3] : memref<10000x128xf32, #tpu.memory_space<vmem>>, vector<10000x128xf32>
    %mul3A = arith.constant 0.000000e+00 : f32
    %mul3A_5 = vector.broadcast %mul3A : f32 to vector<10000x128xf32>
    %mul3A_6 = arith.mulf %mul3A_5, %get3A_4 : vector<10000x128xf32>
    %get3A_7 = arith.constant 0 : index
    %get3A_8 = arith.constant 0 : index
    %get3A_9 = vector.load %arg1[%get3A_7, %get3A_8] : memref<10000x128xf32, #tpu.memory_space<vmem>>, vector<10000x128xf32>
    %mul3A_10 = vector.broadcast %get3A_1 : vector<10000x1xf32> to vector<10000x128xf32>
    %mul3A_11 = arith.mulf %mul3A_10, %get3A_9 : vector<10000x128xf32>
    %mul3A_12 = arith.constant 1.000000e+00 : f32
    %mul3A_13 = vector.broadcast %mul3A_12 : f32 to vector<10000x128xf32>
    %mul3A_14 = arith.mulf %mul3A_13, %mul3A_11 : vector<10000x128xf32>
    %add3A = arith.addf %mul3A_6, %mul3A_14 : vector<10000x128xf32>
    %swap3A = arith.constant 0 : index
    %swap3A_15 = arith.constant 0 : index
    %swap3A_16 = vector.load %arg4[%swap3A, %swap3A_15] : memref<10000x128xf32, #tpu.memory_space<vmem>>, vector<10000x128xf32>
    tpu.vector_store %arg4[%swap3A, %swap3A_15], %add3A {strides = array<i32>} : memref<10000x128xf32, #tpu.memory_space<vmem>>, vector<10000x128xf32>,
    %mul3A_17 = vector.broadcast %get3A_1 : vector<10000x1xf32> to vector<10000x128xf32>
    %mul3A_18 = arith.mulf %mul3A_17, %add3A : vector<10000x128xf32>
    %swap3A_19 = arith.constant 0 : index
    %swap3A_20 = arith.constant 0 : index
    %swap3A_21 = vector.load %arg5[%swap3A_19, %swap3A_20] : memref<10000x128xf32, #tpu.memory_space<vmem>>, vector<10000x128xf32>
    tpu.vector_store %arg5[%swap3A_19, %swap3A_20], %mul3A_18 {strides = array<i32>} : memref<10000x128xf32, #tpu.memory_space<vmem>>, vector<10000x128xf32>,
    %add3A_22 = arith.addf %add3A, %get3A_4 : vector<10000x128xf32>
    %mul3A_23 = arith.constant 5.000000e-01 : f32
    %mul3A_24 = vector.broadcast %mul3A_23 : f32 to vector<10000x128xf32>
    %mul3A_25 = arith.mulf %mul3A_24, %add3A_22 : vector<10000x128xf32>
    %add3A_26 = arith.constant 0.000000e+00 : f32
    %add3A_27 = vector.broadcast %add3A_26 : f32 to vector<10000x128xf32>
    %add3A_28 = arith.addf %add3A_27, %mul3A_25 : vector<10000x128xf32>
    %get3A_29 = arith.constant 0 : index
    %get3A_30 = arith.constant 0 : index
    %get3A_31 = vector.load %arg2[%get3A_29, %get3A_30] : memref<10000x128xf32, #tpu.memory_space<vmem>>, vector<10000x128xf32>
    %mul3A_32 = arith.constant 1.562500e-02 : f32
    %mul3A_33 = vector.broadcast %mul3A_32 : f32 to vector<10000x128xf32>
    %mul3A_34 = arith.mulf %mul3A_33, %get3A_31 : vector<10000x128xf32>
    %sub3A = arith.subf %add3A_28, %mul3A_34 : vector<10000x128xf32>
    %swap3A_35 = arith.constant 0 : index
    %swap3A_36 = arith.constant 0 : index
    %swap3A_37 = vector.load %arg6[%swap3A_35, %swap3A_36] : memref<10000x128xf32, #tpu.memory_space<vmem>>, vector<10000x128xf32>
    tpu.vector_store %arg6[%swap3A_35, %swap3A_36], %sub3A {strides = array<i32>} : memref<10000x128xf32, #tpu.memory_space<vmem>>, vector<10000x128xf32>,
    return
  }
}

module attributes {stable_mosaic.version = 14 : i64} {
  func.func @body(%arg0: memref<10000x128xf32, #tpu.memory_space<vmem>>, %arg1: memref<10000x128xf32, #tpu.memory_space<vmem>>, %arg2: memref<10000x128xf32, #tpu.memory_space<vmem>>, %arg3: memref<10000x1xf32, #tpu.memory_space<vmem>>, %arg4: memref<10000x128xf32, #tpu.memory_space<vmem>>, %arg5: memref<10000x128xf32, #tpu.memory_space<vmem>>, %arg6: memref<10000x128xf32, #tpu.memory_space<vmem>>, %arg7: memref<10000x128xf32, #tpu.memory_space<vmem>>) attributes {dimension_semantics = [], scalar_prefetch = 0 : i64, scratch_operands = 0 : i64, tpu.core_type = #tpu.core_type<tc>} {
    %get3A = arith.constant 0 : index
    %get3A_0 = arith.constant 0 : index
    %get3A_1 = vector.load %arg4[%get3A, %get3A_0] : memref<10000x128xf32, #tpu.memory_space<vmem>>, vector<10000x128xf32>
    %get3A_2 = arith.constant 0 : index
    %get3A_3 = arith.constant 0 : index
    %get3A_4 = vector.load %arg3[%get3A_2, %get3A_3] : memref<10000x1xf32, #tpu.memory_space<vmem>>, vector<10000x1xf32>
    %get3A_5 = arith.constant 0 : index
    %get3A_6 = arith.constant 0 : index
    %get3A_7 = vector.load %arg0[%get3A_5, %get3A_6] : memref<10000x128xf32, #tpu.memory_space<vmem>>, vector<10000x128xf32>
    %mul3A = arith.constant 1.000000e-01 : f32
    %mul3A_8 = vector.broadcast %mul3A : f32 to vector<10000x128xf32>
    %mul3A_9 = arith.mulf %mul3A_8, %get3A_7 : vector<10000x128xf32>
    %get3A_10 = arith.constant 0 : index
    %get3A_11 = arith.constant 0 : index
    %get3A_12 = vector.load %arg1[%get3A_10, %get3A_11] : memref<10000x128xf32, #tpu.memory_space<vmem>>, vector<10000x128xf32>
    %mul3A_13 = vector.broadcast %get3A_4 : vector<10000x1xf32> to vector<10000x128xf32>
    %mul3A_14 = arith.mulf %mul3A_13, %get3A_12 : vector<10000x128xf32>
    %mul3A_15 = arith.constant 0.899999976 : f32
    %mul3A_16 = vector.broadcast %mul3A_15 : f32 to vector<10000x128xf32>
    %mul3A_17 = arith.mulf %mul3A_16, %mul3A_14 : vector<10000x128xf32>
    %add3A = arith.addf %mul3A_9, %mul3A_17 : vector<10000x128xf32>
    %swap3A = arith.constant 0 : index
    %swap3A_18 = arith.constant 0 : index
    %swap3A_19 = vector.load %arg5[%swap3A, %swap3A_18] : memref<10000x128xf32, #tpu.memory_space<vmem>>, vector<10000x128xf32>
    tpu.vector_store %arg5[%swap3A, %swap3A_18], %add3A {strides = array<i32>} : memref<10000x128xf32, #tpu.memory_space<vmem>>, vector<10000x128xf32>,
    %mul3A_20 = vector.broadcast %get3A_4 : vector<10000x1xf32> to vector<10000x128xf32>
    %mul3A_21 = arith.mulf %mul3A_20, %add3A : vector<10000x128xf32>
    %swap3A_22 = arith.constant 0 : index
    %swap3A_23 = arith.constant 0 : index
    %swap3A_24 = vector.load %arg6[%swap3A_22, %swap3A_23] : memref<10000x128xf32, #tpu.memory_space<vmem>>, vector<10000x128xf32>
    tpu.vector_store %arg6[%swap3A_22, %swap3A_23], %mul3A_21 {strides = array<i32>} : memref<10000x128xf32, #tpu.memory_space<vmem>>, vector<10000x128xf32>,
    %add3A_25 = arith.addf %add3A, %get3A_7 : vector<10000x128xf32>
    %mul3A_26 = arith.constant 5.000000e-01 : f32
    %mul3A_27 = vector.broadcast %mul3A_26 : f32 to vector<10000x128xf32>
    %mul3A_28 = arith.mulf %mul3A_27, %add3A_25 : vector<10000x128xf32>
    %add3A_29 = arith.addf %get3A_1, %mul3A_28 : vector<10000x128xf32>
    %get3A_30 = arith.constant 0 : index
    %get3A_31 = arith.constant 0 : index
    %get3A_32 = vector.load %arg2[%get3A_30, %get3A_31] : memref<10000x128xf32, #tpu.memory_space<vmem>>, vector<10000x128xf32>
    %mul3A_33 = arith.constant 7.812500e-03 : f32
    %mul3A_34 = vector.broadcast %mul3A_33 : f32 to vector<10000x128xf32>
    %mul3A_35 = arith.mulf %mul3A_34, %get3A_32 : vector<10000x128xf32>
    %sub3A = arith.subf %add3A_29, %mul3A_35 : vector<10000x128xf32>
    %swap3A_36 = arith.constant 0 : index
    %swap3A_37 = arith.constant 0 : index
    %swap3A_38 = vector.load %arg7[%swap3A_36, %swap3A_37] : memref<10000x128xf32, #tpu.memory_space<vmem>>, vector<10000x128xf32>
    tpu.vector_store %arg7[%swap3A_36, %swap3A_37], %sub3A {strides = array<i32>} : memref<10000x128xf32, #tpu.memory_space<vmem>>, vector<10000x128xf32>,
    return
  }
}

module attributes {stable_mosaic.version = 14 : i64} {
  func.func @body(%arg0: memref<10000x128xf32, #tpu.memory_space<vmem>>, %arg1: memref<10000x128xf32, #tpu.memory_space<vmem>>, %arg2: memref<10000x128xf32, #tpu.memory_space<vmem>>, %arg3: memref<10000x1xf32, #tpu.memory_space<vmem>>, %arg4: memref<10000x128xf32, #tpu.memory_space<vmem>>, %arg5: memref<10000x128xf32, #tpu.memory_space<vmem>>, %arg6: memref<10000x128xf32, #tpu.memory_space<vmem>>, %arg7: memref<10000x128xf32, #tpu.memory_space<vmem>>) attributes {dimension_semantics = [], scalar_prefetch = 0 : i64, scratch_operands = 0 : i64, tpu.core_type = #tpu.core_type<tc>} {
    %get3A = arith.constant 0 : index
    %get3A_0 = arith.constant 0 : index
    %get3A_1 = vector.load %arg4[%get3A, %get3A_0] : memref<10000x128xf32, #tpu.memory_space<vmem>>, vector<10000x128xf32>
    %get3A_2 = arith.constant 0 : index
    %get3A_3 = arith.constant 0 : index
    %get3A_4 = vector.load %arg3[%get3A_2, %get3A_3] : memref<10000x1xf32, #tpu.memory_space<vmem>>, vector<10000x1xf32>
    %get3A_5 = arith.constant 0 : index
    %get3A_6 = arith.constant 0 : index
    %get3A_7 = vector.load %arg0[%get3A_5, %get3A_6] : memref<10000x128xf32, #tpu.memory_space<vmem>>, vector<10000x128xf32>
    %mul3A = arith.constant 1.900000e-01 : f32
    %mul3A_8 = vector.broadcast %mul3A : f32 to vector<10000x128xf32>
    %mul3A_9 = arith.mulf %mul3A_8, %get3A_7 : vector<10000x128xf32>
    %get3A_10 = arith.constant 0 : index
    %get3A_11 = arith.constant 0 : index
    %get3A_12 = vector.load %arg1[%get3A_10, %get3A_11] : memref<10000x128xf32, #tpu.memory_space<vmem>>, vector<10000x128xf32>
    %mul3A_13 = vector.broadcast %get3A_4 : vector<10000x1xf32> to vector<10000x128xf32>
    %mul3A_14 = arith.mulf %mul3A_13, %get3A_12 : vector<10000x128xf32>
    %mul3A_15 = arith.constant 8.100000e-01 : f32
    %mul3A_16 = vector.broadcast %mul3A_15 : f32 to vector<10000x128xf32>
    %mul3A_17 = arith.mulf %mul3A_16, %mul3A_14 : vector<10000x128xf32>
    %add3A = arith.addf %mul3A_9, %mul3A_17 : vector<10000x128xf32>
    %swap3A = arith.constant 0 : index
    %swap3A_18 = arith.constant 0 : index
    %swap3A_19 = vector.load %arg5[%swap3A, %swap3A_18] : memref<10000x128xf32, #tpu.memory_space<vmem>>, vector<10000x128xf32>
    tpu.vector_store %arg5[%swap3A, %swap3A_18], %add3A {strides = array<i32>} : memref<10000x128xf32, #tpu.memory_space<vmem>>, vector<10000x128xf32>,
    %mul3A_20 = vector.broadcast %get3A_4 : vector<10000x1xf32> to vector<10000x128xf32>
    %mul3A_21 = arith.mulf %mul3A_20, %add3A : vector<10000x128xf32>
    %swap3A_22 = arith.constant 0 : index
    %swap3A_23 = arith.constant 0 : index
    %swap3A_24 = vector.load %arg6[%swap3A_22, %swap3A_23] : memref<10000x128xf32, #tpu.memory_space<vmem>>, vector<10000x128xf32>
    tpu.vector_store %arg6[%swap3A_22, %swap3A_23], %mul3A_21 {strides = array<i32>} : memref<10000x128xf32, #tpu.memory_space<vmem>>, vector<10000x128xf32>,
    %add3A_25 = arith.addf %add3A, %get3A_7 : vector<10000x128xf32>
    %mul3A_26 = arith.constant 5.000000e-01 : f32
    %mul3A_27 = vector.broadcast %mul3A_26 : f32 to vector<10000x128xf32>
    %mul3A_28 = arith.mulf %mul3A_27, %add3A_25 : vector<10000x128xf32>
    %add3A_29 = arith.addf %get3A_1, %mul3A_28 : vector<10000x128xf32>
    %get3A_30 = arith.constant 0 : index
    %get3A_31 = arith.constant 0 : index
    %get3A_32 = vector.load %arg2[%get3A_30, %get3A_31] : memref<10000x128xf32, #tpu.memory_space<vmem>>, vector<10000x128xf32>
    %mul3A_33 = arith.constant 3.906250e-03 : f32
    %mul3A_34 = vector.broadcast %mul3A_33 : f32 to vector<10000x128xf32>
    %mul3A_35 = arith.mulf %mul3A_34, %get3A_32 : vector<10000x128xf32>
    %sub3A = arith.subf %add3A_29, %mul3A_35 : vector<10000x128xf32>
    %swap3A_36 = arith.constant 0 : index
    %swap3A_37 = arith.constant 0 : index
    %swap3A_38 = vector.load %arg7[%swap3A_36, %swap3A_37] : memref<10000x128xf32, #tpu.memory_space<vmem>>, vector<10000x128xf32>
    tpu.vector_store %arg7[%swap3A_36, %swap3A_37], %sub3A {strides = array<i32>} : memref<10000x128xf32, #tpu.memory_space<vmem>>, vector<10000x128xf32>,
    return
  }
}

module attributes {stable_mosaic.version = 14 : i64} {
  func.func @body(%arg0: memref<10000x128xf32, #tpu.memory_space<vmem>>, %arg1: memref<10000x128xf32, #tpu.memory_space<vmem>>, %arg2: memref<10000x128xf32, #tpu.memory_space<vmem>>, %arg3: memref<10000x128xf32, #tpu.memory_space<vmem>>, %arg4: memref<10000x1xf32, #tpu.memory_space<vmem>>, %arg5: memref<10000x128xf32, #tpu.memory_space<vmem>>, %arg6: memref<10000x128xf32, #tpu.memory_space<vmem>>) attributes {dimension_semantics = [], scalar_prefetch = 0 : i64, scratch_operands = 0 : i64, tpu.core_type = #tpu.core_type<tc>} {
    %get3A = arith.constant 0 : index
    %get3A_0 = arith.constant 0 : index
    %get3A_1 = vector.load %arg1[%get3A, %get3A_0] : memref<10000x128xf32, #tpu.memory_space<vmem>>, vector<10000x128xf32>
    %mul3A = arith.constant 2.710000e-01 : f32
    %mul3A_2 = vector.broadcast %mul3A : f32 to vector<10000x128xf32>
    %mul3A_3 = arith.mulf %mul3A_2, %get3A_1 : vector<10000x128xf32>
    %get3A_4 = arith.constant 0 : index
    %get3A_5 = arith.constant 0 : index
    %get3A_6 = vector.load %arg4[%get3A_4, %get3A_5] : memref<10000x1xf32, #tpu.memory_space<vmem>>, vector<10000x1xf32>
    %get3A_7 = arith.constant 0 : index
    %get3A_8 = arith.constant 0 : index
    %get3A_9 = vector.load %arg2[%get3A_7, %get3A_8] : memref<10000x128xf32, #tpu.memory_space<vmem>>, vector<10000x128xf32>
    %mul3A_10 = vector.broadcast %get3A_6 : vector<10000x1xf32> to vector<10000x128xf32>
    %mul3A_11 = arith.mulf %mul3A_10, %get3A_9 : vector<10000x128xf32>
    %mul3A_12 = arith.constant 7.290000e-01 : f32
    %mul3A_13 = vector.broadcast %mul3A_12 : f32 to vector<10000x128xf32>
    %mul3A_14 = arith.mulf %mul3A_13, %mul3A_11 : vector<10000x128xf32>
    %add3A = arith.addf %mul3A_3, %mul3A_14 : vector<10000x128xf32>
    %get3A_15 = arith.constant 0 : index
    %get3A_16 = arith.constant 0 : index
    %get3A_17 = vector.load %arg5[%get3A_15, %get3A_16] : memref<10000x128xf32, #tpu.memory_space<vmem>>, vector<10000x128xf32>
    %add3A_18 = arith.addf %add3A, %get3A_1 : vector<10000x128xf32>
    %mul3A_19 = arith.constant 5.000000e-01 : f32
    %mul3A_20 = vector.broadcast %mul3A_19 : f32 to vector<10000x128xf32>
    %mul3A_21 = arith.mulf %mul3A_20, %add3A_18 : vector<10000x128xf32>
    %add3A_22 = arith.addf %get3A_17, %mul3A_21 : vector<10000x128xf32>
    %get3A_23 = arith.constant 0 : index
    %get3A_24 = arith.constant 0 : index
    %get3A_25 = vector.load %arg3[%get3A_23, %get3A_24] : memref<10000x128xf32, #tpu.memory_space<vmem>>, vector<10000x128xf32>
    %mul3A_26 = arith.constant 0.001953125 : f32
    %mul3A_27 = vector.broadcast %mul3A_26 : f32 to vector<10000x128xf32>
    %mul3A_28 = arith.mulf %mul3A_27, %get3A_25 : vector<10000x128xf32>
    %sub3A = arith.subf %add3A_22, %mul3A_28 : vector<10000x128xf32>
    %get3A_29 = arith.constant 0 : index
    %get3A_30 = arith.constant 0 : index
    %get3A_31 = vector.load %arg0[%get3A_29, %get3A_30] : memref<10000x128xf32, #tpu.memory_space<vmem>>, vector<10000x128xf32>
    %mul3A_32 = arith.constant 1.500000e-01 : f32
    %mul3A_33 = vector.broadcast %mul3A_32 : f32 to vector<10000x128xf32>
    %mul3A_34 = arith.mulf %mul3A_33, %get3A_31 : vector<10000x128xf32>
    %mul3A_35 = arith.constant 2.125000e-01 : f32
    %mul3A_36 = vector.broadcast %mul3A_35 : f32 to vector<10000x128xf32>
    %mul3A_37 = arith.mulf %mul3A_36, %sub3A : vector<10000x128xf32>
    %add3A_38 = arith.addf %mul3A_34, %mul3A_37 : vector<10000x128xf32>
    %swap3A = arith.constant 0 : index
    %swap3A_39 = arith.constant 0 : index
    %swap3A_40 = vector.load %arg6[%swap3A, %swap3A_39] : memref<10000x128xf32, #tpu.memory_space<vmem>>, vector<10000x128xf32>
    tpu.vector_store %arg6[%swap3A, %swap3A_39], %add3A_38 {strides = array<i32>} : memref<10000x128xf32, #tpu.memory_space<vmem>>, vector<10000x128xf32>,
    return
  }
}

</mosaic_0001>

<sc_bundles>
// kernel: kernel.12.cloned.1.call-start
scs
__scs_entry_jumppad:
0x0: {  	(pc) =	sbr.rel $0x88, $3  }
0x1: {  	(tag) =	ssettag $0x0;
	lr =	simm.s32 $0x1  }
0x2: {  	[smem:$0x3F9F] =	sst lr;
	_ =	strace $0xD0000000  }
0x3: {  	_ = 	snop  }
0x4: {  	_ = 	snop  }
0x5: {  	_ = 	snop  }
0x6: {  	_ = 	snop  }
0x7: {  	_ = 	snop  }
__scs_overlays_trampoline_lowered:
0x8: {  	[smem:$0x3FAE] =	sst s0  }
0x9: {  	[smem:$0x3FAF] =	sst s1  }
0xa: {  	[smem:$0x3FB0] =	sst s2  }
0xb: {  	[smem:$0x3FB1] =	sst s3  }
0xc: {  	[smem:$0x3FB2] =	sst s4  }
0xd: {  	[smem:$0x3FB3] =	sst s5  }
0xe: {  	[smem:$0x3FB4] =	sst s6  }
0xf: {  	[smem:$0x3FB5] =	sst s7  }
0x10: {  	[smem:$0x3FB6] =	sst s8  }
0x11: {  	[smem:$0x3FB7] =	sst s9;
	s0 =	simm.s32 @!p0 $0x0  }
0x12: {  	s1 =	sld [smem:$0x3F9D];
	s0 =	simm.s32 @p0 $0x1  }
0x13: {  	[smem:$0x3FB8] =	sst s0;
	s0 =	simm.s32 @!p1 $0x0  }
0x14: {  	s2 =	sld [smem:$0x3F9C];
	s0 =	simm.s32 @p1 $0x1  }
0x15: {  	[smem:$0x3FB9] =	sst s0;
	s0 =	simm.s32 @!p2 $0x0  }
0x16: {  	s3 =	sld [smem:$0x3FDB];
	s0 =	simm.s32 @p2 $0x1  }
0x17: {  	s4 =	simm.s32 $0x1BF5;
	[smem:$0x3FBB] =	sst s0  }
0x18: {  	s0 =	sld [smem:$0x3F9E];
	_ =	swait.ge [sflag:s4], $0x0  }
0x19: {  	s7 =	sld [smem:$0x3F9F]  }
0x1a: {  	s8 =	sadd.s32 $0xFFFFE003, lr  }
0x1b: {  	s9 =	sadd.s32 $0xFFFFFEF7, lr;
	s5 =	simm.s32 $0xFFFFFFFF;
	p2 =	slt.u32 s8, $0xFFFFF086  }
0x1c: {  	p1 =	slt.u32 s9, $0xF7A;
	s5 =	simm.s32 @!p2 $0x0  }
0x1d: {  	s5 =	simm.s32 @p1 $0x1;
	p0 =	seq.s32 s7, s2  }
0x1e: {  	s7 =	smul.u32 @!p0 $0xF7A, s2;
	p2 =	seq.s32 @!p0 s5, $0x0  }
0x1f: {  	s9 =	smul.u32 $0xF7A, s1;
	s8 =	simm.s32 @!p0 $0x1BF5;
	p2 =	por !p2, p0  }
0x20: {  	[sflag:s8] =	ssyncset.s32 @!p0 $0xFFFFF086;
	s6 =	sadd.s32 @!p0 s3, s7;
	s7 =	simm.s32 @!p0 $0x108  }
0x21: {  	s3 =	sadd.s32 s3, s9;
	s6 =	sadd.s32 @!p0 $0x88, s6;
	s7 =	simm.s32 @p2 $0x1082  }
0x22: {  	[simem:s7], [sflag:s8] =	dma.local @!p0 [hbm:s6], $0xF7A  }
0x23: {  	s9 =	sor.u32 $0xD0000000, s2;
	s6 =	simm.s32 $0x108;
	_ =	swait.ge @!p0 [sflag:s8], $0x0  }
0x24: {  	s3 =	sadd.s32 $0x88, s3;
	s6 =	simm.s32 @!p1 $0x1082;
	[sflag:s4] =	ssyncset.s32 $0xFFFFF086  }
0x25: {  	[simem:s6], [sflag:s4] =	dma.local [hbm:s3], $0xF7A  }
0x26: {  	[smem:$0x3F9F] =	sst s1;
	(tag) =	ssettag s2;
	_ =	strace s9  }
0x27: {  	s1 =	sld [smem:$0x3FAF]  }
0x28: {  	s2 =	sld [smem:$0x3FB0]  }
0x29: {  	s4 =	sld [smem:$0x3FB2]  }
0x2a: {  	p0 =	seq.s32 s5, $0x0;
	s5 =	sld [smem:$0x3FB3]  }
0x2b: {  	s6 =	sld [smem:$0x3FB4]  }
0x2c: {  	s7 =	sld [smem:$0x3FB5]  }
0x2d: {  	s3 =	simm.s32 $0x108;
	s8 =	sld [smem:$0x3FB6]  }
0x2e: {  	s3 =	simm.s32 @!p0 $0x1082;
	s9 =	sld [smem:$0x3FB7]  }
0x2f: {  	lr =	sadd.s32 s0, s3;
	s0 =	sld [smem:$0x3FAE]  }
0x30: {  	s3 =	sld [smem:$0x3FB1]  }
0x31: {  	[smem:$0x3FBA] =	sst s10  }
0x32: {  	s10 =	sld [smem:$0x3FB8];
	_ =	sdelay $0x3  }
0x33: {  	p0 =	seq.s32 s10, $0x1;
	s10 =	sld [smem:$0x3FBA];
	_ =	sdelay $0x3  }
0x34: {  	[smem:$0x3FBA] =	sst s10  }
0x35: {  	s10 =	sld [smem:$0x3FB9];
	_ =	sdelay $0x3  }
0x36: {  	p1 =	seq.s32 s10, $0x1;
	s10 =	sld [smem:$0x3FBA];
	_ =	sdelay $0x3  }
0x37: {  	[smem:$0x3FBA] =	sst s10  }
0x38: {  	s10 =	sld [smem:$0x3FBB]  }
0x39: {  	_ = 	snop;
	(pc) =	sbr.ind lr, $3  }
0x3a: {  	_ = 	snop  }
0x3b: {  	_ = 	snop  }
0x3c: {  	p2 =	seq.s32 s10, $0x1;
	s10 =	sld [smem:$0x3FBA]  }
0x3d: {  	_ =	shalt  }
0x3e: {  	_ =	shalt  }
0x3f: {  	_ =	shalt  }
0x40: {  	_ =	shalt  }
0x41: {  	_ =	shalt  }
0x42: {  	_ =	shalt  }
0x43: {  	_ =	shalt  }
0x44: {  	_ =	shalt  }
0x45: {  	_ =	shalt  }
0x46: {  	_ =	shalt  }
0x47: {  	_ =	shalt  }
0x48: {  	_ =	shalt  }
0x49: {  	_ =	shalt  }
0x4a: {  	_ =	shalt  }
0x4b: {  	_ =	shalt  }
0x4c: {  	_ =	shalt  }
0x4d: {  	_ =	shalt  }
0x4e: {  	_ =	shalt  }
0x4f: {  	_ =	shalt  }
0x50: {  	_ =	shalt  }
0x51: {  	_ =	shalt  }
0x52: {  	_ =	shalt  }
0x53: {  	_ =	shalt  }
0x54: {  	_ =	shalt  }
0x55: {  	_ =	shalt  }
0x56: {  	_ =	shalt  }
0x57: {  	_ =	shalt  }
0x58: {  	_ =	shalt  }
0x59: {  	_ =	shalt  }
0x5a: {  	_ =	shalt  }
0x5b: {  	_ =	shalt  }
0x5c: {  	_ =	shalt  }
0x5d: {  	_ =	shalt  }
0x5e: {  	_ =	shalt  }
0x5f: {  	_ =	shalt  }
0x60: {  	_ =	shalt  }
0x61: {  	_ =	shalt  }
0x62: {  	_ =	shalt  }
0x63: {  	_ =	shalt  }
0x64: {  	_ =	shalt  }
0x65: {  	_ =	shalt  }
0x66: {  	_ =	shalt  }
0x67: {  	_ =	shalt  }
0x68: {  	_ =	shalt  }
0x69: {  	_ =	shalt  }
0x6a: {  	_ =	shalt  }
0x6b: {  	_ =	shalt  }
0x6c: {  	_ =	shalt  }
0x6d: {  	_ =	shalt  }
0x6e: {  	_ =	shalt  }
0x6f: {  	_ =	shalt  }
0x70: {  	_ =	shalt  }
0x71: {  	_ =	shalt  }
0x72: {  	_ =	shalt  }
0x73: {  	_ =	shalt  }
0x74: {  	_ =	shalt  }
0x75: {  	_ =	shalt  }
0x76: {  	_ =	shalt  }
0x77: {  	_ =	shalt  }
0x78: {  	_ =	shalt  }
0x79: {  	_ =	shalt  }
0x7a: {  	_ =	shalt  }
0x7b: {  	_ =	shalt  }
0x7c: {  	_ =	shalt  }
0x7d: {  	_ =	shalt  }
0x7e: {  	_ =	shalt  }
0x7f: {  	_ =	shalt  }
0x80: {  	_ =	shalt  }
0x81: {  	_ =	shalt  }
0x82: {  	_ =	shalt  }
0x83: {  	_ =	shalt  }
0x84: {  	_ =	shalt  }
0x85: {  	_ =	shalt  }
0x86: {  	_ =	shalt  }
0x87: {  	_ =	shalt  }
.Lfunc_end0:
.L_simem_size_0:
called_computation_lowered:
.L_overlay_start_0:
0x88: {  	s2 =	sld [smem:$0x3FD9]  }
0x89: {  	s3 =	sld [smem:$0x3FFE];
	_ =	sdelay $0x1  }
0x8a: {  	s1 =	srdreg.scid  }
0x8b: {  	s0 =	sand.u32 $0x1, s1  }
0x8c: {  	s17 =	sshll.u32 s0, $0xA;
	s2 =	sadd.s32 s3, s2  }
0x8d: {  	s2 =	sadd.s32 s2, s17  }
0x8e: {  	[smem:$0x3FC6] =	sst s2  }
0x8f: {  	_ = 	snop  }
0x90: {  	s2 =	sld [smem:$0x3FD0];
	(tm) =	ssettm $0x1  }
0x91: {  	s18 =	sld [smem:$0x3FFB];
	_ =	sdelay $0x3  }
0x92: {  	_ =	strace s18  }
0x93: {  	s3 =	sld [smem:$0x3FFC];
	_ =	sdelay $0x3  }
0x94: {  	_ =	strace s3  }
0x95: {  	s3 =	sld [smem:$0x3FFD];
	_ =	sdelay $0x3  }
0x96: {  	_ =	strace s3  }
0x97: {  	_ =	strace $0x8FFFFFFF  }
0x98: {  	s19 =	sld [smem:$0x3FDB];
	_ =	sdelay $0x1  }
0x99: {  	s4 =	simm.s32 $_scs_section_size  }
0x9a: {  	s5 =	simm.s32 $_size__tile_overlayer_lowered;
	s6 =	simm.s32 $_tile_overlayer_lowered  }
0x9b: {  	s22 =	simm.s32 $0x1BFF;
	s21 =	sshll.u32 s6, $0x1;
	s3 =	sadd.s32 s4, s19  }
0x9c: {  	s7 =	simm.s32 $0x0;
	s20 =	sshll.u32 s5, $0x1;
	s5 =	sadd.s32 s21, s3  }
0x9d: {  	[timem:s7], [sflag:s22] =	dma.local [hbm:s5], s20  }
0x9e: {  	_ =	swait.ge [sflag:s22], s20  }
0x9f: {  	s4 =	ssub.s32 $0x0, s20;
	[sflag:s22] =	ssyncset.done $0x0  }
0xa0: {  	[sflag:s22] =	ssyncadd.s32 s4;
	_ =	sdelay $0x1  }
0xa1: {  	s23 =	simm.s32 $0x1B8B  }
0xa2: {  	_ =	swait.ge [sflag:s23], $0x1  }
0xa3: {  	[sflag:s23] =	ssyncset.done $0x0  }
0xa4: {  	s25 =	simm.s32 $0x1B8E;
	s24 =	sld [smem:$0x3FFE];
	[sflag:s23] =	ssyncadd.s32 $0xFFFFFFFF  }
0xa5: {  	s26 =	simm.s32 $execute0_lowered;
	[smem:$0x3FD2] =	sst s25  }
0xa6: {  	s5 =	sshll.u32 s26, $0x1;
	_ =	strace $0x80000046;
	[dreg:$0x1] =	wrdreg $0xFFFFFFFF  }
0xa7: {  	s28 =	simm.s32 $_size_execute0_lowered;
	s3 =	sadd.s32 s3, s5;
	[dreg:$0x0] =	wrdreg $0x0  }
0xa8: {  	s5 =	sshll.u32 s28, $0x1;
	[dreg:$0x2] =	wrdreg s3  }
0xa9: {  	[dreg:$0x3] =	wrdreg s5  }
0xaa: {  	[dreg:$0x4] =	wrdreg $0xC0  }
0xab: {  	_ =	task [dreg:s7], $0x5FFFF  }
0xac: {  	[dreg:$0x1] =	wrdreg $0xFFFFFFFF  }
0xad: {  	[dreg:$0x0] =	wrdreg $0x60  }
0xae: {  	[dreg:$0x2] =	wrdreg s2  }
0xaf: {  	[dreg:$0x3] =	wrdreg s24  }
0xb0: {  	[dreg:$0x4] =	wrdreg $0x0  }
0xb1: {  	[dreg:$0x5] =	wrdreg $0x9  }
0xb2: {  	_ =	task.clear_ibuf [dreg:s7], $0x6FFFF;
	_ =	strace $0x90000046  }
0xb3: {  	s29 =	simm.s32 $0x9;
	_ =	strace $0x80000048  }
0xb4: {  	_ =	swait.ge [sflag:s29], $0x1  }
0xb5: {  	[sflag:s29] =	ssyncadd.s32 $0xFFFFFFFF  }
0xb6: {  	_ =	strace $0x90000048  }
0xb7: {  	_ =	sfence  }
0xb8: {  	s30 =	sld [smem:$0x0];
	_ =	sdelay $0x2  }
0xb9: {  	s31 =	sshll.u32 s1, $0xD;
	s1 =	sshrl.u32 s1, $0x2  }
0xba: {  	s3 =	sand.u32 $0x4000, s31;
	s1 =	sadd.s32 s1, s30  }
0xbb: {  	s0 =	sor.u32 s3, s0;
	s1 =	sshll.u32 s1, $0x11  }
0xbc: {  	s0 =	sor.u32 s1, s0  }
0xbd: {  	s0 =	sadd.s32 $0x8F2B, s0  }
0xbe: {  	[sflag:s0] =	ssyncadd.remote.s32 $0x1  }
0xbf: {  	_ =	sfence.sel $0xFFFF  }
0xc0: {  	[dreg:$0x0] =	wrdreg $0xFFFFFFFF;
	(pc) =	sbr.abs _section_cstart, $3  }
0xc1: {  	[dreg:$0x1] =	wrdreg $0xFFFFFFFF  }
0xc2: {  	_ =	task.clear_ibuf [dreg:s7], $0x2FFFF;
	_ =	strace $0x9FFFFFFF  }
0xc3: {  	(tm) =	ssettm $0x7FFFFFFF  }
tec
execute0_lowered:
.L_overlay_start_1:
0x0: {  	(tag) =	ssettag $0x1  }
0x1: {  	s17 =	rddreg [dreg:$0x0]  }
0x2: {  	s7 =	rddreg [dreg:$0x1];
	s1 =	srdreg.scid  }
0x3: {  	s0 =	stileid.u32;
	s2 =	rddreg [dreg:$0x2];
	s3 =	simm.s32 $0x0  }
0x4: {  	s20 =	simm.s32 $0x17C00;
	s21 =	simm.s32 $0x80;
	s6 =	smul.u32 $0x278, s0  }
0x5: {  	s13 =	sand.u32 $0x1, s1;
	s1 =	rddreg [dreg:$0x3];
	s9 =	smul.u32 $0x4F000, s0  }
0x6: {  	s22 =	simm.s32 $0x0;
	[smem:$0x7FF] =	sst s3;
	s19 =	smul.u32 $0x4F0, s0  }
0x7: {  	s4 =	sadd.s32 $0x7E00, s7;
	s5 =	sadd.s32 $0x7600, s7;
	s8 =	smul.u32 $0x2780, s13  }
0x8: {  	_ =	strace $0x80000047;
	s31 =	ssub.s32 $0x2, s13;
	s18 =	smul.u32 $0x4F00, s13  }
0x9: {  	s9 =	sshrl.u32 s9, $0x2;
	s11 =	sshrl.u32 s31, $0x1;
	s6 =	sadd.s32 s6, s8  }
0xa: {  	s16 =	ssub.s32 s31, s11;
	s17 =	sadd.s32 s18, s17;
	s18 =	simm.s32 $0x13C00  }
0xb: {  	s10 =	sshll.u32 s6, $0x4;
	s6 =	sadd.s32 s9, s2;
	s16 =	smax.u32 s16, $0x1  }
0xc: {  	s17 =	sadd.s32 s19, s17;
	s19 =	simm.s32 $0x1;
	s15 =	sadd.s32 s10, s7  }
0xd: {  	s7 =	sadd.s32 $0x4000, s6;
	s8 =	sadd.s32 $0x8000, s6;
	s9 =	sadd.s32 $0xC000, s6  }
0xe: {  	s10 =	sadd.s32 $0x10000, s6;
	s11 =	sadd.s32 $0x8600, s15;
	s12 =	sadd.s32 $0x8E00, s15  }
0xf: {  	s13 =	sadd.s32 $0x9600, s15;
	s14 =	sadd.s32 $0x9E00, s15;
	s15 =	sadd.s32 $0xA600, s15  }
.LBB2_1:
0x10: {  	[tilespmem:s18], [sflag:$0x1] =	stream.linear.gather [hbm4b:s5+s3], $0x4000, $0x38;
	[tilespmem:$0x17C80] =	vst v63  }
0x11: {  	_ =	swait.ge [sflag:s19], $0x4000  }
0x12: {  	[sflag:s19] =	ssyncset.done $0x0  }
0x13: {  	[sflag:s19] =	ssyncadd.s32 $0xFFFFC000  }
0x14: {  	[spmem:s6] =	stream.linear.scatter [tilespmem:s18], [sflag:$0x1], $0x4000, $0x38;
	[tilespmem:$0x17C80] =	vst v63  }
0x15: {  	_ =	swait.ge [sflag:s19], $0x4000  }
0x16: {  	[sflag:s19] =	ssyncset.done $0x0  }
0x17: {  	[sflag:s19] =	ssyncadd.s32 $0xFFFFC000  }
0x18: {  	[spmem:s7] =	stream.linear.scatter [tilespmem:s18], [sflag:$0x1], $0x4000, $0x38;
	[tilespmem:$0x17C80] =	vst v63  }
0x19: {  	_ =	swait.ge [sflag:s19], $0x4000  }
0x1a: {  	[sflag:s19] =	ssyncset.done $0x0  }
0x1b: {  	[sflag:s19] =	ssyncadd.s32 $0xFFFFC000  }
0x1c: {  	[spmem:s8] =	stream.linear.scatter [tilespmem:s18], [sflag:$0x1], $0x4000, $0x38;
	[tilespmem:$0x17C80] =	vst v63  }
0x1d: {  	_ =	swait.ge [sflag:s19], $0x4000  }
0x1e: {  	[sflag:s19] =	ssyncset.done $0x0  }
0x1f: {  	[sflag:s19] =	ssyncadd.s32 $0xFFFFC000  }
0x20: {  	[spmem:s9] =	stream.linear.scatter [tilespmem:s18], [sflag:$0x1], $0x4000, $0x38;
	[tilespmem:$0x17C80] =	vst v63  }
0x21: {  	_ =	swait.ge [sflag:s19], $0x4000  }
0x22: {  	[sflag:s19] =	ssyncset.done $0x0  }
0x23: {  	[sflag:s19] =	ssyncadd.s32 $0xFFFFC000  }
0x24: {  	[spmem:s10] =	stream.linear.scatter [tilespmem:s18], [sflag:$0x1], $0x3C00, $0x38;
	[tilespmem:$0x17C80] =	vst v63  }
0x25: {  	_ =	swait.ge [sflag:s19], $0x3C00  }
0x26: {  	[sflag:s19] =	ssyncset.done $0x0  }
0x27: {  	[sflag:s19] =	ssyncadd.s32 $0xFFFFC400  }
0x28: {  	[tilespmem:s18], [sflag:$0x1] =	stream.linear.gather [hbm4b:s4+s3], $0x4000, $0x38;
	[tilespmem:$0x17C80] =	vst v63  }
0x29: {  	_ =	swait.ge [sflag:s19], $0x4000  }
0x2a: {  	[sflag:s19] =	ssyncset.done $0x0  }
0x2b: {  	[sflag:s19] =	ssyncadd.s32 $0xFFFFC000  }
0x2c: {  	s23 =	sadd.s32 $0x0, s17;
	[bflag:$0x0] =	sbarrier.arrive $0xFFFF  }
0x2d: {  	[tilespmem:s20], [sflag:$0x1] =	stream.linear.gather [hbm4b:s23+s3], $0x80, $0x38;
	[tilespmem:$0x17C80] =	vst v63  }
0x2e: {  	_ =	swait.ge [sflag:s19], $0x80  }
0x2f: {  	[sflag:s19] =	ssyncset.done $0x0  }
0x30: {  	[sflag:s19] =	ssyncadd.s32 $0xFFFFFF80  }
0x31: {  	[spmem:s2] =	stream.indirect.scatter.add.f32 [tilespmem:s18], [sflag:$0x1], $0x80, s20, s21, $0xb8;
	[tilespmem:$0x17C80] =	vst v63  }
0x32: {  	_ =	swait.ge [sflag:s19], $0x4000  }
0x33: {  	s24 =	simm.s32 $0x20;
	s23 =	simm.s32 $0x10;
	[sflag:s19] =	ssyncset.done $0x0  }
.LBB2_2:
0x34: {  	s25 =	sadd.s32 s23, s17  }
0x35: {  	[sflag:s19] =	ssyncadd.s32 $0xFFFFC000;
	s23 =	smov.u32 s24;
	s26 =	sadd.s32 $0x10, s24  }
0x36: {  	[tilespmem:s20], [sflag:$0x1] =	stream.linear.gather [hbm4b:s25+s3], $0x80, $0x38;
	[tilespmem:$0x17C80] =	vst v63  }
0x37: {  	p0 =	sne.s32 s24, $0x4E0;
	_ =	swait.ge [sflag:s19], $0x80  }
.Ltmp0:
0x38: {  	[sflag:s19] =	ssyncset.done $0x0;
	(pc) =	sbr.rel @p0 .LBB2_2-.Ltmp0, $4  }
0x39: {  	[sflag:s19] =	ssyncadd.s32 $0xFFFFFF80  }
0x3a: {  	[spmem:s2] =	stream.indirect.scatter.add.f32 [tilespmem:s18], [sflag:$0x1], $0x80, s20, s21, $0xb8;
	[tilespmem:$0x17C80] =	vst v63  }
0x3b: {  	_ =	swait.ge [sflag:s19], $0x4000  }
0x3c: {  	s24 =	smov.u32 s26;
	[sflag:s19] =	ssyncset.done $0x0  }
0x3d: {  	s23 =	sadd.s32 s23, s17;
	[sflag:s19] =	ssyncadd.s32 $0xFFFFC000  }
0x3e: {  	[tilespmem:s20], [sflag:$0x1] =	stream.linear.gather [hbm4b:s23+s3], $0x80, $0x38;
	[tilespmem:$0x17C80] =	vst v63  }
0x3f: {  	_ =	swait.ge [sflag:s19], $0x80  }
0x40: {  	[sflag:s19] =	ssyncset.done $0x0  }
0x41: {  	[sflag:s19] =	ssyncadd.s32 $0xFFFFFF80  }
0x42: {  	[spmem:s2] =	stream.indirect.scatter.add.f32 [tilespmem:s18], [sflag:$0x1], $0x80, s20, s21, $0xb8;
	[tilespmem:$0x17C80] =	vst v63  }
0x43: {  	_ =	swait.ge [sflag:s19], $0x4000  }
0x44: {  	[sflag:s19] =	ssyncset.done $0x0  }
0x45: {  	[sflag:s19] =	ssyncadd.s32 $0xFFFFC000  }
0x46: {  	[bflag:$0x0] =	sbarrier.arrive $0xFFFF  }
0x47: {  	[tilespmem:s18], [sflag:$0x1] =	stream.linear.gather [spmem:s6], $0x4000, $0x38;
	[tilespmem:$0x17C80] =	vst v63  }
0x48: {  	_ =	swait.ge [sflag:s19], $0x4000  }
0x49: {  	[sflag:s19] =	ssyncset.done $0x0  }
0x4a: {  	[sflag:s19] =	ssyncadd.s32 $0xFFFFC000  }
0x4b: {  	[hbm4b:s11+s3] =	stream.linear.scatter [tilespmem:s18], [sflag:$0x1], $0x4000, $0x38;
	[tilespmem:$0x17C80] =	vst v63  }
0x4c: {  	_ =	swait.ge [sflag:s19], $0x4000  }
0x4d: {  	[sflag:s19] =	ssyncset.done $0x0  }
0x4e: {  	[sflag:s19] =	ssyncadd.s32 $0xFFFFC000  }
0x4f: {  	[tilespmem:s18], [sflag:$0x1] =	stream.linear.gather [spmem:s7], $0x4000, $0x38;
	[tilespmem:$0x17C80] =	vst v63  }
0x50: {  	_ =	swait.ge [sflag:s19], $0x4000  }
0x51: {  	[sflag:s19] =	ssyncset.done $0x0  }
0x52: {  	[sflag:s19] =	ssyncadd.s32 $0xFFFFC000  }
0x53: {  	[hbm4b:s12+s3] =	stream.linear.scatter [tilespmem:s18], [sflag:$0x1], $0x4000, $0x38;
	[tilespmem:$0x17C80] =	vst v63  }
0x54: {  	_ =	swait.ge [sflag:s19], $0x4000  }
0x55: {  	[sflag:s19] =	ssyncset.done $0x0  }
0x56: {  	[sflag:s19] =	ssyncadd.s32 $0xFFFFC000  }
0x57: {  	[tilespmem:s18], [sflag:$0x1] =	stream.linear.gather [spmem:s8], $0x4000, $0x38;
	[tilespmem:$0x17C80] =	vst v63  }
0x58: {  	_ =	swait.ge [sflag:s19], $0x4000  }
0x59: {  	[sflag:s19] =	ssyncset.done $0x0  }
0x5a: {  	[sflag:s19] =	ssyncadd.s32 $0xFFFFC000  }
0x5b: {  	[hbm4b:s13+s3] =	stream.linear.scatter [tilespmem:s18], [sflag:$0x1], $0x4000, $0x38;
	[tilespmem:$0x17C80] =	vst v63  }
0x5c: {  	_ =	swait.ge [sflag:s19], $0x4000  }
0x5d: {  	[sflag:s19] =	ssyncset.done $0x0  }
0x5e: {  	[sflag:s19] =	ssyncadd.s32 $0xFFFFC000  }
0x5f: {  	[tilespmem:s18], [sflag:$0x1] =	stream.linear.gather [spmem:s9], $0x4000, $0x38;
	[tilespmem:$0x17C80] =	vst v63  }
0x60: {  	_ =	swait.ge [sflag:s19], $0x4000  }
0x61: {  	[sflag:s19] =	ssyncset.done $0x0  }
0x62: {  	[sflag:s19] =	ssyncadd.s32 $0xFFFFC000  }
0x63: {  	[hbm4b:s14+s3] =	stream.linear.scatter [tilespmem:s18], [sflag:$0x1], $0x4000, $0x38;
	[tilespmem:$0x17C80] =	vst v63  }
0x64: {  	_ =	swait.ge [sflag:s19], $0x4000  }
0x65: {  	[sflag:s19] =	ssyncset.done $0x0  }
0x66: {  	[sflag:s19] =	ssyncadd.s32 $0xFFFFC000  }
0x67: {  	[tilespmem:s18], [sflag:$0x1] =	stream.linear.gather [spmem:s10], $0x3C00, $0x38;
	[tilespmem:$0x17C80] =	vst v63  }
0x68: {  	s22 =	sadd.s32 $0x1, s22;
	_ =	swait.ge [sflag:s19], $0x3C00  }
0x69: {  	p0 =	sne.s32 s22, s16;
	[sflag:s19] =	ssyncset.done $0x0  }
.Ltmp1:
0x6a: {  	[sflag:s19] =	ssyncadd.s32 $0xFFFFC400;
	(pc) =	sbr.rel @p0 .LBB2_1-.Ltmp1, $4  }
0x6b: {  	[hbm4b:s15+s3] =	stream.linear.scatter [tilespmem:s18], [sflag:$0x1], $0x3C00, $0x38;
	[tilespmem:$0x17C80] =	vst v63  }
0x6c: {  	_ =	swait.ge [sflag:s19], $0x3C00  }
0x6d: {  	[sflag:s19] =	ssyncset.done $0x0  }
0x6e: {  	[sflag:s19] =	ssyncadd.s32 $0xFFFFC400  }
0x6f: {  	_ =	sfence.sel $0x180000  }
0x70: {  	[bflag:$0x0] =	sbarrier.arrive $0xFFFF  }
0x71: {  	p0 =	sne.s32 s0, $0x0;
	_ =	strace $0x90000047  }
0x72: {  	s0 =	sadd.s32 @!p0 $0x100000, s1;
	[bflag:$0x2] =	sbarrier.arrive $0xFFFF  }
0x73: {  	[sflag:s0] =	ssyncadd.tile.s32 @!p0 $0x1;
	_ =	shalt  }
.Lfunc_end2:
_tile_overlayer_lowered:
.L_overlay_start_2:
0x74: {  	(tag) =	ssettag $0x2  }
0x75: {  	s0 =	rddreg [dreg:$0x0];
	s2 =	stileid.u32  }
0x76: {  	s1 =	rddreg [dreg:$0x1];
	p0 =	sne.s32 s2, $0x0  }
0x77: {  	s3 =	rddreg [dreg:$0x2];
	[bflag:$0x3] =	sbarrier.arrive $0xFFFF;
	s2 =	simm.s32 @!p0 $0x1C01  }
0x78: {  	[timem:s3], [sflag:s2] =	dma.local @!p0 [hbm:s0], s1  }
0x79: {  	s0 =	simm.s32 @!p0 $0x1  }
0x7a: {  	_ =	swait.ge @!p0 [sflag:s0], s1  }
0x7b: {  	s1 =	ssub.s32 @!p0 $0x0, s1;
	[sflag:s0] =	ssyncset.done @!p0 $0x0  }
0x7c: {  	[sflag:s0] =	ssyncadd.s32 @!p0 s1  }
0x7d: {  	[bflag:$0x3] =	sbarrier.arrive $0xFFFF  }
0x7e: {  	_ =	shalt  }

// kernel: kernel.15.cloned.1.call-start
scs
__scs_entry_jumppad:
0x0: {  	(pc) =	sbr.rel $0x88, $3  }
0x1: {  	(tag) =	ssettag $0x0;
	lr =	simm.s32 $0x1  }
0x2: {  	[smem:$0x3F9F] =	sst lr;
	_ =	strace $0xD0000000  }
0x3: {  	_ = 	snop  }
0x4: {  	_ = 	snop  }
0x5: {  	_ = 	snop  }
0x6: {  	_ = 	snop  }
0x7: {  	_ = 	snop  }
__scs_overlays_trampoline_lowered:
0x8: {  	[smem:$0x3FAE] =	sst s0  }
0x9: {  	[smem:$0x3FAF] =	sst s1  }
0xa: {  	[smem:$0x3FB0] =	sst s2  }
0xb: {  	[smem:$0x3FB1] =	sst s3  }
0xc: {  	[smem:$0x3FB2] =	sst s4  }
0xd: {  	[smem:$0x3FB3] =	sst s5  }
0xe: {  	[smem:$0x3FB4] =	sst s6  }
0xf: {  	[smem:$0x3FB5] =	sst s7  }
0x10: {  	[smem:$0x3FB6] =	sst s8  }
0x11: {  	[smem:$0x3FB7] =	sst s9;
	s0 =	simm.s32 @!p0 $0x0  }
0x12: {  	s1 =	sld [smem:$0x3F9D];
	s0 =	simm.s32 @p0 $0x1  }
0x13: {  	[smem:$0x3FB8] =	sst s0;
	s0 =	simm.s32 @!p1 $0x0  }
0x14: {  	s2 =	sld [smem:$0x3F9C];
	s0 =	simm.s32 @p1 $0x1  }
0x15: {  	[smem:$0x3FB9] =	sst s0;
	s0 =	simm.s32 @!p2 $0x0  }
0x16: {  	s3 =	sld [smem:$0x3FDB];
	s0 =	simm.s32 @p2 $0x1  }
0x17: {  	s4 =	simm.s32 $0x1BF5;
	[smem:$0x3FBB] =	sst s0  }
0x18: {  	s0 =	sld [smem:$0x3F9E];
	_ =	swait.ge [sflag:s4], $0x0  }
0x19: {  	s7 =	sld [smem:$0x3F9F]  }
0x1a: {  	s8 =	sadd.s32 $0xFFFFE003, lr  }
0x1b: {  	s9 =	sadd.s32 $0xFFFFFEF7, lr;
	s5 =	simm.s32 $0xFFFFFFFF;
	p2 =	slt.u32 s8, $0xFFFFF086  }
0x1c: {  	p1 =	slt.u32 s9, $0xF7A;
	s5 =	simm.s32 @!p2 $0x0  }
0x1d: {  	s5 =	simm.s32 @p1 $0x1;
	p0 =	seq.s32 s7, s2  }
0x1e: {  	s7 =	smul.u32 @!p0 $0xF7A, s2;
	p2 =	seq.s32 @!p0 s5, $0x0  }
0x1f: {  	s9 =	smul.u32 $0xF7A, s1;
	s8 =	simm.s32 @!p0 $0x1BF5;
	p2 =	por !p2, p0  }
0x20: {  	[sflag:s8] =	ssyncset.s32 @!p0 $0xFFFFF086;
	s6 =	sadd.s32 @!p0 s3, s7;
	s7 =	simm.s32 @!p0 $0x108  }
0x21: {  	s3 =	sadd.s32 s3, s9;
	s6 =	sadd.s32 @!p0 $0x88, s6;
	s7 =	simm.s32 @p2 $0x1082  }
0x22: {  	[simem:s7], [sflag:s8] =	dma.local @!p0 [hbm:s6], $0xF7A  }
0x23: {  	s9 =	sor.u32 $0xD0000000, s2;
	s6 =	simm.s32 $0x108;
	_ =	swait.ge @!p0 [sflag:s8], $0x0  }
0x24: {  	s3 =	sadd.s32 $0x88, s3;
	s6 =	simm.s32 @!p1 $0x1082;
	[sflag:s4] =	ssyncset.s32 $0xFFFFF086  }
0x25: {  	[simem:s6], [sflag:s4] =	dma.local [hbm:s3], $0xF7A  }
0x26: {  	[smem:$0x3F9F] =	sst s1;
	(tag) =	ssettag s2;
	_ =	strace s9  }
0x27: {  	s1 =	sld [smem:$0x3FAF]  }
0x28: {  	s2 =	sld [smem:$0x3FB0]  }
0x29: {  	s4 =	sld [smem:$0x3FB2]  }
0x2a: {  	p0 =	seq.s32 s5, $0x0;
	s5 =	sld [smem:$0x3FB3]  }
0x2b: {  	s6 =	sld [smem:$0x3FB4]  }
0x2c: {  	s7 =	sld [smem:$0x3FB5]  }
0x2d: {  	s3 =	simm.s32 $0x108;
	s8 =	sld [smem:$0x3FB6]  }
0x2e: {  	s3 =	simm.s32 @!p0 $0x1082;
	s9 =	sld [smem:$0x3FB7]  }
0x2f: {  	lr =	sadd.s32 s0, s3;
	s0 =	sld [smem:$0x3FAE]  }
0x30: {  	s3 =	sld [smem:$0x3FB1]  }
0x31: {  	[smem:$0x3FBA] =	sst s10  }
0x32: {  	s10 =	sld [smem:$0x3FB8];
	_ =	sdelay $0x3  }
0x33: {  	p0 =	seq.s32 s10, $0x1;
	s10 =	sld [smem:$0x3FBA];
	_ =	sdelay $0x3  }
0x34: {  	[smem:$0x3FBA] =	sst s10  }
0x35: {  	s10 =	sld [smem:$0x3FB9];
	_ =	sdelay $0x3  }
0x36: {  	p1 =	seq.s32 s10, $0x1;
	s10 =	sld [smem:$0x3FBA];
	_ =	sdelay $0x3  }
0x37: {  	[smem:$0x3FBA] =	sst s10  }
0x38: {  	s10 =	sld [smem:$0x3FBB]  }
0x39: {  	_ = 	snop;
	(pc) =	sbr.ind lr, $3  }
0x3a: {  	_ = 	snop  }
0x3b: {  	_ = 	snop  }
0x3c: {  	p2 =	seq.s32 s10, $0x1;
	s10 =	sld [smem:$0x3FBA]  }
0x3d: {  	_ =	shalt  }
0x3e: {  	_ =	shalt  }
0x3f: {  	_ =	shalt  }
0x40: {  	_ =	shalt  }
0x41: {  	_ =	shalt  }
0x42: {  	_ =	shalt  }
0x43: {  	_ =	shalt  }
0x44: {  	_ =	shalt  }
0x45: {  	_ =	shalt  }
0x46: {  	_ =	shalt  }
0x47: {  	_ =	shalt  }
0x48: {  	_ =	shalt  }
0x49: {  	_ =	shalt  }
0x4a: {  	_ =	shalt  }
0x4b: {  	_ =	shalt  }
0x4c: {  	_ =	shalt  }
0x4d: {  	_ =	shalt  }
0x4e: {  	_ =	shalt  }
0x4f: {  	_ =	shalt  }
0x50: {  	_ =	shalt  }
0x51: {  	_ =	shalt  }
0x52: {  	_ =	shalt  }
0x53: {  	_ =	shalt  }
0x54: {  	_ =	shalt  }
0x55: {  	_ =	shalt  }
0x56: {  	_ =	shalt  }
0x57: {  	_ =	shalt  }
0x58: {  	_ =	shalt  }
0x59: {  	_ =	shalt  }
0x5a: {  	_ =	shalt  }
0x5b: {  	_ =	shalt  }
0x5c: {  	_ =	shalt  }
0x5d: {  	_ =	shalt  }
0x5e: {  	_ =	shalt  }
0x5f: {  	_ =	shalt  }
0x60: {  	_ =	shalt  }
0x61: {  	_ =	shalt  }
0x62: {  	_ =	shalt  }
0x63: {  	_ =	shalt  }
0x64: {  	_ =	shalt  }
0x65: {  	_ =	shalt  }
0x66: {  	_ =	shalt  }
0x67: {  	_ =	shalt  }
0x68: {  	_ =	shalt  }
0x69: {  	_ =	shalt  }
0x6a: {  	_ =	shalt  }
0x6b: {  	_ =	shalt  }
0x6c: {  	_ =	shalt  }
0x6d: {  	_ =	shalt  }
0x6e: {  	_ =	shalt  }
0x6f: {  	_ =	shalt  }
0x70: {  	_ =	shalt  }
0x71: {  	_ =	shalt  }
0x72: {  	_ =	shalt  }
0x73: {  	_ =	shalt  }
0x74: {  	_ =	shalt  }
0x75: {  	_ =	shalt  }
0x76: {  	_ =	shalt  }
0x77: {  	_ =	shalt  }
0x78: {  	_ =	shalt  }
0x79: {  	_ =	shalt  }
0x7a: {  	_ =	shalt  }
0x7b: {  	_ =	shalt  }
0x7c: {  	_ =	shalt  }
0x7d: {  	_ =	shalt  }
0x7e: {  	_ =	shalt  }
0x7f: {  	_ =	shalt  }
0x80: {  	_ =	shalt  }
0x81: {  	_ =	shalt  }
0x82: {  	_ =	shalt  }
0x83: {  	_ =	shalt  }
0x84: {  	_ =	shalt  }
0x85: {  	_ =	shalt  }
0x86: {  	_ =	shalt  }
0x87: {  	_ =	shalt  }
.Lfunc_end0:
.L_simem_size_0:
called_computation.1_lowered:
.L_overlay_start_0:
0x88: {  	s2 =	sld [smem:$0x3FD9]  }
0x89: {  	s3 =	sld [smem:$0x3FFE];
	_ =	sdelay $0x1  }
0x8a: {  	s1 =	srdreg.scid  }
0x8b: {  	s0 =	sand.u32 $0x1, s1  }
0x8c: {  	s17 =	sshll.u32 s0, $0xA;
	s2 =	sadd.s32 s3, s2  }
0x8d: {  	s2 =	sadd.s32 s2, s17  }
0x8e: {  	[smem:$0x3FC6] =	sst s2  }
0x8f: {  	_ = 	snop  }
0x90: {  	s2 =	sld [smem:$0x3FC9]  }
0x91: {  	s18 =	sld [smem:$0x3FD0];
	(tm) =	ssettm $0x1  }
0x92: {  	s4 =	sld [smem:$0x3FFB];
	_ =	sdelay $0x3  }
0x93: {  	_ =	strace s4  }
0x94: {  	s4 =	sld [smem:$0x3FFC];
	_ =	sdelay $0x3  }
0x95: {  	_ =	strace s4  }
0x96: {  	s4 =	sld [smem:$0x3FFD];
	_ =	sdelay $0x3  }
0x97: {  	_ =	strace s4  }
0x98: {  	_ =	strace $0x8FFFFFFF  }
0x99: {  	s19 =	sld [smem:$0x3FDB];
	_ =	sdelay $0x1  }
0x9a: {  	s5 =	simm.s32 $_scs_section_size  }
0x9b: {  	s6 =	simm.s32 $_size__tile_overlayer_lowered;
	s7 =	simm.s32 $_tile_overlayer_lowered  }
0x9c: {  	s22 =	simm.s32 $0x1BFF;
	s21 =	sshll.u32 s7, $0x1;
	s4 =	sadd.s32 s5, s19  }
0x9d: {  	s8 =	simm.s32 $0x0;
	s20 =	sshll.u32 s6, $0x1;
	s6 =	sadd.s32 s21, s4  }
0x9e: {  	[timem:s8], [sflag:s22] =	dma.local [hbm:s6], s20  }
0x9f: {  	_ =	swait.ge [sflag:s22], s20  }
0xa0: {  	s5 =	ssub.s32 $0x0, s20;
	[sflag:s22] =	ssyncset.done $0x0  }
0xa1: {  	[sflag:s22] =	ssyncadd.s32 s5;
	_ =	sdelay $0x1  }
0xa2: {  	s23 =	simm.s32 $0x1B8B  }
0xa3: {  	_ =	swait.ge [sflag:s23], $0x1  }
0xa4: {  	[sflag:s23] =	ssyncset.done $0x0  }
0xa5: {  	s25 =	simm.s32 $0x1B8E;
	s24 =	sld [smem:$0x3FFE];
	[sflag:s23] =	ssyncadd.s32 $0xFFFFFFFF  }
0xa6: {  	s26 =	simm.s32 $execute0_lowered;
	[smem:$0x3FD2] =	sst s25  }
0xa7: {  	s6 =	sshll.u32 s26, $0x1;
	_ =	strace $0x80000049;
	[dreg:$0x1] =	wrdreg $0xFFFFFFFF  }
0xa8: {  	s28 =	simm.s32 $_size_execute0_lowered;
	s4 =	sadd.s32 s4, s6;
	[dreg:$0x0] =	wrdreg $0x0  }
0xa9: {  	s6 =	sshll.u32 s28, $0x1;
	[dreg:$0x2] =	wrdreg s4  }
0xaa: {  	[dreg:$0x3] =	wrdreg s6  }
0xab: {  	[dreg:$0x4] =	wrdreg $0xC0  }
0xac: {  	_ =	task [dreg:s8], $0x5FFFF  }
0xad: {  	[dreg:$0x1] =	wrdreg $0xFFFFFFFF  }
0xae: {  	[dreg:$0x0] =	wrdreg $0x60  }
0xaf: {  	[dreg:$0x2] =	wrdreg s18  }
0xb0: {  	[dreg:$0x3] =	wrdreg s2  }
0xb1: {  	[dreg:$0x4] =	wrdreg s24  }
0xb2: {  	[dreg:$0x5] =	wrdreg $0x0  }
0xb3: {  	[dreg:$0x6] =	wrdreg $0x9  }
0xb4: {  	_ =	task.clear_ibuf [dreg:s8], $0x7FFFF;
	_ =	strace $0x90000049  }
0xb5: {  	s29 =	simm.s32 $0x9;
	_ =	strace $0x8000004B  }
0xb6: {  	_ =	swait.ge [sflag:s29], $0x1  }
0xb7: {  	[sflag:s29] =	ssyncadd.s32 $0xFFFFFFFF  }
0xb8: {  	_ =	strace $0x9000004B  }
0xb9: {  	_ =	sfence  }
0xba: {  	s30 =	sld [smem:$0x0];
	_ =	sdelay $0x2  }
0xbb: {  	s31 =	sshll.u32 s1, $0xD;
	s1 =	sshrl.u32 s1, $0x2  }
0xbc: {  	s3 =	sand.u32 $0x4000, s31;
	s1 =	sadd.s32 s1, s30  }
0xbd: {  	s0 =	sor.u32 s3, s0;
	s1 =	sshll.u32 s1, $0x11  }
0xbe: {  	s0 =	sor.u32 s1, s0  }
0xbf: {  	s0 =	sadd.s32 $0x8F2B, s0  }
0xc0: {  	[sflag:s0] =	ssyncadd.remote.s32 $0x1  }
0xc1: {  	_ =	sfence.sel $0xFFFF  }
0xc2: {  	[dreg:$0x0] =	wrdreg $0xFFFFFFFF;
	(pc) =	sbr.abs _section_cstart, $3  }
0xc3: {  	[dreg:$0x1] =	wrdreg $0xFFFFFFFF  }
0xc4: {  	_ =	task.clear_ibuf [dreg:s8], $0x2FFFF;
	_ =	strace $0x9FFFFFFF  }
0xc5: {  	(tm) =	ssettm $0x7FFFFFFF  }
tec
execute0_lowered:
.L_overlay_start_1:
0x0: {  	(tag) =	ssettag $0x1  }
0x1: {  	s2 =	rddreg [dreg:$0x0]  }
0x2: {  	s3 =	rddreg [dreg:$0x1]  }
0x3: {  	s0 =	rddreg [dreg:$0x2]  }
0x4: {  	s4 =	rddreg [dreg:$0x3];
	s6 =	stileid.u32  }
0x5: {  	s5 =	simm.s32 $0x0;
	s8 =	srdreg.scid;
	s28 =	simm.s32 $0x17C80  }
0x6: {  	s29 =	simm.s32 $0x80;
	s30 =	simm.s32 $0x1;
	s31 =	simm.s32 $0x0  }
0x7: {  	s1 =	smul.u32 $0x9D0, s6;
	[smem:$0x7FF] =	sst s5;
	s7 =	sadd.s32 $0x7600, s0  }
0x8: {  	s11 =	smul.u32 $0x278, s6;
	s22 =	sadd.s32 $0x75000, s0;
	s24 =	sand.u32 $0x1, s8  }
0x9: {  	s9 =	smul.u32 $0x4F000, s6;
	_ =	strace $0x8000004A;
	[dreg:$0x5] =	wrdreg s7  }
0xa: {  	s14 =	smul.u32 $0x2780, s6;
	[dreg:$0x6] =	wrdreg s22;
	s23 =	ssub.s32 $0x2, s24  }
0xb: {  	p0 =	sne.s32 s24, $0x0;
	s24 =	simm.s32 $0x13C00;
	s1 =	sadd.s32 s1, s0  }
0xc: {  	s0 =	sadd.s32 $0x9C800, s0;
	s15 =	sadd.s32 $0x80, s11;
	s10 =	sshrl.u32 s23, $0x1  }
0xd: {  	s9 =	sshrl.u32 s9, $0x2;
	s16 =	sadd.s32 $0x100, s11;
	s17 =	sadd.s32 $0x180, s11  }
0xe: {  	s18 =	sadd.s32 $0x200, s11;
	[dreg:$0x7] =	wrdreg s0;
	s12 =	sshll.u32 s15, $0x7  }
0xf: {  	s0 =	ssub.s32 s23, s10;
	s9 =	sadd.s32 s9, s4;
	s25 =	sshll.u32 s16, $0x7  }
0x10: {  	s26 =	sshll.u32 s17, $0x7;
	s13 =	sshll.u32 s18, $0x7;
	s15 =	sshll.u32 s15, $0x4  }
.Ltmp0:
0x11: {  	s16 =	sshll.u32 s16, $0x4;
	s17 =	sshll.u32 s17, $0x4;
	(pc) =	sbr.rel .LBB2_1-.Ltmp0, $4  }
0x12: {  	s18 =	sshll.u32 s18, $0x4;
	s20 =	sadd.s32 $0x2F000, s1;
	s21 =	sadd.s32 $0x6B200, s1  }
0x13: {  	s22 =	sadd.s32 $0x57600, s1;
	s23 =	sadd.s32 $0x61400, s1;
	s10 =	sadd.s32 s12, s4  }
0x14: {  	s11 =	sadd.s32 s25, s4;
	s12 =	sadd.s32 s26, s4;
	s13 =	sadd.s32 s13, s4  }
0x15: {  	s19 =	smax.u32 s0, $0x1;
	s25 =	simm.s32 $0x2;
	s26 =	simm.s32 $0x17C00  }
.LBB2_7:
0x16: {  	s1 =	sadd.s32 s0, s21;
	[sflag:s25] =	ssyncadd.s32 $0xFFFFC000  }
0x17: {  	[tilespmem:s26], [sflag:$0x2] =	stream.linear.gather [hbm4b:s1+s5], $0x80, $0x38;
	[tilespmem:$0x17D00] =	vst v63  }
0x18: {  	_ =	swait.ge [sflag:s25], $0x80  }
0x19: {  	[sflag:s25] =	ssyncset.done $0x0  }
0x1a: {  	s8 =	sadd.s32 s0, s20;
	[sflag:s25] =	ssyncadd.s32 $0xFFFFFF80  }
0x1b: {  	[tilespmem:s28], [sflag:$0x2] =	stream.linear.gather [hbm4b:s8+s5], $0x80, $0x38;
	[tilespmem:$0x17D00] =	vst v63  }
0x1c: {  	_ =	swait.ge [sflag:s25], $0x80  }
0x1d: {  	[sflag:s25] =	ssyncset.done $0x0  }
0x1e: {  	[sflag:s25] =	ssyncadd.s32 $0xFFFFFF80  }
0x1f: {  	[tilespmem:s24], [sflag:$0x1] =	stream.indirect.gather [hbm4b:s3+s29], $0x80, s26, s29, $0xb8;
	[tilespmem:$0x17D00] =	vst v63  }
0x20: {  	_ =	swait.ge [sflag:s30], $0x4000  }
0x21: {  	[sflag:s30] =	ssyncset.done $0x0  }
0x22: {  	[sflag:s30] =	ssyncadd.s32 $0xFFFFC000  }
0x23: {  	[spmem:s4] =	stream.indirect.scatter.add.f32 [tilespmem:s24], [sflag:$0x2], $0x80, s28, s29, $0xb8;
	[tilespmem:$0x17D00] =	vst v63  }
0x24: {  	_ =	swait.ge [sflag:s25], $0x4000  }
0x25: {  	[sflag:s25] =	ssyncset.done $0x0  }
0x26: {  	s0 =	rddreg [dreg:$0x7];
	[sflag:s25] =	ssyncadd.s32 $0xFFFFC000  }
.LBB2_8:
0x27: {  	[bflag:$0x0] =	sbarrier.arrive $0xFFFF  }
0x28: {  	[tilespmem:s24], [sflag:$0x2] =	stream.linear.gather [spmem:s9], $0x4000, $0x38;
	[tilespmem:$0x17D00] =	vst v63  }
0x29: {  	_ =	swait.ge [sflag:s25], $0x4000  }
0x2a: {  	[sflag:s25] =	ssyncset.done $0x0  }
0x2b: {  	s1 =	sadd.s32 s0, s14;
	[sflag:s25] =	ssyncadd.s32 $0xFFFFC000  }
0x2c: {  	[hbm4b:s1+s5] =	stream.linear.scatter [tilespmem:s24], [sflag:$0x2], $0x4000, $0x38;
	[tilespmem:$0x17D00] =	vst v63  }
0x2d: {  	_ =	swait.ge [sflag:s25], $0x4000  }
0x2e: {  	[sflag:s25] =	ssyncset.done $0x0  }
0x2f: {  	[sflag:s25] =	ssyncadd.s32 $0xFFFFC000  }
0x30: {  	[tilespmem:s24], [sflag:$0x2] =	stream.linear.gather [spmem:s10], $0x4000, $0x38;
	[tilespmem:$0x17D00] =	vst v63  }
0x31: {  	_ =	swait.ge [sflag:s25], $0x4000  }
0x32: {  	[sflag:s25] =	ssyncset.done $0x0  }
0x33: {  	s8 =	sadd.s32 s0, s15;
	[sflag:s25] =	ssyncadd.s32 $0xFFFFC000  }
0x34: {  	[hbm4b:s8+s5] =	stream.linear.scatter [tilespmem:s24], [sflag:$0x2], $0x4000, $0x38;
	[tilespmem:$0x17D00] =	vst v63  }
0x35: {  	_ =	swait.ge [sflag:s25], $0x4000  }
0x36: {  	[sflag:s25] =	ssyncset.done $0x0  }
0x37: {  	[sflag:s25] =	ssyncadd.s32 $0xFFFFC000  }
0x38: {  	[tilespmem:s24], [sflag:$0x2] =	stream.linear.gather [spmem:s11], $0x4000, $0x38;
	[tilespmem:$0x17D00] =	vst v63  }
0x39: {  	_ =	swait.ge [sflag:s25], $0x4000  }
0x3a: {  	[sflag:s25] =	ssyncset.done $0x0  }
0x3b: {  	s6 =	sadd.s32 s0, s16;
	[sflag:s25] =	ssyncadd.s32 $0xFFFFC000  }
0x3c: {  	[hbm4b:s6+s5] =	stream.linear.scatter [tilespmem:s24], [sflag:$0x2], $0x4000, $0x38;
	[tilespmem:$0x17D00] =	vst v63  }
0x3d: {  	_ =	swait.ge [sflag:s25], $0x4000  }
0x3e: {  	[sflag:s25] =	ssyncset.done $0x0  }
0x3f: {  	[sflag:s25] =	ssyncadd.s32 $0xFFFFC000  }
0x40: {  	[tilespmem:s24], [sflag:$0x2] =	stream.linear.gather [spmem:s12], $0x4000, $0x38;
	[tilespmem:$0x17D00] =	vst v63  }
0x41: {  	_ =	swait.ge [sflag:s25], $0x4000  }
0x42: {  	[sflag:s25] =	ssyncset.done $0x0  }
0x43: {  	s7 =	sadd.s32 s0, s17;
	[sflag:s25] =	ssyncadd.s32 $0xFFFFC000  }
0x44: {  	[hbm4b:s7+s5] =	stream.linear.scatter [tilespmem:s24], [sflag:$0x2], $0x4000, $0x38;
	[tilespmem:$0x17D00] =	vst v63  }
0x45: {  	_ =	swait.ge [sflag:s25], $0x4000  }
0x46: {  	[sflag:s25] =	ssyncset.done $0x0  }
0x47: {  	[sflag:s25] =	ssyncadd.s32 $0xFFFFC000  }
0x48: {  	[tilespmem:s24], [sflag:$0x2] =	stream.linear.gather [spmem:s13], $0x3C00, $0x38;
	[tilespmem:$0x17D00] =	vst v63  }
0x49: {  	s31 =	sadd.s32 $0x1, s31;
	_ =	swait.ge [sflag:s25], $0x3C00  }
0x4a: {  	p1 =	sne.s32 s31, s19;
	[sflag:s25] =	ssyncset.done $0x0  }
.Ltmp1:
0x4b: {  	s8 =	sadd.s32 s0, s18;
	[sflag:s25] =	ssyncadd.s32 $0xFFFFC400;
	(pc) =	sbr.rel @!p1 .LBB2_9-.Ltmp1, $4  }
0x4c: {  	[hbm4b:s8+s5] =	stream.linear.scatter [tilespmem:s24], [sflag:$0x2], $0x3C00, $0x38;
	[tilespmem:$0x17D00] =	vst v63  }
0x4d: {  	_ =	swait.ge [sflag:s25], $0x3C00  }
0x4e: {  	[sflag:s25] =	ssyncset.done $0x0  }
0x4f: {  	[sflag:s25] =	ssyncadd.s32 $0xFFFFC400  }
.LBB2_1:
0x50: {  	s0 =	rddreg [dreg:$0x5]  }
0x51: {  	[tilespmem:s24], [sflag:$0x2] =	stream.linear.gather [hbm4b:s0+s5], $0x4000, $0x38;
	[tilespmem:$0x17D00] =	vst v63  }
0x52: {  	_ =	swait.ge [sflag:s25], $0x4000  }
0x53: {  	[sflag:s25] =	ssyncset.done $0x0  }
0x54: {  	[sflag:s25] =	ssyncadd.s32 $0xFFFFC000  }
0x55: {  	[spmem:s9] =	stream.linear.scatter [tilespmem:s24], [sflag:$0x2], $0x4000, $0x38;
	[tilespmem:$0x17D00] =	vst v63  }
0x56: {  	_ =	swait.ge [sflag:s25], $0x4000  }
0x57: {  	[sflag:s25] =	ssyncset.done $0x0  }
0x58: {  	[sflag:s25] =	ssyncadd.s32 $0xFFFFC000  }
0x59: {  	[spmem:s10] =	stream.linear.scatter [tilespmem:s24], [sflag:$0x2], $0x4000, $0x38;
	[tilespmem:$0x17D00] =	vst v63  }
0x5a: {  	_ =	swait.ge [sflag:s25], $0x4000  }
0x5b: {  	[sflag:s25] =	ssyncset.done $0x0  }
0x5c: {  	[sflag:s25] =	ssyncadd.s32 $0xFFFFC000  }
0x5d: {  	[spmem:s11] =	stream.linear.scatter [tilespmem:s24], [sflag:$0x2], $0x4000, $0x38;
	[tilespmem:$0x17D00] =	vst v63  }
0x5e: {  	_ =	swait.ge [sflag:s25], $0x4000  }
0x5f: {  	[sflag:s25] =	ssyncset.done $0x0  }
0x60: {  	[sflag:s25] =	ssyncadd.s32 $0xFFFFC000  }
0x61: {  	[spmem:s12] =	stream.linear.scatter [tilespmem:s24], [sflag:$0x2], $0x4000, $0x38;
	[tilespmem:$0x17D00] =	vst v63  }
0x62: {  	_ =	swait.ge [sflag:s25], $0x4000  }
0x63: {  	[sflag:s25] =	ssyncset.done $0x0  }
0x64: {  	[sflag:s25] =	ssyncadd.s32 $0xFFFFC000  }
0x65: {  	[spmem:s13] =	stream.linear.scatter [tilespmem:s24], [sflag:$0x2], $0x3C00, $0x38;
	[tilespmem:$0x17D00] =	vst v63  }
.Ltmp2:
0x66: {  	_ =	swait.ge [sflag:s25], $0x3C00;
	(pc) =	sbr.rel @p0 .LBB2_5-.Ltmp2, $3  }
0x67: {  	[sflag:s25] =	ssyncset.done $0x0  }
0x68: {  	[sflag:s25] =	ssyncadd.s32 $0xFFFFC400  }
0x69: {  	[bflag:$0x0] =	sbarrier.arrive $0xFFFF;
	_ =	sdelay $0x1  }
0x6a: {  	s0 =	sadd.s32 $0x0, s23  }
0x6b: {  	[tilespmem:s26], [sflag:$0x2] =	stream.linear.gather [hbm4b:s0+s5], $0x80, $0x38;
	[tilespmem:$0x17D00] =	vst v63  }
0x6c: {  	_ =	swait.ge [sflag:s25], $0x80  }
0x6d: {  	[sflag:s25] =	ssyncset.done $0x0  }
0x6e: {  	s8 =	sadd.s32 $0x0, s22;
	[sflag:s25] =	ssyncadd.s32 $0xFFFFFF80  }
0x6f: {  	[tilespmem:s28], [sflag:$0x2] =	stream.linear.gather [hbm4b:s8+s5], $0x80, $0x38;
	[tilespmem:$0x17D00] =	vst v63  }
0x70: {  	_ =	swait.ge [sflag:s25], $0x80  }
0x71: {  	[sflag:s25] =	ssyncset.done $0x0  }
0x72: {  	[sflag:s25] =	ssyncadd.s32 $0xFFFFFF80  }
0x73: {  	[tilespmem:s24], [sflag:$0x1] =	stream.indirect.gather [hbm4b:s2+s29], $0x80, s26, s29, $0xb8;
	[tilespmem:$0x17D00] =	vst v63  }
0x74: {  	_ =	swait.ge [sflag:s30], $0x4000  }
0x75: {  	[sflag:s30] =	ssyncset.done $0x0  }
0x76: {  	[sflag:s30] =	ssyncadd.s32 $0xFFFFC000  }
0x77: {  	[spmem:s4] =	stream.indirect.scatter.add.f32 [tilespmem:s24], [sflag:$0x2], $0x80, s28, s29, $0xb8;
	[tilespmem:$0x17D00] =	vst v63  }
0x78: {  	_ =	swait.ge [sflag:s25], $0x4000  }
0x79: {  	s1 =	simm.s32 $0x20;
	s0 =	simm.s32 $0x10;
	[sflag:s25] =	ssyncset.done $0x0  }
.LBB2_3:
0x7a: {  	s7 =	sadd.s32 s0, s23  }
0x7b: {  	[sflag:s25] =	ssyncadd.s32 $0xFFFFC000;
	s8 =	smov.u32 s1;
	s6 =	sadd.s32 $0x10, s1  }
0x7c: {  	[tilespmem:s26], [sflag:$0x2] =	stream.linear.gather [hbm4b:s7+s5], $0x80, $0x38;
	[tilespmem:$0x17D00] =	vst v63  }
0x7d: {  	p1 =	seq.s32 s1, $0x9C0;
	_ =	swait.ge [sflag:s25], $0x80  }
0x7e: {  	[sflag:s25] =	ssyncset.done $0x0  }
0x7f: {  	s1 =	sadd.s32 s0, s22;
	s0 =	smov.u32 s8;
	[sflag:s25] =	ssyncadd.s32 $0xFFFFFF80  }
0x80: {  	[tilespmem:s28], [sflag:$0x2] =	stream.linear.gather [hbm4b:s1+s5], $0x80, $0x38;
	[tilespmem:$0x17D00] =	vst v63  }
0x81: {  	_ =	swait.ge [sflag:s25], $0x80  }
0x82: {  	[sflag:s25] =	ssyncset.done $0x0  }
0x83: {  	[sflag:s25] =	ssyncadd.s32 $0xFFFFFF80  }
0x84: {  	[tilespmem:s24], [sflag:$0x1] =	stream.indirect.gather [hbm4b:s2+s29], $0x80, s26, s29, $0xb8;
	[tilespmem:$0x17D00] =	vst v63  }
0x85: {  	_ =	swait.ge [sflag:s30], $0x4000  }
.Ltmp3:
0x86: {  	[sflag:s30] =	ssyncset.done $0x0;
	(pc) =	sbr.rel @!p1 .LBB2_3-.Ltmp3, $4  }
0x87: {  	[sflag:s30] =	ssyncadd.s32 $0xFFFFC000  }
0x88: {  	[spmem:s4] =	stream.indirect.scatter.add.f32 [tilespmem:s24], [sflag:$0x2], $0x80, s28, s29, $0xb8;
	[tilespmem:$0x17D00] =	vst v63  }
0x89: {  	_ =	swait.ge [sflag:s25], $0x4000  }
0x8a: {  	s1 =	smov.u32 s6;
	[sflag:s25] =	ssyncset.done $0x0  }
0x8b: {  	s1 =	sadd.s32 s0, s23;
	[sflag:s25] =	ssyncadd.s32 $0xFFFFC000  }
0x8c: {  	[tilespmem:s26], [sflag:$0x2] =	stream.linear.gather [hbm4b:s1+s5], $0x80, $0x38;
	[tilespmem:$0x17D00] =	vst v63  }
0x8d: {  	_ =	swait.ge [sflag:s25], $0x80  }
0x8e: {  	[sflag:s25] =	ssyncset.done $0x0  }
0x8f: {  	s8 =	sadd.s32 s0, s22;
	[sflag:s25] =	ssyncadd.s32 $0xFFFFFF80  }
0x90: {  	[tilespmem:s28], [sflag:$0x2] =	stream.linear.gather [hbm4b:s8+s5], $0x80, $0x38;
	[tilespmem:$0x17D00] =	vst v63  }
0x91: {  	_ =	swait.ge [sflag:s25], $0x80  }
0x92: {  	[sflag:s25] =	ssyncset.done $0x0  }
0x93: {  	[sflag:s25] =	ssyncadd.s32 $0xFFFFFF80  }
0x94: {  	[tilespmem:s24], [sflag:$0x1] =	stream.indirect.gather [hbm4b:s2+s29], $0x80, s26, s29, $0xb8;
	[tilespmem:$0x17D00] =	vst v63  }
0x95: {  	_ =	swait.ge [sflag:s30], $0x4000  }
0x96: {  	[sflag:s30] =	ssyncset.done $0x0  }
.Ltmp4:
0x97: {  	[sflag:s30] =	ssyncadd.s32 $0xFFFFC000;
	(pc) =	sbr.rel .LBB2_8-.Ltmp4, $4  }
0x98: {  	[spmem:s4] =	stream.indirect.scatter.add.f32 [tilespmem:s24], [sflag:$0x2], $0x80, s28, s29, $0xb8;
	[tilespmem:$0x17D00] =	vst v63  }
0x99: {  	_ =	swait.ge [sflag:s25], $0x4000  }
0x9a: {  	[sflag:s25] =	ssyncset.done $0x0  }
0x9b: {  	s0 =	rddreg [dreg:$0x6];
	[sflag:s25] =	ssyncadd.s32 $0xFFFFC000  }
.LBB2_5:
0x9c: {  	s0 =	sadd.s32 $0x0, s21  }
0x9d: {  	[tilespmem:s26], [sflag:$0x2] =	stream.linear.gather [hbm4b:s0+s5], $0x80, $0x38;
	[tilespmem:$0x17D00] =	vst v63  }
0x9e: {  	_ =	swait.ge [sflag:s25], $0x80  }
0x9f: {  	[sflag:s25] =	ssyncset.done $0x0  }
0xa0: {  	s8 =	sadd.s32 $0x0, s20;
	[sflag:s25] =	ssyncadd.s32 $0xFFFFFF80  }
0xa1: {  	[tilespmem:s28], [sflag:$0x2] =	stream.linear.gather [hbm4b:s8+s5], $0x80, $0x38;
	[tilespmem:$0x17D00] =	vst v63  }
0xa2: {  	_ =	swait.ge [sflag:s25], $0x80  }
0xa3: {  	[sflag:s25] =	ssyncset.done $0x0  }
0xa4: {  	[sflag:s25] =	ssyncadd.s32 $0xFFFFFF80  }
0xa5: {  	[tilespmem:s24], [sflag:$0x1] =	stream.indirect.gather [hbm4b:s3+s29], $0x80, s26, s29, $0xb8;
	[tilespmem:$0x17D00] =	vst v63  }
0xa6: {  	_ =	swait.ge [sflag:s30], $0x4000  }
0xa7: {  	[sflag:s30] =	ssyncset.done $0x0  }
0xa8: {  	[sflag:s30] =	ssyncadd.s32 $0xFFFFC000  }
0xa9: {  	[spmem:s4] =	stream.indirect.scatter.add.f32 [tilespmem:s24], [sflag:$0x2], $0x80, s28, s29, $0xb8;
	[tilespmem:$0x17D00] =	vst v63  }
0xaa: {  	_ =	swait.ge [sflag:s25], $0x4000  }
0xab: {  	s1 =	simm.s32 $0x20;
	s0 =	simm.s32 $0x10;
	[sflag:s25] =	ssyncset.done $0x0  }
.LBB2_6:
0xac: {  	s6 =	sadd.s32 s0, s21  }
0xad: {  	[sflag:s25] =	ssyncadd.s32 $0xFFFFC000;
	s7 =	smov.u32 s1;
	s8 =	sadd.s32 $0x10, s1  }
0xae: {  	[tilespmem:s26], [sflag:$0x2] =	stream.linear.gather [hbm4b:s6+s5], $0x80, $0x38;
	[tilespmem:$0x17D00] =	vst v63  }
0xaf: {  	p1 =	sne.s32 s1, $0x9C0;
	_ =	swait.ge [sflag:s25], $0x80  }
0xb0: {  	[sflag:s25] =	ssyncset.done $0x0  }
0xb1: {  	s1 =	sadd.s32 s0, s20;
	s0 =	smov.u32 s7;
	[sflag:s25] =	ssyncadd.s32 $0xFFFFFF80  }
0xb2: {  	[tilespmem:s28], [sflag:$0x2] =	stream.linear.gather [hbm4b:s1+s5], $0x80, $0x38;
	[tilespmem:$0x17D00] =	vst v63  }
0xb3: {  	_ =	swait.ge [sflag:s25], $0x80  }
0xb4: {  	[sflag:s25] =	ssyncset.done $0x0  }
0xb5: {  	[sflag:s25] =	ssyncadd.s32 $0xFFFFFF80  }
0xb6: {  	[tilespmem:s24], [sflag:$0x1] =	stream.indirect.gather [hbm4b:s3+s29], $0x80, s26, s29, $0xb8;
	[tilespmem:$0x17D00] =	vst v63  }
0xb7: {  	_ =	swait.ge [sflag:s30], $0x4000  }
.Ltmp5:
0xb8: {  	[sflag:s30] =	ssyncset.done $0x0;
	(pc) =	sbr.rel @p1 .LBB2_6-.Ltmp5, $4  }
0xb9: {  	[sflag:s30] =	ssyncadd.s32 $0xFFFFC000  }
0xba: {  	[spmem:s4] =	stream.indirect.scatter.add.f32 [tilespmem:s24], [sflag:$0x2], $0x80, s28, s29, $0xb8;
	[tilespmem:$0x17D00] =	vst v63  }
0xbb: {  	_ =	swait.ge [sflag:s25], $0x4000  }
0xbc: {  	s1 =	smov.u32 s8;
	[sflag:s25] =	ssyncset.done $0x0  }
.Ltmp6:
0xbd: {  	_ = 	snop;
	(pc) =	sbr.rel .LBB2_7-.Ltmp6, $1  }
0xbe: {  	_ =	sdelay $0x3  }
.LBB2_9:
0xbf: {  	_ =	sfence.sel $0x180000  }
0xc0: {  	[bflag:$0x0] =	sbarrier.arrive $0xFFFF  }
0xc1: {  	_ =	strace $0x9000004A  }
0xc2: {  	s0 =	stileid.u32;
	[bflag:$0x2] =	sbarrier.arrive $0xFFFF  }
0xc3: {  	p0 =	sne.s32 s0, $0x0;
	s0 =	rddreg [dreg:$0x4]  }
0xc4: {  	s0 =	sadd.s32 @!p0 $0x100000, s0  }
0xc5: {  	[sflag:s0] =	ssyncadd.tile.s32 @!p0 $0x1;
	_ =	shalt  }
.Lfunc_end2:
_tile_overlayer_lowered:
.L_overlay_start_2:
0xc6: {  	(tag) =	ssettag $0x2  }
0xc7: {  	s0 =	rddreg [dreg:$0x0];
	s2 =	stileid.u32  }
0xc8: {  	s1 =	rddreg [dreg:$0x1];
	p0 =	sne.s32 s2, $0x0  }
0xc9: {  	s3 =	rddreg [dreg:$0x2];
	[bflag:$0x3] =	sbarrier.arrive $0xFFFF;
	s2 =	simm.s32 @!p0 $0x1C02  }
0xca: {  	[timem:s3], [sflag:s2] =	dma.local @!p0 [hbm:s0], s1  }
0xcb: {  	s0 =	simm.s32 @!p0 $0x2  }
0xcc: {  	_ =	swait.ge @!p0 [sflag:s0], s1  }
0xcd: {  	s1 =	ssub.s32 @!p0 $0x0, s1;
	[sflag:s0] =	ssyncset.done @!p0 $0x0  }
0xce: {  	[sflag:s0] =	ssyncadd.s32 @!p0 s1  }
0xcf: {  	[bflag:$0x3] =	sbarrier.arrive $0xFFFF  }
0xd0: {  	_ =	shalt  }

// kernel: kernel.18.cloned.1.call-start
scs
__scs_entry_jumppad:
0x0: {  	(pc) =	sbr.rel $0x88, $3  }
0x1: {  	(tag) =	ssettag $0x0;
	lr =	simm.s32 $0x1  }
0x2: {  	[smem:$0x3F9F] =	sst lr;
	_ =	strace $0xD0000000  }
0x3: {  	_ = 	snop  }
0x4: {  	_ = 	snop  }
0x5: {  	_ = 	snop  }
0x6: {  	_ = 	snop  }
0x7: {  	_ = 	snop  }
__scs_overlays_trampoline_lowered:
0x8: {  	[smem:$0x3FAE] =	sst s0  }
0x9: {  	[smem:$0x3FAF] =	sst s1  }
0xa: {  	[smem:$0x3FB0] =	sst s2  }
0xb: {  	[smem:$0x3FB1] =	sst s3  }
0xc: {  	[smem:$0x3FB2] =	sst s4  }
0xd: {  	[smem:$0x3FB3] =	sst s5  }
0xe: {  	[smem:$0x3FB4] =	sst s6  }
0xf: {  	[smem:$0x3FB5] =	sst s7  }
0x10: {  	[smem:$0x3FB6] =	sst s8  }
0x11: {  	[smem:$0x3FB7] =	sst s9;
	s0 =	simm.s32 @!p0 $0x0  }
0x12: {  	s1 =	sld [smem:$0x3F9D];
	s0 =	simm.s32 @p0 $0x1  }
0x13: {  	[smem:$0x3FB8] =	sst s0;
	s0 =	simm.s32 @!p1 $0x0  }
0x14: {  	s2 =	sld [smem:$0x3F9C];
	s0 =	simm.s32 @p1 $0x1  }
0x15: {  	[smem:$0x3FB9] =	sst s0;
	s0 =	simm.s32 @!p2 $0x0  }
0x16: {  	s3 =	sld [smem:$0x3FDB];
	s0 =	simm.s32 @p2 $0x1  }
0x17: {  	s4 =	simm.s32 $0x1BF5;
	[smem:$0x3FBB] =	sst s0  }
0x18: {  	s0 =	sld [smem:$0x3F9E];
	_ =	swait.ge [sflag:s4], $0x0  }
0x19: {  	s7 =	sld [smem:$0x3F9F]  }
0x1a: {  	s8 =	sadd.s32 $0xFFFFE003, lr  }
0x1b: {  	s9 =	sadd.s32 $0xFFFFFEF7, lr;
	s5 =	simm.s32 $0xFFFFFFFF;
	p2 =	slt.u32 s8, $0xFFFFF086  }
0x1c: {  	p1 =	slt.u32 s9, $0xF7A;
	s5 =	simm.s32 @!p2 $0x0  }
0x1d: {  	s5 =	simm.s32 @p1 $0x1;
	p0 =	seq.s32 s7, s2  }
0x1e: {  	s7 =	smul.u32 @!p0 $0xF7A, s2;
	p2 =	seq.s32 @!p0 s5, $0x0  }
0x1f: {  	s9 =	smul.u32 $0xF7A, s1;
	s8 =	simm.s32 @!p0 $0x1BF5;
	p2 =	por !p2, p0  }
0x20: {  	[sflag:s8] =	ssyncset.s32 @!p0 $0xFFFFF086;
	s6 =	sadd.s32 @!p0 s3, s7;
	s7 =	simm.s32 @!p0 $0x108  }
0x21: {  	s3 =	sadd.s32 s3, s9;
	s6 =	sadd.s32 @!p0 $0x88, s6;
	s7 =	simm.s32 @p2 $0x1082  }
0x22: {  	[simem:s7], [sflag:s8] =	dma.local @!p0 [hbm:s6], $0xF7A  }
0x23: {  	s9 =	sor.u32 $0xD0000000, s2;
	s6 =	simm.s32 $0x108;
	_ =	swait.ge @!p0 [sflag:s8], $0x0  }
0x24: {  	s3 =	sadd.s32 $0x88, s3;
	s6 =	simm.s32 @!p1 $0x1082;
	[sflag:s4] =	ssyncset.s32 $0xFFFFF086  }
0x25: {  	[simem:s6], [sflag:s4] =	dma.local [hbm:s3], $0xF7A  }
0x26: {  	[smem:$0x3F9F] =	sst s1;
	(tag) =	ssettag s2;
	_ =	strace s9  }
0x27: {  	s1 =	sld [smem:$0x3FAF]  }
0x28: {  	s2 =	sld [smem:$0x3FB0]  }
0x29: {  	s4 =	sld [smem:$0x3FB2]  }
0x2a: {  	p0 =	seq.s32 s5, $0x0;
	s5 =	sld [smem:$0x3FB3]  }
0x2b: {  	s6 =	sld [smem:$0x3FB4]  }
0x2c: {  	s7 =	sld [smem:$0x3FB5]  }
0x2d: {  	s3 =	simm.s32 $0x108;
	s8 =	sld [smem:$0x3FB6]  }
0x2e: {  	s3 =	simm.s32 @!p0 $0x1082;
	s9 =	sld [smem:$0x3FB7]  }
0x2f: {  	lr =	sadd.s32 s0, s3;
	s0 =	sld [smem:$0x3FAE]  }
0x30: {  	s3 =	sld [smem:$0x3FB1]  }
0x31: {  	[smem:$0x3FBA] =	sst s10  }
0x32: {  	s10 =	sld [smem:$0x3FB8];
	_ =	sdelay $0x3  }
0x33: {  	p0 =	seq.s32 s10, $0x1;
	s10 =	sld [smem:$0x3FBA];
	_ =	sdelay $0x3  }
0x34: {  	[smem:$0x3FBA] =	sst s10  }
0x35: {  	s10 =	sld [smem:$0x3FB9];
	_ =	sdelay $0x3  }
0x36: {  	p1 =	seq.s32 s10, $0x1;
	s10 =	sld [smem:$0x3FBA];
	_ =	sdelay $0x3  }
0x37: {  	[smem:$0x3FBA] =	sst s10  }
0x38: {  	s10 =	sld [smem:$0x3FBB]  }
0x39: {  	_ = 	snop;
	(pc) =	sbr.ind lr, $3  }
0x3a: {  	_ = 	snop  }
0x3b: {  	_ = 	snop  }
0x3c: {  	p2 =	seq.s32 s10, $0x1;
	s10 =	sld [smem:$0x3FBA]  }
0x3d: {  	_ =	shalt  }
0x3e: {  	_ =	shalt  }
0x3f: {  	_ =	shalt  }
0x40: {  	_ =	shalt  }
0x41: {  	_ =	shalt  }
0x42: {  	_ =	shalt  }
0x43: {  	_ =	shalt  }
0x44: {  	_ =	shalt  }
0x45: {  	_ =	shalt  }
0x46: {  	_ =	shalt  }
0x47: {  	_ =	shalt  }
0x48: {  	_ =	shalt  }
0x49: {  	_ =	shalt  }
0x4a: {  	_ =	shalt  }
0x4b: {  	_ =	shalt  }
0x4c: {  	_ =	shalt  }
0x4d: {  	_ =	shalt  }
0x4e: {  	_ =	shalt  }
0x4f: {  	_ =	shalt  }
0x50: {  	_ =	shalt  }
0x51: {  	_ =	shalt  }
0x52: {  	_ =	shalt  }
0x53: {  	_ =	shalt  }
0x54: {  	_ =	shalt  }
0x55: {  	_ =	shalt  }
0x56: {  	_ =	shalt  }
0x57: {  	_ =	shalt  }
0x58: {  	_ =	shalt  }
0x59: {  	_ =	shalt  }
0x5a: {  	_ =	shalt  }
0x5b: {  	_ =	shalt  }
0x5c: {  	_ =	shalt  }
0x5d: {  	_ =	shalt  }
0x5e: {  	_ =	shalt  }
0x5f: {  	_ =	shalt  }
0x60: {  	_ =	shalt  }
0x61: {  	_ =	shalt  }
0x62: {  	_ =	shalt  }
0x63: {  	_ =	shalt  }
0x64: {  	_ =	shalt  }
0x65: {  	_ =	shalt  }
0x66: {  	_ =	shalt  }
0x67: {  	_ =	shalt  }
0x68: {  	_ =	shalt  }
0x69: {  	_ =	shalt  }
0x6a: {  	_ =	shalt  }
0x6b: {  	_ =	shalt  }
0x6c: {  	_ =	shalt  }
0x6d: {  	_ =	shalt  }
0x6e: {  	_ =	shalt  }
0x6f: {  	_ =	shalt  }
0x70: {  	_ =	shalt  }
0x71: {  	_ =	shalt  }
0x72: {  	_ =	shalt  }
0x73: {  	_ =	shalt  }
0x74: {  	_ =	shalt  }
0x75: {  	_ =	shalt  }
0x76: {  	_ =	shalt  }
0x77: {  	_ =	shalt  }
0x78: {  	_ =	shalt  }
0x79: {  	_ =	shalt  }
0x7a: {  	_ =	shalt  }
0x7b: {  	_ =	shalt  }
0x7c: {  	_ =	shalt  }
0x7d: {  	_ =	shalt  }
0x7e: {  	_ =	shalt  }
0x7f: {  	_ =	shalt  }
0x80: {  	_ =	shalt  }
0x81: {  	_ =	shalt  }
0x82: {  	_ =	shalt  }
0x83: {  	_ =	shalt  }
0x84: {  	_ =	shalt  }
0x85: {  	_ =	shalt  }
0x86: {  	_ =	shalt  }
0x87: {  	_ =	shalt  }
.Lfunc_end0:
.L_simem_size_0:
called_computation.2_lowered:
.L_overlay_start_0:
0x88: {  	s2 =	sld [smem:$0x3FD9]  }
0x89: {  	s3 =	sld [smem:$0x3FFE];
	_ =	sdelay $0x1  }
0x8a: {  	s1 =	srdreg.scid  }
0x8b: {  	s0 =	sand.u32 $0x1, s1  }
0x8c: {  	s17 =	sshll.u32 s0, $0xA;
	s2 =	sadd.s32 s3, s2  }
0x8d: {  	s2 =	sadd.s32 s2, s17  }
0x8e: {  	[smem:$0x3FC6] =	sst s2  }
0x8f: {  	_ = 	snop  }
0x90: {  	s2 =	sld [smem:$0x3FD0];
	(tm) =	ssettm $0x1  }
0x91: {  	s18 =	sld [smem:$0x3FFB];
	_ =	sdelay $0x3  }
0x92: {  	_ =	strace s18  }
0x93: {  	s3 =	sld [smem:$0x3FFC];
	_ =	sdelay $0x3  }
0x94: {  	_ =	strace s3  }
0x95: {  	s3 =	sld [smem:$0x3FFD];
	_ =	sdelay $0x3  }
0x96: {  	_ =	strace s3  }
0x97: {  	_ =	strace $0x8FFFFFFF  }
0x98: {  	s19 =	sld [smem:$0x3FDB];
	_ =	sdelay $0x1  }
0x99: {  	s4 =	simm.s32 $_scs_section_size  }
0x9a: {  	s5 =	simm.s32 $_size__tile_overlayer_lowered;
	s6 =	simm.s32 $_tile_overlayer_lowered  }
0x9b: {  	s22 =	simm.s32 $0x1BFF;
	s21 =	sshll.u32 s6, $0x1;
	s3 =	sadd.s32 s4, s19  }
0x9c: {  	s7 =	simm.s32 $0x0;
	s20 =	sshll.u32 s5, $0x1;
	s5 =	sadd.s32 s21, s3  }
0x9d: {  	[timem:s7], [sflag:s22] =	dma.local [hbm:s5], s20  }
0x9e: {  	_ =	swait.ge [sflag:s22], s20  }
0x9f: {  	s4 =	ssub.s32 $0x0, s20;
	[sflag:s22] =	ssyncset.done $0x0  }
0xa0: {  	[sflag:s22] =	ssyncadd.s32 s4;
	_ =	sdelay $0x1  }
0xa1: {  	s23 =	simm.s32 $0x1B8B  }
0xa2: {  	_ =	swait.ge [sflag:s23], $0x1  }
0xa3: {  	[sflag:s23] =	ssyncset.done $0x0  }
0xa4: {  	s25 =	simm.s32 $0x1B8E;
	s24 =	sld [smem:$0x3FFE];
	[sflag:s23] =	ssyncadd.s32 $0xFFFFFFFF  }
0xa5: {  	s26 =	simm.s32 $execute0_lowered;
	[smem:$0x3FD2] =	sst s25  }
0xa6: {  	s5 =	sshll.u32 s26, $0x1;
	_ =	strace $0x8000004C;
	[dreg:$0x1] =	wrdreg $0xFFFFFFFF  }
0xa7: {  	s28 =	simm.s32 $_size_execute0_lowered;
	s3 =	sadd.s32 s3, s5;
	[dreg:$0x0] =	wrdreg $0x0  }
0xa8: {  	s5 =	sshll.u32 s28, $0x1;
	[dreg:$0x2] =	wrdreg s3  }
0xa9: {  	[dreg:$0x3] =	wrdreg s5  }
0xaa: {  	[dreg:$0x4] =	wrdreg $0xC0  }
0xab: {  	_ =	task [dreg:s7], $0x5FFFF  }
0xac: {  	[dreg:$0x1] =	wrdreg $0xFFFFFFFF  }
0xad: {  	[dreg:$0x0] =	wrdreg $0x60  }
0xae: {  	[dreg:$0x2] =	wrdreg s24  }
0xaf: {  	[dreg:$0x3] =	wrdreg s2  }
0xb0: {  	[dreg:$0x4] =	wrdreg $0x0  }
0xb1: {  	[dreg:$0x5] =	wrdreg $0x9  }
0xb2: {  	_ =	task.clear_ibuf [dreg:s7], $0x6FFFF;
	_ =	strace $0x9000004C  }
0xb3: {  	s29 =	simm.s32 $0x9;
	_ =	strace $0x8000004E  }
0xb4: {  	_ =	swait.ge [sflag:s29], $0x1  }
0xb5: {  	[sflag:s29] =	ssyncadd.s32 $0xFFFFFFFF  }
0xb6: {  	_ =	strace $0x9000004E  }
0xb7: {  	_ =	sfence  }
0xb8: {  	s30 =	sld [smem:$0x0];
	_ =	sdelay $0x2  }
0xb9: {  	s31 =	sshll.u32 s1, $0xD;
	s1 =	sshrl.u32 s1, $0x2  }
0xba: {  	s3 =	sand.u32 $0x4000, s31;
	s1 =	sadd.s32 s1, s30  }
0xbb: {  	s0 =	sor.u32 s3, s0;
	s1 =	sshll.u32 s1, $0x11  }
0xbc: {  	s0 =	sor.u32 s1, s0  }
0xbd: {  	s0 =	sadd.s32 $0x8F2B, s0  }
0xbe: {  	[sflag:s0] =	ssyncadd.remote.s32 $0x1  }
0xbf: {  	_ =	sfence.sel $0xFFFF  }
0xc0: {  	[dreg:$0x0] =	wrdreg $0xFFFFFFFF;
	(pc) =	sbr.abs _section_cstart, $3  }
0xc1: {  	[dreg:$0x1] =	wrdreg $0xFFFFFFFF  }
0xc2: {  	_ =	task.clear_ibuf [dreg:s7], $0x2FFFF;
	_ =	strace $0x9FFFFFFF  }
0xc3: {  	(tm) =	ssettm $0x7FFFFFFF  }
tec
execute0_lowered:
.L_overlay_start_1:
0x0: {  	(tag) =	ssettag $0x1  }
0x1: {  	s0 =	rddreg [dreg:$0x0]  }
0x2: {  	s2 =	rddreg [dreg:$0x1]  }
0x3: {  	s3 =	rddreg [dreg:$0x2];
	s6 =	stileid.u32;
	s4 =	simm.s32 $0x0  }
0x4: {  	s8 =	srdreg.scid;
	s28 =	simm.s32 $0x17C80;
	s29 =	simm.s32 $0x80  }
0x5: {  	s30 =	simm.s32 $0x1;
	s31 =	simm.s32 $0x0;
	s1 =	smul.u32 $0x9D0, s6  }
0x6: {  	[smem:$0x7FF] =	sst s4;
	s5 =	sadd.s32 $0x6B200, s0;
	s7 =	sadd.s32 $0x7600, s0  }
0x7: {  	s11 =	smul.u32 $0x278, s6;
	s22 =	sadd.s32 $0xB9600, s0;
	s24 =	sand.u32 $0x1, s8  }
0x8: {  	s9 =	smul.u32 $0x4F000, s6;
	_ =	strace $0x8000004D;
	[dreg:$0x4] =	wrdreg s7  }
0x9: {  	s14 =	smul.u32 $0x2780, s6;
	[dreg:$0x5] =	wrdreg s22;
	s23 =	ssub.s32 $0x2, s24  }
0xa: {  	p0 =	sne.s32 s24, $0x0;
	s24 =	simm.s32 $0x13C00;
	s1 =	sadd.s32 s1, s0  }
0xb: {  	s0 =	sadd.s32 $0xE0E00, s0;
	s15 =	sadd.s32 $0x80, s11;
	s10 =	sshrl.u32 s23, $0x1  }
0xc: {  	s9 =	sshrl.u32 s9, $0x2;
	s16 =	sadd.s32 $0x100, s11;
	s17 =	sadd.s32 $0x180, s11  }
0xd: {  	s18 =	sadd.s32 $0x200, s11;
	[dreg:$0x6] =	wrdreg s0;
	s12 =	sshll.u32 s15, $0x7  }
0xe: {  	s0 =	ssub.s32 s23, s10;
	s9 =	sadd.s32 s9, s3;
	s25 =	sshll.u32 s16, $0x7  }
0xf: {  	s26 =	sshll.u32 s17, $0x7;
	s13 =	sshll.u32 s18, $0x7;
	s15 =	sshll.u32 s15, $0x4  }
.Ltmp0:
0x10: {  	s16 =	sshll.u32 s16, $0x4;
	s17 =	sshll.u32 s17, $0x4;
	(pc) =	sbr.rel .LBB2_1-.Ltmp0, $4  }
0x11: {  	s18 =	sshll.u32 s18, $0x4;
	s20 =	sadd.s32 $0x38E00, s1;
	s21 =	sadd.s32 $0x2F000, s1  }
0x12: {  	s22 =	sadd.s32 $0x57600, s1;
	s23 =	sadd.s32 $0x61400, s1;
	s10 =	sadd.s32 s12, s3  }
0x13: {  	s11 =	sadd.s32 s25, s3;
	s12 =	sadd.s32 s26, s3;
	s13 =	sadd.s32 s13, s3  }
0x14: {  	s19 =	smax.u32 s0, $0x1;
	s25 =	simm.s32 $0x2;
	s26 =	simm.s32 $0x17C00  }
.LBB2_7:
0x15: {  	s1 =	sadd.s32 s0, s21;
	[sflag:s25] =	ssyncadd.s32 $0xFFFFC000  }
0x16: {  	[tilespmem:s26], [sflag:$0x2] =	stream.linear.gather [hbm4b:s1+s4], $0x80, $0x38;
	[tilespmem:$0x17D00] =	vst v63  }
0x17: {  	_ =	swait.ge [sflag:s25], $0x80  }
0x18: {  	[sflag:s25] =	ssyncset.done $0x0  }
0x19: {  	s8 =	sadd.s32 s0, s20;
	[sflag:s25] =	ssyncadd.s32 $0xFFFFFF80  }
0x1a: {  	[tilespmem:s28], [sflag:$0x2] =	stream.linear.gather [hbm4b:s8+s4], $0x80, $0x38;
	[tilespmem:$0x17D00] =	vst v63  }
0x1b: {  	_ =	swait.ge [sflag:s25], $0x80  }
0x1c: {  	[sflag:s25] =	ssyncset.done $0x0  }
0x1d: {  	[sflag:s25] =	ssyncadd.s32 $0xFFFFFF80  }
0x1e: {  	[tilespmem:s24], [sflag:$0x1] =	stream.indirect.gather [hbm4b:s2+s29], $0x80, s26, s29, $0xb8;
	[tilespmem:$0x17D00] =	vst v63  }
0x1f: {  	_ =	swait.ge [sflag:s30], $0x4000  }
0x20: {  	[sflag:s30] =	ssyncset.done $0x0  }
0x21: {  	[sflag:s30] =	ssyncadd.s32 $0xFFFFC000  }
0x22: {  	[spmem:s3] =	stream.indirect.scatter.add.f32 [tilespmem:s24], [sflag:$0x2], $0x80, s28, s29, $0xb8;
	[tilespmem:$0x17D00] =	vst v63  }
0x23: {  	_ =	swait.ge [sflag:s25], $0x4000  }
0x24: {  	[sflag:s25] =	ssyncset.done $0x0  }
0x25: {  	s0 =	rddreg [dreg:$0x6];
	[sflag:s25] =	ssyncadd.s32 $0xFFFFC000  }
.LBB2_8:
0x26: {  	[bflag:$0x0] =	sbarrier.arrive $0xFFFF  }
0x27: {  	[tilespmem:s24], [sflag:$0x2] =	stream.linear.gather [spmem:s9], $0x4000, $0x38;
	[tilespmem:$0x17D00] =	vst v63  }
0x28: {  	_ =	swait.ge [sflag:s25], $0x4000  }
0x29: {  	[sflag:s25] =	ssyncset.done $0x0  }
0x2a: {  	s1 =	sadd.s32 s0, s14;
	[sflag:s25] =	ssyncadd.s32 $0xFFFFC000  }
0x2b: {  	[hbm4b:s1+s4] =	stream.linear.scatter [tilespmem:s24], [sflag:$0x2], $0x4000, $0x38;
	[tilespmem:$0x17D00] =	vst v63  }
0x2c: {  	_ =	swait.ge [sflag:s25], $0x4000  }
0x2d: {  	[sflag:s25] =	ssyncset.done $0x0  }
0x2e: {  	[sflag:s25] =	ssyncadd.s32 $0xFFFFC000  }
0x2f: {  	[tilespmem:s24], [sflag:$0x2] =	stream.linear.gather [spmem:s10], $0x4000, $0x38;
	[tilespmem:$0x17D00] =	vst v63  }
0x30: {  	_ =	swait.ge [sflag:s25], $0x4000  }
0x31: {  	[sflag:s25] =	ssyncset.done $0x0  }
0x32: {  	s8 =	sadd.s32 s0, s15;
	[sflag:s25] =	ssyncadd.s32 $0xFFFFC000  }
0x33: {  	[hbm4b:s8+s4] =	stream.linear.scatter [tilespmem:s24], [sflag:$0x2], $0x4000, $0x38;
	[tilespmem:$0x17D00] =	vst v63  }
0x34: {  	_ =	swait.ge [sflag:s25], $0x4000  }
0x35: {  	[sflag:s25] =	ssyncset.done $0x0  }
0x36: {  	[sflag:s25] =	ssyncadd.s32 $0xFFFFC000  }
0x37: {  	[tilespmem:s24], [sflag:$0x2] =	stream.linear.gather [spmem:s11], $0x4000, $0x38;
	[tilespmem:$0x17D00] =	vst v63  }
0x38: {  	_ =	swait.ge [sflag:s25], $0x4000  }
0x39: {  	[sflag:s25] =	ssyncset.done $0x0  }
0x3a: {  	s6 =	sadd.s32 s0, s16;
	[sflag:s25] =	ssyncadd.s32 $0xFFFFC000  }
0x3b: {  	[hbm4b:s6+s4] =	stream.linear.scatter [tilespmem:s24], [sflag:$0x2], $0x4000, $0x38;
	[tilespmem:$0x17D00] =	vst v63  }
0x3c: {  	_ =	swait.ge [sflag:s25], $0x4000  }
0x3d: {  	[sflag:s25] =	ssyncset.done $0x0  }
0x3e: {  	[sflag:s25] =	ssyncadd.s32 $0xFFFFC000  }
0x3f: {  	[tilespmem:s24], [sflag:$0x2] =	stream.linear.gather [spmem:s12], $0x4000, $0x38;
	[tilespmem:$0x17D00] =	vst v63  }
0x40: {  	_ =	swait.ge [sflag:s25], $0x4000  }
0x41: {  	[sflag:s25] =	ssyncset.done $0x0  }
0x42: {  	s7 =	sadd.s32 s0, s17;
	[sflag:s25] =	ssyncadd.s32 $0xFFFFC000  }
0x43: {  	[hbm4b:s7+s4] =	stream.linear.scatter [tilespmem:s24], [sflag:$0x2], $0x4000, $0x38;
	[tilespmem:$0x17D00] =	vst v63  }
0x44: {  	_ =	swait.ge [sflag:s25], $0x4000  }
0x45: {  	[sflag:s25] =	ssyncset.done $0x0  }
0x46: {  	[sflag:s25] =	ssyncadd.s32 $0xFFFFC000  }
0x47: {  	[tilespmem:s24], [sflag:$0x2] =	stream.linear.gather [spmem:s13], $0x3C00, $0x38;
	[tilespmem:$0x17D00] =	vst v63  }
0x48: {  	s31 =	sadd.s32 $0x1, s31;
	_ =	swait.ge [sflag:s25], $0x3C00  }
0x49: {  	p1 =	sne.s32 s31, s19;
	[sflag:s25] =	ssyncset.done $0x0  }
.Ltmp1:
0x4a: {  	s8 =	sadd.s32 s0, s18;
	[sflag:s25] =	ssyncadd.s32 $0xFFFFC400;
	(pc) =	sbr.rel @!p1 .LBB2_9-.Ltmp1, $4  }
0x4b: {  	[hbm4b:s8+s4] =	stream.linear.scatter [tilespmem:s24], [sflag:$0x2], $0x3C00, $0x38;
	[tilespmem:$0x17D00] =	vst v63  }
0x4c: {  	_ =	swait.ge [sflag:s25], $0x3C00  }
0x4d: {  	[sflag:s25] =	ssyncset.done $0x0  }
0x4e: {  	[sflag:s25] =	ssyncadd.s32 $0xFFFFC400  }
.LBB2_1:
0x4f: {  	s0 =	rddreg [dreg:$0x4]  }
0x50: {  	[tilespmem:s24], [sflag:$0x2] =	stream.linear.gather [hbm4b:s0+s4], $0x4000, $0x38;
	[tilespmem:$0x17D00] =	vst v63  }
0x51: {  	_ =	swait.ge [sflag:s25], $0x4000  }
0x52: {  	[sflag:s25] =	ssyncset.done $0x0  }
0x53: {  	[sflag:s25] =	ssyncadd.s32 $0xFFFFC000  }
0x54: {  	[spmem:s9] =	stream.linear.scatter [tilespmem:s24], [sflag:$0x2], $0x4000, $0x38;
	[tilespmem:$0x17D00] =	vst v63  }
0x55: {  	_ =	swait.ge [sflag:s25], $0x4000  }
0x56: {  	[sflag:s25] =	ssyncset.done $0x0  }
0x57: {  	[sflag:s25] =	ssyncadd.s32 $0xFFFFC000  }
0x58: {  	[spmem:s10] =	stream.linear.scatter [tilespmem:s24], [sflag:$0x2], $0x4000, $0x38;
	[tilespmem:$0x17D00] =	vst v63  }
0x59: {  	_ =	swait.ge [sflag:s25], $0x4000  }
0x5a: {  	[sflag:s25] =	ssyncset.done $0x0  }
0x5b: {  	[sflag:s25] =	ssyncadd.s32 $0xFFFFC000  }
0x5c: {  	[spmem:s11] =	stream.linear.scatter [tilespmem:s24], [sflag:$0x2], $0x4000, $0x38;
	[tilespmem:$0x17D00] =	vst v63  }
0x5d: {  	_ =	swait.ge [sflag:s25], $0x4000  }
0x5e: {  	[sflag:s25] =	ssyncset.done $0x0  }
0x5f: {  	[sflag:s25] =	ssyncadd.s32 $0xFFFFC000  }
0x60: {  	[spmem:s12] =	stream.linear.scatter [tilespmem:s24], [sflag:$0x2], $0x4000, $0x38;
	[tilespmem:$0x17D00] =	vst v63  }
0x61: {  	_ =	swait.ge [sflag:s25], $0x4000  }
0x62: {  	[sflag:s25] =	ssyncset.done $0x0  }
0x63: {  	[sflag:s25] =	ssyncadd.s32 $0xFFFFC000  }
0x64: {  	[spmem:s13] =	stream.linear.scatter [tilespmem:s24], [sflag:$0x2], $0x3C00, $0x38;
	[tilespmem:$0x17D00] =	vst v63  }
.Ltmp2:
0x65: {  	_ =	swait.ge [sflag:s25], $0x3C00;
	(pc) =	sbr.rel @p0 .LBB2_5-.Ltmp2, $3  }
0x66: {  	[sflag:s25] =	ssyncset.done $0x0  }
0x67: {  	[sflag:s25] =	ssyncadd.s32 $0xFFFFC400  }
0x68: {  	[bflag:$0x0] =	sbarrier.arrive $0xFFFF;
	_ =	sdelay $0x1  }
0x69: {  	s0 =	sadd.s32 $0x0, s23  }
0x6a: {  	[tilespmem:s26], [sflag:$0x2] =	stream.linear.gather [hbm4b:s0+s4], $0x80, $0x38;
	[tilespmem:$0x17D00] =	vst v63  }
0x6b: {  	_ =	swait.ge [sflag:s25], $0x80  }
0x6c: {  	[sflag:s25] =	ssyncset.done $0x0  }
0x6d: {  	s8 =	sadd.s32 $0x0, s22;
	[sflag:s25] =	ssyncadd.s32 $0xFFFFFF80  }
0x6e: {  	[tilespmem:s28], [sflag:$0x2] =	stream.linear.gather [hbm4b:s8+s4], $0x80, $0x38;
	[tilespmem:$0x17D00] =	vst v63  }
0x6f: {  	_ =	swait.ge [sflag:s25], $0x80  }
0x70: {  	[sflag:s25] =	ssyncset.done $0x0  }
0x71: {  	[sflag:s25] =	ssyncadd.s32 $0xFFFFFF80  }
0x72: {  	[tilespmem:s24], [sflag:$0x1] =	stream.indirect.gather [hbm4b:s5+s29], $0x80, s26, s29, $0xb8;
	[tilespmem:$0x17D00] =	vst v63  }
0x73: {  	_ =	swait.ge [sflag:s30], $0x4000  }
0x74: {  	[sflag:s30] =	ssyncset.done $0x0  }
0x75: {  	[sflag:s30] =	ssyncadd.s32 $0xFFFFC000  }
0x76: {  	[spmem:s3] =	stream.indirect.scatter.add.f32 [tilespmem:s24], [sflag:$0x2], $0x80, s28, s29, $0xb8;
	[tilespmem:$0x17D00] =	vst v63  }
0x77: {  	_ =	swait.ge [sflag:s25], $0x4000  }
0x78: {  	s1 =	simm.s32 $0x20;
	s0 =	simm.s32 $0x10;
	[sflag:s25] =	ssyncset.done $0x0  }
.LBB2_3:
0x79: {  	s7 =	sadd.s32 s0, s23  }
0x7a: {  	[sflag:s25] =	ssyncadd.s32 $0xFFFFC000;
	s8 =	smov.u32 s1;
	s6 =	sadd.s32 $0x10, s1  }
0x7b: {  	[tilespmem:s26], [sflag:$0x2] =	stream.linear.gather [hbm4b:s7+s4], $0x80, $0x38;
	[tilespmem:$0x17D00] =	vst v63  }
0x7c: {  	p1 =	seq.s32 s1, $0x9C0;
	_ =	swait.ge [sflag:s25], $0x80  }
0x7d: {  	[sflag:s25] =	ssyncset.done $0x0  }
0x7e: {  	s1 =	sadd.s32 s0, s22;
	s0 =	smov.u32 s8;
	[sflag:s25] =	ssyncadd.s32 $0xFFFFFF80  }
0x7f: {  	[tilespmem:s28], [sflag:$0x2] =	stream.linear.gather [hbm4b:s1+s4], $0x80, $0x38;
	[tilespmem:$0x17D00] =	vst v63  }
0x80: {  	_ =	swait.ge [sflag:s25], $0x80  }
0x81: {  	[sflag:s25] =	ssyncset.done $0x0  }
0x82: {  	[sflag:s25] =	ssyncadd.s32 $0xFFFFFF80  }
0x83: {  	[tilespmem:s24], [sflag:$0x1] =	stream.indirect.gather [hbm4b:s5+s29], $0x80, s26, s29, $0xb8;
	[tilespmem:$0x17D00] =	vst v63  }
0x84: {  	_ =	swait.ge [sflag:s30], $0x4000  }
.Ltmp3:
0x85: {  	[sflag:s30] =	ssyncset.done $0x0;
	(pc) =	sbr.rel @!p1 .LBB2_3-.Ltmp3, $4  }
0x86: {  	[sflag:s30] =	ssyncadd.s32 $0xFFFFC000  }
0x87: {  	[spmem:s3] =	stream.indirect.scatter.add.f32 [tilespmem:s24], [sflag:$0x2], $0x80, s28, s29, $0xb8;
	[tilespmem:$0x17D00] =	vst v63  }
0x88: {  	_ =	swait.ge [sflag:s25], $0x4000  }
0x89: {  	s1 =	smov.u32 s6;
	[sflag:s25] =	ssyncset.done $0x0  }
0x8a: {  	s1 =	sadd.s32 s0, s23;
	[sflag:s25] =	ssyncadd.s32 $0xFFFFC000  }
0x8b: {  	[tilespmem:s26], [sflag:$0x2] =	stream.linear.gather [hbm4b:s1+s4], $0x80, $0x38;
	[tilespmem:$0x17D00] =	vst v63  }
0x8c: {  	_ =	swait.ge [sflag:s25], $0x80  }
0x8d: {  	[sflag:s25] =	ssyncset.done $0x0  }
0x8e: {  	s8 =	sadd.s32 s0, s22;
	[sflag:s25] =	ssyncadd.s32 $0xFFFFFF80  }
0x8f: {  	[tilespmem:s28], [sflag:$0x2] =	stream.linear.gather [hbm4b:s8+s4], $0x80, $0x38;
	[tilespmem:$0x17D00] =	vst v63  }
0x90: {  	_ =	swait.ge [sflag:s25], $0x80  }
0x91: {  	[sflag:s25] =	ssyncset.done $0x0  }
0x92: {  	[sflag:s25] =	ssyncadd.s32 $0xFFFFFF80  }
0x93: {  	[tilespmem:s24], [sflag:$0x1] =	stream.indirect.gather [hbm4b:s5+s29], $0x80, s26, s29, $0xb8;
	[tilespmem:$0x17D00] =	vst v63  }
0x94: {  	_ =	swait.ge [sflag:s30], $0x4000  }
0x95: {  	[sflag:s30] =	ssyncset.done $0x0  }
.Ltmp4:
0x96: {  	[sflag:s30] =	ssyncadd.s32 $0xFFFFC000;
	(pc) =	sbr.rel .LBB2_8-.Ltmp4, $4  }
0x97: {  	[spmem:s3] =	stream.indirect.scatter.add.f32 [tilespmem:s24], [sflag:$0x2], $0x80, s28, s29, $0xb8;
	[tilespmem:$0x17D00] =	vst v63  }
0x98: {  	_ =	swait.ge [sflag:s25], $0x4000  }
0x99: {  	[sflag:s25] =	ssyncset.done $0x0  }
0x9a: {  	s0 =	rddreg [dreg:$0x5];
	[sflag:s25] =	ssyncadd.s32 $0xFFFFC000  }
.LBB2_5:
0x9b: {  	s0 =	sadd.s32 $0x0, s21  }
0x9c: {  	[tilespmem:s26], [sflag:$0x2] =	stream.linear.gather [hbm4b:s0+s4], $0x80, $0x38;
	[tilespmem:$0x17D00] =	vst v63  }
0x9d: {  	_ =	swait.ge [sflag:s25], $0x80  }
0x9e: {  	[sflag:s25] =	ssyncset.done $0x0  }
0x9f: {  	s8 =	sadd.s32 $0x0, s20;
	[sflag:s25] =	ssyncadd.s32 $0xFFFFFF80  }
0xa0: {  	[tilespmem:s28], [sflag:$0x2] =	stream.linear.gather [hbm4b:s8+s4], $0x80, $0x38;
	[tilespmem:$0x17D00] =	vst v63  }
0xa1: {  	_ =	swait.ge [sflag:s25], $0x80  }
0xa2: {  	[sflag:s25] =	ssyncset.done $0x0  }
0xa3: {  	[sflag:s25] =	ssyncadd.s32 $0xFFFFFF80  }
0xa4: {  	[tilespmem:s24], [sflag:$0x1] =	stream.indirect.gather [hbm4b:s2+s29], $0x80, s26, s29, $0xb8;
	[tilespmem:$0x17D00] =	vst v63  }
0xa5: {  	_ =	swait.ge [sflag:s30], $0x4000  }
0xa6: {  	[sflag:s30] =	ssyncset.done $0x0  }
0xa7: {  	[sflag:s30] =	ssyncadd.s32 $0xFFFFC000  }
0xa8: {  	[spmem:s3] =	stream.indirect.scatter.add.f32 [tilespmem:s24], [sflag:$0x2], $0x80, s28, s29, $0xb8;
	[tilespmem:$0x17D00] =	vst v63  }
0xa9: {  	_ =	swait.ge [sflag:s25], $0x4000  }
0xaa: {  	s1 =	simm.s32 $0x20;
	s0 =	simm.s32 $0x10;
	[sflag:s25] =	ssyncset.done $0x0  }
.LBB2_6:
0xab: {  	s6 =	sadd.s32 s0, s21  }
0xac: {  	[sflag:s25] =	ssyncadd.s32 $0xFFFFC000;
	s7 =	smov.u32 s1;
	s8 =	sadd.s32 $0x10, s1  }
0xad: {  	[tilespmem:s26], [sflag:$0x2] =	stream.linear.gather [hbm4b:s6+s4], $0x80, $0x38;
	[tilespmem:$0x17D00] =	vst v63  }
0xae: {  	p1 =	sne.s32 s1, $0x9C0;
	_ =	swait.ge [sflag:s25], $0x80  }
0xaf: {  	[sflag:s25] =	ssyncset.done $0x0  }
0xb0: {  	s1 =	sadd.s32 s0, s20;
	s0 =	smov.u32 s7;
	[sflag:s25] =	ssyncadd.s32 $0xFFFFFF80  }
0xb1: {  	[tilespmem:s28], [sflag:$0x2] =	stream.linear.gather [hbm4b:s1+s4], $0x80, $0x38;
	[tilespmem:$0x17D00] =	vst v63  }
0xb2: {  	_ =	swait.ge [sflag:s25], $0x80  }
0xb3: {  	[sflag:s25] =	ssyncset.done $0x0  }
0xb4: {  	[sflag:s25] =	ssyncadd.s32 $0xFFFFFF80  }
0xb5: {  	[tilespmem:s24], [sflag:$0x1] =	stream.indirect.gather [hbm4b:s2+s29], $0x80, s26, s29, $0xb8;
	[tilespmem:$0x17D00] =	vst v63  }
0xb6: {  	_ =	swait.ge [sflag:s30], $0x4000  }
.Ltmp5:
0xb7: {  	[sflag:s30] =	ssyncset.done $0x0;
	(pc) =	sbr.rel @p1 .LBB2_6-.Ltmp5, $4  }
0xb8: {  	[sflag:s30] =	ssyncadd.s32 $0xFFFFC000  }
0xb9: {  	[spmem:s3] =	stream.indirect.scatter.add.f32 [tilespmem:s24], [sflag:$0x2], $0x80, s28, s29, $0xb8;
	[tilespmem:$0x17D00] =	vst v63  }
0xba: {  	_ =	swait.ge [sflag:s25], $0x4000  }
0xbb: {  	s1 =	smov.u32 s8;
	[sflag:s25] =	ssyncset.done $0x0  }
.Ltmp6:
0xbc: {  	_ = 	snop;
	(pc) =	sbr.rel .LBB2_7-.Ltmp6, $1  }
0xbd: {  	_ =	sdelay $0x3  }
.LBB2_9:
0xbe: {  	_ =	sfence.sel $0x180000  }
0xbf: {  	[bflag:$0x0] =	sbarrier.arrive $0xFFFF  }
0xc0: {  	_ =	strace $0x9000004D  }
0xc1: {  	s0 =	stileid.u32;
	[bflag:$0x2] =	sbarrier.arrive $0xFFFF  }
0xc2: {  	p0 =	sne.s32 s0, $0x0;
	s0 =	rddreg [dreg:$0x3]  }
0xc3: {  	s0 =	sadd.s32 @!p0 $0x100000, s0  }
0xc4: {  	[sflag:s0] =	ssyncadd.tile.s32 @!p0 $0x1;
	_ =	shalt  }
.Lfunc_end2:
_tile_overlayer_lowered:
.L_overlay_start_2:
0xc5: {  	(tag) =	ssettag $0x2  }
0xc6: {  	s0 =	rddreg [dreg:$0x0];
	s2 =	stileid.u32  }
0xc7: {  	s1 =	rddreg [dreg:$0x1];
	p0 =	sne.s32 s2, $0x0  }
0xc8: {  	s3 =	rddreg [dreg:$0x2];
	[bflag:$0x3] =	sbarrier.arrive $0xFFFF;
	s2 =	simm.s32 @!p0 $0x1C02  }
0xc9: {  	[timem:s3], [sflag:s2] =	dma.local @!p0 [hbm:s0], s1  }
0xca: {  	s0 =	simm.s32 @!p0 $0x2  }
0xcb: {  	_ =	swait.ge @!p0 [sflag:s0], s1  }
0xcc: {  	s1 =	ssub.s32 @!p0 $0x0, s1;
	[sflag:s0] =	ssyncset.done @!p0 $0x0  }
0xcd: {  	[sflag:s0] =	ssyncadd.s32 @!p0 s1  }
0xce: {  	[bflag:$0x3] =	sbarrier.arrive $0xFFFF  }
0xcf: {  	_ =	shalt  }

// kernel: kernel.21.cloned.1.call-start
scs
__scs_entry_jumppad:
0x0: {  	(pc) =	sbr.rel $0x88, $3  }
0x1: {  	(tag) =	ssettag $0x0;
	lr =	simm.s32 $0x1  }
0x2: {  	[smem:$0x3F9F] =	sst lr;
	_ =	strace $0xD0000000  }
0x3: {  	_ = 	snop  }
0x4: {  	_ = 	snop  }
0x5: {  	_ = 	snop  }
0x6: {  	_ = 	snop  }
0x7: {  	_ = 	snop  }
__scs_overlays_trampoline_lowered:
0x8: {  	[smem:$0x3FAE] =	sst s0  }
0x9: {  	[smem:$0x3FAF] =	sst s1  }
0xa: {  	[smem:$0x3FB0] =	sst s2  }
0xb: {  	[smem:$0x3FB1] =	sst s3  }
0xc: {  	[smem:$0x3FB2] =	sst s4  }
0xd: {  	[smem:$0x3FB3] =	sst s5  }
0xe: {  	[smem:$0x3FB4] =	sst s6  }
0xf: {  	[smem:$0x3FB5] =	sst s7  }
0x10: {  	[smem:$0x3FB6] =	sst s8  }
0x11: {  	[smem:$0x3FB7] =	sst s9;
	s0 =	simm.s32 @!p0 $0x0  }
0x12: {  	s1 =	sld [smem:$0x3F9D];
	s0 =	simm.s32 @p0 $0x1  }
0x13: {  	[smem:$0x3FB8] =	sst s0;
	s0 =	simm.s32 @!p1 $0x0  }
0x14: {  	s2 =	sld [smem:$0x3F9C];
	s0 =	simm.s32 @p1 $0x1  }
0x15: {  	[smem:$0x3FB9] =	sst s0;
	s0 =	simm.s32 @!p2 $0x0  }
0x16: {  	s3 =	sld [smem:$0x3FDB];
	s0 =	simm.s32 @p2 $0x1  }
0x17: {  	s4 =	simm.s32 $0x1BF5;
	[smem:$0x3FBB] =	sst s0  }
0x18: {  	s0 =	sld [smem:$0x3F9E];
	_ =	swait.ge [sflag:s4], $0x0  }
0x19: {  	s7 =	sld [smem:$0x3F9F]  }
0x1a: {  	s8 =	sadd.s32 $0xFFFFE003, lr  }
0x1b: {  	s9 =	sadd.s32 $0xFFFFFEF7, lr;
	s5 =	simm.s32 $0xFFFFFFFF;
	p2 =	slt.u32 s8, $0xFFFFF086  }
0x1c: {  	p1 =	slt.u32 s9, $0xF7A;
	s5 =	simm.s32 @!p2 $0x0  }
0x1d: {  	s5 =	simm.s32 @p1 $0x1;
	p0 =	seq.s32 s7, s2  }
0x1e: {  	s7 =	smul.u32 @!p0 $0xF7A, s2;
	p2 =	seq.s32 @!p0 s5, $0x0  }
0x1f: {  	s9 =	smul.u32 $0xF7A, s1;
	s8 =	simm.s32 @!p0 $0x1BF5;
	p2 =	por !p2, p0  }
0x20: {  	[sflag:s8] =	ssyncset.s32 @!p0 $0xFFFFF086;
	s6 =	sadd.s32 @!p0 s3, s7;
	s7 =	simm.s32 @!p0 $0x108  }
0x21: {  	s3 =	sadd.s32 s3, s9;
	s6 =	sadd.s32 @!p0 $0x88, s6;
	s7 =	simm.s32 @p2 $0x1082  }
0x22: {  	[simem:s7], [sflag:s8] =	dma.local @!p0 [hbm:s6], $0xF7A  }
0x23: {  	s9 =	sor.u32 $0xD0000000, s2;
	s6 =	simm.s32 $0x108;
	_ =	swait.ge @!p0 [sflag:s8], $0x0  }
0x24: {  	s3 =	sadd.s32 $0x88, s3;
	s6 =	simm.s32 @!p1 $0x1082;
	[sflag:s4] =	ssyncset.s32 $0xFFFFF086  }
0x25: {  	[simem:s6], [sflag:s4] =	dma.local [hbm:s3], $0xF7A  }
0x26: {  	[smem:$0x3F9F] =	sst s1;
	(tag) =	ssettag s2;
	_ =	strace s9  }
0x27: {  	s1 =	sld [smem:$0x3FAF]  }
0x28: {  	s2 =	sld [smem:$0x3FB0]  }
0x29: {  	s4 =	sld [smem:$0x3FB2]  }
0x2a: {  	p0 =	seq.s32 s5, $0x0;
	s5 =	sld [smem:$0x3FB3]  }
0x2b: {  	s6 =	sld [smem:$0x3FB4]  }
0x2c: {  	s7 =	sld [smem:$0x3FB5]  }
0x2d: {  	s3 =	simm.s32 $0x108;
	s8 =	sld [smem:$0x3FB6]  }
0x2e: {  	s3 =	simm.s32 @!p0 $0x1082;
	s9 =	sld [smem:$0x3FB7]  }
0x2f: {  	lr =	sadd.s32 s0, s3;
	s0 =	sld [smem:$0x3FAE]  }
0x30: {  	s3 =	sld [smem:$0x3FB1]  }
0x31: {  	[smem:$0x3FBA] =	sst s10  }
0x32: {  	s10 =	sld [smem:$0x3FB8];
	_ =	sdelay $0x3  }
0x33: {  	p0 =	seq.s32 s10, $0x1;
	s10 =	sld [smem:$0x3FBA];
	_ =	sdelay $0x3  }
0x34: {  	[smem:$0x3FBA] =	sst s10  }
0x35: {  	s10 =	sld [smem:$0x3FB9];
	_ =	sdelay $0x3  }
0x36: {  	p1 =	seq.s32 s10, $0x1;
	s10 =	sld [smem:$0x3FBA];
	_ =	sdelay $0x3  }
0x37: {  	[smem:$0x3FBA] =	sst s10  }
0x38: {  	s10 =	sld [smem:$0x3FBB]  }
0x39: {  	_ = 	snop;
	(pc) =	sbr.ind lr, $3  }
0x3a: {  	_ = 	snop  }
0x3b: {  	_ = 	snop  }
0x3c: {  	p2 =	seq.s32 s10, $0x1;
	s10 =	sld [smem:$0x3FBA]  }
0x3d: {  	_ =	shalt  }
0x3e: {  	_ =	shalt  }
0x3f: {  	_ =	shalt  }
0x40: {  	_ =	shalt  }
0x41: {  	_ =	shalt  }
0x42: {  	_ =	shalt  }
0x43: {  	_ =	shalt  }
0x44: {  	_ =	shalt  }
0x45: {  	_ =	shalt  }
0x46: {  	_ =	shalt  }
0x47: {  	_ =	shalt  }
0x48: {  	_ =	shalt  }
0x49: {  	_ =	shalt  }
0x4a: {  	_ =	shalt  }
0x4b: {  	_ =	shalt  }
0x4c: {  	_ =	shalt  }
0x4d: {  	_ =	shalt  }
0x4e: {  	_ =	shalt  }
0x4f: {  	_ =	shalt  }
0x50: {  	_ =	shalt  }
0x51: {  	_ =	shalt  }
0x52: {  	_ =	shalt  }
0x53: {  	_ =	shalt  }
0x54: {  	_ =	shalt  }
0x55: {  	_ =	shalt  }
0x56: {  	_ =	shalt  }
0x57: {  	_ =	shalt  }
0x58: {  	_ =	shalt  }
0x59: {  	_ =	shalt  }
0x5a: {  	_ =	shalt  }
0x5b: {  	_ =	shalt  }
0x5c: {  	_ =	shalt  }
0x5d: {  	_ =	shalt  }
0x5e: {  	_ =	shalt  }
0x5f: {  	_ =	shalt  }
0x60: {  	_ =	shalt  }
0x61: {  	_ =	shalt  }
0x62: {  	_ =	shalt  }
0x63: {  	_ =	shalt  }
0x64: {  	_ =	shalt  }
0x65: {  	_ =	shalt  }
0x66: {  	_ =	shalt  }
0x67: {  	_ =	shalt  }
0x68: {  	_ =	shalt  }
0x69: {  	_ =	shalt  }
0x6a: {  	_ =	shalt  }
0x6b: {  	_ =	shalt  }
0x6c: {  	_ =	shalt  }
0x6d: {  	_ =	shalt  }
0x6e: {  	_ =	shalt  }
0x6f: {  	_ =	shalt  }
0x70: {  	_ =	shalt  }
0x71: {  	_ =	shalt  }
0x72: {  	_ =	shalt  }
0x73: {  	_ =	shalt  }
0x74: {  	_ =	shalt  }
0x75: {  	_ =	shalt  }
0x76: {  	_ =	shalt  }
0x77: {  	_ =	shalt  }
0x78: {  	_ =	shalt  }
0x79: {  	_ =	shalt  }
0x7a: {  	_ =	shalt  }
0x7b: {  	_ =	shalt  }
0x7c: {  	_ =	shalt  }
0x7d: {  	_ =	shalt  }
0x7e: {  	_ =	shalt  }
0x7f: {  	_ =	shalt  }
0x80: {  	_ =	shalt  }
0x81: {  	_ =	shalt  }
0x82: {  	_ =	shalt  }
0x83: {  	_ =	shalt  }
0x84: {  	_ =	shalt  }
0x85: {  	_ =	shalt  }
0x86: {  	_ =	shalt  }
0x87: {  	_ =	shalt  }
.Lfunc_end0:
.L_simem_size_0:
called_computation.3_lowered:
.L_overlay_start_0:
0x88: {  	s2 =	sld [smem:$0x3FD9]  }
0x89: {  	s3 =	sld [smem:$0x3FFE];
	_ =	sdelay $0x1  }
0x8a: {  	s1 =	srdreg.scid  }
0x8b: {  	s0 =	sand.u32 $0x1, s1  }
0x8c: {  	s17 =	sshll.u32 s0, $0xA;
	s2 =	sadd.s32 s3, s2  }
0x8d: {  	s2 =	sadd.s32 s2, s17  }
0x8e: {  	[smem:$0x3FC6] =	sst s2  }
0x8f: {  	_ = 	snop  }
0x90: {  	s2 =	sld [smem:$0x3FD0];
	(tm) =	ssettm $0x1  }
0x91: {  	s18 =	sld [smem:$0x3FFB];
	_ =	sdelay $0x3  }
0x92: {  	_ =	strace s18  }
0x93: {  	s3 =	sld [smem:$0x3FFC];
	_ =	sdelay $0x3  }
0x94: {  	_ =	strace s3  }
0x95: {  	s3 =	sld [smem:$0x3FFD];
	_ =	sdelay $0x3  }
0x96: {  	_ =	strace s3  }
0x97: {  	_ =	strace $0x8FFFFFFF  }
0x98: {  	s19 =	sld [smem:$0x3FDB];
	_ =	sdelay $0x1  }
0x99: {  	s4 =	simm.s32 $_scs_section_size  }
0x9a: {  	s5 =	simm.s32 $_size__tile_overlayer_lowered;
	s6 =	simm.s32 $_tile_overlayer_lowered  }
0x9b: {  	s22 =	simm.s32 $0x1BFF;
	s21 =	sshll.u32 s6, $0x1;
	s3 =	sadd.s32 s4, s19  }
0x9c: {  	s7 =	simm.s32 $0x0;
	s20 =	sshll.u32 s5, $0x1;
	s5 =	sadd.s32 s21, s3  }
0x9d: {  	[timem:s7], [sflag:s22] =	dma.local [hbm:s5], s20  }
0x9e: {  	_ =	swait.ge [sflag:s22], s20  }
0x9f: {  	s4 =	ssub.s32 $0x0, s20;
	[sflag:s22] =	ssyncset.done $0x0  }
0xa0: {  	[sflag:s22] =	ssyncadd.s32 s4;
	_ =	sdelay $0x1  }
0xa1: {  	s23 =	simm.s32 $0x1B8B  }
0xa2: {  	_ =	swait.ge [sflag:s23], $0x1  }
0xa3: {  	[sflag:s23] =	ssyncset.done $0x0  }
0xa4: {  	s25 =	simm.s32 $0x1B8E;
	s24 =	sld [smem:$0x3FFE];
	[sflag:s23] =	ssyncadd.s32 $0xFFFFFFFF  }
0xa5: {  	s26 =	simm.s32 $execute0_lowered;
	[smem:$0x3FD2] =	sst s25  }
0xa6: {  	s5 =	sshll.u32 s26, $0x1;
	_ =	strace $0x8000004F;
	[dreg:$0x1] =	wrdreg $0xFFFFFFFF  }
0xa7: {  	s28 =	simm.s32 $_size_execute0_lowered;
	s3 =	sadd.s32 s3, s5;
	[dreg:$0x0] =	wrdreg $0x0  }
0xa8: {  	s5 =	sshll.u32 s28, $0x1;
	[dreg:$0x2] =	wrdreg s3  }
0xa9: {  	[dreg:$0x3] =	wrdreg s5  }
0xaa: {  	[dreg:$0x4] =	wrdreg $0xC0  }
0xab: {  	_ =	task [dreg:s7], $0x5FFFF  }
0xac: {  	[dreg:$0x1] =	wrdreg $0xFFFFFFFF  }
0xad: {  	[dreg:$0x0] =	wrdreg $0x60  }
0xae: {  	[dreg:$0x2] =	wrdreg s24  }
0xaf: {  	[dreg:$0x3] =	wrdreg s2  }
0xb0: {  	[dreg:$0x4] =	wrdreg $0x0  }
0xb1: {  	[dreg:$0x5] =	wrdreg $0x9  }
0xb2: {  	_ =	task.clear_ibuf [dreg:s7], $0x6FFFF;
	_ =	strace $0x9000004F  }
0xb3: {  	s29 =	simm.s32 $0x9;
	_ =	strace $0x80000051  }
0xb4: {  	_ =	swait.ge [sflag:s29], $0x1  }
0xb5: {  	[sflag:s29] =	ssyncadd.s32 $0xFFFFFFFF  }
0xb6: {  	_ =	strace $0x90000051  }
0xb7: {  	_ =	sfence  }
0xb8: {  	s30 =	sld [smem:$0x0];
	_ =	sdelay $0x2  }
0xb9: {  	s31 =	sshll.u32 s1, $0xD;
	s1 =	sshrl.u32 s1, $0x2  }
0xba: {  	s3 =	sand.u32 $0x4000, s31;
	s1 =	sadd.s32 s1, s30  }
0xbb: {  	s0 =	sor.u32 s3, s0;
	s1 =	sshll.u32 s1, $0x11  }
0xbc: {  	s0 =	sor.u32 s1, s0  }
0xbd: {  	s0 =	sadd.s32 $0x8F2B, s0  }
0xbe: {  	[sflag:s0] =	ssyncadd.remote.s32 $0x1  }
0xbf: {  	_ =	sfence.sel $0xFFFF  }
0xc0: {  	[dreg:$0x0] =	wrdreg $0xFFFFFFFF;
	(pc) =	sbr.abs _section_cstart, $3  }
0xc1: {  	[dreg:$0x1] =	wrdreg $0xFFFFFFFF  }
0xc2: {  	_ =	task.clear_ibuf [dreg:s7], $0x2FFFF;
	_ =	strace $0x9FFFFFFF  }
0xc3: {  	(tm) =	ssettm $0x7FFFFFFF  }
tec
execute0_lowered:
.L_overlay_start_1:
0x0: {  	(tag) =	ssettag $0x1  }
0x1: {  	s0 =	rddreg [dreg:$0x0]  }
0x2: {  	s2 =	rddreg [dreg:$0x1]  }
0x3: {  	s3 =	rddreg [dreg:$0x2];
	s6 =	stileid.u32;
	s4 =	simm.s32 $0x0  }
0x4: {  	s8 =	srdreg.scid;
	s28 =	simm.s32 $0x17C80;
	s29 =	simm.s32 $0x80  }
0x5: {  	s30 =	simm.s32 $0x1;
	s31 =	simm.s32 $0x0;
	s1 =	smul.u32 $0x9D0, s6  }
0x6: {  	[smem:$0x7FF] =	sst s4;
	s5 =	sadd.s32 $0x6B200, s0;
	s7 =	sadd.s32 $0x7600, s0  }
0x7: {  	s11 =	smul.u32 $0x278, s6;
	s22 =	sadd.s32 $0xB9600, s0;
	s24 =	sand.u32 $0x1, s8  }
0x8: {  	s9 =	smul.u32 $0x4F000, s6;
	_ =	strace $0x80000050;
	[dreg:$0x4] =	wrdreg s7  }
0x9: {  	s14 =	smul.u32 $0x2780, s6;
	[dreg:$0x5] =	wrdreg s22;
	s23 =	ssub.s32 $0x2, s24  }
0xa: {  	p0 =	sne.s32 s24, $0x0;
	s24 =	simm.s32 $0x13C00;
	s1 =	sadd.s32 s1, s0  }
0xb: {  	s0 =	sadd.s32 $0xE0E00, s0;
	s15 =	sadd.s32 $0x80, s11;
	s10 =	sshrl.u32 s23, $0x1  }
0xc: {  	s9 =	sshrl.u32 s9, $0x2;
	s16 =	sadd.s32 $0x100, s11;
	s17 =	sadd.s32 $0x180, s11  }
0xd: {  	s18 =	sadd.s32 $0x200, s11;
	[dreg:$0x6] =	wrdreg s0;
	s12 =	sshll.u32 s15, $0x7  }
0xe: {  	s0 =	ssub.s32 s23, s10;
	s9 =	sadd.s32 s9, s3;
	s25 =	sshll.u32 s16, $0x7  }
0xf: {  	s26 =	sshll.u32 s17, $0x7;
	s13 =	sshll.u32 s18, $0x7;
	s15 =	sshll.u32 s15, $0x4  }
.Ltmp0:
0x10: {  	s16 =	sshll.u32 s16, $0x4;
	s17 =	sshll.u32 s17, $0x4;
	(pc) =	sbr.rel .LBB2_1-.Ltmp0, $4  }
0x11: {  	s18 =	sshll.u32 s18, $0x4;
	s20 =	sadd.s32 $0x42C00, s1;
	s21 =	sadd.s32 $0x2F000, s1  }
0x12: {  	s22 =	sadd.s32 $0x57600, s1;
	s23 =	sadd.s32 $0x61400, s1;
	s10 =	sadd.s32 s12, s3  }
0x13: {  	s11 =	sadd.s32 s25, s3;
	s12 =	sadd.s32 s26, s3;
	s13 =	sadd.s32 s13, s3  }
0x14: {  	s19 =	smax.u32 s0, $0x1;
	s25 =	simm.s32 $0x2;
	s26 =	simm.s32 $0x17C00  }
.LBB2_7:
0x15: {  	s1 =	sadd.s32 s0, s21;
	[sflag:s25] =	ssyncadd.s32 $0xFFFFC000  }
0x16: {  	[tilespmem:s26], [sflag:$0x2] =	stream.linear.gather [hbm4b:s1+s4], $0x80, $0x38;
	[tilespmem:$0x17D00] =	vst v63  }
0x17: {  	_ =	swait.ge [sflag:s25], $0x80  }
0x18: {  	[sflag:s25] =	ssyncset.done $0x0  }
0x19: {  	s8 =	sadd.s32 s0, s20;
	[sflag:s25] =	ssyncadd.s32 $0xFFFFFF80  }
0x1a: {  	[tilespmem:s28], [sflag:$0x2] =	stream.linear.gather [hbm4b:s8+s4], $0x80, $0x38;
	[tilespmem:$0x17D00] =	vst v63  }
0x1b: {  	_ =	swait.ge [sflag:s25], $0x80  }
0x1c: {  	[sflag:s25] =	ssyncset.done $0x0  }
0x1d: {  	[sflag:s25] =	ssyncadd.s32 $0xFFFFFF80  }
0x1e: {  	[tilespmem:s24], [sflag:$0x1] =	stream.indirect.gather [hbm4b:s2+s29], $0x80, s26, s29, $0xb8;
	[tilespmem:$0x17D00] =	vst v63  }
0x1f: {  	_ =	swait.ge [sflag:s30], $0x4000  }
0x20: {  	[sflag:s30] =	ssyncset.done $0x0  }
0x21: {  	[sflag:s30] =	ssyncadd.s32 $0xFFFFC000  }
0x22: {  	[spmem:s3] =	stream.indirect.scatter.add.f32 [tilespmem:s24], [sflag:$0x2], $0x80, s28, s29, $0xb8;
	[tilespmem:$0x17D00] =	vst v63  }
0x23: {  	_ =	swait.ge [sflag:s25], $0x4000  }
0x24: {  	[sflag:s25] =	ssyncset.done $0x0  }
0x25: {  	s0 =	rddreg [dreg:$0x6];
	[sflag:s25] =	ssyncadd.s32 $0xFFFFC000  }
.LBB2_8:
0x26: {  	[bflag:$0x0] =	sbarrier.arrive $0xFFFF  }
0x27: {  	[tilespmem:s24], [sflag:$0x2] =	stream.linear.gather [spmem:s9], $0x4000, $0x38;
	[tilespmem:$0x17D00] =	vst v63  }
0x28: {  	_ =	swait.ge [sflag:s25], $0x4000  }
0x29: {  	[sflag:s25] =	ssyncset.done $0x0  }
0x2a: {  	s1 =	sadd.s32 s0, s14;
	[sflag:s25] =	ssyncadd.s32 $0xFFFFC000  }
0x2b: {  	[hbm4b:s1+s4] =	stream.linear.scatter [tilespmem:s24], [sflag:$0x2], $0x4000, $0x38;
	[tilespmem:$0x17D00] =	vst v63  }
0x2c: {  	_ =	swait.ge [sflag:s25], $0x4000  }
0x2d: {  	[sflag:s25] =	ssyncset.done $0x0  }
0x2e: {  	[sflag:s25] =	ssyncadd.s32 $0xFFFFC000  }
0x2f: {  	[tilespmem:s24], [sflag:$0x2] =	stream.linear.gather [spmem:s10], $0x4000, $0x38;
	[tilespmem:$0x17D00] =	vst v63  }
0x30: {  	_ =	swait.ge [sflag:s25], $0x4000  }
0x31: {  	[sflag:s25] =	ssyncset.done $0x0  }
0x32: {  	s8 =	sadd.s32 s0, s15;
	[sflag:s25] =	ssyncadd.s32 $0xFFFFC000  }
0x33: {  	[hbm4b:s8+s4] =	stream.linear.scatter [tilespmem:s24], [sflag:$0x2], $0x4000, $0x38;
	[tilespmem:$0x17D00] =	vst v63  }
0x34: {  	_ =	swait.ge [sflag:s25], $0x4000  }
0x35: {  	[sflag:s25] =	ssyncset.done $0x0  }
0x36: {  	[sflag:s25] =	ssyncadd.s32 $0xFFFFC000  }
0x37: {  	[tilespmem:s24], [sflag:$0x2] =	stream.linear.gather [spmem:s11], $0x4000, $0x38;
	[tilespmem:$0x17D00] =	vst v63  }
0x38: {  	_ =	swait.ge [sflag:s25], $0x4000  }
0x39: {  	[sflag:s25] =	ssyncset.done $0x0  }
0x3a: {  	s6 =	sadd.s32 s0, s16;
	[sflag:s25] =	ssyncadd.s32 $0xFFFFC000  }
0x3b: {  	[hbm4b:s6+s4] =	stream.linear.scatter [tilespmem:s24], [sflag:$0x2], $0x4000, $0x38;
	[tilespmem:$0x17D00] =	vst v63  }
0x3c: {  	_ =	swait.ge [sflag:s25], $0x4000  }
0x3d: {  	[sflag:s25] =	ssyncset.done $0x0  }
0x3e: {  	[sflag:s25] =	ssyncadd.s32 $0xFFFFC000  }
0x3f: {  	[tilespmem:s24], [sflag:$0x2] =	stream.linear.gather [spmem:s12], $0x4000, $0x38;
	[tilespmem:$0x17D00] =	vst v63  }
0x40: {  	_ =	swait.ge [sflag:s25], $0x4000  }
0x41: {  	[sflag:s25] =	ssyncset.done $0x0  }
0x42: {  	s7 =	sadd.s32 s0, s17;
	[sflag:s25] =	ssyncadd.s32 $0xFFFFC000  }
0x43: {  	[hbm4b:s7+s4] =	stream.linear.scatter [tilespmem:s24], [sflag:$0x2], $0x4000, $0x38;
	[tilespmem:$0x17D00] =	vst v63  }
0x44: {  	_ =	swait.ge [sflag:s25], $0x4000  }
0x45: {  	[sflag:s25] =	ssyncset.done $0x0  }
0x46: {  	[sflag:s25] =	ssyncadd.s32 $0xFFFFC000  }
0x47: {  	[tilespmem:s24], [sflag:$0x2] =	stream.linear.gather [spmem:s13], $0x3C00, $0x38;
	[tilespmem:$0x17D00] =	vst v63  }
0x48: {  	s31 =	sadd.s32 $0x1, s31;
	_ =	swait.ge [sflag:s25], $0x3C00  }
0x49: {  	p1 =	sne.s32 s31, s19;
	[sflag:s25] =	ssyncset.done $0x0  }
.Ltmp1:
0x4a: {  	s8 =	sadd.s32 s0, s18;
	[sflag:s25] =	ssyncadd.s32 $0xFFFFC400;
	(pc) =	sbr.rel @!p1 .LBB2_9-.Ltmp1, $4  }
0x4b: {  	[hbm4b:s8+s4] =	stream.linear.scatter [tilespmem:s24], [sflag:$0x2], $0x3C00, $0x38;
	[tilespmem:$0x17D00] =	vst v63  }
0x4c: {  	_ =	swait.ge [sflag:s25], $0x3C00  }
0x4d: {  	[sflag:s25] =	ssyncset.done $0x0  }
0x4e: {  	[sflag:s25] =	ssyncadd.s32 $0xFFFFC400  }
.LBB2_1:
0x4f: {  	s0 =	rddreg [dreg:$0x4]  }
0x50: {  	[tilespmem:s24], [sflag:$0x2] =	stream.linear.gather [hbm4b:s0+s4], $0x4000, $0x38;
	[tilespmem:$0x17D00] =	vst v63  }
0x51: {  	_ =	swait.ge [sflag:s25], $0x4000  }
0x52: {  	[sflag:s25] =	ssyncset.done $0x0  }
0x53: {  	[sflag:s25] =	ssyncadd.s32 $0xFFFFC000  }
0x54: {  	[spmem:s9] =	stream.linear.scatter [tilespmem:s24], [sflag:$0x2], $0x4000, $0x38;
	[tilespmem:$0x17D00] =	vst v63  }
0x55: {  	_ =	swait.ge [sflag:s25], $0x4000  }
0x56: {  	[sflag:s25] =	ssyncset.done $0x0  }
0x57: {  	[sflag:s25] =	ssyncadd.s32 $0xFFFFC000  }
0x58: {  	[spmem:s10] =	stream.linear.scatter [tilespmem:s24], [sflag:$0x2], $0x4000, $0x38;
	[tilespmem:$0x17D00] =	vst v63  }
0x59: {  	_ =	swait.ge [sflag:s25], $0x4000  }
0x5a: {  	[sflag:s25] =	ssyncset.done $0x0  }
0x5b: {  	[sflag:s25] =	ssyncadd.s32 $0xFFFFC000  }
0x5c: {  	[spmem:s11] =	stream.linear.scatter [tilespmem:s24], [sflag:$0x2], $0x4000, $0x38;
	[tilespmem:$0x17D00] =	vst v63  }
0x5d: {  	_ =	swait.ge [sflag:s25], $0x4000  }
0x5e: {  	[sflag:s25] =	ssyncset.done $0x0  }
0x5f: {  	[sflag:s25] =	ssyncadd.s32 $0xFFFFC000  }
0x60: {  	[spmem:s12] =	stream.linear.scatter [tilespmem:s24], [sflag:$0x2], $0x4000, $0x38;
	[tilespmem:$0x17D00] =	vst v63  }
0x61: {  	_ =	swait.ge [sflag:s25], $0x4000  }
0x62: {  	[sflag:s25] =	ssyncset.done $0x0  }
0x63: {  	[sflag:s25] =	ssyncadd.s32 $0xFFFFC000  }
0x64: {  	[spmem:s13] =	stream.linear.scatter [tilespmem:s24], [sflag:$0x2], $0x3C00, $0x38;
	[tilespmem:$0x17D00] =	vst v63  }
.Ltmp2:
0x65: {  	_ =	swait.ge [sflag:s25], $0x3C00;
	(pc) =	sbr.rel @p0 .LBB2_5-.Ltmp2, $3  }
0x66: {  	[sflag:s25] =	ssyncset.done $0x0  }
0x67: {  	[sflag:s25] =	ssyncadd.s32 $0xFFFFC400  }
0x68: {  	[bflag:$0x0] =	sbarrier.arrive $0xFFFF;
	_ =	sdelay $0x1  }
0x69: {  	s0 =	sadd.s32 $0x0, s23  }
0x6a: {  	[tilespmem:s26], [sflag:$0x2] =	stream.linear.gather [hbm4b:s0+s4], $0x80, $0x38;
	[tilespmem:$0x17D00] =	vst v63  }
0x6b: {  	_ =	swait.ge [sflag:s25], $0x80  }
0x6c: {  	[sflag:s25] =	ssyncset.done $0x0  }
0x6d: {  	s8 =	sadd.s32 $0x0, s22;
	[sflag:s25] =	ssyncadd.s32 $0xFFFFFF80  }
0x6e: {  	[tilespmem:s28], [sflag:$0x2] =	stream.linear.gather [hbm4b:s8+s4], $0x80, $0x38;
	[tilespmem:$0x17D00] =	vst v63  }
0x6f: {  	_ =	swait.ge [sflag:s25], $0x80  }
0x70: {  	[sflag:s25] =	ssyncset.done $0x0  }
0x71: {  	[sflag:s25] =	ssyncadd.s32 $0xFFFFFF80  }
0x72: {  	[tilespmem:s24], [sflag:$0x1] =	stream.indirect.gather [hbm4b:s5+s29], $0x80, s26, s29, $0xb8;
	[tilespmem:$0x17D00] =	vst v63  }
0x73: {  	_ =	swait.ge [sflag:s30], $0x4000  }
0x74: {  	[sflag:s30] =	ssyncset.done $0x0  }
0x75: {  	[sflag:s30] =	ssyncadd.s32 $0xFFFFC000  }
0x76: {  	[spmem:s3] =	stream.indirect.scatter.add.f32 [tilespmem:s24], [sflag:$0x2], $0x80, s28, s29, $0xb8;
	[tilespmem:$0x17D00] =	vst v63  }
0x77: {  	_ =	swait.ge [sflag:s25], $0x4000  }
0x78: {  	s1 =	simm.s32 $0x20;
	s0 =	simm.s32 $0x10;
	[sflag:s25] =	ssyncset.done $0x0  }
.LBB2_3:
0x79: {  	s7 =	sadd.s32 s0, s23  }
0x7a: {  	[sflag:s25] =	ssyncadd.s32 $0xFFFFC000;
	s8 =	smov.u32 s1;
	s6 =	sadd.s32 $0x10, s1  }
0x7b: {  	[tilespmem:s26], [sflag:$0x2] =	stream.linear.gather [hbm4b:s7+s4], $0x80, $0x38;
	[tilespmem:$0x17D00] =	vst v63  }
0x7c: {  	p1 =	seq.s32 s1, $0x9C0;
	_ =	swait.ge [sflag:s25], $0x80  }
0x7d: {  	[sflag:s25] =	ssyncset.done $0x0  }
0x7e: {  	s1 =	sadd.s32 s0, s22;
	s0 =	smov.u32 s8;
	[sflag:s25] =	ssyncadd.s32 $0xFFFFFF80  }
0x7f: {  	[tilespmem:s28], [sflag:$0x2] =	stream.linear.gather [hbm4b:s1+s4], $0x80, $0x38;
	[tilespmem:$0x17D00] =	vst v63  }
0x80: {  	_ =	swait.ge [sflag:s25], $0x80  }
0x81: {  	[sflag:s25] =	ssyncset.done $0x0  }
0x82: {  	[sflag:s25] =	ssyncadd.s32 $0xFFFFFF80  }
0x83: {  	[tilespmem:s24], [sflag:$0x1] =	stream.indirect.gather [hbm4b:s5+s29], $0x80, s26, s29, $0xb8;
	[tilespmem:$0x17D00] =	vst v63  }
0x84: {  	_ =	swait.ge [sflag:s30], $0x4000  }
.Ltmp3:
0x85: {  	[sflag:s30] =	ssyncset.done $0x0;
	(pc) =	sbr.rel @!p1 .LBB2_3-.Ltmp3, $4  }
0x86: {  	[sflag:s30] =	ssyncadd.s32 $0xFFFFC000  }
0x87: {  	[spmem:s3] =	stream.indirect.scatter.add.f32 [tilespmem:s24], [sflag:$0x2], $0x80, s28, s29, $0xb8;
	[tilespmem:$0x17D00] =	vst v63  }
0x88: {  	_ =	swait.ge [sflag:s25], $0x4000  }
0x89: {  	s1 =	smov.u32 s6;
	[sflag:s25] =	ssyncset.done $0x0  }
0x8a: {  	s1 =	sadd.s32 s0, s23;
	[sflag:s25] =	ssyncadd.s32 $0xFFFFC000  }
0x8b: {  	[tilespmem:s26], [sflag:$0x2] =	stream.linear.gather [hbm4b:s1+s4], $0x80, $0x38;
	[tilespmem:$0x17D00] =	vst v63  }
0x8c: {  	_ =	swait.ge [sflag:s25], $0x80  }
0x8d: {  	[sflag:s25] =	ssyncset.done $0x0  }
0x8e: {  	s8 =	sadd.s32 s0, s22;
	[sflag:s25] =	ssyncadd.s32 $0xFFFFFF80  }
0x8f: {  	[tilespmem:s28], [sflag:$0x2] =	stream.linear.gather [hbm4b:s8+s4], $0x80, $0x38;
	[tilespmem:$0x17D00] =	vst v63  }
0x90: {  	_ =	swait.ge [sflag:s25], $0x80  }
0x91: {  	[sflag:s25] =	ssyncset.done $0x0  }
0x92: {  	[sflag:s25] =	ssyncadd.s32 $0xFFFFFF80  }
0x93: {  	[tilespmem:s24], [sflag:$0x1] =	stream.indirect.gather [hbm4b:s5+s29], $0x80, s26, s29, $0xb8;
	[tilespmem:$0x17D00] =	vst v63  }
0x94: {  	_ =	swait.ge [sflag:s30], $0x4000  }
0x95: {  	[sflag:s30] =	ssyncset.done $0x0  }
.Ltmp4:
0x96: {  	[sflag:s30] =	ssyncadd.s32 $0xFFFFC000;
	(pc) =	sbr.rel .LBB2_8-.Ltmp4, $4  }
0x97: {  	[spmem:s3] =	stream.indirect.scatter.add.f32 [tilespmem:s24], [sflag:$0x2], $0x80, s28, s29, $0xb8;
	[tilespmem:$0x17D00] =	vst v63  }
0x98: {  	_ =	swait.ge [sflag:s25], $0x4000  }
0x99: {  	[sflag:s25] =	ssyncset.done $0x0  }
0x9a: {  	s0 =	rddreg [dreg:$0x5];
	[sflag:s25] =	ssyncadd.s32 $0xFFFFC000  }
.LBB2_5:
0x9b: {  	s0 =	sadd.s32 $0x0, s21  }
0x9c: {  	[tilespmem:s26], [sflag:$0x2] =	stream.linear.gather [hbm4b:s0+s4], $0x80, $0x38;
	[tilespmem:$0x17D00] =	vst v63  }
0x9d: {  	_ =	swait.ge [sflag:s25], $0x80  }
0x9e: {  	[sflag:s25] =	ssyncset.done $0x0  }
0x9f: {  	s8 =	sadd.s32 $0x0, s20;
	[sflag:s25] =	ssyncadd.s32 $0xFFFFFF80  }
0xa0: {  	[tilespmem:s28], [sflag:$0x2] =	stream.linear.gather [hbm4b:s8+s4], $0x80, $0x38;
	[tilespmem:$0x17D00] =	vst v63  }
0xa1: {  	_ =	swait.ge [sflag:s25], $0x80  }
0xa2: {  	[sflag:s25] =	ssyncset.done $0x0  }
0xa3: {  	[sflag:s25] =	ssyncadd.s32 $0xFFFFFF80  }
0xa4: {  	[tilespmem:s24], [sflag:$0x1] =	stream.indirect.gather [hbm4b:s2+s29], $0x80, s26, s29, $0xb8;
	[tilespmem:$0x17D00] =	vst v63  }
0xa5: {  	_ =	swait.ge [sflag:s30], $0x4000  }
0xa6: {  	[sflag:s30] =	ssyncset.done $0x0  }
0xa7: {  	[sflag:s30] =	ssyncadd.s32 $0xFFFFC000  }
0xa8: {  	[spmem:s3] =	stream.indirect.scatter.add.f32 [tilespmem:s24], [sflag:$0x2], $0x80, s28, s29, $0xb8;
	[tilespmem:$0x17D00] =	vst v63  }
0xa9: {  	_ =	swait.ge [sflag:s25], $0x4000  }
0xaa: {  	s1 =	simm.s32 $0x20;
	s0 =	simm.s32 $0x10;
	[sflag:s25] =	ssyncset.done $0x0  }
.LBB2_6:
0xab: {  	s6 =	sadd.s32 s0, s21  }
0xac: {  	[sflag:s25] =	ssyncadd.s32 $0xFFFFC000;
	s7 =	smov.u32 s1;
	s8 =	sadd.s32 $0x10, s1  }
0xad: {  	[tilespmem:s26], [sflag:$0x2] =	stream.linear.gather [hbm4b:s6+s4], $0x80, $0x38;
	[tilespmem:$0x17D00] =	vst v63  }
0xae: {  	p1 =	sne.s32 s1, $0x9C0;
	_ =	swait.ge [sflag:s25], $0x80  }
0xaf: {  	[sflag:s25] =	ssyncset.done $0x0  }
0xb0: {  	s1 =	sadd.s32 s0, s20;
	s0 =	smov.u32 s7;
	[sflag:s25] =	ssyncadd.s32 $0xFFFFFF80  }
0xb1: {  	[tilespmem:s28], [sflag:$0x2] =	stream.linear.gather [hbm4b:s1+s4], $0x80, $0x38;
	[tilespmem:$0x17D00] =	vst v63  }
0xb2: {  	_ =	swait.ge [sflag:s25], $0x80  }
0xb3: {  	[sflag:s25] =	ssyncset.done $0x0  }
0xb4: {  	[sflag:s25] =	ssyncadd.s32 $0xFFFFFF80  }
0xb5: {  	[tilespmem:s24], [sflag:$0x1] =	stream.indirect.gather [hbm4b:s2+s29], $0x80, s26, s29, $0xb8;
	[tilespmem:$0x17D00] =	vst v63  }
0xb6: {  	_ =	swait.ge [sflag:s30], $0x4000  }
.Ltmp5:
0xb7: {  	[sflag:s30] =	ssyncset.done $0x0;
	(pc) =	sbr.rel @p1 .LBB2_6-.Ltmp5, $4  }
0xb8: {  	[sflag:s30] =	ssyncadd.s32 $0xFFFFC000  }
0xb9: {  	[spmem:s3] =	stream.indirect.scatter.add.f32 [tilespmem:s24], [sflag:$0x2], $0x80, s28, s29, $0xb8;
	[tilespmem:$0x17D00] =	vst v63  }
0xba: {  	_ =	swait.ge [sflag:s25], $0x4000  }
0xbb: {  	s1 =	smov.u32 s8;
	[sflag:s25] =	ssyncset.done $0x0  }
.Ltmp6:
0xbc: {  	_ = 	snop;
	(pc) =	sbr.rel .LBB2_7-.Ltmp6, $1  }
0xbd: {  	_ =	sdelay $0x3  }
.LBB2_9:
0xbe: {  	_ =	sfence.sel $0x180000  }
0xbf: {  	[bflag:$0x0] =	sbarrier.arrive $0xFFFF  }
0xc0: {  	_ =	strace $0x90000050  }
0xc1: {  	s0 =	stileid.u32;
	[bflag:$0x2] =	sbarrier.arrive $0xFFFF  }
0xc2: {  	p0 =	sne.s32 s0, $0x0;
	s0 =	rddreg [dreg:$0x3]  }
0xc3: {  	s0 =	sadd.s32 @!p0 $0x100000, s0  }
0xc4: {  	[sflag:s0] =	ssyncadd.tile.s32 @!p0 $0x1;
	_ =	shalt  }
.Lfunc_end2:
_tile_overlayer_lowered:
.L_overlay_start_2:
0xc5: {  	(tag) =	ssettag $0x2  }
0xc6: {  	s0 =	rddreg [dreg:$0x0];
	s2 =	stileid.u32  }
0xc7: {  	s1 =	rddreg [dreg:$0x1];
	p0 =	sne.s32 s2, $0x0  }
0xc8: {  	s3 =	rddreg [dreg:$0x2];
	[bflag:$0x3] =	sbarrier.arrive $0xFFFF;
	s2 =	simm.s32 @!p0 $0x1C02  }
0xc9: {  	[timem:s3], [sflag:s2] =	dma.local @!p0 [hbm:s0], s1  }
0xca: {  	s0 =	simm.s32 @!p0 $0x2  }
0xcb: {  	_ =	swait.ge @!p0 [sflag:s0], s1  }
0xcc: {  	s1 =	ssub.s32 @!p0 $0x0, s1;
	[sflag:s0] =	ssyncset.done @!p0 $0x0  }
0xcd: {  	[sflag:s0] =	ssyncadd.s32 @!p0 s1  }
0xce: {  	[bflag:$0x3] =	sbarrier.arrive $0xFFFF  }
0xcf: {  	_ =	shalt  }

// kernel: kernel.24.cloned.1.call-start
scs
__scs_entry_jumppad:
0x0: {  	(pc) =	sbr.rel $0x88, $3  }
0x1: {  	(tag) =	ssettag $0x0;
	lr =	simm.s32 $0x1  }
0x2: {  	[smem:$0x3F9F] =	sst lr;
	_ =	strace $0xD0000000  }
0x3: {  	_ = 	snop  }
0x4: {  	_ = 	snop  }
0x5: {  	_ = 	snop  }
0x6: {  	_ = 	snop  }
0x7: {  	_ = 	snop  }
__scs_overlays_trampoline_lowered:
0x8: {  	[smem:$0x3FAE] =	sst s0  }
0x9: {  	[smem:$0x3FAF] =	sst s1  }
0xa: {  	[smem:$0x3FB0] =	sst s2  }
0xb: {  	[smem:$0x3FB1] =	sst s3  }
0xc: {  	[smem:$0x3FB2] =	sst s4  }
0xd: {  	[smem:$0x3FB3] =	sst s5  }
0xe: {  	[smem:$0x3FB4] =	sst s6  }
0xf: {  	[smem:$0x3FB5] =	sst s7  }
0x10: {  	[smem:$0x3FB6] =	sst s8  }
0x11: {  	[smem:$0x3FB7] =	sst s9;
	s0 =	simm.s32 @!p0 $0x0  }
0x12: {  	s1 =	sld [smem:$0x3F9D];
	s0 =	simm.s32 @p0 $0x1  }
0x13: {  	[smem:$0x3FB8] =	sst s0;
	s0 =	simm.s32 @!p1 $0x0  }
0x14: {  	s2 =	sld [smem:$0x3F9C];
	s0 =	simm.s32 @p1 $0x1  }
0x15: {  	[smem:$0x3FB9] =	sst s0;
	s0 =	simm.s32 @!p2 $0x0  }
0x16: {  	s3 =	sld [smem:$0x3FDB];
	s0 =	simm.s32 @p2 $0x1  }
0x17: {  	s4 =	simm.s32 $0x1BF5;
	[smem:$0x3FBB] =	sst s0  }
0x18: {  	s0 =	sld [smem:$0x3F9E];
	_ =	swait.ge [sflag:s4], $0x0  }
0x19: {  	s7 =	sld [smem:$0x3F9F]  }
0x1a: {  	s8 =	sadd.s32 $0xFFFFE003, lr  }
0x1b: {  	s9 =	sadd.s32 $0xFFFFFEF7, lr;
	s5 =	simm.s32 $0xFFFFFFFF;
	p2 =	slt.u32 s8, $0xFFFFF086  }
0x1c: {  	p1 =	slt.u32 s9, $0xF7A;
	s5 =	simm.s32 @!p2 $0x0  }
0x1d: {  	s5 =	simm.s32 @p1 $0x1;
	p0 =	seq.s32 s7, s2  }
0x1e: {  	s7 =	smul.u32 @!p0 $0xF7A, s2;
	p2 =	seq.s32 @!p0 s5, $0x0  }
0x1f: {  	s9 =	smul.u32 $0xF7A, s1;
	s8 =	simm.s32 @!p0 $0x1BF5;
	p2 =	por !p2, p0  }
0x20: {  	[sflag:s8] =	ssyncset.s32 @!p0 $0xFFFFF086;
	s6 =	sadd.s32 @!p0 s3, s7;
	s7 =	simm.s32 @!p0 $0x108  }
0x21: {  	s3 =	sadd.s32 s3, s9;
	s6 =	sadd.s32 @!p0 $0x88, s6;
	s7 =	simm.s32 @p2 $0x1082  }
0x22: {  	[simem:s7], [sflag:s8] =	dma.local @!p0 [hbm:s6], $0xF7A  }
0x23: {  	s9 =	sor.u32 $0xD0000000, s2;
	s6 =	simm.s32 $0x108;
	_ =	swait.ge @!p0 [sflag:s8], $0x0  }
0x24: {  	s3 =	sadd.s32 $0x88, s3;
	s6 =	simm.s32 @!p1 $0x1082;
	[sflag:s4] =	ssyncset.s32 $0xFFFFF086  }
0x25: {  	[simem:s6], [sflag:s4] =	dma.local [hbm:s3], $0xF7A  }
0x26: {  	[smem:$0x3F9F] =	sst s1;
	(tag) =	ssettag s2;
	_ =	strace s9  }
0x27: {  	s1 =	sld [smem:$0x3FAF]  }
0x28: {  	s2 =	sld [smem:$0x3FB0]  }
0x29: {  	s4 =	sld [smem:$0x3FB2]  }
0x2a: {  	p0 =	seq.s32 s5, $0x0;
	s5 =	sld [smem:$0x3FB3]  }
0x2b: {  	s6 =	sld [smem:$0x3FB4]  }
0x2c: {  	s7 =	sld [smem:$0x3FB5]  }
0x2d: {  	s3 =	simm.s32 $0x108;
	s8 =	sld [smem:$0x3FB6]  }
0x2e: {  	s3 =	simm.s32 @!p0 $0x1082;
	s9 =	sld [smem:$0x3FB7]  }
0x2f: {  	lr =	sadd.s32 s0, s3;
	s0 =	sld [smem:$0x3FAE]  }
0x30: {  	s3 =	sld [smem:$0x3FB1]  }
0x31: {  	[smem:$0x3FBA] =	sst s10  }
0x32: {  	s10 =	sld [smem:$0x3FB8];
	_ =	sdelay $0x3  }
0x33: {  	p0 =	seq.s32 s10, $0x1;
	s10 =	sld [smem:$0x3FBA];
	_ =	sdelay $0x3  }
0x34: {  	[smem:$0x3FBA] =	sst s10  }
0x35: {  	s10 =	sld [smem:$0x3FB9];
	_ =	sdelay $0x3  }
0x36: {  	p1 =	seq.s32 s10, $0x1;
	s10 =	sld [smem:$0x3FBA];
	_ =	sdelay $0x3  }
0x37: {  	[smem:$0x3FBA] =	sst s10  }
0x38: {  	s10 =	sld [smem:$0x3FBB]  }
0x39: {  	_ = 	snop;
	(pc) =	sbr.ind lr, $3  }
0x3a: {  	_ = 	snop  }
0x3b: {  	_ = 	snop  }
0x3c: {  	p2 =	seq.s32 s10, $0x1;
	s10 =	sld [smem:$0x3FBA]  }
0x3d: {  	_ =	shalt  }
0x3e: {  	_ =	shalt  }
0x3f: {  	_ =	shalt  }
0x40: {  	_ =	shalt  }
0x41: {  	_ =	shalt  }
0x42: {  	_ =	shalt  }
0x43: {  	_ =	shalt  }
0x44: {  	_ =	shalt  }
0x45: {  	_ =	shalt  }
0x46: {  	_ =	shalt  }
0x47: {  	_ =	shalt  }
0x48: {  	_ =	shalt  }
0x49: {  	_ =	shalt  }
0x4a: {  	_ =	shalt  }
0x4b: {  	_ =	shalt  }
0x4c: {  	_ =	shalt  }
0x4d: {  	_ =	shalt  }
0x4e: {  	_ =	shalt  }
0x4f: {  	_ =	shalt  }
0x50: {  	_ =	shalt  }
0x51: {  	_ =	shalt  }
0x52: {  	_ =	shalt  }
0x53: {  	_ =	shalt  }
0x54: {  	_ =	shalt  }
0x55: {  	_ =	shalt  }
0x56: {  	_ =	shalt  }
0x57: {  	_ =	shalt  }
0x58: {  	_ =	shalt  }
0x59: {  	_ =	shalt  }
0x5a: {  	_ =	shalt  }
0x5b: {  	_ =	shalt  }
0x5c: {  	_ =	shalt  }
0x5d: {  	_ =	shalt  }
0x5e: {  	_ =	shalt  }
0x5f: {  	_ =	shalt  }
0x60: {  	_ =	shalt  }
0x61: {  	_ =	shalt  }
0x62: {  	_ =	shalt  }
0x63: {  	_ =	shalt  }
0x64: {  	_ =	shalt  }
0x65: {  	_ =	shalt  }
0x66: {  	_ =	shalt  }
0x67: {  	_ =	shalt  }
0x68: {  	_ =	shalt  }
0x69: {  	_ =	shalt  }
0x6a: {  	_ =	shalt  }
0x6b: {  	_ =	shalt  }
0x6c: {  	_ =	shalt  }
0x6d: {  	_ =	shalt  }
0x6e: {  	_ =	shalt  }
0x6f: {  	_ =	shalt  }
0x70: {  	_ =	shalt  }
0x71: {  	_ =	shalt  }
0x72: {  	_ =	shalt  }
0x73: {  	_ =	shalt  }
0x74: {  	_ =	shalt  }
0x75: {  	_ =	shalt  }
0x76: {  	_ =	shalt  }
0x77: {  	_ =	shalt  }
0x78: {  	_ =	shalt  }
0x79: {  	_ =	shalt  }
0x7a: {  	_ =	shalt  }
0x7b: {  	_ =	shalt  }
0x7c: {  	_ =	shalt  }
0x7d: {  	_ =	shalt  }
0x7e: {  	_ =	shalt  }
0x7f: {  	_ =	shalt  }
0x80: {  	_ =	shalt  }
0x81: {  	_ =	shalt  }
0x82: {  	_ =	shalt  }
0x83: {  	_ =	shalt  }
0x84: {  	_ =	shalt  }
0x85: {  	_ =	shalt  }
0x86: {  	_ =	shalt  }
0x87: {  	_ =	shalt  }
.Lfunc_end0:
.L_simem_size_0:
called_computation.4_lowered:
.L_overlay_start_0:
0x88: {  	s2 =	sld [smem:$0x3FD9]  }
0x89: {  	s3 =	sld [smem:$0x3FFE];
	_ =	sdelay $0x1  }
0x8a: {  	s1 =	srdreg.scid  }
0x8b: {  	s0 =	sand.u32 $0x1, s1  }
0x8c: {  	s17 =	sshll.u32 s0, $0xA;
	s2 =	sadd.s32 s3, s2  }
0x8d: {  	s2 =	sadd.s32 s2, s17  }
0x8e: {  	[smem:$0x3FC6] =	sst s2  }
0x8f: {  	_ = 	snop  }
0x90: {  	s2 =	sld [smem:$0x3FD0];
	(tm) =	ssettm $0x1  }
0x91: {  	s18 =	sld [smem:$0x3FFB];
	_ =	sdelay $0x3  }
0x92: {  	_ =	strace s18  }
0x93: {  	s3 =	sld [smem:$0x3FFC];
	_ =	sdelay $0x3  }
0x94: {  	_ =	strace s3  }
0x95: {  	s3 =	sld [smem:$0x3FFD];
	_ =	sdelay $0x3  }
0x96: {  	_ =	strace s3  }
0x97: {  	_ =	strace $0x8FFFFFFF  }
0x98: {  	s19 =	sld [smem:$0x3FDB];
	_ =	sdelay $0x1  }
0x99: {  	s4 =	simm.s32 $_scs_section_size  }
0x9a: {  	s5 =	simm.s32 $_size__tile_overlayer_lowered;
	s6 =	simm.s32 $_tile_overlayer_lowered  }
0x9b: {  	s22 =	simm.s32 $0x1BFF;
	s21 =	sshll.u32 s6, $0x1;
	s3 =	sadd.s32 s4, s19  }
0x9c: {  	s7 =	simm.s32 $0x0;
	s20 =	sshll.u32 s5, $0x1;
	s5 =	sadd.s32 s21, s3  }
0x9d: {  	[timem:s7], [sflag:s22] =	dma.local [hbm:s5], s20  }
0x9e: {  	_ =	swait.ge [sflag:s22], s20  }
0x9f: {  	s4 =	ssub.s32 $0x0, s20;
	[sflag:s22] =	ssyncset.done $0x0  }
0xa0: {  	[sflag:s22] =	ssyncadd.s32 s4;
	_ =	sdelay $0x1  }
0xa1: {  	s23 =	simm.s32 $0x1B8B  }
0xa2: {  	_ =	swait.ge [sflag:s23], $0x1  }
0xa3: {  	[sflag:s23] =	ssyncset.done $0x0  }
0xa4: {  	s25 =	simm.s32 $0x1B8E;
	s24 =	sld [smem:$0x3FFE];
	[sflag:s23] =	ssyncadd.s32 $0xFFFFFFFF  }
0xa5: {  	s26 =	simm.s32 $execute0_lowered;
	[smem:$0x3FD2] =	sst s25  }
0xa6: {  	s5 =	sshll.u32 s26, $0x1;
	_ =	strace $0x80000052;
	[dreg:$0x1] =	wrdreg $0xFFFFFFFF  }
0xa7: {  	s28 =	simm.s32 $_size_execute0_lowered;
	s3 =	sadd.s32 s3, s5;
	[dreg:$0x0] =	wrdreg $0x0  }
0xa8: {  	s5 =	sshll.u32 s28, $0x1;
	[dreg:$0x2] =	wrdreg s3  }
0xa9: {  	[dreg:$0x3] =	wrdreg s5  }
0xaa: {  	[dreg:$0x4] =	wrdreg $0xC0  }
0xab: {  	_ =	task [dreg:s7], $0x5FFFF  }
0xac: {  	[dreg:$0x1] =	wrdreg $0xFFFFFFFF  }
0xad: {  	[dreg:$0x0] =	wrdreg $0x60  }
0xae: {  	[dreg:$0x2] =	wrdreg s24  }
0xaf: {  	[dreg:$0x3] =	wrdreg s2  }
0xb0: {  	[dreg:$0x4] =	wrdreg $0x0  }
0xb1: {  	[dreg:$0x5] =	wrdreg $0x9  }
0xb2: {  	_ =	task.clear_ibuf [dreg:s7], $0x6FFFF;
	_ =	strace $0x90000052  }
0xb3: {  	s29 =	simm.s32 $0x9;
	_ =	strace $0x80000054  }
0xb4: {  	_ =	swait.ge [sflag:s29], $0x1  }
0xb5: {  	[sflag:s29] =	ssyncadd.s32 $0xFFFFFFFF  }
0xb6: {  	_ =	strace $0x90000054  }
0xb7: {  	_ =	sfence  }
0xb8: {  	s30 =	sld [smem:$0x0];
	_ =	sdelay $0x2  }
0xb9: {  	s31 =	sshll.u32 s1, $0xD;
	s1 =	sshrl.u32 s1, $0x2  }
0xba: {  	s3 =	sand.u32 $0x4000, s31;
	s1 =	sadd.s32 s1, s30  }
0xbb: {  	s0 =	sor.u32 s3, s0;
	s1 =	sshll.u32 s1, $0x11  }
0xbc: {  	s0 =	sor.u32 s1, s0  }
0xbd: {  	s0 =	sadd.s32 $0x8F2B, s0  }
0xbe: {  	[sflag:s0] =	ssyncadd.remote.s32 $0x1  }
0xbf: {  	_ =	sfence.sel $0xFFFF  }
0xc0: {  	[dreg:$0x0] =	wrdreg $0xFFFFFFFF;
	(pc) =	sbr.abs _section_cstart, $3  }
0xc1: {  	[dreg:$0x1] =	wrdreg $0xFFFFFFFF  }
0xc2: {  	_ =	task.clear_ibuf [dreg:s7], $0x2FFFF;
	_ =	strace $0x9FFFFFFF  }
0xc3: {  	(tm) =	ssettm $0x7FFFFFFF  }
tec
execute0_lowered:
.L_overlay_start_1:
0x0: {  	(tag) =	ssettag $0x1  }
0x1: {  	s0 =	rddreg [dreg:$0x0]  }
0x2: {  	s2 =	rddreg [dreg:$0x1]  }
0x3: {  	s3 =	rddreg [dreg:$0x2];
	s6 =	stileid.u32;
	s4 =	simm.s32 $0x0  }
0x4: {  	s8 =	srdreg.scid;
	s28 =	simm.s32 $0x17C80;
	s29 =	simm.s32 $0x80  }
0x5: {  	s30 =	simm.s32 $0x1;
	s31 =	simm.s32 $0x0;
	s1 =	smul.u32 $0x9D0, s6  }
0x6: {  	[smem:$0x7FF] =	sst s4;
	s5 =	sadd.s32 $0x6B200, s0;
	s7 =	sadd.s32 $0x7600, s0  }
0x7: {  	s11 =	smul.u32 $0x278, s6;
	s22 =	sadd.s32 $0xB9600, s0;
	s24 =	sand.u32 $0x1, s8  }
0x8: {  	s9 =	smul.u32 $0x4F000, s6;
	_ =	strace $0x80000053;
	[dreg:$0x4] =	wrdreg s7  }
0x9: {  	s14 =	smul.u32 $0x2780, s6;
	[dreg:$0x5] =	wrdreg s22;
	s23 =	ssub.s32 $0x2, s24  }
0xa: {  	p0 =	sne.s32 s24, $0x0;
	s24 =	simm.s32 $0x13C00;
	s1 =	sadd.s32 s1, s0  }
0xb: {  	s0 =	sadd.s32 $0xE0E00, s0;
	s15 =	sadd.s32 $0x80, s11;
	s10 =	sshrl.u32 s23, $0x1  }
0xc: {  	s9 =	sshrl.u32 s9, $0x2;
	s16 =	sadd.s32 $0x100, s11;
	s17 =	sadd.s32 $0x180, s11  }
0xd: {  	s18 =	sadd.s32 $0x200, s11;
	[dreg:$0x6] =	wrdreg s0;
	s12 =	sshll.u32 s15, $0x7  }
0xe: {  	s0 =	ssub.s32 s23, s10;
	s9 =	sadd.s32 s9, s3;
	s25 =	sshll.u32 s16, $0x7  }
0xf: {  	s26 =	sshll.u32 s17, $0x7;
	s13 =	sshll.u32 s18, $0x7;
	s15 =	sshll.u32 s15, $0x4  }
.Ltmp0:
0x10: {  	s16 =	sshll.u32 s16, $0x4;
	s17 =	sshll.u32 s17, $0x4;
	(pc) =	sbr.rel .LBB2_1-.Ltmp0, $4  }
0x11: {  	s18 =	sshll.u32 s18, $0x4;
	s20 =	sadd.s32 $0x4CA00, s1;
	s21 =	sadd.s32 $0x2F000, s1  }
0x12: {  	s22 =	sadd.s32 $0x57600, s1;
	s23 =	sadd.s32 $0x61400, s1;
	s10 =	sadd.s32 s12, s3  }
0x13: {  	s11 =	sadd.s32 s25, s3;
	s12 =	sadd.s32 s26, s3;
	s13 =	sadd.s32 s13, s3  }
0x14: {  	s19 =	smax.u32 s0, $0x1;
	s25 =	simm.s32 $0x2;
	s26 =	simm.s32 $0x17C00  }
.LBB2_7:
0x15: {  	s1 =	sadd.s32 s0, s21;
	[sflag:s25] =	ssyncadd.s32 $0xFFFFC000  }
0x16: {  	[tilespmem:s26], [sflag:$0x2] =	stream.linear.gather [hbm4b:s1+s4], $0x80, $0x38;
	[tilespmem:$0x17D00] =	vst v63  }
0x17: {  	_ =	swait.ge [sflag:s25], $0x80  }
0x18: {  	[sflag:s25] =	ssyncset.done $0x0  }
0x19: {  	s8 =	sadd.s32 s0, s20;
	[sflag:s25] =	ssyncadd.s32 $0xFFFFFF80  }
0x1a: {  	[tilespmem:s28], [sflag:$0x2] =	stream.linear.gather [hbm4b:s8+s4], $0x80, $0x38;
	[tilespmem:$0x17D00] =	vst v63  }
0x1b: {  	_ =	swait.ge [sflag:s25], $0x80  }
0x1c: {  	[sflag:s25] =	ssyncset.done $0x0  }
0x1d: {  	[sflag:s25] =	ssyncadd.s32 $0xFFFFFF80  }
0x1e: {  	[tilespmem:s24], [sflag:$0x1] =	stream.indirect.gather [hbm4b:s2+s29], $0x80, s26, s29, $0xb8;
	[tilespmem:$0x17D00] =	vst v63  }
0x1f: {  	_ =	swait.ge [sflag:s30], $0x4000  }
0x20: {  	[sflag:s30] =	ssyncset.done $0x0  }
0x21: {  	[sflag:s30] =	ssyncadd.s32 $0xFFFFC000  }
0x22: {  	[spmem:s3] =	stream.indirect.scatter.add.f32 [tilespmem:s24], [sflag:$0x2], $0x80, s28, s29, $0xb8;
	[tilespmem:$0x17D00] =	vst v63  }
0x23: {  	_ =	swait.ge [sflag:s25], $0x4000  }
0x24: {  	[sflag:s25] =	ssyncset.done $0x0  }
0x25: {  	s0 =	rddreg [dreg:$0x6];
	[sflag:s25] =	ssyncadd.s32 $0xFFFFC000  }
.LBB2_8:
0x26: {  	[bflag:$0x0] =	sbarrier.arrive $0xFFFF  }
0x27: {  	[tilespmem:s24], [sflag:$0x2] =	stream.linear.gather [spmem:s9], $0x4000, $0x38;
	[tilespmem:$0x17D00] =	vst v63  }
0x28: {  	_ =	swait.ge [sflag:s25], $0x4000  }
0x29: {  	[sflag:s25] =	ssyncset.done $0x0  }
0x2a: {  	s1 =	sadd.s32 s0, s14;
	[sflag:s25] =	ssyncadd.s32 $0xFFFFC000  }
0x2b: {  	[hbm4b:s1+s4] =	stream.linear.scatter [tilespmem:s24], [sflag:$0x2], $0x4000, $0x38;
	[tilespmem:$0x17D00] =	vst v63  }
0x2c: {  	_ =	swait.ge [sflag:s25], $0x4000  }
0x2d: {  	[sflag:s25] =	ssyncset.done $0x0  }
0x2e: {  	[sflag:s25] =	ssyncadd.s32 $0xFFFFC000  }
0x2f: {  	[tilespmem:s24], [sflag:$0x2] =	stream.linear.gather [spmem:s10], $0x4000, $0x38;
	[tilespmem:$0x17D00] =	vst v63  }
0x30: {  	_ =	swait.ge [sflag:s25], $0x4000  }
0x31: {  	[sflag:s25] =	ssyncset.done $0x0  }
0x32: {  	s8 =	sadd.s32 s0, s15;
	[sflag:s25] =	ssyncadd.s32 $0xFFFFC000  }
0x33: {  	[hbm4b:s8+s4] =	stream.linear.scatter [tilespmem:s24], [sflag:$0x2], $0x4000, $0x38;
	[tilespmem:$0x17D00] =	vst v63  }
0x34: {  	_ =	swait.ge [sflag:s25], $0x4000  }
0x35: {  	[sflag:s25] =	ssyncset.done $0x0  }
0x36: {  	[sflag:s25] =	ssyncadd.s32 $0xFFFFC000  }
0x37: {  	[tilespmem:s24], [sflag:$0x2] =	stream.linear.gather [spmem:s11], $0x4000, $0x38;
	[tilespmem:$0x17D00] =	vst v63  }
0x38: {  	_ =	swait.ge [sflag:s25], $0x4000  }
0x39: {  	[sflag:s25] =	ssyncset.done $0x0  }
0x3a: {  	s6 =	sadd.s32 s0, s16;
	[sflag:s25] =	ssyncadd.s32 $0xFFFFC000  }
0x3b: {  	[hbm4b:s6+s4] =	stream.linear.scatter [tilespmem:s24], [sflag:$0x2], $0x4000, $0x38;
	[tilespmem:$0x17D00] =	vst v63  }
0x3c: {  	_ =	swait.ge [sflag:s25], $0x4000  }
0x3d: {  	[sflag:s25] =	ssyncset.done $0x0  }
0x3e: {  	[sflag:s25] =	ssyncadd.s32 $0xFFFFC000  }
0x3f: {  	[tilespmem:s24], [sflag:$0x2] =	stream.linear.gather [spmem:s12], $0x4000, $0x38;
	[tilespmem:$0x17D00] =	vst v63  }
0x40: {  	_ =	swait.ge [sflag:s25], $0x4000  }
0x41: {  	[sflag:s25] =	ssyncset.done $0x0  }
0x42: {  	s7 =	sadd.s32 s0, s17;
	[sflag:s25] =	ssyncadd.s32 $0xFFFFC000  }
0x43: {  	[hbm4b:s7+s4] =	stream.linear.scatter [tilespmem:s24], [sflag:$0x2], $0x4000, $0x38;
	[tilespmem:$0x17D00] =	vst v63  }
0x44: {  	_ =	swait.ge [sflag:s25], $0x4000  }
0x45: {  	[sflag:s25] =	ssyncset.done $0x0  }
0x46: {  	[sflag:s25] =	ssyncadd.s32 $0xFFFFC000  }
0x47: {  	[tilespmem:s24], [sflag:$0x2] =	stream.linear.gather [spmem:s13], $0x3C00, $0x38;
	[tilespmem:$0x17D00] =	vst v63  }
0x48: {  	s31 =	sadd.s32 $0x1, s31;
	_ =	swait.ge [sflag:s25], $0x3C00  }
0x49: {  	p1 =	sne.s32 s31, s19;
	[sflag:s25] =	ssyncset.done $0x0  }
.Ltmp1:
0x4a: {  	s8 =	sadd.s32 s0, s18;
	[sflag:s25] =	ssyncadd.s32 $0xFFFFC400;
	(pc) =	sbr.rel @!p1 .LBB2_9-.Ltmp1, $4  }
0x4b: {  	[hbm4b:s8+s4] =	stream.linear.scatter [tilespmem:s24], [sflag:$0x2], $0x3C00, $0x38;
	[tilespmem:$0x17D00] =	vst v63  }
0x4c: {  	_ =	swait.ge [sflag:s25], $0x3C00  }
0x4d: {  	[sflag:s25] =	ssyncset.done $0x0  }
0x4e: {  	[sflag:s25] =	ssyncadd.s32 $0xFFFFC400  }
.LBB2_1:
0x4f: {  	s0 =	rddreg [dreg:$0x4]  }
0x50: {  	[tilespmem:s24], [sflag:$0x2] =	stream.linear.gather [hbm4b:s0+s4], $0x4000, $0x38;
	[tilespmem:$0x17D00] =	vst v63  }
0x51: {  	_ =	swait.ge [sflag:s25], $0x4000  }
0x52: {  	[sflag:s25] =	ssyncset.done $0x0  }
0x53: {  	[sflag:s25] =	ssyncadd.s32 $0xFFFFC000  }
0x54: {  	[spmem:s9] =	stream.linear.scatter [tilespmem:s24], [sflag:$0x2], $0x4000, $0x38;
	[tilespmem:$0x17D00] =	vst v63  }
0x55: {  	_ =	swait.ge [sflag:s25], $0x4000  }
0x56: {  	[sflag:s25] =	ssyncset.done $0x0  }
0x57: {  	[sflag:s25] =	ssyncadd.s32 $0xFFFFC000  }
0x58: {  	[spmem:s10] =	stream.linear.scatter [tilespmem:s24], [sflag:$0x2], $0x4000, $0x38;
	[tilespmem:$0x17D00] =	vst v63  }
0x59: {  	_ =	swait.ge [sflag:s25], $0x4000  }
0x5a: {  	[sflag:s25] =	ssyncset.done $0x0  }
0x5b: {  	[sflag:s25] =	ssyncadd.s32 $0xFFFFC000  }
0x5c: {  	[spmem:s11] =	stream.linear.scatter [tilespmem:s24], [sflag:$0x2], $0x4000, $0x38;
	[tilespmem:$0x17D00] =	vst v63  }
0x5d: {  	_ =	swait.ge [sflag:s25], $0x4000  }
0x5e: {  	[sflag:s25] =	ssyncset.done $0x0  }
0x5f: {  	[sflag:s25] =	ssyncadd.s32 $0xFFFFC000  }
0x60: {  	[spmem:s12] =	stream.linear.scatter [tilespmem:s24], [sflag:$0x2], $0x4000, $0x38;
	[tilespmem:$0x17D00] =	vst v63  }
0x61: {  	_ =	swait.ge [sflag:s25], $0x4000  }
0x62: {  	[sflag:s25] =	ssyncset.done $0x0  }
0x63: {  	[sflag:s25] =	ssyncadd.s32 $0xFFFFC000  }
0x64: {  	[spmem:s13] =	stream.linear.scatter [tilespmem:s24], [sflag:$0x2], $0x3C00, $0x38;
	[tilespmem:$0x17D00] =	vst v63  }
.Ltmp2:
0x65: {  	_ =	swait.ge [sflag:s25], $0x3C00;
	(pc) =	sbr.rel @p0 .LBB2_5-.Ltmp2, $3  }
0x66: {  	[sflag:s25] =	ssyncset.done $0x0  }
0x67: {  	[sflag:s25] =	ssyncadd.s32 $0xFFFFC400  }
0x68: {  	[bflag:$0x0] =	sbarrier.arrive $0xFFFF;
	_ =	sdelay $0x1  }
0x69: {  	s0 =	sadd.s32 $0x0, s23  }
0x6a: {  	[tilespmem:s26], [sflag:$0x2] =	stream.linear.gather [hbm4b:s0+s4], $0x80, $0x38;
	[tilespmem:$0x17D00] =	vst v63  }
0x6b: {  	_ =	swait.ge [sflag:s25], $0x80  }
0x6c: {  	[sflag:s25] =	ssyncset.done $0x0  }
0x6d: {  	s8 =	sadd.s32 $0x0, s22;
	[sflag:s25] =	ssyncadd.s32 $0xFFFFFF80  }
0x6e: {  	[tilespmem:s28], [sflag:$0x2] =	stream.linear.gather [hbm4b:s8+s4], $0x80, $0x38;
	[tilespmem:$0x17D00] =	vst v63  }
0x6f: {  	_ =	swait.ge [sflag:s25], $0x80  }
0x70: {  	[sflag:s25] =	ssyncset.done $0x0  }
0x71: {  	[sflag:s25] =	ssyncadd.s32 $0xFFFFFF80  }
0x72: {  	[tilespmem:s24], [sflag:$0x1] =	stream.indirect.gather [hbm4b:s5+s29], $0x80, s26, s29, $0xb8;
	[tilespmem:$0x17D00] =	vst v63  }
0x73: {  	_ =	swait.ge [sflag:s30], $0x4000  }
0x74: {  	[sflag:s30] =	ssyncset.done $0x0  }
0x75: {  	[sflag:s30] =	ssyncadd.s32 $0xFFFFC000  }
0x76: {  	[spmem:s3] =	stream.indirect.scatter.add.f32 [tilespmem:s24], [sflag:$0x2], $0x80, s28, s29, $0xb8;
	[tilespmem:$0x17D00] =	vst v63  }
0x77: {  	_ =	swait.ge [sflag:s25], $0x4000  }
0x78: {  	s1 =	simm.s32 $0x20;
	s0 =	simm.s32 $0x10;
	[sflag:s25] =	ssyncset.done $0x0  }
.LBB2_3:
0x79: {  	s7 =	sadd.s32 s0, s23  }
0x7a: {  	[sflag:s25] =	ssyncadd.s32 $0xFFFFC000;
	s8 =	smov.u32 s1;
	s6 =	sadd.s32 $0x10, s1  }
0x7b: {  	[tilespmem:s26], [sflag:$0x2] =	stream.linear.gather [hbm4b:s7+s4], $0x80, $0x38;
	[tilespmem:$0x17D00] =	vst v63  }
0x7c: {  	p1 =	seq.s32 s1, $0x9C0;
	_ =	swait.ge [sflag:s25], $0x80  }
0x7d: {  	[sflag:s25] =	ssyncset.done $0x0  }
0x7e: {  	s1 =	sadd.s32 s0, s22;
	s0 =	smov.u32 s8;
	[sflag:s25] =	ssyncadd.s32 $0xFFFFFF80  }
0x7f: {  	[tilespmem:s28], [sflag:$0x2] =	stream.linear.gather [hbm4b:s1+s4], $0x80, $0x38;
	[tilespmem:$0x17D00] =	vst v63  }
0x80: {  	_ =	swait.ge [sflag:s25], $0x80  }
0x81: {  	[sflag:s25] =	ssyncset.done $0x0  }
0x82: {  	[sflag:s25] =	ssyncadd.s32 $0xFFFFFF80  }
0x83: {  	[tilespmem:s24], [sflag:$0x1] =	stream.indirect.gather [hbm4b:s5+s29], $0x80, s26, s29, $0xb8;
	[tilespmem:$0x17D00] =	vst v63  }
0x84: {  	_ =	swait.ge [sflag:s30], $0x4000  }
.Ltmp3:
0x85: {  	[sflag:s30] =	ssyncset.done $0x0;
	(pc) =	sbr.rel @!p1 .LBB2_3-.Ltmp3, $4  }
0x86: {  	[sflag:s30] =	ssyncadd.s32 $0xFFFFC000  }
0x87: {  	[spmem:s3] =	stream.indirect.scatter.add.f32 [tilespmem:s24], [sflag:$0x2], $0x80, s28, s29, $0xb8;
	[tilespmem:$0x17D00] =	vst v63  }
0x88: {  	_ =	swait.ge [sflag:s25], $0x4000  }
0x89: {  	s1 =	smov.u32 s6;
	[sflag:s25] =	ssyncset.done $0x0  }
0x8a: {  	s1 =	sadd.s32 s0, s23;
	[sflag:s25] =	ssyncadd.s32 $0xFFFFC000  }
0x8b: {  	[tilespmem:s26], [sflag:$0x2] =	stream.linear.gather [hbm4b:s1+s4], $0x80, $0x38;
	[tilespmem:$0x17D00] =	vst v63  }
0x8c: {  	_ =	swait.ge [sflag:s25], $0x80  }
0x8d: {  	[sflag:s25] =	ssyncset.done $0x0  }
0x8e: {  	s8 =	sadd.s32 s0, s22;
	[sflag:s25] =	ssyncadd.s32 $0xFFFFFF80  }
0x8f: {  	[tilespmem:s28], [sflag:$0x2] =	stream.linear.gather [hbm4b:s8+s4], $0x80, $0x38;
	[tilespmem:$0x17D00] =	vst v63  }
0x90: {  	_ =	swait.ge [sflag:s25], $0x80  }
0x91: {  	[sflag:s25] =	ssyncset.done $0x0  }
0x92: {  	[sflag:s25] =	ssyncadd.s32 $0xFFFFFF80  }
0x93: {  	[tilespmem:s24], [sflag:$0x1] =	stream.indirect.gather [hbm4b:s5+s29], $0x80, s26, s29, $0xb8;
	[tilespmem:$0x17D00] =	vst v63  }
0x94: {  	_ =	swait.ge [sflag:s30], $0x4000  }
0x95: {  	[sflag:s30] =	ssyncset.done $0x0  }
.Ltmp4:
0x96: {  	[sflag:s30] =	ssyncadd.s32 $0xFFFFC000;
	(pc) =	sbr.rel .LBB2_8-.Ltmp4, $4  }
0x97: {  	[spmem:s3] =	stream.indirect.scatter.add.f32 [tilespmem:s24], [sflag:$0x2], $0x80, s28, s29, $0xb8;
	[tilespmem:$0x17D00] =	vst v63  }
0x98: {  	_ =	swait.ge [sflag:s25], $0x4000  }
0x99: {  	[sflag:s25] =	ssyncset.done $0x0  }
0x9a: {  	s0 =	rddreg [dreg:$0x5];
	[sflag:s25] =	ssyncadd.s32 $0xFFFFC000  }
.LBB2_5:
0x9b: {  	s0 =	sadd.s32 $0x0, s21  }
0x9c: {  	[tilespmem:s26], [sflag:$0x2] =	stream.linear.gather [hbm4b:s0+s4], $0x80, $0x38;
	[tilespmem:$0x17D00] =	vst v63  }
0x9d: {  	_ =	swait.ge [sflag:s25], $0x80  }
0x9e: {  	[sflag:s25] =	ssyncset.done $0x0  }
0x9f: {  	s8 =	sadd.s32 $0x0, s20;
	[sflag:s25] =	ssyncadd.s32 $0xFFFFFF80  }
0xa0: {  	[tilespmem:s28], [sflag:$0x2] =	stream.linear.gather [hbm4b:s8+s4], $0x80, $0x38;
	[tilespmem:$0x17D00] =	vst v63  }
0xa1: {  	_ =	swait.ge [sflag:s25], $0x80  }
0xa2: {  	[sflag:s25] =	ssyncset.done $0x0  }
0xa3: {  	[sflag:s25] =	ssyncadd.s32 $0xFFFFFF80  }
0xa4: {  	[tilespmem:s24], [sflag:$0x1] =	stream.indirect.gather [hbm4b:s2+s29], $0x80, s26, s29, $0xb8;
	[tilespmem:$0x17D00] =	vst v63  }
0xa5: {  	_ =	swait.ge [sflag:s30], $0x4000  }
0xa6: {  	[sflag:s30] =	ssyncset.done $0x0  }
0xa7: {  	[sflag:s30] =	ssyncadd.s32 $0xFFFFC000  }
0xa8: {  	[spmem:s3] =	stream.indirect.scatter.add.f32 [tilespmem:s24], [sflag:$0x2], $0x80, s28, s29, $0xb8;
	[tilespmem:$0x17D00] =	vst v63  }
0xa9: {  	_ =	swait.ge [sflag:s25], $0x4000  }
0xaa: {  	s1 =	simm.s32 $0x20;
	s0 =	simm.s32 $0x10;
	[sflag:s25] =	ssyncset.done $0x0  }
.LBB2_6:
0xab: {  	s6 =	sadd.s32 s0, s21  }
0xac: {  	[sflag:s25] =	ssyncadd.s32 $0xFFFFC000;
	s7 =	smov.u32 s1;
	s8 =	sadd.s32 $0x10, s1  }
0xad: {  	[tilespmem:s26], [sflag:$0x2] =	stream.linear.gather [hbm4b:s6+s4], $0x80, $0x38;
	[tilespmem:$0x17D00] =	vst v63  }
0xae: {  	p1 =	sne.s32 s1, $0x9C0;
	_ =	swait.ge [sflag:s25], $0x80  }
0xaf: {  	[sflag:s25] =	ssyncset.done $0x0  }
0xb0: {  	s1 =	sadd.s32 s0, s20;
	s0 =	smov.u32 s7;
	[sflag:s25] =	ssyncadd.s32 $0xFFFFFF80  }
0xb1: {  	[tilespmem:s28], [sflag:$0x2] =	stream.linear.gather [hbm4b:s1+s4], $0x80, $0x38;
	[tilespmem:$0x17D00] =	vst v63  }
0xb2: {  	_ =	swait.ge [sflag:s25], $0x80  }
0xb3: {  	[sflag:s25] =	ssyncset.done $0x0  }
0xb4: {  	[sflag:s25] =	ssyncadd.s32 $0xFFFFFF80  }
0xb5: {  	[tilespmem:s24], [sflag:$0x1] =	stream.indirect.gather [hbm4b:s2+s29], $0x80, s26, s29, $0xb8;
	[tilespmem:$0x17D00] =	vst v63  }
0xb6: {  	_ =	swait.ge [sflag:s30], $0x4000  }
.Ltmp5:
0xb7: {  	[sflag:s30] =	ssyncset.done $0x0;
	(pc) =	sbr.rel @p1 .LBB2_6-.Ltmp5, $4  }
0xb8: {  	[sflag:s30] =	ssyncadd.s32 $0xFFFFC000  }
0xb9: {  	[spmem:s3] =	stream.indirect.scatter.add.f32 [tilespmem:s24], [sflag:$0x2], $0x80, s28, s29, $0xb8;
	[tilespmem:$0x17D00] =	vst v63  }
0xba: {  	_ =	swait.ge [sflag:s25], $0x4000  }
0xbb: {  	s1 =	smov.u32 s8;
	[sflag:s25] =	ssyncset.done $0x0  }
.Ltmp6:
0xbc: {  	_ = 	snop;
	(pc) =	sbr.rel .LBB2_7-.Ltmp6, $1  }
0xbd: {  	_ =	sdelay $0x3  }
.LBB2_9:
0xbe: {  	_ =	sfence.sel $0x180000  }
0xbf: {  	[bflag:$0x0] =	sbarrier.arrive $0xFFFF  }
0xc0: {  	_ =	strace $0x90000053  }
0xc1: {  	s0 =	stileid.u32;
	[bflag:$0x2] =	sbarrier.arrive $0xFFFF  }
0xc2: {  	p0 =	sne.s32 s0, $0x0;
	s0 =	rddreg [dreg:$0x3]  }
0xc3: {  	s0 =	sadd.s32 @!p0 $0x100000, s0  }
0xc4: {  	[sflag:s0] =	ssyncadd.tile.s32 @!p0 $0x1;
	_ =	shalt  }
.Lfunc_end2:
_tile_overlayer_lowered:
.L_overlay_start_2:
0xc5: {  	(tag) =	ssettag $0x2  }
0xc6: {  	s0 =	rddreg [dreg:$0x0];
	s2 =	stileid.u32  }
0xc7: {  	s1 =	rddreg [dreg:$0x1];
	p0 =	sne.s32 s2, $0x0  }
0xc8: {  	s3 =	rddreg [dreg:$0x2];
	[bflag:$0x3] =	sbarrier.arrive $0xFFFF;
	s2 =	simm.s32 @!p0 $0x1C02  }
0xc9: {  	[timem:s3], [sflag:s2] =	dma.local @!p0 [hbm:s0], s1  }
0xca: {  	s0 =	simm.s32 @!p0 $0x2  }
0xcb: {  	_ =	swait.ge @!p0 [sflag:s0], s1  }
0xcc: {  	s1 =	ssub.s32 @!p0 $0x0, s1;
	[sflag:s0] =	ssyncset.done @!p0 $0x0  }
0xcd: {  	[sflag:s0] =	ssyncadd.s32 @!p0 s1  }
0xce: {  	[bflag:$0x3] =	sbarrier.arrive $0xFFFF  }
0xcf: {  	_ =	shalt  }

</sc_bundles>
